<compile_context>
chip_gen: v7x
topology: tpu7x:2x2x1
jax: 0.10.2.dev20260603
libtpu: 0.0.44.dev20260713+nightly
codegen_flags: <defaults>
</compile_context>

<pallas_src>
import jax
import jax.numpy as jnp
from jax import lax
from jax.experimental import pallas as pl
from jax.experimental.pallas import tpu as pltpu
from jax.experimental.pallas import tpu_sc as plsc

_INF = 100000000.0
_LEVELS = (16384, 4096, 1024, 256, 64)
_STARTS = (0, 16384, 20480, 21504, 21760)
_N = 21824
_G = 100
_GPAD = 112
_K = 9
_NREC = 80
_PER_TILE = 1376
_NPC = 16 * _PER_TILE
_GPC = 50
_BIG = 3e38


def _lane16():
    return lax.broadcasted_iota(jnp.int32, (16,), 0)


def _splat_from(ref, j):
    return plsc.load_gather(ref, [jnp.full((16,), j, jnp.int32)])


def _splat_lane(vec, j, tmp_ref):
    tmp_ref[...] = vec
    return _splat_from(tmp_ref, j)


def _hsum(vec, tmp_ref):
    lane = _lane16()
    for m in (8, 4, 2, 1):
        tmp_ref[...] = vec
        vec = vec + plsc.load_gather(tmp_ref, [lane ^ m])
    return vec


def _sqrt_newton(x):
    i = lax.bitcast_convert_type(x, jnp.int32)
    y = lax.bitcast_convert_type((i >> 1) + jnp.int32(0x1FBD1DF6), jnp.float32)
    for _ in range(4):
        y = 0.5 * (y + x / y)
    return jnp.where(x > 0.0, y, 0.0)


def _merge_topk(tk, tv, d2, idx):
    dk, dv = plsc.sort_key_val(d2, idx)
    dk = lax.rev(dk, (0,))
    dv = lax.rev(dv, (0,))
    take_t = tk <= dk
    lk = jnp.where(take_t, tk, dk)
    lv = jnp.where(take_t, tv, dv)
    return plsc.sort_key_val(lk, lv)


def _scan_level(cx_v, cy_v, gcx, gcy, start, n_batches, tmp_v, unroll):
    lane = _lane16()

    def body(b, carry):
        tk, tv, t9v = carry
        off = start + b * (16 * unroll)
        d2s = []
        below = None
        for u in range(unroll):
            dx = cx_v[pl.ds(off + u * 16, 16)] - gcx
            dy = cy_v[pl.ds(off + u * 16, 16)] - gcy
            d2 = dx * dx + dy * dy
            d2s.append(d2)
            bl = d2 < t9v
            below = bl if below is None else (below | bl)
        cnt = plsc.all_reduce_population_count(below)

        def do_merge(_):
            tkx, tvx = tk, tv
            for u in range(unroll):
                tkx, tvx = _merge_topk(tkx, tvx, d2s[u], off + u * 16 + lane)
            return tkx, tvx, _splat_lane(tkx, 8, tmp_v)

        def skip(_):
            return tk, tv, t9v

        return lax.cond(cnt[0] > 0, do_merge, skip, 0)

    tk0 = jnp.full((16,), _BIG, jnp.float32)
    tv0 = jnp.zeros((16,), jnp.int32)
    tk, tv, _ = lax.fori_loop(0, n_batches // unroll, body,
                              (tk0, tv0, jnp.full((16,), _BIG, jnp.float32)))
    return tk, tv


def _sc_body(x0_h, y0_h, x1_h, y1_h, g0_h, g1_h, g2_h, g3_h,
             pmax_h, parg_h, recp_h, reci_h,
             cx_v, cy_v, st_v, g0_v, g1_v, g2_v, g3_v,
             ids_v, pov_v, bx0_v, by0_v, bx1_v, by1_v,
             recp_v, reci_v, best_v, bestg_v, tmp_v, sem):
    c = lax.axis_index("c")
    s = lax.axis_index("s")
    lane = _lane16()
    valid9 = lane < _K

    pltpu.sync_copy(x0_h, cx_v)
    pltpu.sync_copy(x1_h, st_v)

    def _cb(i, _):
        for u in range(4):
            o = i * 64 + u * 16
            cx_v[pl.ds(o, 16)] = (cx_v[pl.ds(o, 16)]
                                  + st_v[pl.ds(o, 16)]) * 0.5
        return 0

    lax.fori_loop(0, _N // 64, _cb, 0)
    pltpu.sync_copy(y0_h, cy_v)
    pltpu.sync_copy(y1_h, st_v)

    def _cb2(i, _):
        for u in range(4):
            o = i * 64 + u * 16
            cy_v[pl.ds(o, 16)] = (cy_v[pl.ds(o, 16)]
                                  + st_v[pl.ds(o, 16)]) * 0.5
        return 0

    lax.fori_loop(0, _N // 64, _cb2, 0)

    pltpu.sync_copy(g0_h, g0_v)
    pltpu.sync_copy(g1_h, g1_v)
    pltpu.sync_copy(g2_h, g2_v)
    pltpu.sync_copy(g3_h, g3_v)

    def _per_gt(k, _):
        g = c * _GPC + s + 16 * k
        gx0 = _splat_from(g0_v, g)
        gy0 = _splat_from(g1_v, g)
        gx1 = _splat_from(g2_v, g)
        gy1 = _splat_from(g3_v, g)
        gcx = (gx0 + gx1) * 0.5
        gcy = (gy0 + gy1) * 0.5

        for lvl in range(5):
            tk, tv = _scan_level(cx_v, cy_v, gcx, gcy, _STARTS[lvl],
                                 _LEVELS[lvl] // 16, tmp_v,
                                 8 if _LEVELS[lvl] >= 256 else 4)
            ids_v[pl.ds(lvl * 16, 16)] = tv

        cps = [pltpu.async_copy(x0_h.at[ids_v], bx0_v, sem),
               pltpu.async_copy(y0_h.at[ids_v], by0_v, sem),
               pltpu.async_copy(x1_h.at[ids_v], bx1_v, sem),
               pltpu.async_copy(y1_h.at[ids_v], by1_v, sem)]
        for cp in cps:
            cp.wait()

        ovs = []
        ssum = jnp.zeros((16,), jnp.float32)
        for lvl in range(5):
            ax0 = bx0_v[pl.ds(lvl * 16, 16)]
            ay0 = by0_v[pl.ds(lvl * 16, 16)]
            ax1 = bx1_v[pl.ds(lvl * 16, 16)]
            ay1 = by1_v[pl.ds(lvl * 16, 16)]
            iw = jnp.maximum(jnp.minimum(ax1, gx1) - jnp.maximum(ax0, gx0),
                             0.0)
            ih = jnp.maximum(jnp.minimum(ay1, gy1) - jnp.maximum(ay0, gy0),
                             0.0)
            inter = iw * ih
            area_a = (ax1 - ax0) * (ay1 - ay0)
            area_g = (gx1 - gx0) * (gy1 - gy0)
            ov = inter / jnp.maximum(area_a + area_g - inter, 1e-6)
            acx = (ax0 + ax1) * 0.5
            acy = (ay0 + ay1) * 0.5
            dmin = jnp.minimum(jnp.minimum(acx - gx0, acy - gy0),
                               jnp.minimum(gx1 - acx, gy1 - acy))
            ovs.append((ov, dmin))
            ssum = ssum + _hsum(jnp.where(valid9, ov, 0.0), tmp_v)

        mean = ssum / 45.0
        vsum = jnp.zeros((16,), jnp.float32)
        for ov, _dm in ovs:
            dev = ov - mean
            vsum = vsum + _hsum(jnp.where(valid9, dev * dev, 0.0), tmp_v)
        thr = mean + _sqrt_newton(vsum / 44.0)

        for lvl in range(5):
            ov, dmin = ovs[lvl]
            pos = valid9 & (ov >= thr) & (dmin > 0.01)
            pov_v[pl.ds(lvl * 16, 16)] = jnp.where(pos, ov, -1.0)

        pltpu.sync_copy(pov_v, recp_h.at[pl.ds(g * _NREC, _NREC)])
        pltpu.sync_copy(ids_v, reci_h.at[pl.ds(g * _NREC, _NREC)])
        return 0

    n_gts = (_GPC - s + 15) // 16
    lax.fori_loop(0, n_gts, _per_gt, 0)

    plsc.subcore_barrier()
    pltpu.sync_copy(recp_h.at[pl.ds(c * _GPC * _NREC, _GPC * _NREC)], recp_v)
    pltpu.sync_copy(reci_h.at[pl.ds(c * _GPC * _NREC, _GPC * _NREC)], reci_v)
    base = s * _PER_TILE

    def _init(i, _):
        o = i * 16
        best_v[pl.ds(o, 16)] = jnp.full((16,), -_INF, jnp.float32)
        bestg_v[pl.ds(o, 16)] = jnp.zeros((16,), jnp.int32)
        return 0

    lax.fori_loop(0, _PER_TILE // 16, _init, 0)

    def _mb(t, _):
        off = t * 16
        pov = recp_v[pl.ds(off, 16)]
        ids = reci_v[pl.ds(off, 16)]
        loc = ids - base
        m = (loc >= 0) & (loc < _PER_TILE) & (pov >= 0.0)
        cur = plsc.load_gather(best_v, [loc], mask=m)
        upd = m & (pov > cur)
        gvec = jnp.full((16,), c * _GPC + t // 5, jnp.int32)
        plsc.store_scatter(best_v, [loc], pov, mask=upd)
        plsc.store_scatter(bestg_v, [loc], gvec, mask=upd)
        return 0

    lax.fori_loop(0, _GPC * 5, _mb, 0)

    pltpu.sync_copy(best_v, pmax_h.at[pl.ds(c * _NPC + base, _PER_TILE)])
    pltpu.sync_copy(bestg_v, parg_h.at[pl.ds(c * _NPC + base, _PER_TILE)])


def _combine_body(pm_ref, pa_ref, mo_ref, ag_ref):
    m0 = pm_ref[0:1, :]
    m1 = pm_ref[1:2, :]
    use0 = m0 >= m1
    mo_ref[...] = jnp.where(use0, m0, m1)
    ag_ref[...] = jnp.where(use0, pa_ref[0:1, :], pa_ref[1:2, :])


def kernel(anchors, gt_bboxes):
    at = anchors.T
    x0, y0, x1, y1 = at[0], at[1], at[2], at[3]
    gpad = jnp.zeros((4, _GPAD), jnp.float32).at[:, :_G].set(gt_bboxes.T)

    mesh = plsc.VectorSubcoreMesh(core_axis_name="c", subcore_axis_name="s",
                                  num_cores=2, num_subcores=16)
    sc = pl.kernel(
        _sc_body,
        out_type=[
            jax.ShapeDtypeStruct((2 * _NPC,), jnp.float32),
            jax.ShapeDtypeStruct((2 * _NPC,), jnp.int32),
            jax.ShapeDtypeStruct((_G * _NREC,), jnp.float32),
            jax.ShapeDtypeStruct((_G * _NREC,), jnp.int32),
        ],
        mesh=mesh,
        compiler_params=pltpu.CompilerParams(needs_layout_passes=False),
        scratch_types=[
            pltpu.VMEM((_N,), jnp.float32),
            pltpu.VMEM((_N,), jnp.float32),
            pltpu.VMEM((_N,), jnp.float32),
            pltpu.VMEM((_GPAD,), jnp.float32),
            pltpu.VMEM((_GPAD,), jnp.float32),
            pltpu.VMEM((_GPAD,), jnp.float32),
            pltpu.VMEM((_GPAD,), jnp.float32),
            pltpu.VMEM((_NREC,), jnp.int32),
            pltpu.VMEM((_NREC,), jnp.float32),
            pltpu.VMEM((_NREC,), jnp.float32),
            pltpu.VMEM((_NREC,), jnp.float32),
            pltpu.VMEM((_NREC,), jnp.float32),
            pltpu.VMEM((_NREC,), jnp.float32),
            pltpu.VMEM((_GPC * _NREC,), jnp.float32),
            pltpu.VMEM((_GPC * _NREC,), jnp.int32),
            pltpu.VMEM((_PER_TILE,), jnp.float32),
            pltpu.VMEM((_PER_TILE,), jnp.int32),
            pltpu.VMEM((16,), jnp.float32),
            pltpu.SemaphoreType.DMA,
        ],
    )
    pm, pa, _rp, _ri = sc(x0, y0, x1, y1,
                          gpad[0], gpad[1], gpad[2], gpad[3])

    mo, ag = pl.pallas_call(
        _combine_body,
        out_shape=(
            jax.ShapeDtypeStruct((1, _NPC), jnp.float32),
            jax.ShapeDtypeStruct((1, _NPC), jnp.int32),
        ),
    )(pm.reshape(2, _NPC), pa.reshape(2, _NPC))
    return mo[0, :_N], ag[0, :_N]

# --- scband reference (transcript-rebuilt; emitter-appended) ---
"""Pipeline reference for scband-gflloss-63840393887902 (READ-ONLY COPY).

The authoritative reference and input builder live on the scoring server;
editing this copy changes nothing except your own understanding.
"""

import jax, jax.numpy as jnp
import numpy as np

INF = 100000000.0
LEVEL_SIZES = [16384, 4096, 1024, 256, 64]
NUM_CANDIDATE_PER_LEVEL = 9


def compute_iou_xyxy(a, b):
    tl = jnp.maximum(a[:, None, :2], b[None, :, :2])
    br = jnp.minimum(a[:, None, 2:], b[None, :, 2:])
    wh = jnp.clip(br - tl, 0.0)
    inter = wh[..., 0] * wh[..., 1]
    area_a = (a[:, 2] - a[:, 0]) * (a[:, 3] - a[:, 1])
    area_b = (b[:, 2] - b[:, 0]) * (b[:, 3] - b[:, 1])
    union = area_a[:, None] + area_b[None, :] - inter
    return inter / jnp.clip(union, 1e-6)


def setup_inputs(seed: int = 0):
    key = jax.random.key(seed)
    k1, k2, k3, k4 = jax.random.split(key, 4)
    N = sum(LEVEL_SIZES)
    G = 100
    axy = jax.random.uniform(k1, (N, 2)) * 1000.0
    awh = jax.random.uniform(k2, (N, 2)) * 96.0 + 8.0
    anchors = jnp.concatenate([axy - awh * 0.5, axy + awh * 0.5], axis=1).astype(jnp.float32)
    gxy = jax.random.uniform(k3, (G, 2)) * 1000.0
    gwh = jax.random.uniform(k4, (G, 2)) * 192.0 + 16.0
    gt_bboxes = jnp.concatenate([gxy - gwh * 0.5, gxy + gwh * 0.5], axis=1).astype(jnp.float32)
    return {"anchors": anchors, "gt_bboxes": gt_bboxes}


def _assign(anchors, gt_bboxes):
    N = anchors.shape[0]
    G = gt_bboxes.shape[0]
    acx = (anchors[:, 0] + anchors[:, 2]) * 0.5
    acy = (anchors[:, 1] + anchors[:, 3]) * 0.5
    gcx = (gt_bboxes[:, 0] + gt_bboxes[:, 2]) * 0.5
    gcy = (gt_bboxes[:, 1] + gt_bboxes[:, 3]) * 0.5
    ac = jnp.stack([acx, acy], axis=-1)
    gc = jnp.stack([gcx, gcy], axis=-1)
    distance = jnp.sqrt(((ac[:, None, :] - gc[None, :, :]) ** 2).sum(-1))
    cand = []
    start = 0
    for n_l in LEVEL_SIZES:
        d = distance[start:start + n_l]
        k = min(n_l, NUM_CANDIDATE_PER_LEVEL)
        _, ids = jax.lax.top_k(-d.T, k)
        cand.append(ids.T + start)
        start += n_l
    candidate_ids = jnp.concatenate(cand, axis=0)
    overlaps = compute_iou_xyxy(anchors, gt_bboxes)
    cand_ov = overlaps[candidate_ids, jnp.arange(G)[None, :]]
    thr = cand_ov.mean(0) + jnp.std(cand_ov, axis=0, ddof=1)
    is_pos = cand_ov >= thr[None, :]
    ccx = acx[candidate_ids]
    ccy = acy[candidate_ids]
    l = ccx - gt_bboxes[:, 0][None]
    t = ccy - gt_bboxes[:, 1][None]
    r = gt_bboxes[:, 2][None] - ccx
    b = gt_bboxes[:, 3][None] - ccy
    dist4 = jnp.stack([l, t, r, b], axis=-1)
    is_pos = is_pos & (jnp.min(dist4, axis=-1) > 0.01)
    flat_ids = (candidate_ids + jnp.arange(G)[None, :] * N).reshape(-1)
    mask_full = jnp.zeros((N * G,), dtype=bool).at[flat_ids].set(is_pos.reshape(-1))
    overlaps_inf = jnp.where(mask_full, overlaps.T.reshape(-1), -INF)
    overlaps_inf = overlaps_inf.reshape(G, N).T
    max_ov = overlaps_inf.max(axis=1)
    argmax_ov = overlaps_inf.argmax(axis=1)
    assigned = jnp.where(max_ov != -INF, argmax_ov, 0)
    return max_ov, assigned


def reference(anchors, gt_bboxes):
    return _assign(anchors, gt_bboxes)

if __name__ == "__main__":
    import jax
    _d = setup_inputs()
    print(jax.jit(kernel)(*tuple(_d.values())))

</pallas_src>

<mosaic_0001>
#map = affine_map<(d0, d1) -> (0)>
module attributes {stable_mosaic.version = 14 : i64} {
  func.func @_sc_body(%arg0: i32, %arg1: i32, %arg2: memref<21824xf32, #tpu.memory_space<hbm>>, %arg3: memref<21824xf32, #tpu.memory_space<hbm>>, %arg4: memref<21824xf32, #tpu.memory_space<hbm>>, %arg5: memref<21824xf32, #tpu.memory_space<hbm>>, %arg6: memref<112xf32, #tpu.memory_space<hbm>>, %arg7: memref<112xf32, #tpu.memory_space<hbm>>, %arg8: memref<112xf32, #tpu.memory_space<hbm>>, %arg9: memref<112xf32, #tpu.memory_space<hbm>>, %arg10: memref<44032xf32, #tpu.memory_space<hbm>>, %arg11: memref<44032xi32, #tpu.memory_space<hbm>>, %arg12: memref<8000xf32, #tpu.memory_space<hbm>>, %arg13: memref<8000xi32, #tpu.memory_space<hbm>>, %arg14: memref<21824xf32, #tpu.memory_space<vmem>>, %arg15: memref<21824xf32, #tpu.memory_space<vmem>>, %arg16: memref<21824xf32, #tpu.memory_space<vmem>>, %arg17: memref<112xf32, #tpu.memory_space<vmem>>, %arg18: memref<112xf32, #tpu.memory_space<vmem>>, %arg19: memref<112xf32, #tpu.memory_space<vmem>>, %arg20: memref<112xf32, #tpu.memory_space<vmem>>, %arg21: memref<80xi32, #tpu.memory_space<vmem>>, %arg22: memref<80xf32, #tpu.memory_space<vmem>>, %arg23: memref<80xf32, #tpu.memory_space<vmem>>, %arg24: memref<80xf32, #tpu.memory_space<vmem>>, %arg25: memref<80xf32, #tpu.memory_space<vmem>>, %arg26: memref<80xf32, #tpu.memory_space<vmem>>, %arg27: memref<4000xf32, #tpu.memory_space<vmem>>, %arg28: memref<4000xi32, #tpu.memory_space<vmem>>, %arg29: memref<1376xf32, #tpu.memory_space<vmem>>, %arg30: memref<1376xi32, #tpu.memory_space<vmem>>, %arg31: memref<16xf32, #tpu.memory_space<vmem>>, %arg32: memref<!tpu.dma_semaphore, #tpu.memory_space<semaphore_mem>>) attributes {dimension_semantics = [#tpu.dimension_semantics<core_parallel>, #tpu.dimension_semantics<subcore_parallel>], iteration_bounds = array<i64: 2, 16>, scalar_prefetch = 0 : i64, scratch_operands = 19 : i64, tpu.core_type = #tpu.core_type<sc_vector_subcore>, window_params = [{transform_indices = #map}, {transform_indices = #map}, {transform_indices = #map}, {transform_indices = #map}, {transform_indices = #map}, {transform_indices = #map}, {transform_indices = #map}, {transform_indices = #map}, {transform_indices = #map}, {transform_indices = #map}, {transform_indices = #map}, {transform_indices = #map}]} {
    %iota3A = tpu.iota {dimensions = array<i32: 0>} : vector<16xi32>
    %lt3A = arith.constant 9 : i32
    %lt3A_0 = vector.broadcast %lt3A : i32 to vector<16xi32>
    %lt3A_1 = arith.cmpi slt, %iota3A, %lt3A_0 : vector<16xi32>
    "tpu.region"() ({
      %run_scoped3A = tpu.sem_alloc : memref<!tpu.dma_semaphore, #tpu.memory_space<semaphore_mem>>
      tpu.enqueue_dma source(%arg2 : memref<21824xf32, #tpu.memory_space<hbm>>) target(%arg14 : memref<21824xf32, #tpu.memory_space<vmem>>) target_semaphore(%run_scoped3A : memref<!tpu.dma_semaphore, #tpu.memory_space<semaphore_mem>>)
      tpu.wait_dma2 semaphore(%run_scoped3A : memref<!tpu.dma_semaphore, #tpu.memory_space<semaphore_mem>>) src(%arg2 : memref<21824xf32, #tpu.memory_space<hbm>>) dst(%arg14 : memref<21824xf32, #tpu.memory_space<vmem>>)
      tpu.yield
    }) : () -> ()
    "tpu.region"() ({
      %run_scoped3A = tpu.sem_alloc : memref<!tpu.dma_semaphore, #tpu.memory_space<semaphore_mem>>
      tpu.enqueue_dma source(%arg4 : memref<21824xf32, #tpu.memory_space<hbm>>) target(%arg16 : memref<21824xf32, #tpu.memory_space<vmem>>) target_semaphore(%run_scoped3A : memref<!tpu.dma_semaphore, #tpu.memory_space<semaphore_mem>>)
      tpu.wait_dma2 semaphore(%run_scoped3A : memref<!tpu.dma_semaphore, #tpu.memory_space<semaphore_mem>>) src(%arg4 : memref<21824xf32, #tpu.memory_space<hbm>>) dst(%arg16 : memref<21824xf32, #tpu.memory_space<vmem>>)
      tpu.yield
    }) : () -> ()
    %scan3A = arith.constant 0 : i32
    %scan3A_2 = arith.constant 0 : i32
    %scan3A_3 = arith.constant 341 : i32
    %scan3A_4 = arith.addi %scan3A_2, %scan3A_3 : i32
    %scan3A_5 = arith.constant 1 : i32
    %scan3A_6 = scf.for %scan3A_74 = %scan3A_2 to %scan3A_4 step %scan3A_5 iter_args(%scan3A_75 = %scan3A) -> (i32)  : i32 {
      %mul3A_76 = arith.constant 64 : i32
      %mul3A_77 = arith.muli %scan3A_74, %mul3A_76 : i32
      %add3A_78 = arith.constant 0 : i32
      %add3A_79 = arith.addi %mul3A_77, %add3A_78 : i32
      %get3A = arith.index_cast %add3A_79 : i32 to index
      %get3A_80 = tpu.vector_load %arg14[%get3A] {strides = array<i32>} : memref<21824xf32, #tpu.memory_space<vmem>>, vector<16xf32>,
      %get3A_81 = arith.index_cast %add3A_79 : i32 to index
      %get3A_82 = tpu.vector_load %arg16[%get3A_81] {strides = array<i32>} : memref<21824xf32, #tpu.memory_space<vmem>>, vector<16xf32>,
      %add3A_83 = arith.addf %get3A_80, %get3A_82 : vector<16xf32>
      %mul3A_84 = arith.constant 5.000000e-01 : f32
      %mul3A_85 = vector.broadcast %mul3A_84 : f32 to vector<16xf32>
      %mul3A_86 = arith.mulf %add3A_83, %mul3A_85 : vector<16xf32>
      %swap3A = arith.index_cast %add3A_79 : i32 to index
      %swap3A_87 = tpu.vector_load %arg14[%swap3A] {strides = array<i32>} : memref<21824xf32, #tpu.memory_space<vmem>>, vector<16xf32>,
      tpu.vector_store %arg14[%swap3A], %mul3A_86 {strides = array<i32>} : memref<21824xf32, #tpu.memory_space<vmem>>, vector<16xf32>,
      %mul3A_88 = arith.constant 64 : i32
      %mul3A_89 = arith.muli %scan3A_74, %mul3A_88 : i32
      %add3A_90 = arith.constant 16 : i32
      %add3A_91 = arith.addi %mul3A_89, %add3A_90 : i32
      %get3A_92 = arith.index_cast %add3A_91 : i32 to index
      %get3A_93 = tpu.vector_load %arg14[%get3A_92] {strides = array<i32>} : memref<21824xf32, #tpu.memory_space<vmem>>, vector<16xf32>,
      %get3A_94 = arith.index_cast %add3A_91 : i32 to index
      %get3A_95 = tpu.vector_load %arg16[%get3A_94] {strides = array<i32>} : memref<21824xf32, #tpu.memory_space<vmem>>, vector<16xf32>,
      %add3A_96 = arith.addf %get3A_93, %get3A_95 : vector<16xf32>
      %mul3A_97 = arith.constant 5.000000e-01 : f32
      %mul3A_98 = vector.broadcast %mul3A_97 : f32 to vector<16xf32>
      %mul3A_99 = arith.mulf %add3A_96, %mul3A_98 : vector<16xf32>
      %swap3A_100 = arith.index_cast %add3A_91 : i32 to index
      %swap3A_101 = tpu.vector_load %arg14[%swap3A_100] {strides = array<i32>} : memref<21824xf32, #tpu.memory_space<vmem>>, vector<16xf32>,
      tpu.vector_store %arg14[%swap3A_100], %mul3A_99 {strides = array<i32>} : memref<21824xf32, #tpu.memory_space<vmem>>, vector<16xf32>,
      %mul3A_102 = arith.constant 64 : i32
      %mul3A_103 = arith.muli %scan3A_74, %mul3A_102 : i32
      %add3A_104 = arith.constant 32 : i32
      %add3A_105 = arith.addi %mul3A_103, %add3A_104 : i32
      %get3A_106 = arith.index_cast %add3A_105 : i32 to index
      %get3A_107 = tpu.vector_load %arg14[%get3A_106] {strides = array<i32>} : memref<21824xf32, #tpu.memory_space<vmem>>, vector<16xf32>,
      %get3A_108 = arith.index_cast %add3A_105 : i32 to index
      %get3A_109 = tpu.vector_load %arg16[%get3A_108] {strides = array<i32>} : memref<21824xf32, #tpu.memory_space<vmem>>, vector<16xf32>,
      %add3A_110 = arith.addf %get3A_107, %get3A_109 : vector<16xf32>
      %mul3A_111 = arith.constant 5.000000e-01 : f32
      %mul3A_112 = vector.broadcast %mul3A_111 : f32 to vector<16xf32>
      %mul3A_113 = arith.mulf %add3A_110, %mul3A_112 : vector<16xf32>
      %swap3A_114 = arith.index_cast %add3A_105 : i32 to index
      %swap3A_115 = tpu.vector_load %arg14[%swap3A_114] {strides = array<i32>} : memref<21824xf32, #tpu.memory_space<vmem>>, vector<16xf32>,
      tpu.vector_store %arg14[%swap3A_114], %mul3A_113 {strides = array<i32>} : memref<21824xf32, #tpu.memory_space<vmem>>, vector<16xf32>,
      %mul3A_116 = arith.constant 64 : i32
      %mul3A_117 = arith.muli %scan3A_74, %mul3A_116 : i32
      %add3A_118 = arith.constant 48 : i32
      %add3A_119 = arith.addi %mul3A_117, %add3A_118 : i32
      %get3A_120 = arith.index_cast %add3A_119 : i32 to index
      %get3A_121 = tpu.vector_load %arg14[%get3A_120] {strides = array<i32>} : memref<21824xf32, #tpu.memory_space<vmem>>, vector<16xf32>,
      %get3A_122 = arith.index_cast %add3A_119 : i32 to index
      %get3A_123 = tpu.vector_load %arg16[%get3A_122] {strides = array<i32>} : memref<21824xf32, #tpu.memory_space<vmem>>, vector<16xf32>,
      %add3A_124 = arith.addf %get3A_121, %get3A_123 : vector<16xf32>
      %mul3A_125 = arith.constant 5.000000e-01 : f32
      %mul3A_126 = vector.broadcast %mul3A_125 : f32 to vector<16xf32>
      %mul3A_127 = arith.mulf %add3A_124, %mul3A_126 : vector<16xf32>
      %swap3A_128 = arith.index_cast %add3A_119 : i32 to index
      %swap3A_129 = tpu.vector_load %arg14[%swap3A_128] {strides = array<i32>} : memref<21824xf32, #tpu.memory_space<vmem>>, vector<16xf32>,
      tpu.vector_store %arg14[%swap3A_128], %mul3A_127 {strides = array<i32>} : memref<21824xf32, #tpu.memory_space<vmem>>, vector<16xf32>,
      %scan3A_130 = arith.constant 0 : i32
      scf.yield %scan3A_130 : i32
    }
    %scan3A_7 = arith.constant 341 : i32
    "tpu.region"() ({
      %run_scoped3A = tpu.sem_alloc : memref<!tpu.dma_semaphore, #tpu.memory_space<semaphore_mem>>
      tpu.enqueue_dma source(%arg3 : memref<21824xf32, #tpu.memory_space<hbm>>) target(%arg15 : memref<21824xf32, #tpu.memory_space<vmem>>) target_semaphore(%run_scoped3A : memref<!tpu.dma_semaphore, #tpu.memory_space<semaphore_mem>>)
      tpu.wait_dma2 semaphore(%run_scoped3A : memref<!tpu.dma_semaphore, #tpu.memory_space<semaphore_mem>>) src(%arg3 : memref<21824xf32, #tpu.memory_space<hbm>>) dst(%arg15 : memref<21824xf32, #tpu.memory_space<vmem>>)
      tpu.yield
    }) : () -> ()
    "tpu.region"() ({
      %run_scoped3A = tpu.sem_alloc : memref<!tpu.dma_semaphore, #tpu.memory_space<semaphore_mem>>
      tpu.enqueue_dma source(%arg5 : memref<21824xf32, #tpu.memory_space<hbm>>) target(%arg16 : memref<21824xf32, #tpu.memory_space<vmem>>) target_semaphore(%run_scoped3A : memref<!tpu.dma_semaphore, #tpu.memory_space<semaphore_mem>>)
      tpu.wait_dma2 semaphore(%run_scoped3A : memref<!tpu.dma_semaphore, #tpu.memory_space<semaphore_mem>>) src(%arg5 : memref<21824xf32, #tpu.memory_space<hbm>>) dst(%arg16 : memref<21824xf32, #tpu.memory_space<vmem>>)
      tpu.yield
    }) : () -> ()
    %scan3A_8 = arith.constant 0 : i32
    %scan3A_9 = arith.constant 0 : i32
    %scan3A_10 = arith.constant 341 : i32
    %scan3A_11 = arith.addi %scan3A_9, %scan3A_10 : i32
    %scan3A_12 = arith.constant 1 : i32
    %scan3A_13 = scf.for %scan3A_74 = %scan3A_9 to %scan3A_11 step %scan3A_12 iter_args(%scan3A_75 = %scan3A_8) -> (i32)  : i32 {
      %mul3A_76 = arith.constant 64 : i32
      %mul3A_77 = arith.muli %scan3A_74, %mul3A_76 : i32
      %add3A_78 = arith.constant 0 : i32
      %add3A_79 = arith.addi %mul3A_77, %add3A_78 : i32
      %get3A = arith.index_cast %add3A_79 : i32 to index
      %get3A_80 = tpu.vector_load %arg15[%get3A] {strides = array<i32>} : memref<21824xf32, #tpu.memory_space<vmem>>, vector<16xf32>,
      %get3A_81 = arith.index_cast %add3A_79 : i32 to index
      %get3A_82 = tpu.vector_load %arg16[%get3A_81] {strides = array<i32>} : memref<21824xf32, #tpu.memory_space<vmem>>, vector<16xf32>,
      %add3A_83 = arith.addf %get3A_80, %get3A_82 : vector<16xf32>
      %mul3A_84 = arith.constant 5.000000e-01 : f32
      %mul3A_85 = vector.broadcast %mul3A_84 : f32 to vector<16xf32>
      %mul3A_86 = arith.mulf %add3A_83, %mul3A_85 : vector<16xf32>
      %swap3A = arith.index_cast %add3A_79 : i32 to index
      %swap3A_87 = tpu.vector_load %arg15[%swap3A] {strides = array<i32>} : memref<21824xf32, #tpu.memory_space<vmem>>, vector<16xf32>,
      tpu.vector_store %arg15[%swap3A], %mul3A_86 {strides = array<i32>} : memref<21824xf32, #tpu.memory_space<vmem>>, vector<16xf32>,
      %mul3A_88 = arith.constant 64 : i32
      %mul3A_89 = arith.muli %scan3A_74, %mul3A_88 : i32
      %add3A_90 = arith.constant 16 : i32
      %add3A_91 = arith.addi %mul3A_89, %add3A_90 : i32
      %get3A_92 = arith.index_cast %add3A_91 : i32 to index
      %get3A_93 = tpu.vector_load %arg15[%get3A_92] {strides = array<i32>} : memref<21824xf32, #tpu.memory_space<vmem>>, vector<16xf32>,
      %get3A_94 = arith.index_cast %add3A_91 : i32 to index
      %get3A_95 = tpu.vector_load %arg16[%get3A_94] {strides = array<i32>} : memref<21824xf32, #tpu.memory_space<vmem>>, vector<16xf32>,
      %add3A_96 = arith.addf %get3A_93, %get3A_95 : vector<16xf32>
      %mul3A_97 = arith.constant 5.000000e-01 : f32
      %mul3A_98 = vector.broadcast %mul3A_97 : f32 to vector<16xf32>
      %mul3A_99 = arith.mulf %add3A_96, %mul3A_98 : vector<16xf32>
      %swap3A_100 = arith.index_cast %add3A_91 : i32 to index
      %swap3A_101 = tpu.vector_load %arg15[%swap3A_100] {strides = array<i32>} : memref<21824xf32, #tpu.memory_space<vmem>>, vector<16xf32>,
      tpu.vector_store %arg15[%swap3A_100], %mul3A_99 {strides = array<i32>} : memref<21824xf32, #tpu.memory_space<vmem>>, vector<16xf32>,
      %mul3A_102 = arith.constant 64 : i32
      %mul3A_103 = arith.muli %scan3A_74, %mul3A_102 : i32
      %add3A_104 = arith.constant 32 : i32
      %add3A_105 = arith.addi %mul3A_103, %add3A_104 : i32
      %get3A_106 = arith.index_cast %add3A_105 : i32 to index
      %get3A_107 = tpu.vector_load %arg15[%get3A_106] {strides = array<i32>} : memref<21824xf32, #tpu.memory_space<vmem>>, vector<16xf32>,
      %get3A_108 = arith.index_cast %add3A_105 : i32 to index
      %get3A_109 = tpu.vector_load %arg16[%get3A_108] {strides = array<i32>} : memref<21824xf32, #tpu.memory_space<vmem>>, vector<16xf32>,
      %add3A_110 = arith.addf %get3A_107, %get3A_109 : vector<16xf32>
      %mul3A_111 = arith.constant 5.000000e-01 : f32
      %mul3A_112 = vector.broadcast %mul3A_111 : f32 to vector<16xf32>
      %mul3A_113 = arith.mulf %add3A_110, %mul3A_112 : vector<16xf32>
      %swap3A_114 = arith.index_cast %add3A_105 : i32 to index
      %swap3A_115 = tpu.vector_load %arg15[%swap3A_114] {strides = array<i32>} : memref<21824xf32, #tpu.memory_space<vmem>>, vector<16xf32>,
      tpu.vector_store %arg15[%swap3A_114], %mul3A_113 {strides = array<i32>} : memref<21824xf32, #tpu.memory_space<vmem>>, vector<16xf32>,
      %mul3A_116 = arith.constant 64 : i32
      %mul3A_117 = arith.muli %scan3A_74, %mul3A_116 : i32
      %add3A_118 = arith.constant 48 : i32
      %add3A_119 = arith.addi %mul3A_117, %add3A_118 : i32
      %get3A_120 = arith.index_cast %add3A_119 : i32 to index
      %get3A_121 = tpu.vector_load %arg15[%get3A_120] {strides = array<i32>} : memref<21824xf32, #tpu.memory_space<vmem>>, vector<16xf32>,
      %get3A_122 = arith.index_cast %add3A_119 : i32 to index
      %get3A_123 = tpu.vector_load %arg16[%get3A_122] {strides = array<i32>} : memref<21824xf32, #tpu.memory_space<vmem>>, vector<16xf32>,
      %add3A_124 = arith.addf %get3A_121, %get3A_123 : vector<16xf32>
      %mul3A_125 = arith.constant 5.000000e-01 : f32
      %mul3A_126 = vector.broadcast %mul3A_125 : f32 to vector<16xf32>
      %mul3A_127 = arith.mulf %add3A_124, %mul3A_126 : vector<16xf32>
      %swap3A_128 = arith.index_cast %add3A_119 : i32 to index
      %swap3A_129 = tpu.vector_load %arg15[%swap3A_128] {strides = array<i32>} : memref<21824xf32, #tpu.memory_space<vmem>>, vector<16xf32>,
      tpu.vector_store %arg15[%swap3A_128], %mul3A_127 {strides = array<i32>} : memref<21824xf32, #tpu.memory_space<vmem>>, vector<16xf32>,
      %scan3A_130 = arith.constant 0 : i32
      scf.yield %scan3A_130 : i32
    }
    %scan3A_14 = arith.constant 341 : i32
    "tpu.region"() ({
      %run_scoped3A = tpu.sem_alloc : memref<!tpu.dma_semaphore, #tpu.memory_space<semaphore_mem>>
      tpu.enqueue_dma source(%arg6 : memref<112xf32, #tpu.memory_space<hbm>>) target(%arg17 : memref<112xf32, #tpu.memory_space<vmem>>) target_semaphore(%run_scoped3A : memref<!tpu.dma_semaphore, #tpu.memory_space<semaphore_mem>>)
      tpu.wait_dma2 semaphore(%run_scoped3A : memref<!tpu.dma_semaphore, #tpu.memory_space<semaphore_mem>>) src(%arg6 : memref<112xf32, #tpu.memory_space<hbm>>) dst(%arg17 : memref<112xf32, #tpu.memory_space<vmem>>)
      tpu.yield
    }) : () -> ()
    "tpu.region"() ({
      %run_scoped3A = tpu.sem_alloc : memref<!tpu.dma_semaphore, #tpu.memory_space<semaphore_mem>>
      tpu.enqueue_dma source(%arg7 : memref<112xf32, #tpu.memory_space<hbm>>) target(%arg18 : memref<112xf32, #tpu.memory_space<vmem>>) target_semaphore(%run_scoped3A : memref<!tpu.dma_semaphore, #tpu.memory_space<semaphore_mem>>)
      tpu.wait_dma2 semaphore(%run_scoped3A : memref<!tpu.dma_semaphore, #tpu.memory_space<semaphore_mem>>) src(%arg7 : memref<112xf32, #tpu.memory_space<hbm>>) dst(%arg18 : memref<112xf32, #tpu.memory_space<vmem>>)
      tpu.yield
    }) : () -> ()
    "tpu.region"() ({
      %run_scoped3A = tpu.sem_alloc : memref<!tpu.dma_semaphore, #tpu.memory_space<semaphore_mem>>
      tpu.enqueue_dma source(%arg8 : memref<112xf32, #tpu.memory_space<hbm>>) target(%arg19 : memref<112xf32, #tpu.memory_space<vmem>>) target_semaphore(%run_scoped3A : memref<!tpu.dma_semaphore, #tpu.memory_space<semaphore_mem>>)
      tpu.wait_dma2 semaphore(%run_scoped3A : memref<!tpu.dma_semaphore, #tpu.memory_space<semaphore_mem>>) src(%arg8 : memref<112xf32, #tpu.memory_space<hbm>>) dst(%arg19 : memref<112xf32, #tpu.memory_space<vmem>>)
      tpu.yield
    }) : () -> ()
    "tpu.region"() ({
      %run_scoped3A = tpu.sem_alloc : memref<!tpu.dma_semaphore, #tpu.memory_space<semaphore_mem>>
      tpu.enqueue_dma source(%arg9 : memref<112xf32, #tpu.memory_space<hbm>>) target(%arg20 : memref<112xf32, #tpu.memory_space<vmem>>) target_semaphore(%run_scoped3A : memref<!tpu.dma_semaphore, #tpu.memory_space<semaphore_mem>>)
      tpu.wait_dma2 semaphore(%run_scoped3A : memref<!tpu.dma_semaphore, #tpu.memory_space<semaphore_mem>>) src(%arg9 : memref<112xf32, #tpu.memory_space<hbm>>) dst(%arg20 : memref<112xf32, #tpu.memory_space<vmem>>)
      tpu.yield
    }) : () -> ()
    %sub3A = arith.constant 50 : i32
    %sub3A_15 = arith.subi %sub3A, %arg1 : i32
    %add3A = arith.constant 15 : i32
    %add3A_16 = arith.addi %sub3A_15, %add3A : i32
    %jit3A = arith.constant 16 : i32
    %div3A = arith.divsi %add3A_16, %jit3A : i32
    %sign3A = arith.constant 0 : i32
    %sign3A_17 = arith.cmpi sgt, %add3A_16, %sign3A : i32
    %sign3A_18 = arith.extui %sign3A_17 : i1 to i32
    %sign3A_19 = arith.constant 0 : i32
    %sign3A_20 = arith.cmpi slt, %add3A_16, %sign3A_19 : i32
    %sign3A_21 = arith.extui %sign3A_20 : i1 to i32
    %sign3A_22 = arith.subi %sign3A_18, %sign3A_21 : i32
    %sign3A_23 = arith.constant 0 : i32
    %sign3A_24 = arith.cmpi sgt, %jit3A, %sign3A_23 : i32
    %sign3A_25 = arith.extui %sign3A_24 : i1 to i32
    %sign3A_26 = arith.constant 0 : i32
    %sign3A_27 = arith.cmpi slt, %jit3A, %sign3A_26 : i32
    %sign3A_28 = arith.extui %sign3A_27 : i1 to i32
    %sign3A_29 = arith.subi %sign3A_25, %sign3A_28 : i32
    %ne3A = arith.cmpi ne, %sign3A_22, %sign3A_29 : i32
    %rem3A = arith.remsi %add3A_16, %jit3A : i32
    %ne3A_30 = arith.constant 0 : i32
    %ne3A_31 = arith.cmpi ne, %rem3A, %ne3A_30 : i32
    %and3A = arith.andi %ne3A, %ne3A_31 : i1
    %sub3A_32 = arith.constant 1 : i32
    %sub3A_33 = arith.subi %div3A, %sub3A_32 : i32
    %select_n3A = arith.select %and3A, %sub3A_33, %div3A : i32
    %while3A = arith.constant 0 : i32
    %while3A_34 = arith.constant 0 : i32
    %while3A_35 = arith.subi %select_n3A, %while3A : i32
    %while3A_36 = arith.addi %while3A, %while3A_35 : i32
    %while3A_37 = arith.constant 1 : i32
    %while3A_38 = arith.divsi %while3A_35, %while3A_37 : i32
    %while3A_39 = arith.muli %while3A_38, %while3A_37 : i32
    %while3A_40 = arith.addi %while3A, %while3A_39 : i32
    %while3A_41 = arith.constant 1 : i32
    %while3A_42 = scf.for %while3A_74 = %while3A to %while3A_40 step %while3A_41 iter_args(%while3A_75 = %while3A_34) -> (i32)  : i32 {
      %mul3A_76 = arith.constant 50 : i32
      %mul3A_77 = arith.muli %arg0, %mul3A_76 : i32
      %add3A_78 = arith.addi %mul3A_77, %arg1 : i32
      %mul3A_79 = arith.constant 16 : i32
      %mul3A_80 = arith.muli %mul3A_79, %while3A_74 : i32
      %add3A_81 = arith.addi %add3A_78, %mul3A_80 : i32
      %broadcast_in_dim3A = vector.broadcast %add3A_81 : i32 to vector<16xi32>
      %gather3A = tpu.vector_load_idx %arg17[%broadcast_in_dim3A] : memref<112xf32, #tpu.memory_space<vmem>>[vector<16xi32>], vector<16xf32>,
      %broadcast_in_dim3A_82 = vector.broadcast %add3A_81 : i32 to vector<16xi32>
      %gather3A_83 = tpu.vector_load_idx %arg18[%broadcast_in_dim3A_82] : memref<112xf32, #tpu.memory_space<vmem>>[vector<16xi32>], vector<16xf32>,
      %broadcast_in_dim3A_84 = vector.broadcast %add3A_81 : i32 to vector<16xi32>
      %gather3A_85 = tpu.vector_load_idx %arg19[%broadcast_in_dim3A_84] : memref<112xf32, #tpu.memory_space<vmem>>[vector<16xi32>], vector<16xf32>,
      %broadcast_in_dim3A_86 = vector.broadcast %add3A_81 : i32 to vector<16xi32>
      %gather3A_87 = tpu.vector_load_idx %arg20[%broadcast_in_dim3A_86] : memref<112xf32, #tpu.memory_space<vmem>>[vector<16xi32>], vector<16xf32>,
      %add3A_88 = arith.addf %gather3A, %gather3A_85 : vector<16xf32>
      %mul3A_89 = arith.constant 5.000000e-01 : f32
      %mul3A_90 = vector.broadcast %mul3A_89 : f32 to vector<16xf32>
      %mul3A_91 = arith.mulf %add3A_88, %mul3A_90 : vector<16xf32>
      %add3A_92 = arith.addf %gather3A_83, %gather3A_87 : vector<16xf32>
      %mul3A_93 = arith.constant 5.000000e-01 : f32
      %mul3A_94 = vector.broadcast %mul3A_93 : f32 to vector<16xf32>
      %mul3A_95 = arith.mulf %add3A_92, %mul3A_94 : vector<16xf32>
      %iota3A_96 = tpu.iota {dimensions = array<i32: 0>} : vector<16xi32>
      %broadcast_in_dim3A_97 = arith.constant 3.000000e+38 : f32
      %broadcast_in_dim3A_98 = vector.broadcast %broadcast_in_dim3A_97 : f32 to vector<16xf32>
      %broadcast_in_dim3A_99 = arith.constant 0 : i32
      %broadcast_in_dim3A_100 = vector.broadcast %broadcast_in_dim3A_99 : i32 to vector<16xi32>
      %broadcast_in_dim3A_101 = arith.constant 3.000000e+38 : f32
      %broadcast_in_dim3A_102 = vector.broadcast %broadcast_in_dim3A_101 : f32 to vector<16xf32>
      %scan3A_103 = arith.constant 0 : i32
      %scan3A_104 = arith.constant 128 : i32
      %scan3A_105 = arith.addi %scan3A_103, %scan3A_104 : i32
      %scan3A_106 = arith.constant 1 : i32
      %scan3A_107:3 = scf.for %scan3A_924 = %scan3A_103 to %scan3A_105 step %scan3A_106 iter_args(%scan3A_925 = %broadcast_in_dim3A_98, %scan3A_926 = %broadcast_in_dim3A_100, %scan3A_927 = %broadcast_in_dim3A_102) -> (vector<16xf32>, vector<16xi32>, vector<16xf32>)  : i32 {
        %mul3A_928 = arith.constant 128 : i32
        %mul3A_929 = arith.muli %scan3A_924, %mul3A_928 : i32
        %add3A_930 = arith.constant 0 : i32
        %add3A_931 = arith.addi %add3A_930, %mul3A_929 : i32
        %add3A_932 = arith.constant 0 : i32
        %add3A_933 = arith.addi %add3A_931, %add3A_932 : i32
        %get3A_934 = arith.index_cast %add3A_933 : i32 to index
        %get3A_935 = tpu.vector_load %arg14[%get3A_934] {strides = array<i32>} : memref<21824xf32, #tpu.memory_space<vmem>>, vector<16xf32>,
        %sub3A_936 = arith.subf %get3A_935, %mul3A_91 : vector<16xf32>
        %add3A_937 = arith.constant 0 : i32
        %add3A_938 = arith.addi %add3A_931, %add3A_937 : i32
        %get3A_939 = arith.index_cast %add3A_938 : i32 to index
        %get3A_940 = tpu.vector_load %arg15[%get3A_939] {strides = array<i32>} : memref<21824xf32, #tpu.memory_space<vmem>>, vector<16xf32>,
        %sub3A_941 = arith.subf %get3A_940, %mul3A_95 : vector<16xf32>
        %mul3A_942 = arith.mulf %sub3A_936, %sub3A_936 : vector<16xf32>
        %mul3A_943 = arith.mulf %sub3A_941, %sub3A_941 : vector<16xf32>
        %add3A_944 = arith.addf %mul3A_942, %mul3A_943 : vector<16xf32>
        %lt3A_945 = arith.cmpf olt, %add3A_944, %scan3A_927 : vector<16xf32>
        %add3A_946 = arith.constant 16 : i32
        %add3A_947 = arith.addi %add3A_931, %add3A_946 : i32
        %get3A_948 = arith.index_cast %add3A_947 : i32 to index
        %get3A_949 = tpu.vector_load %arg14[%get3A_948] {strides = array<i32>} : memref<21824xf32, #tpu.memory_space<vmem>>, vector<16xf32>,
        %sub3A_950 = arith.subf %get3A_949, %mul3A_91 : vector<16xf32>
        %add3A_951 = arith.constant 16 : i32
        %add3A_952 = arith.addi %add3A_931, %add3A_951 : i32
        %get3A_953 = arith.index_cast %add3A_952 : i32 to index
        %get3A_954 = tpu.vector_load %arg15[%get3A_953] {strides = array<i32>} : memref<21824xf32, #tpu.memory_space<vmem>>, vector<16xf32>,
        %sub3A_955 = arith.subf %get3A_954, %mul3A_95 : vector<16xf32>
        %mul3A_956 = arith.mulf %sub3A_950, %sub3A_950 : vector<16xf32>
        %mul3A_957 = arith.mulf %sub3A_955, %sub3A_955 : vector<16xf32>
        %add3A_958 = arith.addf %mul3A_956, %mul3A_957 : vector<16xf32>
        %lt3A_959 = arith.cmpf olt, %add3A_958, %scan3A_927 : vector<16xf32>
        %or3A_960 = arith.ori %lt3A_945, %lt3A_959 : vector<16xi1>
        %add3A_961 = arith.constant 32 : i32
        %add3A_962 = arith.addi %add3A_931, %add3A_961 : i32
        %get3A_963 = arith.index_cast %add3A_962 : i32 to index
        %get3A_964 = tpu.vector_load %arg14[%get3A_963] {strides = array<i32>} : memref<21824xf32, #tpu.memory_space<vmem>>, vector<16xf32>,
        %sub3A_965 = arith.subf %get3A_964, %mul3A_91 : vector<16xf32>
        %add3A_966 = arith.constant 32 : i32
        %add3A_967 = arith.addi %add3A_931, %add3A_966 : i32
        %get3A_968 = arith.index_cast %add3A_967 : i32 to index
        %get3A_969 = tpu.vector_load %arg15[%get3A_968] {strides = array<i32>} : memref<21824xf32, #tpu.memory_space<vmem>>, vector<16xf32>,
        %sub3A_970 = arith.subf %get3A_969, %mul3A_95 : vector<16xf32>
        %mul3A_971 = arith.mulf %sub3A_965, %sub3A_965 : vector<16xf32>
        %mul3A_972 = arith.mulf %sub3A_970, %sub3A_970 : vector<16xf32>
        %add3A_973 = arith.addf %mul3A_971, %mul3A_972 : vector<16xf32>
        %lt3A_974 = arith.cmpf olt, %add3A_973, %scan3A_927 : vector<16xf32>
        %or3A_975 = arith.ori %or3A_960, %lt3A_974 : vector<16xi1>
        %add3A_976 = arith.constant 48 : i32
        %add3A_977 = arith.addi %add3A_931, %add3A_976 : i32
        %get3A_978 = arith.index_cast %add3A_977 : i32 to index
        %get3A_979 = tpu.vector_load %arg14[%get3A_978] {strides = array<i32>} : memref<21824xf32, #tpu.memory_space<vmem>>, vector<16xf32>,
        %sub3A_980 = arith.subf %get3A_979, %mul3A_91 : vector<16xf32>
        %add3A_981 = arith.constant 48 : i32
        %add3A_982 = arith.addi %add3A_931, %add3A_981 : i32
        %get3A_983 = arith.index_cast %add3A_982 : i32 to index
        %get3A_984 = tpu.vector_load %arg15[%get3A_983] {strides = array<i32>} : memref<21824xf32, #tpu.memory_space<vmem>>, vector<16xf32>,
        %sub3A_985 = arith.subf %get3A_984, %mul3A_95 : vector<16xf32>
        %mul3A_986 = arith.mulf %sub3A_980, %sub3A_980 : vector<16xf32>
        %mul3A_987 = arith.mulf %sub3A_985, %sub3A_985 : vector<16xf32>
        %add3A_988 = arith.addf %mul3A_986, %mul3A_987 : vector<16xf32>
        %lt3A_989 = arith.cmpf olt, %add3A_988, %scan3A_927 : vector<16xf32>
        %or3A_990 = arith.ori %or3A_975, %lt3A_989 : vector<16xi1>
        %add3A_991 = arith.constant 64 : i32
        %add3A_992 = arith.addi %add3A_931, %add3A_991 : i32
        %get3A_993 = arith.index_cast %add3A_992 : i32 to index
        %get3A_994 = tpu.vector_load %arg14[%get3A_993] {strides = array<i32>} : memref<21824xf32, #tpu.memory_space<vmem>>, vector<16xf32>,
        %sub3A_995 = arith.subf %get3A_994, %mul3A_91 : vector<16xf32>
        %add3A_996 = arith.constant 64 : i32
        %add3A_997 = arith.addi %add3A_931, %add3A_996 : i32
        %get3A_998 = arith.index_cast %add3A_997 : i32 to index
        %get3A_999 = tpu.vector_load %arg15[%get3A_998] {strides = array<i32>} : memref<21824xf32, #tpu.memory_space<vmem>>, vector<16xf32>,
        %sub3A_1000 = arith.subf %get3A_999, %mul3A_95 : vector<16xf32>
        %mul3A_1001 = arith.mulf %sub3A_995, %sub3A_995 : vector<16xf32>
        %mul3A_1002 = arith.mulf %sub3A_1000, %sub3A_1000 : vector<16xf32>
        %add3A_1003 = arith.addf %mul3A_1001, %mul3A_1002 : vector<16xf32>
        %lt3A_1004 = arith.cmpf olt, %add3A_1003, %scan3A_927 : vector<16xf32>
        %or3A_1005 = arith.ori %or3A_990, %lt3A_1004 : vector<16xi1>
        %add3A_1006 = arith.constant 80 : i32
        %add3A_1007 = arith.addi %add3A_931, %add3A_1006 : i32
        %get3A_1008 = arith.index_cast %add3A_1007 : i32 to index
        %get3A_1009 = tpu.vector_load %arg14[%get3A_1008] {strides = array<i32>} : memref<21824xf32, #tpu.memory_space<vmem>>, vector<16xf32>,
        %sub3A_1010 = arith.subf %get3A_1009, %mul3A_91 : vector<16xf32>
        %add3A_1011 = arith.constant 80 : i32
        %add3A_1012 = arith.addi %add3A_931, %add3A_1011 : i32
        %get3A_1013 = arith.index_cast %add3A_1012 : i32 to index
        %get3A_1014 = tpu.vector_load %arg15[%get3A_1013] {strides = array<i32>} : memref<21824xf32, #tpu.memory_space<vmem>>, vector<16xf32>,
        %sub3A_1015 = arith.subf %get3A_1014, %mul3A_95 : vector<16xf32>
        %mul3A_1016 = arith.mulf %sub3A_1010, %sub3A_1010 : vector<16xf32>
        %mul3A_1017 = arith.mulf %sub3A_1015, %sub3A_1015 : vector<16xf32>
        %add3A_1018 = arith.addf %mul3A_1016, %mul3A_1017 : vector<16xf32>
        %lt3A_1019 = arith.cmpf olt, %add3A_1018, %scan3A_927 : vector<16xf32>
        %or3A_1020 = arith.ori %or3A_1005, %lt3A_1019 : vector<16xi1>
        %add3A_1021 = arith.constant 96 : i32
        %add3A_1022 = arith.addi %add3A_931, %add3A_1021 : i32
        %get3A_1023 = arith.index_cast %add3A_1022 : i32 to index
        %get3A_1024 = tpu.vector_load %arg14[%get3A_1023] {strides = array<i32>} : memref<21824xf32, #tpu.memory_space<vmem>>, vector<16xf32>,
        %sub3A_1025 = arith.subf %get3A_1024, %mul3A_91 : vector<16xf32>
        %add3A_1026 = arith.constant 96 : i32
        %add3A_1027 = arith.addi %add3A_931, %add3A_1026 : i32
        %get3A_1028 = arith.index_cast %add3A_1027 : i32 to index
        %get3A_1029 = tpu.vector_load %arg15[%get3A_1028] {strides = array<i32>} : memref<21824xf32, #tpu.memory_space<vmem>>, vector<16xf32>,
        %sub3A_1030 = arith.subf %get3A_1029, %mul3A_95 : vector<16xf32>
        %mul3A_1031 = arith.mulf %sub3A_1025, %sub3A_1025 : vector<16xf32>
        %mul3A_1032 = arith.mulf %sub3A_1030, %sub3A_1030 : vector<16xf32>
        %add3A_1033 = arith.addf %mul3A_1031, %mul3A_1032 : vector<16xf32>
        %lt3A_1034 = arith.cmpf olt, %add3A_1033, %scan3A_927 : vector<16xf32>
        %or3A_1035 = arith.ori %or3A_1020, %lt3A_1034 : vector<16xi1>
        %add3A_1036 = arith.constant 112 : i32
        %add3A_1037 = arith.addi %add3A_931, %add3A_1036 : i32
        %get3A_1038 = arith.index_cast %add3A_1037 : i32 to index
        %get3A_1039 = tpu.vector_load %arg14[%get3A_1038] {strides = array<i32>} : memref<21824xf32, #tpu.memory_space<vmem>>, vector<16xf32>,
        %sub3A_1040 = arith.subf %get3A_1039, %mul3A_91 : vector<16xf32>
        %add3A_1041 = arith.constant 112 : i32
        %add3A_1042 = arith.addi %add3A_931, %add3A_1041 : i32
        %get3A_1043 = arith.index_cast %add3A_1042 : i32 to index
        %get3A_1044 = tpu.vector_load %arg15[%get3A_1043] {strides = array<i32>} : memref<21824xf32, #tpu.memory_space<vmem>>, vector<16xf32>,
        %sub3A_1045 = arith.subf %get3A_1044, %mul3A_95 : vector<16xf32>
        %mul3A_1046 = arith.mulf %sub3A_1040, %sub3A_1040 : vector<16xf32>
        %mul3A_1047 = arith.mulf %sub3A_1045, %sub3A_1045 : vector<16xf32>
        %add3A_1048 = arith.addf %mul3A_1046, %mul3A_1047 : vector<16xf32>
        %lt3A_1049 = arith.cmpf olt, %add3A_1048, %scan3A_927 : vector<16xf32>
        %or3A_1050 = arith.ori %or3A_1035, %lt3A_1049 : vector<16xi1>
        %all_reduce_population_count3A_1051 = tpu.all_reduce %or3A_1050 {dim = 0 : i64, kind = #tpu.reduction_kind<sum>} : vector<16xi1> -> vector<16xi32>
        %slice3A_1052 = vector.extract_strided_slice %all_reduce_population_count3A_1051 {offsets = [0], sizes = [1], strides = [1]} : vector<16xi32> to vector<1xi32>
        %squeeze3A_1053 = vector.extract %slice3A_1052[0] : i32 from vector<1xi32>
        %gt3A_1054 = arith.constant 0 : i32
        %gt3A_1055 = arith.cmpi sgt, %squeeze3A_1053, %gt3A_1054 : i32
        %convert_element_type3A_1056 = arith.extui %gt3A_1055 : i1 to i32
        %cond3A_1057 = arith.constant 0 : i32
        %cond3A_1058 = arith.constant 0 : i32
        %cond3A_1059 = arith.cmpi ne, %convert_element_type3A_1056, %cond3A_1058 : i32
        %cond3A_1060:3 = scf.if %cond3A_1059 -> (vector<16xf32>, vector<16xi32>, vector<16xf32>) {
          %add3A_1061 = arith.constant 0 : i32
          %add3A_1062 = arith.addi %add3A_931, %add3A_1061 : i32
          %add3A_1063 = vector.broadcast %add3A_1062 : i32 to vector<16xi32>
          %add3A_1064 = arith.addi %add3A_1063, %iota3A_96 : vector<16xi32>
          %masked_sort3A = arith.constant dense<true> : vector<16xi1>
          %masked_sort3A_1065, %masked_sort3A_1066, %masked_sort3A_1067 = tpu.sort %add3A_944, %add3A_1064 masked %masked_sort3A : (vector<16xf32>, vector<16xi32>, vector<16xi1>) -> (vector<16xi1>, vector<16xf32>, vector<16xi32>)
          %rev3A = arith.constant 15 : i32
          %rev3A_1068 = vector.broadcast %rev3A : i32 to vector<16xi32>
          %rev3A_1069 = tpu.iota {dimensions = array<i32: 0>} : vector<16xi32>
          %rev3A_1070 = arith.subi %rev3A_1068, %rev3A_1069 : vector<16xi32>
          %rev3A_1071 = tpu.dynamic_gather %masked_sort3A_1066[%rev3A_1070] in [0] : vector<16xf32>, vector<16xi32> -> vector<16xf32>
          %rev3A_1072 = arith.constant 15 : i32
          %rev3A_1073 = vector.broadcast %rev3A_1072 : i32 to vector<16xi32>
          %rev3A_1074 = tpu.iota {dimensions = array<i32: 0>} : vector<16xi32>
          %rev3A_1075 = arith.subi %rev3A_1073, %rev3A_1074 : vector<16xi32>
          %rev3A_1076 = tpu.dynamic_gather %masked_sort3A_1067[%rev3A_1075] in [0] : vector<16xi32>, vector<16xi32> -> vector<16xi32>
          %le3A = arith.cmpf ole, %scan3A_925, %rev3A_1071 : vector<16xf32>
          %select_n3A_1077 = arith.select %le3A, %scan3A_925, %rev3A_1071 : vector<16xi1>, vector<16xf32>
          %select_n3A_1078 = arith.select %le3A, %scan3A_926, %rev3A_1076 : vector<16xi1>, vector<16xi32>
          %masked_sort3A_1079 = arith.constant dense<true> : vector<16xi1>
          %masked_sort3A_1080, %masked_sort3A_1081, %masked_sort3A_1082 = tpu.sort %select_n3A_1077, %select_n3A_1078 masked %masked_sort3A_1079 : (vector<16xf32>, vector<16xi32>, vector<16xi1>) -> (vector<16xi1>, vector<16xf32>, vector<16xi32>)
          %add3A_1083 = arith.constant 16 : i32
          %add3A_1084 = arith.addi %add3A_931, %add3A_1083 : i32
          %add3A_1085 = vector.broadcast %add3A_1084 : i32 to vector<16xi32>
          %add3A_1086 = arith.addi %add3A_1085, %iota3A_96 : vector<16xi32>
          %masked_sort3A_1087 = arith.constant dense<true> : vector<16xi1>
          %masked_sort3A_1088, %masked_sort3A_1089, %masked_sort3A_1090 = tpu.sort %add3A_958, %add3A_1086 masked %masked_sort3A_1087 : (vector<16xf32>, vector<16xi32>, vector<16xi1>) -> (vector<16xi1>, vector<16xf32>, vector<16xi32>)
          %rev3A_1091 = arith.constant 15 : i32
          %rev3A_1092 = vector.broadcast %rev3A_1091 : i32 to vector<16xi32>
          %rev3A_1093 = tpu.iota {dimensions = array<i32: 0>} : vector<16xi32>
          %rev3A_1094 = arith.subi %rev3A_1092, %rev3A_1093 : vector<16xi32>
          %rev3A_1095 = tpu.dynamic_gather %masked_sort3A_1089[%rev3A_1094] in [0] : vector<16xf32>, vector<16xi32> -> vector<16xf32>
          %rev3A_1096 = arith.constant 15 : i32
          %rev3A_1097 = vector.broadcast %rev3A_1096 : i32 to vector<16xi32>
          %rev3A_1098 = tpu.iota {dimensions = array<i32: 0>} : vector<16xi32>
          %rev3A_1099 = arith.subi %rev3A_1097, %rev3A_1098 : vector<16xi32>
          %rev3A_1100 = tpu.dynamic_gather %masked_sort3A_1090[%rev3A_1099] in [0] : vector<16xi32>, vector<16xi32> -> vector<16xi32>
          %le3A_1101 = arith.cmpf ole, %masked_sort3A_1081, %rev3A_1095 : vector<16xf32>
          %select_n3A_1102 = arith.select %le3A_1101, %masked_sort3A_1081, %rev3A_1095 : vector<16xi1>, vector<16xf32>
          %select_n3A_1103 = arith.select %le3A_1101, %masked_sort3A_1082, %rev3A_1100 : vector<16xi1>, vector<16xi32>
          %masked_sort3A_1104 = arith.constant dense<true> : vector<16xi1>
          %masked_sort3A_1105, %masked_sort3A_1106, %masked_sort3A_1107 = tpu.sort %select_n3A_1102, %select_n3A_1103 masked %masked_sort3A_1104 : (vector<16xf32>, vector<16xi32>, vector<16xi1>) -> (vector<16xi1>, vector<16xf32>, vector<16xi32>)
          %add3A_1108 = arith.constant 32 : i32
          %add3A_1109 = arith.addi %add3A_931, %add3A_1108 : i32
          %add3A_1110 = vector.broadcast %add3A_1109 : i32 to vector<16xi32>
          %add3A_1111 = arith.addi %add3A_1110, %iota3A_96 : vector<16xi32>
          %masked_sort3A_1112 = arith.constant dense<true> : vector<16xi1>
          %masked_sort3A_1113, %masked_sort3A_1114, %masked_sort3A_1115 = tpu.sort %add3A_973, %add3A_1111 masked %masked_sort3A_1112 : (vector<16xf32>, vector<16xi32>, vector<16xi1>) -> (vector<16xi1>, vector<16xf32>, vector<16xi32>)
          %rev3A_1116 = arith.constant 15 : i32
          %rev3A_1117 = vector.broadcast %rev3A_1116 : i32 to vector<16xi32>
          %rev3A_1118 = tpu.iota {dimensions = array<i32: 0>} : vector<16xi32>
          %rev3A_1119 = arith.subi %rev3A_1117, %rev3A_1118 : vector<16xi32>
          %rev3A_1120 = tpu.dynamic_gather %masked_sort3A_1114[%rev3A_1119] in [0] : vector<16xf32>, vector<16xi32> -> vector<16xf32>
          %rev3A_1121 = arith.constant 15 : i32
          %rev3A_1122 = vector.broadcast %rev3A_1121 : i32 to vector<16xi32>
          %rev3A_1123 = tpu.iota {dimensions = array<i32: 0>} : vector<16xi32>
          %rev3A_1124 = arith.subi %rev3A_1122, %rev3A_1123 : vector<16xi32>
          %rev3A_1125 = tpu.dynamic_gather %masked_sort3A_1115[%rev3A_1124] in [0] : vector<16xi32>, vector<16xi32> -> vector<16xi32>
          %le3A_1126 = arith.cmpf ole, %masked_sort3A_1106, %rev3A_1120 : vector<16xf32>
          %select_n3A_1127 = arith.select %le3A_1126, %masked_sort3A_1106, %rev3A_1120 : vector<16xi1>, vector<16xf32>
          %select_n3A_1128 = arith.select %le3A_1126, %masked_sort3A_1107, %rev3A_1125 : vector<16xi1>, vector<16xi32>
          %masked_sort3A_1129 = arith.constant dense<true> : vector<16xi1>
          %masked_sort3A_1130, %masked_sort3A_1131, %masked_sort3A_1132 = tpu.sort %select_n3A_1127, %select_n3A_1128 masked %masked_sort3A_1129 : (vector<16xf32>, vector<16xi32>, vector<16xi1>) -> (vector<16xi1>, vector<16xf32>, vector<16xi32>)
          %add3A_1133 = arith.constant 48 : i32
          %add3A_1134 = arith.addi %add3A_931, %add3A_1133 : i32
          %add3A_1135 = vector.broadcast %add3A_1134 : i32 to vector<16xi32>
          %add3A_1136 = arith.addi %add3A_1135, %iota3A_96 : vector<16xi32>
          %masked_sort3A_1137 = arith.constant dense<true> : vector<16xi1>
          %masked_sort3A_1138, %masked_sort3A_1139, %masked_sort3A_1140 = tpu.sort %add3A_988, %add3A_1136 masked %masked_sort3A_1137 : (vector<16xf32>, vector<16xi32>, vector<16xi1>) -> (vector<16xi1>, vector<16xf32>, vector<16xi32>)
          %rev3A_1141 = arith.constant 15 : i32
          %rev3A_1142 = vector.broadcast %rev3A_1141 : i32 to vector<16xi32>
          %rev3A_1143 = tpu.iota {dimensions = array<i32: 0>} : vector<16xi32>
          %rev3A_1144 = arith.subi %rev3A_1142, %rev3A_1143 : vector<16xi32>
          %rev3A_1145 = tpu.dynamic_gather %masked_sort3A_1139[%rev3A_1144] in [0] : vector<16xf32>, vector<16xi32> -> vector<16xf32>
          %rev3A_1146 = arith.constant 15 : i32
          %rev3A_1147 = vector.broadcast %rev3A_1146 : i32 to vector<16xi32>
          %rev3A_1148 = tpu.iota {dimensions = array<i32: 0>} : vector<16xi32>
          %rev3A_1149 = arith.subi %rev3A_1147, %rev3A_1148 : vector<16xi32>
          %rev3A_1150 = tpu.dynamic_gather %masked_sort3A_1140[%rev3A_1149] in [0] : vector<16xi32>, vector<16xi32> -> vector<16xi32>
          %le3A_1151 = arith.cmpf ole, %masked_sort3A_1131, %rev3A_1145 : vector<16xf32>
          %select_n3A_1152 = arith.select %le3A_1151, %masked_sort3A_1131, %rev3A_1145 : vector<16xi1>, vector<16xf32>
          %select_n3A_1153 = arith.select %le3A_1151, %masked_sort3A_1132, %rev3A_1150 : vector<16xi1>, vector<16xi32>
          %masked_sort3A_1154 = arith.constant dense<true> : vector<16xi1>
          %masked_sort3A_1155, %masked_sort3A_1156, %masked_sort3A_1157 = tpu.sort %select_n3A_1152, %select_n3A_1153 masked %masked_sort3A_1154 : (vector<16xf32>, vector<16xi32>, vector<16xi1>) -> (vector<16xi1>, vector<16xf32>, vector<16xi32>)
          %add3A_1158 = arith.constant 64 : i32
          %add3A_1159 = arith.addi %add3A_931, %add3A_1158 : i32
          %add3A_1160 = vector.broadcast %add3A_1159 : i32 to vector<16xi32>
          %add3A_1161 = arith.addi %add3A_1160, %iota3A_96 : vector<16xi32>
          %masked_sort3A_1162 = arith.constant dense<true> : vector<16xi1>
          %masked_sort3A_1163, %masked_sort3A_1164, %masked_sort3A_1165 = tpu.sort %add3A_1003, %add3A_1161 masked %masked_sort3A_1162 : (vector<16xf32>, vector<16xi32>, vector<16xi1>) -> (vector<16xi1>, vector<16xf32>, vector<16xi32>)
          %rev3A_1166 = arith.constant 15 : i32
          %rev3A_1167 = vector.broadcast %rev3A_1166 : i32 to vector<16xi32>
          %rev3A_1168 = tpu.iota {dimensions = array<i32: 0>} : vector<16xi32>
          %rev3A_1169 = arith.subi %rev3A_1167, %rev3A_1168 : vector<16xi32>
          %rev3A_1170 = tpu.dynamic_gather %masked_sort3A_1164[%rev3A_1169] in [0] : vector<16xf32>, vector<16xi32> -> vector<16xf32>
          %rev3A_1171 = arith.constant 15 : i32
          %rev3A_1172 = vector.broadcast %rev3A_1171 : i32 to vector<16xi32>
          %rev3A_1173 = tpu.iota {dimensions = array<i32: 0>} : vector<16xi32>
          %rev3A_1174 = arith.subi %rev3A_1172, %rev3A_1173 : vector<16xi32>
          %rev3A_1175 = tpu.dynamic_gather %masked_sort3A_1165[%rev3A_1174] in [0] : vector<16xi32>, vector<16xi32> -> vector<16xi32>
          %le3A_1176 = arith.cmpf ole, %masked_sort3A_1156, %rev3A_1170 : vector<16xf32>
          %select_n3A_1177 = arith.select %le3A_1176, %masked_sort3A_1156, %rev3A_1170 : vector<16xi1>, vector<16xf32>
          %select_n3A_1178 = arith.select %le3A_1176, %masked_sort3A_1157, %rev3A_1175 : vector<16xi1>, vector<16xi32>
          %masked_sort3A_1179 = arith.constant dense<true> : vector<16xi1>
          %masked_sort3A_1180, %masked_sort3A_1181, %masked_sort3A_1182 = tpu.sort %select_n3A_1177, %select_n3A_1178 masked %masked_sort3A_1179 : (vector<16xf32>, vector<16xi32>, vector<16xi1>) -> (vector<16xi1>, vector<16xf32>, vector<16xi32>)
          %add3A_1183 = arith.constant 80 : i32
          %add3A_1184 = arith.addi %add3A_931, %add3A_1183 : i32
          %add3A_1185 = vector.broadcast %add3A_1184 : i32 to vector<16xi32>
          %add3A_1186 = arith.addi %add3A_1185, %iota3A_96 : vector<16xi32>
          %masked_sort3A_1187 = arith.constant dense<true> : vector<16xi1>
          %masked_sort3A_1188, %masked_sort3A_1189, %masked_sort3A_1190 = tpu.sort %add3A_1018, %add3A_1186 masked %masked_sort3A_1187 : (vector<16xf32>, vector<16xi32>, vector<16xi1>) -> (vector<16xi1>, vector<16xf32>, vector<16xi32>)
          %rev3A_1191 = arith.constant 15 : i32
          %rev3A_1192 = vector.broadcast %rev3A_1191 : i32 to vector<16xi32>
          %rev3A_1193 = tpu.iota {dimensions = array<i32: 0>} : vector<16xi32>
          %rev3A_1194 = arith.subi %rev3A_1192, %rev3A_1193 : vector<16xi32>
          %rev3A_1195 = tpu.dynamic_gather %masked_sort3A_1189[%rev3A_1194] in [0] : vector<16xf32>, vector<16xi32> -> vector<16xf32>
          %rev3A_1196 = arith.constant 15 : i32
          %rev3A_1197 = vector.broadcast %rev3A_1196 : i32 to vector<16xi32>
          %rev3A_1198 = tpu.iota {dimensions = array<i32: 0>} : vector<16xi32>
          %rev3A_1199 = arith.subi %rev3A_1197, %rev3A_1198 : vector<16xi32>
          %rev3A_1200 = tpu.dynamic_gather %masked_sort3A_1190[%rev3A_1199] in [0] : vector<16xi32>, vector<16xi32> -> vector<16xi32>
          %le3A_1201 = arith.cmpf ole, %masked_sort3A_1181, %rev3A_1195 : vector<16xf32>
          %select_n3A_1202 = arith.select %le3A_1201, %masked_sort3A_1181, %rev3A_1195 : vector<16xi1>, vector<16xf32>
          %select_n3A_1203 = arith.select %le3A_1201, %masked_sort3A_1182, %rev3A_1200 : vector<16xi1>, vector<16xi32>
          %masked_sort3A_1204 = arith.constant dense<true> : vector<16xi1>
          %masked_sort3A_1205, %masked_sort3A_1206, %masked_sort3A_1207 = tpu.sort %select_n3A_1202, %select_n3A_1203 masked %masked_sort3A_1204 : (vector<16xf32>, vector<16xi32>, vector<16xi1>) -> (vector<16xi1>, vector<16xf32>, vector<16xi32>)
          %add3A_1208 = arith.constant 96 : i32
          %add3A_1209 = arith.addi %add3A_931, %add3A_1208 : i32
          %add3A_1210 = vector.broadcast %add3A_1209 : i32 to vector<16xi32>
          %add3A_1211 = arith.addi %add3A_1210, %iota3A_96 : vector<16xi32>
          %masked_sort3A_1212 = arith.constant dense<true> : vector<16xi1>
          %masked_sort3A_1213, %masked_sort3A_1214, %masked_sort3A_1215 = tpu.sort %add3A_1033, %add3A_1211 masked %masked_sort3A_1212 : (vector<16xf32>, vector<16xi32>, vector<16xi1>) -> (vector<16xi1>, vector<16xf32>, vector<16xi32>)
          %rev3A_1216 = arith.constant 15 : i32
          %rev3A_1217 = vector.broadcast %rev3A_1216 : i32 to vector<16xi32>
          %rev3A_1218 = tpu.iota {dimensions = array<i32: 0>} : vector<16xi32>
          %rev3A_1219 = arith.subi %rev3A_1217, %rev3A_1218 : vector<16xi32>
          %rev3A_1220 = tpu.dynamic_gather %masked_sort3A_1214[%rev3A_1219] in [0] : vector<16xf32>, vector<16xi32> -> vector<16xf32>
          %rev3A_1221 = arith.constant 15 : i32
          %rev3A_1222 = vector.broadcast %rev3A_1221 : i32 to vector<16xi32>
          %rev3A_1223 = tpu.iota {dimensions = array<i32: 0>} : vector<16xi32>
          %rev3A_1224 = arith.subi %rev3A_1222, %rev3A_1223 : vector<16xi32>
          %rev3A_1225 = tpu.dynamic_gather %masked_sort3A_1215[%rev3A_1224] in [0] : vector<16xi32>, vector<16xi32> -> vector<16xi32>
          %le3A_1226 = arith.cmpf ole, %masked_sort3A_1206, %rev3A_1220 : vector<16xf32>
          %select_n3A_1227 = arith.select %le3A_1226, %masked_sort3A_1206, %rev3A_1220 : vector<16xi1>, vector<16xf32>
          %select_n3A_1228 = arith.select %le3A_1226, %masked_sort3A_1207, %rev3A_1225 : vector<16xi1>, vector<16xi32>
          %masked_sort3A_1229 = arith.constant dense<true> : vector<16xi1>
          %masked_sort3A_1230, %masked_sort3A_1231, %masked_sort3A_1232 = tpu.sort %select_n3A_1227, %select_n3A_1228 masked %masked_sort3A_1229 : (vector<16xf32>, vector<16xi32>, vector<16xi1>) -> (vector<16xi1>, vector<16xf32>, vector<16xi32>)
          %add3A_1233 = arith.constant 112 : i32
          %add3A_1234 = arith.addi %add3A_931, %add3A_1233 : i32
          %add3A_1235 = vector.broadcast %add3A_1234 : i32 to vector<16xi32>
          %add3A_1236 = arith.addi %add3A_1235, %iota3A_96 : vector<16xi32>
          %masked_sort3A_1237 = arith.constant dense<true> : vector<16xi1>
          %masked_sort3A_1238, %masked_sort3A_1239, %masked_sort3A_1240 = tpu.sort %add3A_1048, %add3A_1236 masked %masked_sort3A_1237 : (vector<16xf32>, vector<16xi32>, vector<16xi1>) -> (vector<16xi1>, vector<16xf32>, vector<16xi32>)
          %rev3A_1241 = arith.constant 15 : i32
          %rev3A_1242 = vector.broadcast %rev3A_1241 : i32 to vector<16xi32>
          %rev3A_1243 = tpu.iota {dimensions = array<i32: 0>} : vector<16xi32>
          %rev3A_1244 = arith.subi %rev3A_1242, %rev3A_1243 : vector<16xi32>
          %rev3A_1245 = tpu.dynamic_gather %masked_sort3A_1239[%rev3A_1244] in [0] : vector<16xf32>, vector<16xi32> -> vector<16xf32>
          %rev3A_1246 = arith.constant 15 : i32
          %rev3A_1247 = vector.broadcast %rev3A_1246 : i32 to vector<16xi32>
          %rev3A_1248 = tpu.iota {dimensions = array<i32: 0>} : vector<16xi32>
          %rev3A_1249 = arith.subi %rev3A_1247, %rev3A_1248 : vector<16xi32>
          %rev3A_1250 = tpu.dynamic_gather %masked_sort3A_1240[%rev3A_1249] in [0] : vector<16xi32>, vector<16xi32> -> vector<16xi32>
          %le3A_1251 = arith.cmpf ole, %masked_sort3A_1231, %rev3A_1245 : vector<16xf32>
          %select_n3A_1252 = arith.select %le3A_1251, %masked_sort3A_1231, %rev3A_1245 : vector<16xi1>, vector<16xf32>
          %select_n3A_1253 = arith.select %le3A_1251, %masked_sort3A_1232, %rev3A_1250 : vector<16xi1>, vector<16xi32>
          %masked_sort3A_1254 = arith.constant dense<true> : vector<16xi1>
          %masked_sort3A_1255, %masked_sort3A_1256, %masked_sort3A_1257 = tpu.sort %select_n3A_1252, %select_n3A_1253 masked %masked_sort3A_1254 : (vector<16xf32>, vector<16xi32>, vector<16xi1>) -> (vector<16xi1>, vector<16xf32>, vector<16xi32>)
          %swap3A_1258 = arith.constant 0 : index
          %swap3A_1259 = tpu.vector_load %arg31[%swap3A_1258] {strides = array<i32>} : memref<16xf32, #tpu.memory_space<vmem>>, vector<16xf32>,
          tpu.vector_store %arg31[%swap3A_1258], %masked_sort3A_1256 {strides = array<i32>} : memref<16xf32, #tpu.memory_space<vmem>>, vector<16xf32>,
          %broadcast_in_dim3A_1260 = arith.constant 8 : i32
          %broadcast_in_dim3A_1261 = vector.broadcast %broadcast_in_dim3A_1260 : i32 to vector<16xi32>
          %gather3A_1262 = tpu.vector_load_idx %arg31[%broadcast_in_dim3A_1261] : memref<16xf32, #tpu.memory_space<vmem>>[vector<16xi32>], vector<16xf32>,
          scf.yield %masked_sort3A_1256, %masked_sort3A_1257, %gather3A_1262 : vector<16xf32>, vector<16xi32>, vector<16xf32>
        } else {
          scf.yield %scan3A_925, %scan3A_926, %scan3A_927 : vector<16xf32>, vector<16xi32>, vector<16xf32>
        }
        scf.yield %cond3A_1060#0, %cond3A_1060#1, %cond3A_1060#2 : vector<16xf32>, vector<16xi32>, vector<16xf32>
      }
      %scan3A_108 = arith.constant 128 : i32
      %swap3A = arith.constant 0 : index
      %swap3A_109 = tpu.vector_load %arg21[%swap3A] {strides = array<i32>} : memref<80xi32, #tpu.memory_space<vmem>>, vector<16xi32>,
      tpu.vector_store %arg21[%swap3A], %scan3A_107#1 {strides = array<i32>} : memref<80xi32, #tpu.memory_space<vmem>>, vector<16xi32>,
      %iota3A_110 = tpu.iota {dimensions = array<i32: 0>} : vector<16xi32>
      %broadcast_in_dim3A_111 = arith.constant 3.000000e+38 : f32
      %broadcast_in_dim3A_112 = vector.broadcast %broadcast_in_dim3A_111 : f32 to vector<16xf32>
      %broadcast_in_dim3A_113 = arith.constant 0 : i32
      %broadcast_in_dim3A_114 = vector.broadcast %broadcast_in_dim3A_113 : i32 to vector<16xi32>
      %broadcast_in_dim3A_115 = arith.constant 3.000000e+38 : f32
      %broadcast_in_dim3A_116 = vector.broadcast %broadcast_in_dim3A_115 : f32 to vector<16xf32>
      %scan3A_117 = arith.constant 0 : i32
      %scan3A_118 = arith.constant 32 : i32
      %scan3A_119 = arith.addi %scan3A_117, %scan3A_118 : i32
      %scan3A_120 = arith.constant 1 : i32
      %scan3A_121:3 = scf.for %scan3A_924 = %scan3A_117 to %scan3A_119 step %scan3A_120 iter_args(%scan3A_925 = %broadcast_in_dim3A_112, %scan3A_926 = %broadcast_in_dim3A_114, %scan3A_927 = %broadcast_in_dim3A_116) -> (vector<16xf32>, vector<16xi32>, vector<16xf32>)  : i32 {
        %mul3A_928 = arith.constant 128 : i32
        %mul3A_929 = arith.muli %scan3A_924, %mul3A_928 : i32
        %add3A_930 = arith.constant 16384 : i32
        %add3A_931 = arith.addi %add3A_930, %mul3A_929 : i32
        %add3A_932 = arith.constant 0 : i32
        %add3A_933 = arith.addi %add3A_931, %add3A_932 : i32
        %get3A_934 = arith.index_cast %add3A_933 : i32 to index
        %get3A_935 = tpu.vector_load %arg14[%get3A_934] {strides = array<i32>} : memref<21824xf32, #tpu.memory_space<vmem>>, vector<16xf32>,
        %sub3A_936 = arith.subf %get3A_935, %mul3A_91 : vector<16xf32>
        %add3A_937 = arith.constant 0 : i32
        %add3A_938 = arith.addi %add3A_931, %add3A_937 : i32
        %get3A_939 = arith.index_cast %add3A_938 : i32 to index
        %get3A_940 = tpu.vector_load %arg15[%get3A_939] {strides = array<i32>} : memref<21824xf32, #tpu.memory_space<vmem>>, vector<16xf32>,
        %sub3A_941 = arith.subf %get3A_940, %mul3A_95 : vector<16xf32>
        %mul3A_942 = arith.mulf %sub3A_936, %sub3A_936 : vector<16xf32>
        %mul3A_943 = arith.mulf %sub3A_941, %sub3A_941 : vector<16xf32>
        %add3A_944 = arith.addf %mul3A_942, %mul3A_943 : vector<16xf32>
        %lt3A_945 = arith.cmpf olt, %add3A_944, %scan3A_927 : vector<16xf32>
        %add3A_946 = arith.constant 16 : i32
        %add3A_947 = arith.addi %add3A_931, %add3A_946 : i32
        %get3A_948 = arith.index_cast %add3A_947 : i32 to index
        %get3A_949 = tpu.vector_load %arg14[%get3A_948] {strides = array<i32>} : memref<21824xf32, #tpu.memory_space<vmem>>, vector<16xf32>,
        %sub3A_950 = arith.subf %get3A_949, %mul3A_91 : vector<16xf32>
        %add3A_951 = arith.constant 16 : i32
        %add3A_952 = arith.addi %add3A_931, %add3A_951 : i32
        %get3A_953 = arith.index_cast %add3A_952 : i32 to index
        %get3A_954 = tpu.vector_load %arg15[%get3A_953] {strides = array<i32>} : memref<21824xf32, #tpu.memory_space<vmem>>, vector<16xf32>,
        %sub3A_955 = arith.subf %get3A_954, %mul3A_95 : vector<16xf32>
        %mul3A_956 = arith.mulf %sub3A_950, %sub3A_950 : vector<16xf32>
        %mul3A_957 = arith.mulf %sub3A_955, %sub3A_955 : vector<16xf32>
        %add3A_958 = arith.addf %mul3A_956, %mul3A_957 : vector<16xf32>
        %lt3A_959 = arith.cmpf olt, %add3A_958, %scan3A_927 : vector<16xf32>
        %or3A_960 = arith.ori %lt3A_945, %lt3A_959 : vector<16xi1>
        %add3A_961 = arith.constant 32 : i32
        %add3A_962 = arith.addi %add3A_931, %add3A_961 : i32
        %get3A_963 = arith.index_cast %add3A_962 : i32 to index
        %get3A_964 = tpu.vector_load %arg14[%get3A_963] {strides = array<i32>} : memref<21824xf32, #tpu.memory_space<vmem>>, vector<16xf32>,
        %sub3A_965 = arith.subf %get3A_964, %mul3A_91 : vector<16xf32>
        %add3A_966 = arith.constant 32 : i32
        %add3A_967 = arith.addi %add3A_931, %add3A_966 : i32
        %get3A_968 = arith.index_cast %add3A_967 : i32 to index
        %get3A_969 = tpu.vector_load %arg15[%get3A_968] {strides = array<i32>} : memref<21824xf32, #tpu.memory_space<vmem>>, vector<16xf32>,
        %sub3A_970 = arith.subf %get3A_969, %mul3A_95 : vector<16xf32>
        %mul3A_971 = arith.mulf %sub3A_965, %sub3A_965 : vector<16xf32>
        %mul3A_972 = arith.mulf %sub3A_970, %sub3A_970 : vector<16xf32>
        %add3A_973 = arith.addf %mul3A_971, %mul3A_972 : vector<16xf32>
        %lt3A_974 = arith.cmpf olt, %add3A_973, %scan3A_927 : vector<16xf32>
        %or3A_975 = arith.ori %or3A_960, %lt3A_974 : vector<16xi1>
        %add3A_976 = arith.constant 48 : i32
        %add3A_977 = arith.addi %add3A_931, %add3A_976 : i32
        %get3A_978 = arith.index_cast %add3A_977 : i32 to index
        %get3A_979 = tpu.vector_load %arg14[%get3A_978] {strides = array<i32>} : memref<21824xf32, #tpu.memory_space<vmem>>, vector<16xf32>,
        %sub3A_980 = arith.subf %get3A_979, %mul3A_91 : vector<16xf32>
        %add3A_981 = arith.constant 48 : i32
        %add3A_982 = arith.addi %add3A_931, %add3A_981 : i32
        %get3A_983 = arith.index_cast %add3A_982 : i32 to index
        %get3A_984 = tpu.vector_load %arg15[%get3A_983] {strides = array<i32>} : memref<21824xf32, #tpu.memory_space<vmem>>, vector<16xf32>,
        %sub3A_985 = arith.subf %get3A_984, %mul3A_95 : vector<16xf32>
        %mul3A_986 = arith.mulf %sub3A_980, %sub3A_980 : vector<16xf32>
        %mul3A_987 = arith.mulf %sub3A_985, %sub3A_985 : vector<16xf32>
        %add3A_988 = arith.addf %mul3A_986, %mul3A_987 : vector<16xf32>
        %lt3A_989 = arith.cmpf olt, %add3A_988, %scan3A_927 : vector<16xf32>
        %or3A_990 = arith.ori %or3A_975, %lt3A_989 : vector<16xi1>
        %add3A_991 = arith.constant 64 : i32
        %add3A_992 = arith.addi %add3A_931, %add3A_991 : i32
        %get3A_993 = arith.index_cast %add3A_992 : i32 to index
        %get3A_994 = tpu.vector_load %arg14[%get3A_993] {strides = array<i32>} : memref<21824xf32, #tpu.memory_space<vmem>>, vector<16xf32>,
        %sub3A_995 = arith.subf %get3A_994, %mul3A_91 : vector<16xf32>
        %add3A_996 = arith.constant 64 : i32
        %add3A_997 = arith.addi %add3A_931, %add3A_996 : i32
        %get3A_998 = arith.index_cast %add3A_997 : i32 to index
        %get3A_999 = tpu.vector_load %arg15[%get3A_998] {strides = array<i32>} : memref<21824xf32, #tpu.memory_space<vmem>>, vector<16xf32>,
        %sub3A_1000 = arith.subf %get3A_999, %mul3A_95 : vector<16xf32>
        %mul3A_1001 = arith.mulf %sub3A_995, %sub3A_995 : vector<16xf32>
        %mul3A_1002 = arith.mulf %sub3A_1000, %sub3A_1000 : vector<16xf32>
        %add3A_1003 = arith.addf %mul3A_1001, %mul3A_1002 : vector<16xf32>
        %lt3A_1004 = arith.cmpf olt, %add3A_1003, %scan3A_927 : vector<16xf32>
        %or3A_1005 = arith.ori %or3A_990, %lt3A_1004 : vector<16xi1>
        %add3A_1006 = arith.constant 80 : i32
        %add3A_1007 = arith.addi %add3A_931, %add3A_1006 : i32
        %get3A_1008 = arith.index_cast %add3A_1007 : i32 to index
        %get3A_1009 = tpu.vector_load %arg14[%get3A_1008] {strides = array<i32>} : memref<21824xf32, #tpu.memory_space<vmem>>, vector<16xf32>,
        %sub3A_1010 = arith.subf %get3A_1009, %mul3A_91 : vector<16xf32>
        %add3A_1011 = arith.constant 80 : i32
        %add3A_1012 = arith.addi %add3A_931, %add3A_1011 : i32
        %get3A_1013 = arith.index_cast %add3A_1012 : i32 to index
        %get3A_1014 = tpu.vector_load %arg15[%get3A_1013] {strides = array<i32>} : memref<21824xf32, #tpu.memory_space<vmem>>, vector<16xf32>,
        %sub3A_1015 = arith.subf %get3A_1014, %mul3A_95 : vector<16xf32>
        %mul3A_1016 = arith.mulf %sub3A_1010, %sub3A_1010 : vector<16xf32>
        %mul3A_1017 = arith.mulf %sub3A_1015, %sub3A_1015 : vector<16xf32>
        %add3A_1018 = arith.addf %mul3A_1016, %mul3A_1017 : vector<16xf32>
        %lt3A_1019 = arith.cmpf olt, %add3A_1018, %scan3A_927 : vector<16xf32>
        %or3A_1020 = arith.ori %or3A_1005, %lt3A_1019 : vector<16xi1>
        %add3A_1021 = arith.constant 96 : i32
        %add3A_1022 = arith.addi %add3A_931, %add3A_1021 : i32
        %get3A_1023 = arith.index_cast %add3A_1022 : i32 to index
        %get3A_1024 = tpu.vector_load %arg14[%get3A_1023] {strides = array<i32>} : memref<21824xf32, #tpu.memory_space<vmem>>, vector<16xf32>,
        %sub3A_1025 = arith.subf %get3A_1024, %mul3A_91 : vector<16xf32>
        %add3A_1026 = arith.constant 96 : i32
        %add3A_1027 = arith.addi %add3A_931, %add3A_1026 : i32
        %get3A_1028 = arith.index_cast %add3A_1027 : i32 to index
        %get3A_1029 = tpu.vector_load %arg15[%get3A_1028] {strides = array<i32>} : memref<21824xf32, #tpu.memory_space<vmem>>, vector<16xf32>,
        %sub3A_1030 = arith.subf %get3A_1029, %mul3A_95 : vector<16xf32>
        %mul3A_1031 = arith.mulf %sub3A_1025, %sub3A_1025 : vector<16xf32>
        %mul3A_1032 = arith.mulf %sub3A_1030, %sub3A_1030 : vector<16xf32>
        %add3A_1033 = arith.addf %mul3A_1031, %mul3A_1032 : vector<16xf32>
        %lt3A_1034 = arith.cmpf olt, %add3A_1033, %scan3A_927 : vector<16xf32>
        %or3A_1035 = arith.ori %or3A_1020, %lt3A_1034 : vector<16xi1>
        %add3A_1036 = arith.constant 112 : i32
        %add3A_1037 = arith.addi %add3A_931, %add3A_1036 : i32
        %get3A_1038 = arith.index_cast %add3A_1037 : i32 to index
        %get3A_1039 = tpu.vector_load %arg14[%get3A_1038] {strides = array<i32>} : memref<21824xf32, #tpu.memory_space<vmem>>, vector<16xf32>,
        %sub3A_1040 = arith.subf %get3A_1039, %mul3A_91 : vector<16xf32>
        %add3A_1041 = arith.constant 112 : i32
        %add3A_1042 = arith.addi %add3A_931, %add3A_1041 : i32
        %get3A_1043 = arith.index_cast %add3A_1042 : i32 to index
        %get3A_1044 = tpu.vector_load %arg15[%get3A_1043] {strides = array<i32>} : memref<21824xf32, #tpu.memory_space<vmem>>, vector<16xf32>,
        %sub3A_1045 = arith.subf %get3A_1044, %mul3A_95 : vector<16xf32>
        %mul3A_1046 = arith.mulf %sub3A_1040, %sub3A_1040 : vector<16xf32>
        %mul3A_1047 = arith.mulf %sub3A_1045, %sub3A_1045 : vector<16xf32>
        %add3A_1048 = arith.addf %mul3A_1046, %mul3A_1047 : vector<16xf32>
        %lt3A_1049 = arith.cmpf olt, %add3A_1048, %scan3A_927 : vector<16xf32>
        %or3A_1050 = arith.ori %or3A_1035, %lt3A_1049 : vector<16xi1>
        %all_reduce_population_count3A_1051 = tpu.all_reduce %or3A_1050 {dim = 0 : i64, kind = #tpu.reduction_kind<sum>} : vector<16xi1> -> vector<16xi32>
        %slice3A_1052 = vector.extract_strided_slice %all_reduce_population_count3A_1051 {offsets = [0], sizes = [1], strides = [1]} : vector<16xi32> to vector<1xi32>
        %squeeze3A_1053 = vector.extract %slice3A_1052[0] : i32 from vector<1xi32>
        %gt3A_1054 = arith.constant 0 : i32
        %gt3A_1055 = arith.cmpi sgt, %squeeze3A_1053, %gt3A_1054 : i32
        %convert_element_type3A_1056 = arith.extui %gt3A_1055 : i1 to i32
        %cond3A_1057 = arith.constant 0 : i32
        %cond3A_1058 = arith.constant 0 : i32
        %cond3A_1059 = arith.cmpi ne, %convert_element_type3A_1056, %cond3A_1058 : i32
        %cond3A_1060:3 = scf.if %cond3A_1059 -> (vector<16xf32>, vector<16xi32>, vector<16xf32>) {
          %add3A_1061 = arith.constant 0 : i32
          %add3A_1062 = arith.addi %add3A_931, %add3A_1061 : i32
          %add3A_1063 = vector.broadcast %add3A_1062 : i32 to vector<16xi32>
          %add3A_1064 = arith.addi %add3A_1063, %iota3A_110 : vector<16xi32>
          %masked_sort3A = arith.constant dense<true> : vector<16xi1>
          %masked_sort3A_1065, %masked_sort3A_1066, %masked_sort3A_1067 = tpu.sort %add3A_944, %add3A_1064 masked %masked_sort3A : (vector<16xf32>, vector<16xi32>, vector<16xi1>) -> (vector<16xi1>, vector<16xf32>, vector<16xi32>)
          %rev3A = arith.constant 15 : i32
          %rev3A_1068 = vector.broadcast %rev3A : i32 to vector<16xi32>
          %rev3A_1069 = tpu.iota {dimensions = array<i32: 0>} : vector<16xi32>
          %rev3A_1070 = arith.subi %rev3A_1068, %rev3A_1069 : vector<16xi32>
          %rev3A_1071 = tpu.dynamic_gather %masked_sort3A_1066[%rev3A_1070] in [0] : vector<16xf32>, vector<16xi32> -> vector<16xf32>
          %rev3A_1072 = arith.constant 15 : i32
          %rev3A_1073 = vector.broadcast %rev3A_1072 : i32 to vector<16xi32>
          %rev3A_1074 = tpu.iota {dimensions = array<i32: 0>} : vector<16xi32>
          %rev3A_1075 = arith.subi %rev3A_1073, %rev3A_1074 : vector<16xi32>
          %rev3A_1076 = tpu.dynamic_gather %masked_sort3A_1067[%rev3A_1075] in [0] : vector<16xi32>, vector<16xi32> -> vector<16xi32>
          %le3A = arith.cmpf ole, %scan3A_925, %rev3A_1071 : vector<16xf32>
          %select_n3A_1077 = arith.select %le3A, %scan3A_925, %rev3A_1071 : vector<16xi1>, vector<16xf32>
          %select_n3A_1078 = arith.select %le3A, %scan3A_926, %rev3A_1076 : vector<16xi1>, vector<16xi32>
          %masked_sort3A_1079 = arith.constant dense<true> : vector<16xi1>
          %masked_sort3A_1080, %masked_sort3A_1081, %masked_sort3A_1082 = tpu.sort %select_n3A_1077, %select_n3A_1078 masked %masked_sort3A_1079 : (vector<16xf32>, vector<16xi32>, vector<16xi1>) -> (vector<16xi1>, vector<16xf32>, vector<16xi32>)
          %add3A_1083 = arith.constant 16 : i32
          %add3A_1084 = arith.addi %add3A_931, %add3A_1083 : i32
          %add3A_1085 = vector.broadcast %add3A_1084 : i32 to vector<16xi32>
          %add3A_1086 = arith.addi %add3A_1085, %iota3A_110 : vector<16xi32>
          %masked_sort3A_1087 = arith.constant dense<true> : vector<16xi1>
          %masked_sort3A_1088, %masked_sort3A_1089, %masked_sort3A_1090 = tpu.sort %add3A_958, %add3A_1086 masked %masked_sort3A_1087 : (vector<16xf32>, vector<16xi32>, vector<16xi1>) -> (vector<16xi1>, vector<16xf32>, vector<16xi32>)
          %rev3A_1091 = arith.constant 15 : i32
          %rev3A_1092 = vector.broadcast %rev3A_1091 : i32 to vector<16xi32>
          %rev3A_1093 = tpu.iota {dimensions = array<i32: 0>} : vector<16xi32>
          %rev3A_1094 = arith.subi %rev3A_1092, %rev3A_1093 : vector<16xi32>
          %rev3A_1095 = tpu.dynamic_gather %masked_sort3A_1089[%rev3A_1094] in [0] : vector<16xf32>, vector<16xi32> -> vector<16xf32>
          %rev3A_1096 = arith.constant 15 : i32
          %rev3A_1097 = vector.broadcast %rev3A_1096 : i32 to vector<16xi32>
          %rev3A_1098 = tpu.iota {dimensions = array<i32: 0>} : vector<16xi32>
          %rev3A_1099 = arith.subi %rev3A_1097, %rev3A_1098 : vector<16xi32>
          %rev3A_1100 = tpu.dynamic_gather %masked_sort3A_1090[%rev3A_1099] in [0] : vector<16xi32>, vector<16xi32> -> vector<16xi32>
          %le3A_1101 = arith.cmpf ole, %masked_sort3A_1081, %rev3A_1095 : vector<16xf32>
          %select_n3A_1102 = arith.select %le3A_1101, %masked_sort3A_1081, %rev3A_1095 : vector<16xi1>, vector<16xf32>
          %select_n3A_1103 = arith.select %le3A_1101, %masked_sort3A_1082, %rev3A_1100 : vector<16xi1>, vector<16xi32>
          %masked_sort3A_1104 = arith.constant dense<true> : vector<16xi1>
          %masked_sort3A_1105, %masked_sort3A_1106, %masked_sort3A_1107 = tpu.sort %select_n3A_1102, %select_n3A_1103 masked %masked_sort3A_1104 : (vector<16xf32>, vector<16xi32>, vector<16xi1>) -> (vector<16xi1>, vector<16xf32>, vector<16xi32>)
          %add3A_1108 = arith.constant 32 : i32
          %add3A_1109 = arith.addi %add3A_931, %add3A_1108 : i32
          %add3A_1110 = vector.broadcast %add3A_1109 : i32 to vector<16xi32>
          %add3A_1111 = arith.addi %add3A_1110, %iota3A_110 : vector<16xi32>
          %masked_sort3A_1112 = arith.constant dense<true> : vector<16xi1>
          %masked_sort3A_1113, %masked_sort3A_1114, %masked_sort3A_1115 = tpu.sort %add3A_973, %add3A_1111 masked %masked_sort3A_1112 : (vector<16xf32>, vector<16xi32>, vector<16xi1>) -> (vector<16xi1>, vector<16xf32>, vector<16xi32>)
          %rev3A_1116 = arith.constant 15 : i32
          %rev3A_1117 = vector.broadcast %rev3A_1116 : i32 to vector<16xi32>
          %rev3A_1118 = tpu.iota {dimensions = array<i32: 0>} : vector<16xi32>
          %rev3A_1119 = arith.subi %rev3A_1117, %rev3A_1118 : vector<16xi32>
          %rev3A_1120 = tpu.dynamic_gather %masked_sort3A_1114[%rev3A_1119] in [0] : vector<16xf32>, vector<16xi32> -> vector<16xf32>
          %rev3A_1121 = arith.constant 15 : i32
          %rev3A_1122 = vector.broadcast %rev3A_1121 : i32 to vector<16xi32>
          %rev3A_1123 = tpu.iota {dimensions = array<i32: 0>} : vector<16xi32>
          %rev3A_1124 = arith.subi %rev3A_1122, %rev3A_1123 : vector<16xi32>
          %rev3A_1125 = tpu.dynamic_gather %masked_sort3A_1115[%rev3A_1124] in [0] : vector<16xi32>, vector<16xi32> -> vector<16xi32>
          %le3A_1126 = arith.cmpf ole, %masked_sort3A_1106, %rev3A_1120 : vector<16xf32>
          %select_n3A_1127 = arith.select %le3A_1126, %masked_sort3A_1106, %rev3A_1120 : vector<16xi1>, vector<16xf32>
          %select_n3A_1128 = arith.select %le3A_1126, %masked_sort3A_1107, %rev3A_1125 : vector<16xi1>, vector<16xi32>
          %masked_sort3A_1129 = arith.constant dense<true> : vector<16xi1>
          %masked_sort3A_1130, %masked_sort3A_1131, %masked_sort3A_1132 = tpu.sort %select_n3A_1127, %select_n3A_1128 masked %masked_sort3A_1129 : (vector<16xf32>, vector<16xi32>, vector<16xi1>) -> (vector<16xi1>, vector<16xf32>, vector<16xi32>)
          %add3A_1133 = arith.constant 48 : i32
          %add3A_1134 = arith.addi %add3A_931, %add3A_1133 : i32
          %add3A_1135 = vector.broadcast %add3A_1134 : i32 to vector<16xi32>
          %add3A_1136 = arith.addi %add3A_1135, %iota3A_110 : vector<16xi32>
          %masked_sort3A_1137 = arith.constant dense<true> : vector<16xi1>
          %masked_sort3A_1138, %masked_sort3A_1139, %masked_sort3A_1140 = tpu.sort %add3A_988, %add3A_1136 masked %masked_sort3A_1137 : (vector<16xf32>, vector<16xi32>, vector<16xi1>) -> (vector<16xi1>, vector<16xf32>, vector<16xi32>)
          %rev3A_1141 = arith.constant 15 : i32
          %rev3A_1142 = vector.broadcast %rev3A_1141 : i32 to vector<16xi32>
          %rev3A_1143 = tpu.iota {dimensions = array<i32: 0>} : vector<16xi32>
          %rev3A_1144 = arith.subi %rev3A_1142, %rev3A_1143 : vector<16xi32>
          %rev3A_1145 = tpu.dynamic_gather %masked_sort3A_1139[%rev3A_1144] in [0] : vector<16xf32>, vector<16xi32> -> vector<16xf32>
          %rev3A_1146 = arith.constant 15 : i32
          %rev3A_1147 = vector.broadcast %rev3A_1146 : i32 to vector<16xi32>
          %rev3A_1148 = tpu.iota {dimensions = array<i32: 0>} : vector<16xi32>
          %rev3A_1149 = arith.subi %rev3A_1147, %rev3A_1148 : vector<16xi32>
          %rev3A_1150 = tpu.dynamic_gather %masked_sort3A_1140[%rev3A_1149] in [0] : vector<16xi32>, vector<16xi32> -> vector<16xi32>
          %le3A_1151 = arith.cmpf ole, %masked_sort3A_1131, %rev3A_1145 : vector<16xf32>
          %select_n3A_1152 = arith.select %le3A_1151, %masked_sort3A_1131, %rev3A_1145 : vector<16xi1>, vector<16xf32>
          %select_n3A_1153 = arith.select %le3A_1151, %masked_sort3A_1132, %rev3A_1150 : vector<16xi1>, vector<16xi32>
          %masked_sort3A_1154 = arith.constant dense<true> : vector<16xi1>
          %masked_sort3A_1155, %masked_sort3A_1156, %masked_sort3A_1157 = tpu.sort %select_n3A_1152, %select_n3A_1153 masked %masked_sort3A_1154 : (vector<16xf32>, vector<16xi32>, vector<16xi1>) -> (vector<16xi1>, vector<16xf32>, vector<16xi32>)
          %add3A_1158 = arith.constant 64 : i32
          %add3A_1159 = arith.addi %add3A_931, %add3A_1158 : i32
          %add3A_1160 = vector.broadcast %add3A_1159 : i32 to vector<16xi32>
          %add3A_1161 = arith.addi %add3A_1160, %iota3A_110 : vector<16xi32>
          %masked_sort3A_1162 = arith.constant dense<true> : vector<16xi1>
          %masked_sort3A_1163, %masked_sort3A_1164, %masked_sort3A_1165 = tpu.sort %add3A_1003, %add3A_1161 masked %masked_sort3A_1162 : (vector<16xf32>, vector<16xi32>, vector<16xi1>) -> (vector<16xi1>, vector<16xf32>, vector<16xi32>)
          %rev3A_1166 = arith.constant 15 : i32
          %rev3A_1167 = vector.broadcast %rev3A_1166 : i32 to vector<16xi32>
          %rev3A_1168 = tpu.iota {dimensions = array<i32: 0>} : vector<16xi32>
          %rev3A_1169 = arith.subi %rev3A_1167, %rev3A_1168 : vector<16xi32>
          %rev3A_1170 = tpu.dynamic_gather %masked_sort3A_1164[%rev3A_1169] in [0] : vector<16xf32>, vector<16xi32> -> vector<16xf32>
          %rev3A_1171 = arith.constant 15 : i32
          %rev3A_1172 = vector.broadcast %rev3A_1171 : i32 to vector<16xi32>
          %rev3A_1173 = tpu.iota {dimensions = array<i32: 0>} : vector<16xi32>
          %rev3A_1174 = arith.subi %rev3A_1172, %rev3A_1173 : vector<16xi32>
          %rev3A_1175 = tpu.dynamic_gather %masked_sort3A_1165[%rev3A_1174] in [0] : vector<16xi32>, vector<16xi32> -> vector<16xi32>
          %le3A_1176 = arith.cmpf ole, %masked_sort3A_1156, %rev3A_1170 : vector<16xf32>
          %select_n3A_1177 = arith.select %le3A_1176, %masked_sort3A_1156, %rev3A_1170 : vector<16xi1>, vector<16xf32>
          %select_n3A_1178 = arith.select %le3A_1176, %masked_sort3A_1157, %rev3A_1175 : vector<16xi1>, vector<16xi32>
          %masked_sort3A_1179 = arith.constant dense<true> : vector<16xi1>
          %masked_sort3A_1180, %masked_sort3A_1181, %masked_sort3A_1182 = tpu.sort %select_n3A_1177, %select_n3A_1178 masked %masked_sort3A_1179 : (vector<16xf32>, vector<16xi32>, vector<16xi1>) -> (vector<16xi1>, vector<16xf32>, vector<16xi32>)
          %add3A_1183 = arith.constant 80 : i32
          %add3A_1184 = arith.addi %add3A_931, %add3A_1183 : i32
          %add3A_1185 = vector.broadcast %add3A_1184 : i32 to vector<16xi32>
          %add3A_1186 = arith.addi %add3A_1185, %iota3A_110 : vector<16xi32>
          %masked_sort3A_1187 = arith.constant dense<true> : vector<16xi1>
          %masked_sort3A_1188, %masked_sort3A_1189, %masked_sort3A_1190 = tpu.sort %add3A_1018, %add3A_1186 masked %masked_sort3A_1187 : (vector<16xf32>, vector<16xi32>, vector<16xi1>) -> (vector<16xi1>, vector<16xf32>, vector<16xi32>)
          %rev3A_1191 = arith.constant 15 : i32
          %rev3A_1192 = vector.broadcast %rev3A_1191 : i32 to vector<16xi32>
          %rev3A_1193 = tpu.iota {dimensions = array<i32: 0>} : vector<16xi32>
          %rev3A_1194 = arith.subi %rev3A_1192, %rev3A_1193 : vector<16xi32>
          %rev3A_1195 = tpu.dynamic_gather %masked_sort3A_1189[%rev3A_1194] in [0] : vector<16xf32>, vector<16xi32> -> vector<16xf32>
          %rev3A_1196 = arith.constant 15 : i32
          %rev3A_1197 = vector.broadcast %rev3A_1196 : i32 to vector<16xi32>
          %rev3A_1198 = tpu.iota {dimensions = array<i32: 0>} : vector<16xi32>
          %rev3A_1199 = arith.subi %rev3A_1197, %rev3A_1198 : vector<16xi32>
          %rev3A_1200 = tpu.dynamic_gather %masked_sort3A_1190[%rev3A_1199] in [0] : vector<16xi32>, vector<16xi32> -> vector<16xi32>
          %le3A_1201 = arith.cmpf ole, %masked_sort3A_1181, %rev3A_1195 : vector<16xf32>
          %select_n3A_1202 = arith.select %le3A_1201, %masked_sort3A_1181, %rev3A_1195 : vector<16xi1>, vector<16xf32>
          %select_n3A_1203 = arith.select %le3A_1201, %masked_sort3A_1182, %rev3A_1200 : vector<16xi1>, vector<16xi32>
          %masked_sort3A_1204 = arith.constant dense<true> : vector<16xi1>
          %masked_sort3A_1205, %masked_sort3A_1206, %masked_sort3A_1207 = tpu.sort %select_n3A_1202, %select_n3A_1203 masked %masked_sort3A_1204 : (vector<16xf32>, vector<16xi32>, vector<16xi1>) -> (vector<16xi1>, vector<16xf32>, vector<16xi32>)
          %add3A_1208 = arith.constant 96 : i32
          %add3A_1209 = arith.addi %add3A_931, %add3A_1208 : i32
          %add3A_1210 = vector.broadcast %add3A_1209 : i32 to vector<16xi32>
          %add3A_1211 = arith.addi %add3A_1210, %iota3A_110 : vector<16xi32>
          %masked_sort3A_1212 = arith.constant dense<true> : vector<16xi1>
          %masked_sort3A_1213, %masked_sort3A_1214, %masked_sort3A_1215 = tpu.sort %add3A_1033, %add3A_1211 masked %masked_sort3A_1212 : (vector<16xf32>, vector<16xi32>, vector<16xi1>) -> (vector<16xi1>, vector<16xf32>, vector<16xi32>)
          %rev3A_1216 = arith.constant 15 : i32
          %rev3A_1217 = vector.broadcast %rev3A_1216 : i32 to vector<16xi32>
          %rev3A_1218 = tpu.iota {dimensions = array<i32: 0>} : vector<16xi32>
          %rev3A_1219 = arith.subi %rev3A_1217, %rev3A_1218 : vector<16xi32>
          %rev3A_1220 = tpu.dynamic_gather %masked_sort3A_1214[%rev3A_1219] in [0] : vector<16xf32>, vector<16xi32> -> vector<16xf32>
          %rev3A_1221 = arith.constant 15 : i32
          %rev3A_1222 = vector.broadcast %rev3A_1221 : i32 to vector<16xi32>
          %rev3A_1223 = tpu.iota {dimensions = array<i32: 0>} : vector<16xi32>
          %rev3A_1224 = arith.subi %rev3A_1222, %rev3A_1223 : vector<16xi32>
          %rev3A_1225 = tpu.dynamic_gather %masked_sort3A_1215[%rev3A_1224] in [0] : vector<16xi32>, vector<16xi32> -> vector<16xi32>
          %le3A_1226 = arith.cmpf ole, %masked_sort3A_1206, %rev3A_1220 : vector<16xf32>
          %select_n3A_1227 = arith.select %le3A_1226, %masked_sort3A_1206, %rev3A_1220 : vector<16xi1>, vector<16xf32>
          %select_n3A_1228 = arith.select %le3A_1226, %masked_sort3A_1207, %rev3A_1225 : vector<16xi1>, vector<16xi32>
          %masked_sort3A_1229 = arith.constant dense<true> : vector<16xi1>
          %masked_sort3A_1230, %masked_sort3A_1231, %masked_sort3A_1232 = tpu.sort %select_n3A_1227, %select_n3A_1228 masked %masked_sort3A_1229 : (vector<16xf32>, vector<16xi32>, vector<16xi1>) -> (vector<16xi1>, vector<16xf32>, vector<16xi32>)
          %add3A_1233 = arith.constant 112 : i32
          %add3A_1234 = arith.addi %add3A_931, %add3A_1233 : i32
          %add3A_1235 = vector.broadcast %add3A_1234 : i32 to vector<16xi32>
          %add3A_1236 = arith.addi %add3A_1235, %iota3A_110 : vector<16xi32>
          %masked_sort3A_1237 = arith.constant dense<true> : vector<16xi1>
          %masked_sort3A_1238, %masked_sort3A_1239, %masked_sort3A_1240 = tpu.sort %add3A_1048, %add3A_1236 masked %masked_sort3A_1237 : (vector<16xf32>, vector<16xi32>, vector<16xi1>) -> (vector<16xi1>, vector<16xf32>, vector<16xi32>)
          %rev3A_1241 = arith.constant 15 : i32
          %rev3A_1242 = vector.broadcast %rev3A_1241 : i32 to vector<16xi32>
          %rev3A_1243 = tpu.iota {dimensions = array<i32: 0>} : vector<16xi32>
          %rev3A_1244 = arith.subi %rev3A_1242, %rev3A_1243 : vector<16xi32>
          %rev3A_1245 = tpu.dynamic_gather %masked_sort3A_1239[%rev3A_1244] in [0] : vector<16xf32>, vector<16xi32> -> vector<16xf32>
          %rev3A_1246 = arith.constant 15 : i32
          %rev3A_1247 = vector.broadcast %rev3A_1246 : i32 to vector<16xi32>
          %rev3A_1248 = tpu.iota {dimensions = array<i32: 0>} : vector<16xi32>
          %rev3A_1249 = arith.subi %rev3A_1247, %rev3A_1248 : vector<16xi32>
          %rev3A_1250 = tpu.dynamic_gather %masked_sort3A_1240[%rev3A_1249] in [0] : vector<16xi32>, vector<16xi32> -> vector<16xi32>
          %le3A_1251 = arith.cmpf ole, %masked_sort3A_1231, %rev3A_1245 : vector<16xf32>
          %select_n3A_1252 = arith.select %le3A_1251, %masked_sort3A_1231, %rev3A_1245 : vector<16xi1>, vector<16xf32>
          %select_n3A_1253 = arith.select %le3A_1251, %masked_sort3A_1232, %rev3A_1250 : vector<16xi1>, vector<16xi32>
          %masked_sort3A_1254 = arith.constant dense<true> : vector<16xi1>
          %masked_sort3A_1255, %masked_sort3A_1256, %masked_sort3A_1257 = tpu.sort %select_n3A_1252, %select_n3A_1253 masked %masked_sort3A_1254 : (vector<16xf32>, vector<16xi32>, vector<16xi1>) -> (vector<16xi1>, vector<16xf32>, vector<16xi32>)
          %swap3A_1258 = arith.constant 0 : index
          %swap3A_1259 = tpu.vector_load %arg31[%swap3A_1258] {strides = array<i32>} : memref<16xf32, #tpu.memory_space<vmem>>, vector<16xf32>,
          tpu.vector_store %arg31[%swap3A_1258], %masked_sort3A_1256 {strides = array<i32>} : memref<16xf32, #tpu.memory_space<vmem>>, vector<16xf32>,
          %broadcast_in_dim3A_1260 = arith.constant 8 : i32
          %broadcast_in_dim3A_1261 = vector.broadcast %broadcast_in_dim3A_1260 : i32 to vector<16xi32>
          %gather3A_1262 = tpu.vector_load_idx %arg31[%broadcast_in_dim3A_1261] : memref<16xf32, #tpu.memory_space<vmem>>[vector<16xi32>], vector<16xf32>,
          scf.yield %masked_sort3A_1256, %masked_sort3A_1257, %gather3A_1262 : vector<16xf32>, vector<16xi32>, vector<16xf32>
        } else {
          scf.yield %scan3A_925, %scan3A_926, %scan3A_927 : vector<16xf32>, vector<16xi32>, vector<16xf32>
        }
        scf.yield %cond3A_1060#0, %cond3A_1060#1, %cond3A_1060#2 : vector<16xf32>, vector<16xi32>, vector<16xf32>
      }
      %scan3A_122 = arith.constant 32 : i32
      %swap3A_123 = arith.constant 16 : index
      %swap3A_124 = tpu.vector_load %arg21[%swap3A_123] {strides = array<i32>} : memref<80xi32, #tpu.memory_space<vmem>>, vector<16xi32>,
      tpu.vector_store %arg21[%swap3A_123], %scan3A_121#1 {strides = array<i32>} : memref<80xi32, #tpu.memory_space<vmem>>, vector<16xi32>,
      %iota3A_125 = tpu.iota {dimensions = array<i32: 0>} : vector<16xi32>
      %broadcast_in_dim3A_126 = arith.constant 3.000000e+38 : f32
      %broadcast_in_dim3A_127 = vector.broadcast %broadcast_in_dim3A_126 : f32 to vector<16xf32>
      %broadcast_in_dim3A_128 = arith.constant 0 : i32
      %broadcast_in_dim3A_129 = vector.broadcast %broadcast_in_dim3A_128 : i32 to vector<16xi32>
      %broadcast_in_dim3A_130 = arith.constant 3.000000e+38 : f32
      %broadcast_in_dim3A_131 = vector.broadcast %broadcast_in_dim3A_130 : f32 to vector<16xf32>
      %scan3A_132 = arith.constant 0 : i32
      %scan3A_133 = arith.constant 8 : i32
      %scan3A_134 = arith.addi %scan3A_132, %scan3A_133 : i32
      %scan3A_135 = arith.constant 1 : i32
      %scan3A_136:3 = scf.for %scan3A_924 = %scan3A_132 to %scan3A_134 step %scan3A_135 iter_args(%scan3A_925 = %broadcast_in_dim3A_127, %scan3A_926 = %broadcast_in_dim3A_129, %scan3A_927 = %broadcast_in_dim3A_131) -> (vector<16xf32>, vector<16xi32>, vector<16xf32>)  : i32 {
        %mul3A_928 = arith.constant 128 : i32
        %mul3A_929 = arith.muli %scan3A_924, %mul3A_928 : i32
        %add3A_930 = arith.constant 20480 : i32
        %add3A_931 = arith.addi %add3A_930, %mul3A_929 : i32
        %add3A_932 = arith.constant 0 : i32
        %add3A_933 = arith.addi %add3A_931, %add3A_932 : i32
        %get3A_934 = arith.index_cast %add3A_933 : i32 to index
        %get3A_935 = tpu.vector_load %arg14[%get3A_934] {strides = array<i32>} : memref<21824xf32, #tpu.memory_space<vmem>>, vector<16xf32>,
        %sub3A_936 = arith.subf %get3A_935, %mul3A_91 : vector<16xf32>
        %add3A_937 = arith.constant 0 : i32
        %add3A_938 = arith.addi %add3A_931, %add3A_937 : i32
        %get3A_939 = arith.index_cast %add3A_938 : i32 to index
        %get3A_940 = tpu.vector_load %arg15[%get3A_939] {strides = array<i32>} : memref<21824xf32, #tpu.memory_space<vmem>>, vector<16xf32>,
        %sub3A_941 = arith.subf %get3A_940, %mul3A_95 : vector<16xf32>
        %mul3A_942 = arith.mulf %sub3A_936, %sub3A_936 : vector<16xf32>
        %mul3A_943 = arith.mulf %sub3A_941, %sub3A_941 : vector<16xf32>
        %add3A_944 = arith.addf %mul3A_942, %mul3A_943 : vector<16xf32>
        %lt3A_945 = arith.cmpf olt, %add3A_944, %scan3A_927 : vector<16xf32>
        %add3A_946 = arith.constant 16 : i32
        %add3A_947 = arith.addi %add3A_931, %add3A_946 : i32
        %get3A_948 = arith.index_cast %add3A_947 : i32 to index
        %get3A_949 = tpu.vector_load %arg14[%get3A_948] {strides = array<i32>} : memref<21824xf32, #tpu.memory_space<vmem>>, vector<16xf32>,
        %sub3A_950 = arith.subf %get3A_949, %mul3A_91 : vector<16xf32>
        %add3A_951 = arith.constant 16 : i32
        %add3A_952 = arith.addi %add3A_931, %add3A_951 : i32
        %get3A_953 = arith.index_cast %add3A_952 : i32 to index
        %get3A_954 = tpu.vector_load %arg15[%get3A_953] {strides = array<i32>} : memref<21824xf32, #tpu.memory_space<vmem>>, vector<16xf32>,
        %sub3A_955 = arith.subf %get3A_954, %mul3A_95 : vector<16xf32>
        %mul3A_956 = arith.mulf %sub3A_950, %sub3A_950 : vector<16xf32>
        %mul3A_957 = arith.mulf %sub3A_955, %sub3A_955 : vector<16xf32>
        %add3A_958 = arith.addf %mul3A_956, %mul3A_957 : vector<16xf32>
        %lt3A_959 = arith.cmpf olt, %add3A_958, %scan3A_927 : vector<16xf32>
        %or3A_960 = arith.ori %lt3A_945, %lt3A_959 : vector<16xi1>
        %add3A_961 = arith.constant 32 : i32
        %add3A_962 = arith.addi %add3A_931, %add3A_961 : i32
        %get3A_963 = arith.index_cast %add3A_962 : i32 to index
        %get3A_964 = tpu.vector_load %arg14[%get3A_963] {strides = array<i32>} : memref<21824xf32, #tpu.memory_space<vmem>>, vector<16xf32>,
        %sub3A_965 = arith.subf %get3A_964, %mul3A_91 : vector<16xf32>
        %add3A_966 = arith.constant 32 : i32
        %add3A_967 = arith.addi %add3A_931, %add3A_966 : i32
        %get3A_968 = arith.index_cast %add3A_967 : i32 to index
        %get3A_969 = tpu.vector_load %arg15[%get3A_968] {strides = array<i32>} : memref<21824xf32, #tpu.memory_space<vmem>>, vector<16xf32>,
        %sub3A_970 = arith.subf %get3A_969, %mul3A_95 : vector<16xf32>
        %mul3A_971 = arith.mulf %sub3A_965, %sub3A_965 : vector<16xf32>
        %mul3A_972 = arith.mulf %sub3A_970, %sub3A_970 : vector<16xf32>
        %add3A_973 = arith.addf %mul3A_971, %mul3A_972 : vector<16xf32>
        %lt3A_974 = arith.cmpf olt, %add3A_973, %scan3A_927 : vector<16xf32>
        %or3A_975 = arith.ori %or3A_960, %lt3A_974 : vector<16xi1>
        %add3A_976 = arith.constant 48 : i32
        %add3A_977 = arith.addi %add3A_931, %add3A_976 : i32
        %get3A_978 = arith.index_cast %add3A_977 : i32 to index
        %get3A_979 = tpu.vector_load %arg14[%get3A_978] {strides = array<i32>} : memref<21824xf32, #tpu.memory_space<vmem>>, vector<16xf32>,
        %sub3A_980 = arith.subf %get3A_979, %mul3A_91 : vector<16xf32>
        %add3A_981 = arith.constant 48 : i32
        %add3A_982 = arith.addi %add3A_931, %add3A_981 : i32
        %get3A_983 = arith.index_cast %add3A_982 : i32 to index
        %get3A_984 = tpu.vector_load %arg15[%get3A_983] {strides = array<i32>} : memref<21824xf32, #tpu.memory_space<vmem>>, vector<16xf32>,
        %sub3A_985 = arith.subf %get3A_984, %mul3A_95 : vector<16xf32>
        %mul3A_986 = arith.mulf %sub3A_980, %sub3A_980 : vector<16xf32>
        %mul3A_987 = arith.mulf %sub3A_985, %sub3A_985 : vector<16xf32>
        %add3A_988 = arith.addf %mul3A_986, %mul3A_987 : vector<16xf32>
        %lt3A_989 = arith.cmpf olt, %add3A_988, %scan3A_927 : vector<16xf32>
        %or3A_990 = arith.ori %or3A_975, %lt3A_989 : vector<16xi1>
        %add3A_991 = arith.constant 64 : i32
        %add3A_992 = arith.addi %add3A_931, %add3A_991 : i32
        %get3A_993 = arith.index_cast %add3A_992 : i32 to index
        %get3A_994 = tpu.vector_load %arg14[%get3A_993] {strides = array<i32>} : memref<21824xf32, #tpu.memory_space<vmem>>, vector<16xf32>,
        %sub3A_995 = arith.subf %get3A_994, %mul3A_91 : vector<16xf32>
        %add3A_996 = arith.constant 64 : i32
        %add3A_997 = arith.addi %add3A_931, %add3A_996 : i32
        %get3A_998 = arith.index_cast %add3A_997 : i32 to index
        %get3A_999 = tpu.vector_load %arg15[%get3A_998] {strides = array<i32>} : memref<21824xf32, #tpu.memory_space<vmem>>, vector<16xf32>,
        %sub3A_1000 = arith.subf %get3A_999, %mul3A_95 : vector<16xf32>
        %mul3A_1001 = arith.mulf %sub3A_995, %sub3A_995 : vector<16xf32>
        %mul3A_1002 = arith.mulf %sub3A_1000, %sub3A_1000 : vector<16xf32>
        %add3A_1003 = arith.addf %mul3A_1001, %mul3A_1002 : vector<16xf32>
        %lt3A_1004 = arith.cmpf olt, %add3A_1003, %scan3A_927 : vector<16xf32>
        %or3A_1005 = arith.ori %or3A_990, %lt3A_1004 : vector<16xi1>
        %add3A_1006 = arith.constant 80 : i32
        %add3A_1007 = arith.addi %add3A_931, %add3A_1006 : i32
        %get3A_1008 = arith.index_cast %add3A_1007 : i32 to index
        %get3A_1009 = tpu.vector_load %arg14[%get3A_1008] {strides = array<i32>} : memref<21824xf32, #tpu.memory_space<vmem>>, vector<16xf32>,
        %sub3A_1010 = arith.subf %get3A_1009, %mul3A_91 : vector<16xf32>
        %add3A_1011 = arith.constant 80 : i32
        %add3A_1012 = arith.addi %add3A_931, %add3A_1011 : i32
        %get3A_1013 = arith.index_cast %add3A_1012 : i32 to index
        %get3A_1014 = tpu.vector_load %arg15[%get3A_1013] {strides = array<i32>} : memref<21824xf32, #tpu.memory_space<vmem>>, vector<16xf32>,
        %sub3A_1015 = arith.subf %get3A_1014, %mul3A_95 : vector<16xf32>
        %mul3A_1016 = arith.mulf %sub3A_1010, %sub3A_1010 : vector<16xf32>
        %mul3A_1017 = arith.mulf %sub3A_1015, %sub3A_1015 : vector<16xf32>
        %add3A_1018 = arith.addf %mul3A_1016, %mul3A_1017 : vector<16xf32>
        %lt3A_1019 = arith.cmpf olt, %add3A_1018, %scan3A_927 : vector<16xf32>
        %or3A_1020 = arith.ori %or3A_1005, %lt3A_1019 : vector<16xi1>
        %add3A_1021 = arith.constant 96 : i32
        %add3A_1022 = arith.addi %add3A_931, %add3A_1021 : i32
        %get3A_1023 = arith.index_cast %add3A_1022 : i32 to index
        %get3A_1024 = tpu.vector_load %arg14[%get3A_1023] {strides = array<i32>} : memref<21824xf32, #tpu.memory_space<vmem>>, vector<16xf32>,
        %sub3A_1025 = arith.subf %get3A_1024, %mul3A_91 : vector<16xf32>
        %add3A_1026 = arith.constant 96 : i32
        %add3A_1027 = arith.addi %add3A_931, %add3A_1026 : i32
        %get3A_1028 = arith.index_cast %add3A_1027 : i32 to index
        %get3A_1029 = tpu.vector_load %arg15[%get3A_1028] {strides = array<i32>} : memref<21824xf32, #tpu.memory_space<vmem>>, vector<16xf32>,
        %sub3A_1030 = arith.subf %get3A_1029, %mul3A_95 : vector<16xf32>
        %mul3A_1031 = arith.mulf %sub3A_1025, %sub3A_1025 : vector<16xf32>
        %mul3A_1032 = arith.mulf %sub3A_1030, %sub3A_1030 : vector<16xf32>
        %add3A_1033 = arith.addf %mul3A_1031, %mul3A_1032 : vector<16xf32>
        %lt3A_1034 = arith.cmpf olt, %add3A_1033, %scan3A_927 : vector<16xf32>
        %or3A_1035 = arith.ori %or3A_1020, %lt3A_1034 : vector<16xi1>
        %add3A_1036 = arith.constant 112 : i32
        %add3A_1037 = arith.addi %add3A_931, %add3A_1036 : i32
        %get3A_1038 = arith.index_cast %add3A_1037 : i32 to index
        %get3A_1039 = tpu.vector_load %arg14[%get3A_1038] {strides = array<i32>} : memref<21824xf32, #tpu.memory_space<vmem>>, vector<16xf32>,
        %sub3A_1040 = arith.subf %get3A_1039, %mul3A_91 : vector<16xf32>
        %add3A_1041 = arith.constant 112 : i32
        %add3A_1042 = arith.addi %add3A_931, %add3A_1041 : i32
        %get3A_1043 = arith.index_cast %add3A_1042 : i32 to index
        %get3A_1044 = tpu.vector_load %arg15[%get3A_1043] {strides = array<i32>} : memref<21824xf32, #tpu.memory_space<vmem>>, vector<16xf32>,
        %sub3A_1045 = arith.subf %get3A_1044, %mul3A_95 : vector<16xf32>
        %mul3A_1046 = arith.mulf %sub3A_1040, %sub3A_1040 : vector<16xf32>
        %mul3A_1047 = arith.mulf %sub3A_1045, %sub3A_1045 : vector<16xf32>
        %add3A_1048 = arith.addf %mul3A_1046, %mul3A_1047 : vector<16xf32>
        %lt3A_1049 = arith.cmpf olt, %add3A_1048, %scan3A_927 : vector<16xf32>
        %or3A_1050 = arith.ori %or3A_1035, %lt3A_1049 : vector<16xi1>
        %all_reduce_population_count3A_1051 = tpu.all_reduce %or3A_1050 {dim = 0 : i64, kind = #tpu.reduction_kind<sum>} : vector<16xi1> -> vector<16xi32>
        %slice3A_1052 = vector.extract_strided_slice %all_reduce_population_count3A_1051 {offsets = [0], sizes = [1], strides = [1]} : vector<16xi32> to vector<1xi32>
        %squeeze3A_1053 = vector.extract %slice3A_1052[0] : i32 from vector<1xi32>
        %gt3A_1054 = arith.constant 0 : i32
        %gt3A_1055 = arith.cmpi sgt, %squeeze3A_1053, %gt3A_1054 : i32
        %convert_element_type3A_1056 = arith.extui %gt3A_1055 : i1 to i32
        %cond3A_1057 = arith.constant 0 : i32
        %cond3A_1058 = arith.constant 0 : i32
        %cond3A_1059 = arith.cmpi ne, %convert_element_type3A_1056, %cond3A_1058 : i32
        %cond3A_1060:3 = scf.if %cond3A_1059 -> (vector<16xf32>, vector<16xi32>, vector<16xf32>) {
          %add3A_1061 = arith.constant 0 : i32
          %add3A_1062 = arith.addi %add3A_931, %add3A_1061 : i32
          %add3A_1063 = vector.broadcast %add3A_1062 : i32 to vector<16xi32>
          %add3A_1064 = arith.addi %add3A_1063, %iota3A_125 : vector<16xi32>
          %masked_sort3A = arith.constant dense<true> : vector<16xi1>
          %masked_sort3A_1065, %masked_sort3A_1066, %masked_sort3A_1067 = tpu.sort %add3A_944, %add3A_1064 masked %masked_sort3A : (vector<16xf32>, vector<16xi32>, vector<16xi1>) -> (vector<16xi1>, vector<16xf32>, vector<16xi32>)
          %rev3A = arith.constant 15 : i32
          %rev3A_1068 = vector.broadcast %rev3A : i32 to vector<16xi32>
          %rev3A_1069 = tpu.iota {dimensions = array<i32: 0>} : vector<16xi32>
          %rev3A_1070 = arith.subi %rev3A_1068, %rev3A_1069 : vector<16xi32>
          %rev3A_1071 = tpu.dynamic_gather %masked_sort3A_1066[%rev3A_1070] in [0] : vector<16xf32>, vector<16xi32> -> vector<16xf32>
          %rev3A_1072 = arith.constant 15 : i32
          %rev3A_1073 = vector.broadcast %rev3A_1072 : i32 to vector<16xi32>
          %rev3A_1074 = tpu.iota {dimensions = array<i32: 0>} : vector<16xi32>
          %rev3A_1075 = arith.subi %rev3A_1073, %rev3A_1074 : vector<16xi32>
          %rev3A_1076 = tpu.dynamic_gather %masked_sort3A_1067[%rev3A_1075] in [0] : vector<16xi32>, vector<16xi32> -> vector<16xi32>
          %le3A = arith.cmpf ole, %scan3A_925, %rev3A_1071 : vector<16xf32>
          %select_n3A_1077 = arith.select %le3A, %scan3A_925, %rev3A_1071 : vector<16xi1>, vector<16xf32>
          %select_n3A_1078 = arith.select %le3A, %scan3A_926, %rev3A_1076 : vector<16xi1>, vector<16xi32>
          %masked_sort3A_1079 = arith.constant dense<true> : vector<16xi1>
          %masked_sort3A_1080, %masked_sort3A_1081, %masked_sort3A_1082 = tpu.sort %select_n3A_1077, %select_n3A_1078 masked %masked_sort3A_1079 : (vector<16xf32>, vector<16xi32>, vector<16xi1>) -> (vector<16xi1>, vector<16xf32>, vector<16xi32>)
          %add3A_1083 = arith.constant 16 : i32
          %add3A_1084 = arith.addi %add3A_931, %add3A_1083 : i32
          %add3A_1085 = vector.broadcast %add3A_1084 : i32 to vector<16xi32>
          %add3A_1086 = arith.addi %add3A_1085, %iota3A_125 : vector<16xi32>
          %masked_sort3A_1087 = arith.constant dense<true> : vector<16xi1>
          %masked_sort3A_1088, %masked_sort3A_1089, %masked_sort3A_1090 = tpu.sort %add3A_958, %add3A_1086 masked %masked_sort3A_1087 : (vector<16xf32>, vector<16xi32>, vector<16xi1>) -> (vector<16xi1>, vector<16xf32>, vector<16xi32>)
          %rev3A_1091 = arith.constant 15 : i32
          %rev3A_1092 = vector.broadcast %rev3A_1091 : i32 to vector<16xi32>
          %rev3A_1093 = tpu.iota {dimensions = array<i32: 0>} : vector<16xi32>
          %rev3A_1094 = arith.subi %rev3A_1092, %rev3A_1093 : vector<16xi32>
          %rev3A_1095 = tpu.dynamic_gather %masked_sort3A_1089[%rev3A_1094] in [0] : vector<16xf32>, vector<16xi32> -> vector<16xf32>
          %rev3A_1096 = arith.constant 15 : i32
          %rev3A_1097 = vector.broadcast %rev3A_1096 : i32 to vector<16xi32>
          %rev3A_1098 = tpu.iota {dimensions = array<i32: 0>} : vector<16xi32>
          %rev3A_1099 = arith.subi %rev3A_1097, %rev3A_1098 : vector<16xi32>
          %rev3A_1100 = tpu.dynamic_gather %masked_sort3A_1090[%rev3A_1099] in [0] : vector<16xi32>, vector<16xi32> -> vector<16xi32>
          %le3A_1101 = arith.cmpf ole, %masked_sort3A_1081, %rev3A_1095 : vector<16xf32>
          %select_n3A_1102 = arith.select %le3A_1101, %masked_sort3A_1081, %rev3A_1095 : vector<16xi1>, vector<16xf32>
          %select_n3A_1103 = arith.select %le3A_1101, %masked_sort3A_1082, %rev3A_1100 : vector<16xi1>, vector<16xi32>
          %masked_sort3A_1104 = arith.constant dense<true> : vector<16xi1>
          %masked_sort3A_1105, %masked_sort3A_1106, %masked_sort3A_1107 = tpu.sort %select_n3A_1102, %select_n3A_1103 masked %masked_sort3A_1104 : (vector<16xf32>, vector<16xi32>, vector<16xi1>) -> (vector<16xi1>, vector<16xf32>, vector<16xi32>)
          %add3A_1108 = arith.constant 32 : i32
          %add3A_1109 = arith.addi %add3A_931, %add3A_1108 : i32
          %add3A_1110 = vector.broadcast %add3A_1109 : i32 to vector<16xi32>
          %add3A_1111 = arith.addi %add3A_1110, %iota3A_125 : vector<16xi32>
          %masked_sort3A_1112 = arith.constant dense<true> : vector<16xi1>
          %masked_sort3A_1113, %masked_sort3A_1114, %masked_sort3A_1115 = tpu.sort %add3A_973, %add3A_1111 masked %masked_sort3A_1112 : (vector<16xf32>, vector<16xi32>, vector<16xi1>) -> (vector<16xi1>, vector<16xf32>, vector<16xi32>)
          %rev3A_1116 = arith.constant 15 : i32
          %rev3A_1117 = vector.broadcast %rev3A_1116 : i32 to vector<16xi32>
          %rev3A_1118 = tpu.iota {dimensions = array<i32: 0>} : vector<16xi32>
          %rev3A_1119 = arith.subi %rev3A_1117, %rev3A_1118 : vector<16xi32>
          %rev3A_1120 = tpu.dynamic_gather %masked_sort3A_1114[%rev3A_1119] in [0] : vector<16xf32>, vector<16xi32> -> vector<16xf32>
          %rev3A_1121 = arith.constant 15 : i32
          %rev3A_1122 = vector.broadcast %rev3A_1121 : i32 to vector<16xi32>
          %rev3A_1123 = tpu.iota {dimensions = array<i32: 0>} : vector<16xi32>
          %rev3A_1124 = arith.subi %rev3A_1122, %rev3A_1123 : vector<16xi32>
          %rev3A_1125 = tpu.dynamic_gather %masked_sort3A_1115[%rev3A_1124] in [0] : vector<16xi32>, vector<16xi32> -> vector<16xi32>
          %le3A_1126 = arith.cmpf ole, %masked_sort3A_1106, %rev3A_1120 : vector<16xf32>
          %select_n3A_1127 = arith.select %le3A_1126, %masked_sort3A_1106, %rev3A_1120 : vector<16xi1>, vector<16xf32>
          %select_n3A_1128 = arith.select %le3A_1126, %masked_sort3A_1107, %rev3A_1125 : vector<16xi1>, vector<16xi32>
          %masked_sort3A_1129 = arith.constant dense<true> : vector<16xi1>
          %masked_sort3A_1130, %masked_sort3A_1131, %masked_sort3A_1132 = tpu.sort %select_n3A_1127, %select_n3A_1128 masked %masked_sort3A_1129 : (vector<16xf32>, vector<16xi32>, vector<16xi1>) -> (vector<16xi1>, vector<16xf32>, vector<16xi32>)
          %add3A_1133 = arith.constant 48 : i32
          %add3A_1134 = arith.addi %add3A_931, %add3A_1133 : i32
          %add3A_1135 = vector.broadcast %add3A_1134 : i32 to vector<16xi32>
          %add3A_1136 = arith.addi %add3A_1135, %iota3A_125 : vector<16xi32>
          %masked_sort3A_1137 = arith.constant dense<true> : vector<16xi1>
          %masked_sort3A_1138, %masked_sort3A_1139, %masked_sort3A_1140 = tpu.sort %add3A_988, %add3A_1136 masked %masked_sort3A_1137 : (vector<16xf32>, vector<16xi32>, vector<16xi1>) -> (vector<16xi1>, vector<16xf32>, vector<16xi32>)
          %rev3A_1141 = arith.constant 15 : i32
          %rev3A_1142 = vector.broadcast %rev3A_1141 : i32 to vector<16xi32>
          %rev3A_1143 = tpu.iota {dimensions = array<i32: 0>} : vector<16xi32>
          %rev3A_1144 = arith.subi %rev3A_1142, %rev3A_1143 : vector<16xi32>
          %rev3A_1145 = tpu.dynamic_gather %masked_sort3A_1139[%rev3A_1144] in [0] : vector<16xf32>, vector<16xi32> -> vector<16xf32>
          %rev3A_1146 = arith.constant 15 : i32
          %rev3A_1147 = vector.broadcast %rev3A_1146 : i32 to vector<16xi32>
          %rev3A_1148 = tpu.iota {dimensions = array<i32: 0>} : vector<16xi32>
          %rev3A_1149 = arith.subi %rev3A_1147, %rev3A_1148 : vector<16xi32>
          %rev3A_1150 = tpu.dynamic_gather %masked_sort3A_1140[%rev3A_1149] in [0] : vector<16xi32>, vector<16xi32> -> vector<16xi32>
          %le3A_1151 = arith.cmpf ole, %masked_sort3A_1131, %rev3A_1145 : vector<16xf32>
          %select_n3A_1152 = arith.select %le3A_1151, %masked_sort3A_1131, %rev3A_1145 : vector<16xi1>, vector<16xf32>
          %select_n3A_1153 = arith.select %le3A_1151, %masked_sort3A_1132, %rev3A_1150 : vector<16xi1>, vector<16xi32>
          %masked_sort3A_1154 = arith.constant dense<true> : vector<16xi1>
          %masked_sort3A_1155, %masked_sort3A_1156, %masked_sort3A_1157 = tpu.sort %select_n3A_1152, %select_n3A_1153 masked %masked_sort3A_1154 : (vector<16xf32>, vector<16xi32>, vector<16xi1>) -> (vector<16xi1>, vector<16xf32>, vector<16xi32>)
          %add3A_1158 = arith.constant 64 : i32
          %add3A_1159 = arith.addi %add3A_931, %add3A_1158 : i32
          %add3A_1160 = vector.broadcast %add3A_1159 : i32 to vector<16xi32>
          %add3A_1161 = arith.addi %add3A_1160, %iota3A_125 : vector<16xi32>
          %masked_sort3A_1162 = arith.constant dense<true> : vector<16xi1>
          %masked_sort3A_1163, %masked_sort3A_1164, %masked_sort3A_1165 = tpu.sort %add3A_1003, %add3A_1161 masked %masked_sort3A_1162 : (vector<16xf32>, vector<16xi32>, vector<16xi1>) -> (vector<16xi1>, vector<16xf32>, vector<16xi32>)
          %rev3A_1166 = arith.constant 15 : i32
          %rev3A_1167 = vector.broadcast %rev3A_1166 : i32 to vector<16xi32>
          %rev3A_1168 = tpu.iota {dimensions = array<i32: 0>} : vector<16xi32>
          %rev3A_1169 = arith.subi %rev3A_1167, %rev3A_1168 : vector<16xi32>
          %rev3A_1170 = tpu.dynamic_gather %masked_sort3A_1164[%rev3A_1169] in [0] : vector<16xf32>, vector<16xi32> -> vector<16xf32>
          %rev3A_1171 = arith.constant 15 : i32
          %rev3A_1172 = vector.broadcast %rev3A_1171 : i32 to vector<16xi32>
          %rev3A_1173 = tpu.iota {dimensions = array<i32: 0>} : vector<16xi32>
          %rev3A_1174 = arith.subi %rev3A_1172, %rev3A_1173 : vector<16xi32>
          %rev3A_1175 = tpu.dynamic_gather %masked_sort3A_1165[%rev3A_1174] in [0] : vector<16xi32>, vector<16xi32> -> vector<16xi32>
          %le3A_1176 = arith.cmpf ole, %masked_sort3A_1156, %rev3A_1170 : vector<16xf32>
          %select_n3A_1177 = arith.select %le3A_1176, %masked_sort3A_1156, %rev3A_1170 : vector<16xi1>, vector<16xf32>
          %select_n3A_1178 = arith.select %le3A_1176, %masked_sort3A_1157, %rev3A_1175 : vector<16xi1>, vector<16xi32>
          %masked_sort3A_1179 = arith.constant dense<true> : vector<16xi1>
          %masked_sort3A_1180, %masked_sort3A_1181, %masked_sort3A_1182 = tpu.sort %select_n3A_1177, %select_n3A_1178 masked %masked_sort3A_1179 : (vector<16xf32>, vector<16xi32>, vector<16xi1>) -> (vector<16xi1>, vector<16xf32>, vector<16xi32>)
          %add3A_1183 = arith.constant 80 : i32
          %add3A_1184 = arith.addi %add3A_931, %add3A_1183 : i32
          %add3A_1185 = vector.broadcast %add3A_1184 : i32 to vector<16xi32>
          %add3A_1186 = arith.addi %add3A_1185, %iota3A_125 : vector<16xi32>
          %masked_sort3A_1187 = arith.constant dense<true> : vector<16xi1>
          %masked_sort3A_1188, %masked_sort3A_1189, %masked_sort3A_1190 = tpu.sort %add3A_1018, %add3A_1186 masked %masked_sort3A_1187 : (vector<16xf32>, vector<16xi32>, vector<16xi1>) -> (vector<16xi1>, vector<16xf32>, vector<16xi32>)
          %rev3A_1191 = arith.constant 15 : i32
          %rev3A_1192 = vector.broadcast %rev3A_1191 : i32 to vector<16xi32>
          %rev3A_1193 = tpu.iota {dimensions = array<i32: 0>} : vector<16xi32>
          %rev3A_1194 = arith.subi %rev3A_1192, %rev3A_1193 : vector<16xi32>
          %rev3A_1195 = tpu.dynamic_gather %masked_sort3A_1189[%rev3A_1194] in [0] : vector<16xf32>, vector<16xi32> -> vector<16xf32>
          %rev3A_1196 = arith.constant 15 : i32
          %rev3A_1197 = vector.broadcast %rev3A_1196 : i32 to vector<16xi32>
          %rev3A_1198 = tpu.iota {dimensions = array<i32: 0>} : vector<16xi32>
          %rev3A_1199 = arith.subi %rev3A_1197, %rev3A_1198 : vector<16xi32>
          %rev3A_1200 = tpu.dynamic_gather %masked_sort3A_1190[%rev3A_1199] in [0] : vector<16xi32>, vector<16xi32> -> vector<16xi32>
          %le3A_1201 = arith.cmpf ole, %masked_sort3A_1181, %rev3A_1195 : vector<16xf32>
          %select_n3A_1202 = arith.select %le3A_1201, %masked_sort3A_1181, %rev3A_1195 : vector<16xi1>, vector<16xf32>
          %select_n3A_1203 = arith.select %le3A_1201, %masked_sort3A_1182, %rev3A_1200 : vector<16xi1>, vector<16xi32>
          %masked_sort3A_1204 = arith.constant dense<true> : vector<16xi1>
          %masked_sort3A_1205, %masked_sort3A_1206, %masked_sort3A_1207 = tpu.sort %select_n3A_1202, %select_n3A_1203 masked %masked_sort3A_1204 : (vector<16xf32>, vector<16xi32>, vector<16xi1>) -> (vector<16xi1>, vector<16xf32>, vector<16xi32>)
          %add3A_1208 = arith.constant 96 : i32
          %add3A_1209 = arith.addi %add3A_931, %add3A_1208 : i32
          %add3A_1210 = vector.broadcast %add3A_1209 : i32 to vector<16xi32>
          %add3A_1211 = arith.addi %add3A_1210, %iota3A_125 : vector<16xi32>
          %masked_sort3A_1212 = arith.constant dense<true> : vector<16xi1>
          %masked_sort3A_1213, %masked_sort3A_1214, %masked_sort3A_1215 = tpu.sort %add3A_1033, %add3A_1211 masked %masked_sort3A_1212 : (vector<16xf32>, vector<16xi32>, vector<16xi1>) -> (vector<16xi1>, vector<16xf32>, vector<16xi32>)
          %rev3A_1216 = arith.constant 15 : i32
          %rev3A_1217 = vector.broadcast %rev3A_1216 : i32 to vector<16xi32>
          %rev3A_1218 = tpu.iota {dimensions = array<i32: 0>} : vector<16xi32>
          %rev3A_1219 = arith.subi %rev3A_1217, %rev3A_1218 : vector<16xi32>
          %rev3A_1220 = tpu.dynamic_gather %masked_sort3A_1214[%rev3A_1219] in [0] : vector<16xf32>, vector<16xi32> -> vector<16xf32>
          %rev3A_1221 = arith.constant 15 : i32
          %rev3A_1222 = vector.broadcast %rev3A_1221 : i32 to vector<16xi32>
          %rev3A_1223 = tpu.iota {dimensions = array<i32: 0>} : vector<16xi32>
          %rev3A_1224 = arith.subi %rev3A_1222, %rev3A_1223 : vector<16xi32>
          %rev3A_1225 = tpu.dynamic_gather %masked_sort3A_1215[%rev3A_1224] in [0] : vector<16xi32>, vector<16xi32> -> vector<16xi32>
          %le3A_1226 = arith.cmpf ole, %masked_sort3A_1206, %rev3A_1220 : vector<16xf32>
          %select_n3A_1227 = arith.select %le3A_1226, %masked_sort3A_1206, %rev3A_1220 : vector<16xi1>, vector<16xf32>
          %select_n3A_1228 = arith.select %le3A_1226, %masked_sort3A_1207, %rev3A_1225 : vector<16xi1>, vector<16xi32>
          %masked_sort3A_1229 = arith.constant dense<true> : vector<16xi1>
          %masked_sort3A_1230, %masked_sort3A_1231, %masked_sort3A_1232 = tpu.sort %select_n3A_1227, %select_n3A_1228 masked %masked_sort3A_1229 : (vector<16xf32>, vector<16xi32>, vector<16xi1>) -> (vector<16xi1>, vector<16xf32>, vector<16xi32>)
          %add3A_1233 = arith.constant 112 : i32
          %add3A_1234 = arith.addi %add3A_931, %add3A_1233 : i32
          %add3A_1235 = vector.broadcast %add3A_1234 : i32 to vector<16xi32>
          %add3A_1236 = arith.addi %add3A_1235, %iota3A_125 : vector<16xi32>
          %masked_sort3A_1237 = arith.constant dense<true> : vector<16xi1>
          %masked_sort3A_1238, %masked_sort3A_1239, %masked_sort3A_1240 = tpu.sort %add3A_1048, %add3A_1236 masked %masked_sort3A_1237 : (vector<16xf32>, vector<16xi32>, vector<16xi1>) -> (vector<16xi1>, vector<16xf32>, vector<16xi32>)
          %rev3A_1241 = arith.constant 15 : i32
          %rev3A_1242 = vector.broadcast %rev3A_1241 : i32 to vector<16xi32>
          %rev3A_1243 = tpu.iota {dimensions = array<i32: 0>} : vector<16xi32>
          %rev3A_1244 = arith.subi %rev3A_1242, %rev3A_1243 : vector<16xi32>
          %rev3A_1245 = tpu.dynamic_gather %masked_sort3A_1239[%rev3A_1244] in [0] : vector<16xf32>, vector<16xi32> -> vector<16xf32>
          %rev3A_1246 = arith.constant 15 : i32
          %rev3A_1247 = vector.broadcast %rev3A_1246 : i32 to vector<16xi32>
          %rev3A_1248 = tpu.iota {dimensions = array<i32: 0>} : vector<16xi32>
          %rev3A_1249 = arith.subi %rev3A_1247, %rev3A_1248 : vector<16xi32>
          %rev3A_1250 = tpu.dynamic_gather %masked_sort3A_1240[%rev3A_1249] in [0] : vector<16xi32>, vector<16xi32> -> vector<16xi32>
          %le3A_1251 = arith.cmpf ole, %masked_sort3A_1231, %rev3A_1245 : vector<16xf32>
          %select_n3A_1252 = arith.select %le3A_1251, %masked_sort3A_1231, %rev3A_1245 : vector<16xi1>, vector<16xf32>
          %select_n3A_1253 = arith.select %le3A_1251, %masked_sort3A_1232, %rev3A_1250 : vector<16xi1>, vector<16xi32>
          %masked_sort3A_1254 = arith.constant dense<true> : vector<16xi1>
          %masked_sort3A_1255, %masked_sort3A_1256, %masked_sort3A_1257 = tpu.sort %select_n3A_1252, %select_n3A_1253 masked %masked_sort3A_1254 : (vector<16xf32>, vector<16xi32>, vector<16xi1>) -> (vector<16xi1>, vector<16xf32>, vector<16xi32>)
          %swap3A_1258 = arith.constant 0 : index
          %swap3A_1259 = tpu.vector_load %arg31[%swap3A_1258] {strides = array<i32>} : memref<16xf32, #tpu.memory_space<vmem>>, vector<16xf32>,
          tpu.vector_store %arg31[%swap3A_1258], %masked_sort3A_1256 {strides = array<i32>} : memref<16xf32, #tpu.memory_space<vmem>>, vector<16xf32>,
          %broadcast_in_dim3A_1260 = arith.constant 8 : i32
          %broadcast_in_dim3A_1261 = vector.broadcast %broadcast_in_dim3A_1260 : i32 to vector<16xi32>
          %gather3A_1262 = tpu.vector_load_idx %arg31[%broadcast_in_dim3A_1261] : memref<16xf32, #tpu.memory_space<vmem>>[vector<16xi32>], vector<16xf32>,
          scf.yield %masked_sort3A_1256, %masked_sort3A_1257, %gather3A_1262 : vector<16xf32>, vector<16xi32>, vector<16xf32>
        } else {
          scf.yield %scan3A_925, %scan3A_926, %scan3A_927 : vector<16xf32>, vector<16xi32>, vector<16xf32>
        }
        scf.yield %cond3A_1060#0, %cond3A_1060#1, %cond3A_1060#2 : vector<16xf32>, vector<16xi32>, vector<16xf32>
      }
      %scan3A_137 = arith.constant 8 : i32
      %swap3A_138 = arith.constant 32 : index
      %swap3A_139 = tpu.vector_load %arg21[%swap3A_138] {strides = array<i32>} : memref<80xi32, #tpu.memory_space<vmem>>, vector<16xi32>,
      tpu.vector_store %arg21[%swap3A_138], %scan3A_136#1 {strides = array<i32>} : memref<80xi32, #tpu.memory_space<vmem>>, vector<16xi32>,
      %iota3A_140 = tpu.iota {dimensions = array<i32: 0>} : vector<16xi32>
      %broadcast_in_dim3A_141 = arith.constant 3.000000e+38 : f32
      %broadcast_in_dim3A_142 = vector.broadcast %broadcast_in_dim3A_141 : f32 to vector<16xf32>
      %broadcast_in_dim3A_143 = arith.constant 0 : i32
      %broadcast_in_dim3A_144 = vector.broadcast %broadcast_in_dim3A_143 : i32 to vector<16xi32>
      %broadcast_in_dim3A_145 = arith.constant 3.000000e+38 : f32
      %broadcast_in_dim3A_146 = vector.broadcast %broadcast_in_dim3A_145 : f32 to vector<16xf32>
      %scan3A_147 = arith.constant 0 : i32
      %scan3A_148 = arith.constant 2 : i32
      %scan3A_149 = arith.addi %scan3A_147, %scan3A_148 : i32
      %scan3A_150 = arith.constant 1 : i32
      %scan3A_151:3 = scf.for %scan3A_924 = %scan3A_147 to %scan3A_149 step %scan3A_150 iter_args(%scan3A_925 = %broadcast_in_dim3A_142, %scan3A_926 = %broadcast_in_dim3A_144, %scan3A_927 = %broadcast_in_dim3A_146) -> (vector<16xf32>, vector<16xi32>, vector<16xf32>)  : i32 {
        %mul3A_928 = arith.constant 128 : i32
        %mul3A_929 = arith.muli %scan3A_924, %mul3A_928 : i32
        %add3A_930 = arith.constant 21504 : i32
        %add3A_931 = arith.addi %add3A_930, %mul3A_929 : i32
        %add3A_932 = arith.constant 0 : i32
        %add3A_933 = arith.addi %add3A_931, %add3A_932 : i32
        %get3A_934 = arith.index_cast %add3A_933 : i32 to index
        %get3A_935 = tpu.vector_load %arg14[%get3A_934] {strides = array<i32>} : memref<21824xf32, #tpu.memory_space<vmem>>, vector<16xf32>,
        %sub3A_936 = arith.subf %get3A_935, %mul3A_91 : vector<16xf32>
        %add3A_937 = arith.constant 0 : i32
        %add3A_938 = arith.addi %add3A_931, %add3A_937 : i32
        %get3A_939 = arith.index_cast %add3A_938 : i32 to index
        %get3A_940 = tpu.vector_load %arg15[%get3A_939] {strides = array<i32>} : memref<21824xf32, #tpu.memory_space<vmem>>, vector<16xf32>,
        %sub3A_941 = arith.subf %get3A_940, %mul3A_95 : vector<16xf32>
        %mul3A_942 = arith.mulf %sub3A_936, %sub3A_936 : vector<16xf32>
        %mul3A_943 = arith.mulf %sub3A_941, %sub3A_941 : vector<16xf32>
        %add3A_944 = arith.addf %mul3A_942, %mul3A_943 : vector<16xf32>
        %lt3A_945 = arith.cmpf olt, %add3A_944, %scan3A_927 : vector<16xf32>
        %add3A_946 = arith.constant 16 : i32
        %add3A_947 = arith.addi %add3A_931, %add3A_946 : i32
        %get3A_948 = arith.index_cast %add3A_947 : i32 to index
        %get3A_949 = tpu.vector_load %arg14[%get3A_948] {strides = array<i32>} : memref<21824xf32, #tpu.memory_space<vmem>>, vector<16xf32>,
        %sub3A_950 = arith.subf %get3A_949, %mul3A_91 : vector<16xf32>
        %add3A_951 = arith.constant 16 : i32
        %add3A_952 = arith.addi %add3A_931, %add3A_951 : i32
        %get3A_953 = arith.index_cast %add3A_952 : i32 to index
        %get3A_954 = tpu.vector_load %arg15[%get3A_953] {strides = array<i32>} : memref<21824xf32, #tpu.memory_space<vmem>>, vector<16xf32>,
        %sub3A_955 = arith.subf %get3A_954, %mul3A_95 : vector<16xf32>
        %mul3A_956 = arith.mulf %sub3A_950, %sub3A_950 : vector<16xf32>
        %mul3A_957 = arith.mulf %sub3A_955, %sub3A_955 : vector<16xf32>
        %add3A_958 = arith.addf %mul3A_956, %mul3A_957 : vector<16xf32>
        %lt3A_959 = arith.cmpf olt, %add3A_958, %scan3A_927 : vector<16xf32>
        %or3A_960 = arith.ori %lt3A_945, %lt3A_959 : vector<16xi1>
        %add3A_961 = arith.constant 32 : i32
        %add3A_962 = arith.addi %add3A_931, %add3A_961 : i32
        %get3A_963 = arith.index_cast %add3A_962 : i32 to index
        %get3A_964 = tpu.vector_load %arg14[%get3A_963] {strides = array<i32>} : memref<21824xf32, #tpu.memory_space<vmem>>, vector<16xf32>,
        %sub3A_965 = arith.subf %get3A_964, %mul3A_91 : vector<16xf32>
        %add3A_966 = arith.constant 32 : i32
        %add3A_967 = arith.addi %add3A_931, %add3A_966 : i32
        %get3A_968 = arith.index_cast %add3A_967 : i32 to index
        %get3A_969 = tpu.vector_load %arg15[%get3A_968] {strides = array<i32>} : memref<21824xf32, #tpu.memory_space<vmem>>, vector<16xf32>,
        %sub3A_970 = arith.subf %get3A_969, %mul3A_95 : vector<16xf32>
        %mul3A_971 = arith.mulf %sub3A_965, %sub3A_965 : vector<16xf32>
        %mul3A_972 = arith.mulf %sub3A_970, %sub3A_970 : vector<16xf32>
        %add3A_973 = arith.addf %mul3A_971, %mul3A_972 : vector<16xf32>
        %lt3A_974 = arith.cmpf olt, %add3A_973, %scan3A_927 : vector<16xf32>
        %or3A_975 = arith.ori %or3A_960, %lt3A_974 : vector<16xi1>
        %add3A_976 = arith.constant 48 : i32
        %add3A_977 = arith.addi %add3A_931, %add3A_976 : i32
        %get3A_978 = arith.index_cast %add3A_977 : i32 to index
        %get3A_979 = tpu.vector_load %arg14[%get3A_978] {strides = array<i32>} : memref<21824xf32, #tpu.memory_space<vmem>>, vector<16xf32>,
        %sub3A_980 = arith.subf %get3A_979, %mul3A_91 : vector<16xf32>
        %add3A_981 = arith.constant 48 : i32
        %add3A_982 = arith.addi %add3A_931, %add3A_981 : i32
        %get3A_983 = arith.index_cast %add3A_982 : i32 to index
        %get3A_984 = tpu.vector_load %arg15[%get3A_983] {strides = array<i32>} : memref<21824xf32, #tpu.memory_space<vmem>>, vector<16xf32>,
        %sub3A_985 = arith.subf %get3A_984, %mul3A_95 : vector<16xf32>
        %mul3A_986 = arith.mulf %sub3A_980, %sub3A_980 : vector<16xf32>
        %mul3A_987 = arith.mulf %sub3A_985, %sub3A_985 : vector<16xf32>
        %add3A_988 = arith.addf %mul3A_986, %mul3A_987 : vector<16xf32>
        %lt3A_989 = arith.cmpf olt, %add3A_988, %scan3A_927 : vector<16xf32>
        %or3A_990 = arith.ori %or3A_975, %lt3A_989 : vector<16xi1>
        %add3A_991 = arith.constant 64 : i32
        %add3A_992 = arith.addi %add3A_931, %add3A_991 : i32
        %get3A_993 = arith.index_cast %add3A_992 : i32 to index
        %get3A_994 = tpu.vector_load %arg14[%get3A_993] {strides = array<i32>} : memref<21824xf32, #tpu.memory_space<vmem>>, vector<16xf32>,
        %sub3A_995 = arith.subf %get3A_994, %mul3A_91 : vector<16xf32>
        %add3A_996 = arith.constant 64 : i32
        %add3A_997 = arith.addi %add3A_931, %add3A_996 : i32
        %get3A_998 = arith.index_cast %add3A_997 : i32 to index
        %get3A_999 = tpu.vector_load %arg15[%get3A_998] {strides = array<i32>} : memref<21824xf32, #tpu.memory_space<vmem>>, vector<16xf32>,
        %sub3A_1000 = arith.subf %get3A_999, %mul3A_95 : vector<16xf32>
        %mul3A_1001 = arith.mulf %sub3A_995, %sub3A_995 : vector<16xf32>
        %mul3A_1002 = arith.mulf %sub3A_1000, %sub3A_1000 : vector<16xf32>
        %add3A_1003 = arith.addf %mul3A_1001, %mul3A_1002 : vector<16xf32>
        %lt3A_1004 = arith.cmpf olt, %add3A_1003, %scan3A_927 : vector<16xf32>
        %or3A_1005 = arith.ori %or3A_990, %lt3A_1004 : vector<16xi1>
        %add3A_1006 = arith.constant 80 : i32
        %add3A_1007 = arith.addi %add3A_931, %add3A_1006 : i32
        %get3A_1008 = arith.index_cast %add3A_1007 : i32 to index
        %get3A_1009 = tpu.vector_load %arg14[%get3A_1008] {strides = array<i32>} : memref<21824xf32, #tpu.memory_space<vmem>>, vector<16xf32>,
        %sub3A_1010 = arith.subf %get3A_1009, %mul3A_91 : vector<16xf32>
        %add3A_1011 = arith.constant 80 : i32
        %add3A_1012 = arith.addi %add3A_931, %add3A_1011 : i32
        %get3A_1013 = arith.index_cast %add3A_1012 : i32 to index
        %get3A_1014 = tpu.vector_load %arg15[%get3A_1013] {strides = array<i32>} : memref<21824xf32, #tpu.memory_space<vmem>>, vector<16xf32>,
        %sub3A_1015 = arith.subf %get3A_1014, %mul3A_95 : vector<16xf32>
        %mul3A_1016 = arith.mulf %sub3A_1010, %sub3A_1010 : vector<16xf32>
        %mul3A_1017 = arith.mulf %sub3A_1015, %sub3A_1015 : vector<16xf32>
        %add3A_1018 = arith.addf %mul3A_1016, %mul3A_1017 : vector<16xf32>
        %lt3A_1019 = arith.cmpf olt, %add3A_1018, %scan3A_927 : vector<16xf32>
        %or3A_1020 = arith.ori %or3A_1005, %lt3A_1019 : vector<16xi1>
        %add3A_1021 = arith.constant 96 : i32
        %add3A_1022 = arith.addi %add3A_931, %add3A_1021 : i32
        %get3A_1023 = arith.index_cast %add3A_1022 : i32 to index
        %get3A_1024 = tpu.vector_load %arg14[%get3A_1023] {strides = array<i32>} : memref<21824xf32, #tpu.memory_space<vmem>>, vector<16xf32>,
        %sub3A_1025 = arith.subf %get3A_1024, %mul3A_91 : vector<16xf32>
        %add3A_1026 = arith.constant 96 : i32
        %add3A_1027 = arith.addi %add3A_931, %add3A_1026 : i32
        %get3A_1028 = arith.index_cast %add3A_1027 : i32 to index
        %get3A_1029 = tpu.vector_load %arg15[%get3A_1028] {strides = array<i32>} : memref<21824xf32, #tpu.memory_space<vmem>>, vector<16xf32>,
        %sub3A_1030 = arith.subf %get3A_1029, %mul3A_95 : vector<16xf32>
        %mul3A_1031 = arith.mulf %sub3A_1025, %sub3A_1025 : vector<16xf32>
        %mul3A_1032 = arith.mulf %sub3A_1030, %sub3A_1030 : vector<16xf32>
        %add3A_1033 = arith.addf %mul3A_1031, %mul3A_1032 : vector<16xf32>
        %lt3A_1034 = arith.cmpf olt, %add3A_1033, %scan3A_927 : vector<16xf32>
        %or3A_1035 = arith.ori %or3A_1020, %lt3A_1034 : vector<16xi1>
        %add3A_1036 = arith.constant 112 : i32
        %add3A_1037 = arith.addi %add3A_931, %add3A_1036 : i32
        %get3A_1038 = arith.index_cast %add3A_1037 : i32 to index
        %get3A_1039 = tpu.vector_load %arg14[%get3A_1038] {strides = array<i32>} : memref<21824xf32, #tpu.memory_space<vmem>>, vector<16xf32>,
        %sub3A_1040 = arith.subf %get3A_1039, %mul3A_91 : vector<16xf32>
        %add3A_1041 = arith.constant 112 : i32
        %add3A_1042 = arith.addi %add3A_931, %add3A_1041 : i32
        %get3A_1043 = arith.index_cast %add3A_1042 : i32 to index
        %get3A_1044 = tpu.vector_load %arg15[%get3A_1043] {strides = array<i32>} : memref<21824xf32, #tpu.memory_space<vmem>>, vector<16xf32>,
        %sub3A_1045 = arith.subf %get3A_1044, %mul3A_95 : vector<16xf32>
        %mul3A_1046 = arith.mulf %sub3A_1040, %sub3A_1040 : vector<16xf32>
        %mul3A_1047 = arith.mulf %sub3A_1045, %sub3A_1045 : vector<16xf32>
        %add3A_1048 = arith.addf %mul3A_1046, %mul3A_1047 : vector<16xf32>
        %lt3A_1049 = arith.cmpf olt, %add3A_1048, %scan3A_927 : vector<16xf32>
        %or3A_1050 = arith.ori %or3A_1035, %lt3A_1049 : vector<16xi1>
        %all_reduce_population_count3A_1051 = tpu.all_reduce %or3A_1050 {dim = 0 : i64, kind = #tpu.reduction_kind<sum>} : vector<16xi1> -> vector<16xi32>
        %slice3A_1052 = vector.extract_strided_slice %all_reduce_population_count3A_1051 {offsets = [0], sizes = [1], strides = [1]} : vector<16xi32> to vector<1xi32>
        %squeeze3A_1053 = vector.extract %slice3A_1052[0] : i32 from vector<1xi32>
        %gt3A_1054 = arith.constant 0 : i32
        %gt3A_1055 = arith.cmpi sgt, %squeeze3A_1053, %gt3A_1054 : i32
        %convert_element_type3A_1056 = arith.extui %gt3A_1055 : i1 to i32
        %cond3A_1057 = arith.constant 0 : i32
        %cond3A_1058 = arith.constant 0 : i32
        %cond3A_1059 = arith.cmpi ne, %convert_element_type3A_1056, %cond3A_1058 : i32
        %cond3A_1060:3 = scf.if %cond3A_1059 -> (vector<16xf32>, vector<16xi32>, vector<16xf32>) {
          %add3A_1061 = arith.constant 0 : i32
          %add3A_1062 = arith.addi %add3A_931, %add3A_1061 : i32
          %add3A_1063 = vector.broadcast %add3A_1062 : i32 to vector<16xi32>
          %add3A_1064 = arith.addi %add3A_1063, %iota3A_140 : vector<16xi32>
          %masked_sort3A = arith.constant dense<true> : vector<16xi1>
          %masked_sort3A_1065, %masked_sort3A_1066, %masked_sort3A_1067 = tpu.sort %add3A_944, %add3A_1064 masked %masked_sort3A : (vector<16xf32>, vector<16xi32>, vector<16xi1>) -> (vector<16xi1>, vector<16xf32>, vector<16xi32>)
          %rev3A = arith.constant 15 : i32
          %rev3A_1068 = vector.broadcast %rev3A : i32 to vector<16xi32>
          %rev3A_1069 = tpu.iota {dimensions = array<i32: 0>} : vector<16xi32>
          %rev3A_1070 = arith.subi %rev3A_1068, %rev3A_1069 : vector<16xi32>
          %rev3A_1071 = tpu.dynamic_gather %masked_sort3A_1066[%rev3A_1070] in [0] : vector<16xf32>, vector<16xi32> -> vector<16xf32>
          %rev3A_1072 = arith.constant 15 : i32
          %rev3A_1073 = vector.broadcast %rev3A_1072 : i32 to vector<16xi32>
          %rev3A_1074 = tpu.iota {dimensions = array<i32: 0>} : vector<16xi32>
          %rev3A_1075 = arith.subi %rev3A_1073, %rev3A_1074 : vector<16xi32>
          %rev3A_1076 = tpu.dynamic_gather %masked_sort3A_1067[%rev3A_1075] in [0] : vector<16xi32>, vector<16xi32> -> vector<16xi32>
          %le3A = arith.cmpf ole, %scan3A_925, %rev3A_1071 : vector<16xf32>
          %select_n3A_1077 = arith.select %le3A, %scan3A_925, %rev3A_1071 : vector<16xi1>, vector<16xf32>
          %select_n3A_1078 = arith.select %le3A, %scan3A_926, %rev3A_1076 : vector<16xi1>, vector<16xi32>
          %masked_sort3A_1079 = arith.constant dense<true> : vector<16xi1>
          %masked_sort3A_1080, %masked_sort3A_1081, %masked_sort3A_1082 = tpu.sort %select_n3A_1077, %select_n3A_1078 masked %masked_sort3A_1079 : (vector<16xf32>, vector<16xi32>, vector<16xi1>) -> (vector<16xi1>, vector<16xf32>, vector<16xi32>)
          %add3A_1083 = arith.constant 16 : i32
          %add3A_1084 = arith.addi %add3A_931, %add3A_1083 : i32
          %add3A_1085 = vector.broadcast %add3A_1084 : i32 to vector<16xi32>
          %add3A_1086 = arith.addi %add3A_1085, %iota3A_140 : vector<16xi32>
          %masked_sort3A_1087 = arith.constant dense<true> : vector<16xi1>
          %masked_sort3A_1088, %masked_sort3A_1089, %masked_sort3A_1090 = tpu.sort %add3A_958, %add3A_1086 masked %masked_sort3A_1087 : (vector<16xf32>, vector<16xi32>, vector<16xi1>) -> (vector<16xi1>, vector<16xf32>, vector<16xi32>)
          %rev3A_1091 = arith.constant 15 : i32
          %rev3A_1092 = vector.broadcast %rev3A_1091 : i32 to vector<16xi32>
          %rev3A_1093 = tpu.iota {dimensions = array<i32: 0>} : vector<16xi32>
          %rev3A_1094 = arith.subi %rev3A_1092, %rev3A_1093 : vector<16xi32>
          %rev3A_1095 = tpu.dynamic_gather %masked_sort3A_1089[%rev3A_1094] in [0] : vector<16xf32>, vector<16xi32> -> vector<16xf32>
          %rev3A_1096 = arith.constant 15 : i32
          %rev3A_1097 = vector.broadcast %rev3A_1096 : i32 to vector<16xi32>
          %rev3A_1098 = tpu.iota {dimensions = array<i32: 0>} : vector<16xi32>
          %rev3A_1099 = arith.subi %rev3A_1097, %rev3A_1098 : vector<16xi32>
          %rev3A_1100 = tpu.dynamic_gather %masked_sort3A_1090[%rev3A_1099] in [0] : vector<16xi32>, vector<16xi32> -> vector<16xi32>
          %le3A_1101 = arith.cmpf ole, %masked_sort3A_1081, %rev3A_1095 : vector<16xf32>
          %select_n3A_1102 = arith.select %le3A_1101, %masked_sort3A_1081, %rev3A_1095 : vector<16xi1>, vector<16xf32>
          %select_n3A_1103 = arith.select %le3A_1101, %masked_sort3A_1082, %rev3A_1100 : vector<16xi1>, vector<16xi32>
          %masked_sort3A_1104 = arith.constant dense<true> : vector<16xi1>
          %masked_sort3A_1105, %masked_sort3A_1106, %masked_sort3A_1107 = tpu.sort %select_n3A_1102, %select_n3A_1103 masked %masked_sort3A_1104 : (vector<16xf32>, vector<16xi32>, vector<16xi1>) -> (vector<16xi1>, vector<16xf32>, vector<16xi32>)
          %add3A_1108 = arith.constant 32 : i32
          %add3A_1109 = arith.addi %add3A_931, %add3A_1108 : i32
          %add3A_1110 = vector.broadcast %add3A_1109 : i32 to vector<16xi32>
          %add3A_1111 = arith.addi %add3A_1110, %iota3A_140 : vector<16xi32>
          %masked_sort3A_1112 = arith.constant dense<true> : vector<16xi1>
          %masked_sort3A_1113, %masked_sort3A_1114, %masked_sort3A_1115 = tpu.sort %add3A_973, %add3A_1111 masked %masked_sort3A_1112 : (vector<16xf32>, vector<16xi32>, vector<16xi1>) -> (vector<16xi1>, vector<16xf32>, vector<16xi32>)
          %rev3A_1116 = arith.constant 15 : i32
          %rev3A_1117 = vector.broadcast %rev3A_1116 : i32 to vector<16xi32>
          %rev3A_1118 = tpu.iota {dimensions = array<i32: 0>} : vector<16xi32>
          %rev3A_1119 = arith.subi %rev3A_1117, %rev3A_1118 : vector<16xi32>
          %rev3A_1120 = tpu.dynamic_gather %masked_sort3A_1114[%rev3A_1119] in [0] : vector<16xf32>, vector<16xi32> -> vector<16xf32>
          %rev3A_1121 = arith.constant 15 : i32
          %rev3A_1122 = vector.broadcast %rev3A_1121 : i32 to vector<16xi32>
          %rev3A_1123 = tpu.iota {dimensions = array<i32: 0>} : vector<16xi32>
          %rev3A_1124 = arith.subi %rev3A_1122, %rev3A_1123 : vector<16xi32>
          %rev3A_1125 = tpu.dynamic_gather %masked_sort3A_1115[%rev3A_1124] in [0] : vector<16xi32>, vector<16xi32> -> vector<16xi32>
          %le3A_1126 = arith.cmpf ole, %masked_sort3A_1106, %rev3A_1120 : vector<16xf32>
          %select_n3A_1127 = arith.select %le3A_1126, %masked_sort3A_1106, %rev3A_1120 : vector<16xi1>, vector<16xf32>
          %select_n3A_1128 = arith.select %le3A_1126, %masked_sort3A_1107, %rev3A_1125 : vector<16xi1>, vector<16xi32>
          %masked_sort3A_1129 = arith.constant dense<true> : vector<16xi1>
          %masked_sort3A_1130, %masked_sort3A_1131, %masked_sort3A_1132 = tpu.sort %select_n3A_1127, %select_n3A_1128 masked %masked_sort3A_1129 : (vector<16xf32>, vector<16xi32>, vector<16xi1>) -> (vector<16xi1>, vector<16xf32>, vector<16xi32>)
          %add3A_1133 = arith.constant 48 : i32
          %add3A_1134 = arith.addi %add3A_931, %add3A_1133 : i32
          %add3A_1135 = vector.broadcast %add3A_1134 : i32 to vector<16xi32>
          %add3A_1136 = arith.addi %add3A_1135, %iota3A_140 : vector<16xi32>
          %masked_sort3A_1137 = arith.constant dense<true> : vector<16xi1>
          %masked_sort3A_1138, %masked_sort3A_1139, %masked_sort3A_1140 = tpu.sort %add3A_988, %add3A_1136 masked %masked_sort3A_1137 : (vector<16xf32>, vector<16xi32>, vector<16xi1>) -> (vector<16xi1>, vector<16xf32>, vector<16xi32>)
          %rev3A_1141 = arith.constant 15 : i32
          %rev3A_1142 = vector.broadcast %rev3A_1141 : i32 to vector<16xi32>
          %rev3A_1143 = tpu.iota {dimensions = array<i32: 0>} : vector<16xi32>
          %rev3A_1144 = arith.subi %rev3A_1142, %rev3A_1143 : vector<16xi32>
          %rev3A_1145 = tpu.dynamic_gather %masked_sort3A_1139[%rev3A_1144] in [0] : vector<16xf32>, vector<16xi32> -> vector<16xf32>
          %rev3A_1146 = arith.constant 15 : i32
          %rev3A_1147 = vector.broadcast %rev3A_1146 : i32 to vector<16xi32>
          %rev3A_1148 = tpu.iota {dimensions = array<i32: 0>} : vector<16xi32>
          %rev3A_1149 = arith.subi %rev3A_1147, %rev3A_1148 : vector<16xi32>
          %rev3A_1150 = tpu.dynamic_gather %masked_sort3A_1140[%rev3A_1149] in [0] : vector<16xi32>, vector<16xi32> -> vector<16xi32>
          %le3A_1151 = arith.cmpf ole, %masked_sort3A_1131, %rev3A_1145 : vector<16xf32>
          %select_n3A_1152 = arith.select %le3A_1151, %masked_sort3A_1131, %rev3A_1145 : vector<16xi1>, vector<16xf32>
          %select_n3A_1153 = arith.select %le3A_1151, %masked_sort3A_1132, %rev3A_1150 : vector<16xi1>, vector<16xi32>
          %masked_sort3A_1154 = arith.constant dense<true> : vector<16xi1>
          %masked_sort3A_1155, %masked_sort3A_1156, %masked_sort3A_1157 = tpu.sort %select_n3A_1152, %select_n3A_1153 masked %masked_sort3A_1154 : (vector<16xf32>, vector<16xi32>, vector<16xi1>) -> (vector<16xi1>, vector<16xf32>, vector<16xi32>)
          %add3A_1158 = arith.constant 64 : i32
          %add3A_1159 = arith.addi %add3A_931, %add3A_1158 : i32
          %add3A_1160 = vector.broadcast %add3A_1159 : i32 to vector<16xi32>
          %add3A_1161 = arith.addi %add3A_1160, %iota3A_140 : vector<16xi32>
          %masked_sort3A_1162 = arith.constant dense<true> : vector<16xi1>
          %masked_sort3A_1163, %masked_sort3A_1164, %masked_sort3A_1165 = tpu.sort %add3A_1003, %add3A_1161 masked %masked_sort3A_1162 : (vector<16xf32>, vector<16xi32>, vector<16xi1>) -> (vector<16xi1>, vector<16xf32>, vector<16xi32>)
          %rev3A_1166 = arith.constant 15 : i32
          %rev3A_1167 = vector.broadcast %rev3A_1166 : i32 to vector<16xi32>
          %rev3A_1168 = tpu.iota {dimensions = array<i32: 0>} : vector<16xi32>
          %rev3A_1169 = arith.subi %rev3A_1167, %rev3A_1168 : vector<16xi32>
          %rev3A_1170 = tpu.dynamic_gather %masked_sort3A_1164[%rev3A_1169] in [0] : vector<16xf32>, vector<16xi32> -> vector<16xf32>
          %rev3A_1171 = arith.constant 15 : i32
          %rev3A_1172 = vector.broadcast %rev3A_1171 : i32 to vector<16xi32>
          %rev3A_1173 = tpu.iota {dimensions = array<i32: 0>} : vector<16xi32>
          %rev3A_1174 = arith.subi %rev3A_1172, %rev3A_1173 : vector<16xi32>
          %rev3A_1175 = tpu.dynamic_gather %masked_sort3A_1165[%rev3A_1174] in [0] : vector<16xi32>, vector<16xi32> -> vector<16xi32>
          %le3A_1176 = arith.cmpf ole, %masked_sort3A_1156, %rev3A_1170 : vector<16xf32>
          %select_n3A_1177 = arith.select %le3A_1176, %masked_sort3A_1156, %rev3A_1170 : vector<16xi1>, vector<16xf32>
          %select_n3A_1178 = arith.select %le3A_1176, %masked_sort3A_1157, %rev3A_1175 : vector<16xi1>, vector<16xi32>
          %masked_sort3A_1179 = arith.constant dense<true> : vector<16xi1>
          %masked_sort3A_1180, %masked_sort3A_1181, %masked_sort3A_1182 = tpu.sort %select_n3A_1177, %select_n3A_1178 masked %masked_sort3A_1179 : (vector<16xf32>, vector<16xi32>, vector<16xi1>) -> (vector<16xi1>, vector<16xf32>, vector<16xi32>)
          %add3A_1183 = arith.constant 80 : i32
          %add3A_1184 = arith.addi %add3A_931, %add3A_1183 : i32
          %add3A_1185 = vector.broadcast %add3A_1184 : i32 to vector<16xi32>
          %add3A_1186 = arith.addi %add3A_1185, %iota3A_140 : vector<16xi32>
          %masked_sort3A_1187 = arith.constant dense<true> : vector<16xi1>
          %masked_sort3A_1188, %masked_sort3A_1189, %masked_sort3A_1190 = tpu.sort %add3A_1018, %add3A_1186 masked %masked_sort3A_1187 : (vector<16xf32>, vector<16xi32>, vector<16xi1>) -> (vector<16xi1>, vector<16xf32>, vector<16xi32>)
          %rev3A_1191 = arith.constant 15 : i32
          %rev3A_1192 = vector.broadcast %rev3A_1191 : i32 to vector<16xi32>
          %rev3A_1193 = tpu.iota {dimensions = array<i32: 0>} : vector<16xi32>
          %rev3A_1194 = arith.subi %rev3A_1192, %rev3A_1193 : vector<16xi32>
          %rev3A_1195 = tpu.dynamic_gather %masked_sort3A_1189[%rev3A_1194] in [0] : vector<16xf32>, vector<16xi32> -> vector<16xf32>
          %rev3A_1196 = arith.constant 15 : i32
          %rev3A_1197 = vector.broadcast %rev3A_1196 : i32 to vector<16xi32>
          %rev3A_1198 = tpu.iota {dimensions = array<i32: 0>} : vector<16xi32>
          %rev3A_1199 = arith.subi %rev3A_1197, %rev3A_1198 : vector<16xi32>
          %rev3A_1200 = tpu.dynamic_gather %masked_sort3A_1190[%rev3A_1199] in [0] : vector<16xi32>, vector<16xi32> -> vector<16xi32>
          %le3A_1201 = arith.cmpf ole, %masked_sort3A_1181, %rev3A_1195 : vector<16xf32>
          %select_n3A_1202 = arith.select %le3A_1201, %masked_sort3A_1181, %rev3A_1195 : vector<16xi1>, vector<16xf32>
          %select_n3A_1203 = arith.select %le3A_1201, %masked_sort3A_1182, %rev3A_1200 : vector<16xi1>, vector<16xi32>
          %masked_sort3A_1204 = arith.constant dense<true> : vector<16xi1>
          %masked_sort3A_1205, %masked_sort3A_1206, %masked_sort3A_1207 = tpu.sort %select_n3A_1202, %select_n3A_1203 masked %masked_sort3A_1204 : (vector<16xf32>, vector<16xi32>, vector<16xi1>) -> (vector<16xi1>, vector<16xf32>, vector<16xi32>)
          %add3A_1208 = arith.constant 96 : i32
          %add3A_1209 = arith.addi %add3A_931, %add3A_1208 : i32
          %add3A_1210 = vector.broadcast %add3A_1209 : i32 to vector<16xi32>
          %add3A_1211 = arith.addi %add3A_1210, %iota3A_140 : vector<16xi32>
          %masked_sort3A_1212 = arith.constant dense<true> : vector<16xi1>
          %masked_sort3A_1213, %masked_sort3A_1214, %masked_sort3A_1215 = tpu.sort %add3A_1033, %add3A_1211 masked %masked_sort3A_1212 : (vector<16xf32>, vector<16xi32>, vector<16xi1>) -> (vector<16xi1>, vector<16xf32>, vector<16xi32>)
          %rev3A_1216 = arith.constant 15 : i32
          %rev3A_1217 = vector.broadcast %rev3A_1216 : i32 to vector<16xi32>
          %rev3A_1218 = tpu.iota {dimensions = array<i32: 0>} : vector<16xi32>
          %rev3A_1219 = arith.subi %rev3A_1217, %rev3A_1218 : vector<16xi32>
          %rev3A_1220 = tpu.dynamic_gather %masked_sort3A_1214[%rev3A_1219] in [0] : vector<16xf32>, vector<16xi32> -> vector<16xf32>
          %rev3A_1221 = arith.constant 15 : i32
          %rev3A_1222 = vector.broadcast %rev3A_1221 : i32 to vector<16xi32>
          %rev3A_1223 = tpu.iota {dimensions = array<i32: 0>} : vector<16xi32>
          %rev3A_1224 = arith.subi %rev3A_1222, %rev3A_1223 : vector<16xi32>
          %rev3A_1225 = tpu.dynamic_gather %masked_sort3A_1215[%rev3A_1224] in [0] : vector<16xi32>, vector<16xi32> -> vector<16xi32>
          %le3A_1226 = arith.cmpf ole, %masked_sort3A_1206, %rev3A_1220 : vector<16xf32>
          %select_n3A_1227 = arith.select %le3A_1226, %masked_sort3A_1206, %rev3A_1220 : vector<16xi1>, vector<16xf32>
          %select_n3A_1228 = arith.select %le3A_1226, %masked_sort3A_1207, %rev3A_1225 : vector<16xi1>, vector<16xi32>
          %masked_sort3A_1229 = arith.constant dense<true> : vector<16xi1>
          %masked_sort3A_1230, %masked_sort3A_1231, %masked_sort3A_1232 = tpu.sort %select_n3A_1227, %select_n3A_1228 masked %masked_sort3A_1229 : (vector<16xf32>, vector<16xi32>, vector<16xi1>) -> (vector<16xi1>, vector<16xf32>, vector<16xi32>)
          %add3A_1233 = arith.constant 112 : i32
          %add3A_1234 = arith.addi %add3A_931, %add3A_1233 : i32
          %add3A_1235 = vector.broadcast %add3A_1234 : i32 to vector<16xi32>
          %add3A_1236 = arith.addi %add3A_1235, %iota3A_140 : vector<16xi32>
          %masked_sort3A_1237 = arith.constant dense<true> : vector<16xi1>
          %masked_sort3A_1238, %masked_sort3A_1239, %masked_sort3A_1240 = tpu.sort %add3A_1048, %add3A_1236 masked %masked_sort3A_1237 : (vector<16xf32>, vector<16xi32>, vector<16xi1>) -> (vector<16xi1>, vector<16xf32>, vector<16xi32>)
          %rev3A_1241 = arith.constant 15 : i32
          %rev3A_1242 = vector.broadcast %rev3A_1241 : i32 to vector<16xi32>
          %rev3A_1243 = tpu.iota {dimensions = array<i32: 0>} : vector<16xi32>
          %rev3A_1244 = arith.subi %rev3A_1242, %rev3A_1243 : vector<16xi32>
          %rev3A_1245 = tpu.dynamic_gather %masked_sort3A_1239[%rev3A_1244] in [0] : vector<16xf32>, vector<16xi32> -> vector<16xf32>
          %rev3A_1246 = arith.constant 15 : i32
          %rev3A_1247 = vector.broadcast %rev3A_1246 : i32 to vector<16xi32>
          %rev3A_1248 = tpu.iota {dimensions = array<i32: 0>} : vector<16xi32>
          %rev3A_1249 = arith.subi %rev3A_1247, %rev3A_1248 : vector<16xi32>
          %rev3A_1250 = tpu.dynamic_gather %masked_sort3A_1240[%rev3A_1249] in [0] : vector<16xi32>, vector<16xi32> -> vector<16xi32>
          %le3A_1251 = arith.cmpf ole, %masked_sort3A_1231, %rev3A_1245 : vector<16xf32>
          %select_n3A_1252 = arith.select %le3A_1251, %masked_sort3A_1231, %rev3A_1245 : vector<16xi1>, vector<16xf32>
          %select_n3A_1253 = arith.select %le3A_1251, %masked_sort3A_1232, %rev3A_1250 : vector<16xi1>, vector<16xi32>
          %masked_sort3A_1254 = arith.constant dense<true> : vector<16xi1>
          %masked_sort3A_1255, %masked_sort3A_1256, %masked_sort3A_1257 = tpu.sort %select_n3A_1252, %select_n3A_1253 masked %masked_sort3A_1254 : (vector<16xf32>, vector<16xi32>, vector<16xi1>) -> (vector<16xi1>, vector<16xf32>, vector<16xi32>)
          %swap3A_1258 = arith.constant 0 : index
          %swap3A_1259 = tpu.vector_load %arg31[%swap3A_1258] {strides = array<i32>} : memref<16xf32, #tpu.memory_space<vmem>>, vector<16xf32>,
          tpu.vector_store %arg31[%swap3A_1258], %masked_sort3A_1256 {strides = array<i32>} : memref<16xf32, #tpu.memory_space<vmem>>, vector<16xf32>,
          %broadcast_in_dim3A_1260 = arith.constant 8 : i32
          %broadcast_in_dim3A_1261 = vector.broadcast %broadcast_in_dim3A_1260 : i32 to vector<16xi32>
          %gather3A_1262 = tpu.vector_load_idx %arg31[%broadcast_in_dim3A_1261] : memref<16xf32, #tpu.memory_space<vmem>>[vector<16xi32>], vector<16xf32>,
          scf.yield %masked_sort3A_1256, %masked_sort3A_1257, %gather3A_1262 : vector<16xf32>, vector<16xi32>, vector<16xf32>
        } else {
          scf.yield %scan3A_925, %scan3A_926, %scan3A_927 : vector<16xf32>, vector<16xi32>, vector<16xf32>
        }
        scf.yield %cond3A_1060#0, %cond3A_1060#1, %cond3A_1060#2 : vector<16xf32>, vector<16xi32>, vector<16xf32>
      }
      %scan3A_152 = arith.constant 2 : i32
      %swap3A_153 = arith.constant 48 : index
      %swap3A_154 = tpu.vector_load %arg21[%swap3A_153] {strides = array<i32>} : memref<80xi32, #tpu.memory_space<vmem>>, vector<16xi32>,
      tpu.vector_store %arg21[%swap3A_153], %scan3A_151#1 {strides = array<i32>} : memref<80xi32, #tpu.memory_space<vmem>>, vector<16xi32>,
      %iota3A_155 = tpu.iota {dimensions = array<i32: 0>} : vector<16xi32>
      %broadcast_in_dim3A_156 = arith.constant 3.000000e+38 : f32
      %broadcast_in_dim3A_157 = vector.broadcast %broadcast_in_dim3A_156 : f32 to vector<16xf32>
      %broadcast_in_dim3A_158 = arith.constant 0 : i32
      %broadcast_in_dim3A_159 = vector.broadcast %broadcast_in_dim3A_158 : i32 to vector<16xi32>
      %broadcast_in_dim3A_160 = arith.constant 3.000000e+38 : f32
      %broadcast_in_dim3A_161 = vector.broadcast %broadcast_in_dim3A_160 : f32 to vector<16xf32>
      %scan3A_162 = arith.constant 0 : i32
      %mul3A_163 = arith.constant 64 : i32
      %mul3A_164 = arith.muli %scan3A_162, %mul3A_163 : i32
      %add3A_165 = arith.constant 21760 : i32
      %add3A_166 = arith.addi %add3A_165, %mul3A_164 : i32
      %add3A_167 = arith.constant 0 : i32
      %add3A_168 = arith.addi %add3A_166, %add3A_167 : i32
      %get3A = arith.index_cast %add3A_168 : i32 to index
      %get3A_169 = tpu.vector_load %arg14[%get3A] {strides = array<i32>} : memref<21824xf32, #tpu.memory_space<vmem>>, vector<16xf32>,
      %sub3A_170 = arith.subf %get3A_169, %mul3A_91 : vector<16xf32>
      %add3A_171 = arith.constant 0 : i32
      %add3A_172 = arith.addi %add3A_166, %add3A_171 : i32
      %get3A_173 = arith.index_cast %add3A_172 : i32 to index
      %get3A_174 = tpu.vector_load %arg15[%get3A_173] {strides = array<i32>} : memref<21824xf32, #tpu.memory_space<vmem>>, vector<16xf32>,
      %sub3A_175 = arith.subf %get3A_174, %mul3A_95 : vector<16xf32>
      %mul3A_176 = arith.mulf %sub3A_170, %sub3A_170 : vector<16xf32>
      %mul3A_177 = arith.mulf %sub3A_175, %sub3A_175 : vector<16xf32>
      %add3A_178 = arith.addf %mul3A_176, %mul3A_177 : vector<16xf32>
      %lt3A_179 = arith.cmpf olt, %add3A_178, %broadcast_in_dim3A_161 : vector<16xf32>
      %add3A_180 = arith.constant 16 : i32
      %add3A_181 = arith.addi %add3A_166, %add3A_180 : i32
      %get3A_182 = arith.index_cast %add3A_181 : i32 to index
      %get3A_183 = tpu.vector_load %arg14[%get3A_182] {strides = array<i32>} : memref<21824xf32, #tpu.memory_space<vmem>>, vector<16xf32>,
      %sub3A_184 = arith.subf %get3A_183, %mul3A_91 : vector<16xf32>
      %add3A_185 = arith.constant 16 : i32
      %add3A_186 = arith.addi %add3A_166, %add3A_185 : i32
      %get3A_187 = arith.index_cast %add3A_186 : i32 to index
      %get3A_188 = tpu.vector_load %arg15[%get3A_187] {strides = array<i32>} : memref<21824xf32, #tpu.memory_space<vmem>>, vector<16xf32>,
      %sub3A_189 = arith.subf %get3A_188, %mul3A_95 : vector<16xf32>
      %mul3A_190 = arith.mulf %sub3A_184, %sub3A_184 : vector<16xf32>
      %mul3A_191 = arith.mulf %sub3A_189, %sub3A_189 : vector<16xf32>
      %add3A_192 = arith.addf %mul3A_190, %mul3A_191 : vector<16xf32>
      %lt3A_193 = arith.cmpf olt, %add3A_192, %broadcast_in_dim3A_161 : vector<16xf32>
      %or3A = arith.ori %lt3A_179, %lt3A_193 : vector<16xi1>
      %add3A_194 = arith.constant 32 : i32
      %add3A_195 = arith.addi %add3A_166, %add3A_194 : i32
      %get3A_196 = arith.index_cast %add3A_195 : i32 to index
      %get3A_197 = tpu.vector_load %arg14[%get3A_196] {strides = array<i32>} : memref<21824xf32, #tpu.memory_space<vmem>>, vector<16xf32>,
      %sub3A_198 = arith.subf %get3A_197, %mul3A_91 : vector<16xf32>
      %add3A_199 = arith.constant 32 : i32
      %add3A_200 = arith.addi %add3A_166, %add3A_199 : i32
      %get3A_201 = arith.index_cast %add3A_200 : i32 to index
      %get3A_202 = tpu.vector_load %arg15[%get3A_201] {strides = array<i32>} : memref<21824xf32, #tpu.memory_space<vmem>>, vector<16xf32>,
      %sub3A_203 = arith.subf %get3A_202, %mul3A_95 : vector<16xf32>
      %mul3A_204 = arith.mulf %sub3A_198, %sub3A_198 : vector<16xf32>
      %mul3A_205 = arith.mulf %sub3A_203, %sub3A_203 : vector<16xf32>
      %add3A_206 = arith.addf %mul3A_204, %mul3A_205 : vector<16xf32>
      %lt3A_207 = arith.cmpf olt, %add3A_206, %broadcast_in_dim3A_161 : vector<16xf32>
      %or3A_208 = arith.ori %or3A, %lt3A_207 : vector<16xi1>
      %add3A_209 = arith.constant 48 : i32
      %add3A_210 = arith.addi %add3A_166, %add3A_209 : i32
      %get3A_211 = arith.index_cast %add3A_210 : i32 to index
      %get3A_212 = tpu.vector_load %arg14[%get3A_211] {strides = array<i32>} : memref<21824xf32, #tpu.memory_space<vmem>>, vector<16xf32>,
      %sub3A_213 = arith.subf %get3A_212, %mul3A_91 : vector<16xf32>
      %add3A_214 = arith.constant 48 : i32
      %add3A_215 = arith.addi %add3A_166, %add3A_214 : i32
      %get3A_216 = arith.index_cast %add3A_215 : i32 to index
      %get3A_217 = tpu.vector_load %arg15[%get3A_216] {strides = array<i32>} : memref<21824xf32, #tpu.memory_space<vmem>>, vector<16xf32>,
      %sub3A_218 = arith.subf %get3A_217, %mul3A_95 : vector<16xf32>
      %mul3A_219 = arith.mulf %sub3A_213, %sub3A_213 : vector<16xf32>
      %mul3A_220 = arith.mulf %sub3A_218, %sub3A_218 : vector<16xf32>
      %add3A_221 = arith.addf %mul3A_219, %mul3A_220 : vector<16xf32>
      %lt3A_222 = arith.cmpf olt, %add3A_221, %broadcast_in_dim3A_161 : vector<16xf32>
      %or3A_223 = arith.ori %or3A_208, %lt3A_222 : vector<16xi1>
      %all_reduce_population_count3A = tpu.all_reduce %or3A_223 {dim = 0 : i64, kind = #tpu.reduction_kind<sum>} : vector<16xi1> -> vector<16xi32>
      %slice3A = vector.extract_strided_slice %all_reduce_population_count3A {offsets = [0], sizes = [1], strides = [1]} : vector<16xi32> to vector<1xi32>
      %squeeze3A = vector.extract %slice3A[0] : i32 from vector<1xi32>
      %gt3A = arith.constant 0 : i32
      %gt3A_224 = arith.cmpi sgt, %squeeze3A, %gt3A : i32
      %convert_element_type3A = arith.extui %gt3A_224 : i1 to i32
      %cond3A = arith.constant 0 : i32
      %cond3A_225 = arith.constant 0 : i32
      %cond3A_226 = arith.cmpi ne, %convert_element_type3A, %cond3A_225 : i32
      %cond3A_227:3 = scf.if %cond3A_226 -> (vector<16xf32>, vector<16xi32>, vector<16xf32>) {
        %add3A_924 = arith.constant 0 : i32
        %add3A_925 = arith.addi %add3A_166, %add3A_924 : i32
        %add3A_926 = vector.broadcast %add3A_925 : i32 to vector<16xi32>
        %add3A_927 = arith.addi %add3A_926, %iota3A_155 : vector<16xi32>
        %masked_sort3A = arith.constant dense<true> : vector<16xi1>
        %masked_sort3A_928, %masked_sort3A_929, %masked_sort3A_930 = tpu.sort %add3A_178, %add3A_927 masked %masked_sort3A : (vector<16xf32>, vector<16xi32>, vector<16xi1>) -> (vector<16xi1>, vector<16xf32>, vector<16xi32>)
        %rev3A = arith.constant 15 : i32
        %rev3A_931 = vector.broadcast %rev3A : i32 to vector<16xi32>
        %rev3A_932 = tpu.iota {dimensions = array<i32: 0>} : vector<16xi32>
        %rev3A_933 = arith.subi %rev3A_931, %rev3A_932 : vector<16xi32>
        %rev3A_934 = tpu.dynamic_gather %masked_sort3A_929[%rev3A_933] in [0] : vector<16xf32>, vector<16xi32> -> vector<16xf32>
        %rev3A_935 = arith.constant 15 : i32
        %rev3A_936 = vector.broadcast %rev3A_935 : i32 to vector<16xi32>
        %rev3A_937 = tpu.iota {dimensions = array<i32: 0>} : vector<16xi32>
        %rev3A_938 = arith.subi %rev3A_936, %rev3A_937 : vector<16xi32>
        %rev3A_939 = tpu.dynamic_gather %masked_sort3A_930[%rev3A_938] in [0] : vector<16xi32>, vector<16xi32> -> vector<16xi32>
        %le3A = arith.cmpf ole, %broadcast_in_dim3A_157, %rev3A_934 : vector<16xf32>
        %select_n3A_940 = arith.select %le3A, %broadcast_in_dim3A_157, %rev3A_934 : vector<16xi1>, vector<16xf32>
        %select_n3A_941 = arith.select %le3A, %broadcast_in_dim3A_159, %rev3A_939 : vector<16xi1>, vector<16xi32>
        %masked_sort3A_942 = arith.constant dense<true> : vector<16xi1>
        %masked_sort3A_943, %masked_sort3A_944, %masked_sort3A_945 = tpu.sort %select_n3A_940, %select_n3A_941 masked %masked_sort3A_942 : (vector<16xf32>, vector<16xi32>, vector<16xi1>) -> (vector<16xi1>, vector<16xf32>, vector<16xi32>)
        %add3A_946 = arith.constant 16 : i32
        %add3A_947 = arith.addi %add3A_166, %add3A_946 : i32
        %add3A_948 = vector.broadcast %add3A_947 : i32 to vector<16xi32>
        %add3A_949 = arith.addi %add3A_948, %iota3A_155 : vector<16xi32>
        %masked_sort3A_950 = arith.constant dense<true> : vector<16xi1>
        %masked_sort3A_951, %masked_sort3A_952, %masked_sort3A_953 = tpu.sort %add3A_192, %add3A_949 masked %masked_sort3A_950 : (vector<16xf32>, vector<16xi32>, vector<16xi1>) -> (vector<16xi1>, vector<16xf32>, vector<16xi32>)
        %rev3A_954 = arith.constant 15 : i32
        %rev3A_955 = vector.broadcast %rev3A_954 : i32 to vector<16xi32>
        %rev3A_956 = tpu.iota {dimensions = array<i32: 0>} : vector<16xi32>
        %rev3A_957 = arith.subi %rev3A_955, %rev3A_956 : vector<16xi32>
        %rev3A_958 = tpu.dynamic_gather %masked_sort3A_952[%rev3A_957] in [0] : vector<16xf32>, vector<16xi32> -> vector<16xf32>
        %rev3A_959 = arith.constant 15 : i32
        %rev3A_960 = vector.broadcast %rev3A_959 : i32 to vector<16xi32>
        %rev3A_961 = tpu.iota {dimensions = array<i32: 0>} : vector<16xi32>
        %rev3A_962 = arith.subi %rev3A_960, %rev3A_961 : vector<16xi32>
        %rev3A_963 = tpu.dynamic_gather %masked_sort3A_953[%rev3A_962] in [0] : vector<16xi32>, vector<16xi32> -> vector<16xi32>
        %le3A_964 = arith.cmpf ole, %masked_sort3A_944, %rev3A_958 : vector<16xf32>
        %select_n3A_965 = arith.select %le3A_964, %masked_sort3A_944, %rev3A_958 : vector<16xi1>, vector<16xf32>
        %select_n3A_966 = arith.select %le3A_964, %masked_sort3A_945, %rev3A_963 : vector<16xi1>, vector<16xi32>
        %masked_sort3A_967 = arith.constant dense<true> : vector<16xi1>
        %masked_sort3A_968, %masked_sort3A_969, %masked_sort3A_970 = tpu.sort %select_n3A_965, %select_n3A_966 masked %masked_sort3A_967 : (vector<16xf32>, vector<16xi32>, vector<16xi1>) -> (vector<16xi1>, vector<16xf32>, vector<16xi32>)
        %add3A_971 = arith.constant 32 : i32
        %add3A_972 = arith.addi %add3A_166, %add3A_971 : i32
        %add3A_973 = vector.broadcast %add3A_972 : i32 to vector<16xi32>
        %add3A_974 = arith.addi %add3A_973, %iota3A_155 : vector<16xi32>
        %masked_sort3A_975 = arith.constant dense<true> : vector<16xi1>
        %masked_sort3A_976, %masked_sort3A_977, %masked_sort3A_978 = tpu.sort %add3A_206, %add3A_974 masked %masked_sort3A_975 : (vector<16xf32>, vector<16xi32>, vector<16xi1>) -> (vector<16xi1>, vector<16xf32>, vector<16xi32>)
        %rev3A_979 = arith.constant 15 : i32
        %rev3A_980 = vector.broadcast %rev3A_979 : i32 to vector<16xi32>
        %rev3A_981 = tpu.iota {dimensions = array<i32: 0>} : vector<16xi32>
        %rev3A_982 = arith.subi %rev3A_980, %rev3A_981 : vector<16xi32>
        %rev3A_983 = tpu.dynamic_gather %masked_sort3A_977[%rev3A_982] in [0] : vector<16xf32>, vector<16xi32> -> vector<16xf32>
        %rev3A_984 = arith.constant 15 : i32
        %rev3A_985 = vector.broadcast %rev3A_984 : i32 to vector<16xi32>
        %rev3A_986 = tpu.iota {dimensions = array<i32: 0>} : vector<16xi32>
        %rev3A_987 = arith.subi %rev3A_985, %rev3A_986 : vector<16xi32>
        %rev3A_988 = tpu.dynamic_gather %masked_sort3A_978[%rev3A_987] in [0] : vector<16xi32>, vector<16xi32> -> vector<16xi32>
        %le3A_989 = arith.cmpf ole, %masked_sort3A_969, %rev3A_983 : vector<16xf32>
        %select_n3A_990 = arith.select %le3A_989, %masked_sort3A_969, %rev3A_983 : vector<16xi1>, vector<16xf32>
        %select_n3A_991 = arith.select %le3A_989, %masked_sort3A_970, %rev3A_988 : vector<16xi1>, vector<16xi32>
        %masked_sort3A_992 = arith.constant dense<true> : vector<16xi1>
        %masked_sort3A_993, %masked_sort3A_994, %masked_sort3A_995 = tpu.sort %select_n3A_990, %select_n3A_991 masked %masked_sort3A_992 : (vector<16xf32>, vector<16xi32>, vector<16xi1>) -> (vector<16xi1>, vector<16xf32>, vector<16xi32>)
        %add3A_996 = arith.constant 48 : i32
        %add3A_997 = arith.addi %add3A_166, %add3A_996 : i32
        %add3A_998 = vector.broadcast %add3A_997 : i32 to vector<16xi32>
        %add3A_999 = arith.addi %add3A_998, %iota3A_155 : vector<16xi32>
        %masked_sort3A_1000 = arith.constant dense<true> : vector<16xi1>
        %masked_sort3A_1001, %masked_sort3A_1002, %masked_sort3A_1003 = tpu.sort %add3A_221, %add3A_999 masked %masked_sort3A_1000 : (vector<16xf32>, vector<16xi32>, vector<16xi1>) -> (vector<16xi1>, vector<16xf32>, vector<16xi32>)
        %rev3A_1004 = arith.constant 15 : i32
        %rev3A_1005 = vector.broadcast %rev3A_1004 : i32 to vector<16xi32>
        %rev3A_1006 = tpu.iota {dimensions = array<i32: 0>} : vector<16xi32>
        %rev3A_1007 = arith.subi %rev3A_1005, %rev3A_1006 : vector<16xi32>
        %rev3A_1008 = tpu.dynamic_gather %masked_sort3A_1002[%rev3A_1007] in [0] : vector<16xf32>, vector<16xi32> -> vector<16xf32>
        %rev3A_1009 = arith.constant 15 : i32
        %rev3A_1010 = vector.broadcast %rev3A_1009 : i32 to vector<16xi32>
        %rev3A_1011 = tpu.iota {dimensions = array<i32: 0>} : vector<16xi32>
        %rev3A_1012 = arith.subi %rev3A_1010, %rev3A_1011 : vector<16xi32>
        %rev3A_1013 = tpu.dynamic_gather %masked_sort3A_1003[%rev3A_1012] in [0] : vector<16xi32>, vector<16xi32> -> vector<16xi32>
        %le3A_1014 = arith.cmpf ole, %masked_sort3A_994, %rev3A_1008 : vector<16xf32>
        %select_n3A_1015 = arith.select %le3A_1014, %masked_sort3A_994, %rev3A_1008 : vector<16xi1>, vector<16xf32>
        %select_n3A_1016 = arith.select %le3A_1014, %masked_sort3A_995, %rev3A_1013 : vector<16xi1>, vector<16xi32>
        %masked_sort3A_1017 = arith.constant dense<true> : vector<16xi1>
        %masked_sort3A_1018, %masked_sort3A_1019, %masked_sort3A_1020 = tpu.sort %select_n3A_1015, %select_n3A_1016 masked %masked_sort3A_1017 : (vector<16xf32>, vector<16xi32>, vector<16xi1>) -> (vector<16xi1>, vector<16xf32>, vector<16xi32>)
        %swap3A_1021 = arith.constant 0 : index
        %swap3A_1022 = tpu.vector_load %arg31[%swap3A_1021] {strides = array<i32>} : memref<16xf32, #tpu.memory_space<vmem>>, vector<16xf32>,
        tpu.vector_store %arg31[%swap3A_1021], %masked_sort3A_1019 {strides = array<i32>} : memref<16xf32, #tpu.memory_space<vmem>>, vector<16xf32>,
        %broadcast_in_dim3A_1023 = arith.constant 8 : i32
        %broadcast_in_dim3A_1024 = vector.broadcast %broadcast_in_dim3A_1023 : i32 to vector<16xi32>
        %gather3A_1025 = tpu.vector_load_idx %arg31[%broadcast_in_dim3A_1024] : memref<16xf32, #tpu.memory_space<vmem>>[vector<16xi32>], vector<16xf32>,
        scf.yield %masked_sort3A_1019, %masked_sort3A_1020, %gather3A_1025 : vector<16xf32>, vector<16xi32>, vector<16xf32>
      } else {
        scf.yield %broadcast_in_dim3A_157, %broadcast_in_dim3A_159, %broadcast_in_dim3A_161 : vector<16xf32>, vector<16xi32>, vector<16xf32>
      }
      %scan3A_228 = arith.constant 1 : i32
      %swap3A_229 = arith.constant 64 : index
      %swap3A_230 = tpu.vector_load %arg21[%swap3A_229] {strides = array<i32>} : memref<80xi32, #tpu.memory_space<vmem>>, vector<16xi32>,
      tpu.vector_store %arg21[%swap3A_229], %cond3A_227#1 {strides = array<i32>} : memref<80xi32, #tpu.memory_space<vmem>>, vector<16xi32>,
      %dma_start3A = arith.constant 0 : i32
      %dma_start3A_231 = tpu.memref_slice %arg2[%dma_start3A] : memref<21824xf32, #tpu.memory_space<hbm>> -> memref<21824xf32, #tpu.memory_space<hbm>>
      tpu.enqueue_indirect_dma source(%dma_start3A_231 : memref<21824xf32, #tpu.memory_space<hbm>>) target(%arg23 : memref<80xf32, #tpu.memory_space<vmem>>) offsets(%arg21 : memref<80xi32, #tpu.memory_space<vmem>>) semaphore(%arg32 : memref<!tpu.dma_semaphore, #tpu.memory_space<semaphore_mem>>)
      %dma_start3A_232 = arith.constant 0 : i32
      %dma_start3A_233 = tpu.memref_slice %arg3[%dma_start3A_232] : memref<21824xf32, #tpu.memory_space<hbm>> -> memref<21824xf32, #tpu.memory_space<hbm>>
      tpu.enqueue_indirect_dma source(%dma_start3A_233 : memref<21824xf32, #tpu.memory_space<hbm>>) target(%arg24 : memref<80xf32, #tpu.memory_space<vmem>>) offsets(%arg21 : memref<80xi32, #tpu.memory_space<vmem>>) semaphore(%arg32 : memref<!tpu.dma_semaphore, #tpu.memory_space<semaphore_mem>>)
      %dma_start3A_234 = arith.constant 0 : i32
      %dma_start3A_235 = tpu.memref_slice %arg4[%dma_start3A_234] : memref<21824xf32, #tpu.memory_space<hbm>> -> memref<21824xf32, #tpu.memory_space<hbm>>
      tpu.enqueue_indirect_dma source(%dma_start3A_235 : memref<21824xf32, #tpu.memory_space<hbm>>) target(%arg25 : memref<80xf32, #tpu.memory_space<vmem>>) offsets(%arg21 : memref<80xi32, #tpu.memory_space<vmem>>) semaphore(%arg32 : memref<!tpu.dma_semaphore, #tpu.memory_space<semaphore_mem>>)
      %dma_start3A_236 = arith.constant 0 : i32
      %dma_start3A_237 = tpu.memref_slice %arg5[%dma_start3A_236] : memref<21824xf32, #tpu.memory_space<hbm>> -> memref<21824xf32, #tpu.memory_space<hbm>>
      tpu.enqueue_indirect_dma source(%dma_start3A_237 : memref<21824xf32, #tpu.memory_space<hbm>>) target(%arg26 : memref<80xf32, #tpu.memory_space<vmem>>) offsets(%arg21 : memref<80xi32, #tpu.memory_space<vmem>>) semaphore(%arg32 : memref<!tpu.dma_semaphore, #tpu.memory_space<semaphore_mem>>)
      %dma_wait3A = arith.constant 0 : i32
      %dma_wait3A_238 = tpu.memref_slice %arg2[%dma_wait3A] : memref<21824xf32, #tpu.memory_space<hbm>> -> memref<21824xf32, #tpu.memory_space<hbm>>
      tpu.wait_indirect_dma semaphore(%arg32 : memref<!tpu.dma_semaphore, #tpu.memory_space<semaphore_mem>>) src(%dma_wait3A_238 : memref<21824xf32, #tpu.memory_space<hbm>>) dst(%arg23 : memref<80xf32, #tpu.memory_space<vmem>>)
      %dma_wait3A_239 = arith.constant 0 : i32
      %dma_wait3A_240 = tpu.memref_slice %arg3[%dma_wait3A_239] : memref<21824xf32, #tpu.memory_space<hbm>> -> memref<21824xf32, #tpu.memory_space<hbm>>
      tpu.wait_indirect_dma semaphore(%arg32 : memref<!tpu.dma_semaphore, #tpu.memory_space<semaphore_mem>>) src(%dma_wait3A_240 : memref<21824xf32, #tpu.memory_space<hbm>>) dst(%arg24 : memref<80xf32, #tpu.memory_space<vmem>>)
      %dma_wait3A_241 = arith.constant 0 : i32
      %dma_wait3A_242 = tpu.memref_slice %arg4[%dma_wait3A_241] : memref<21824xf32, #tpu.memory_space<hbm>> -> memref<21824xf32, #tpu.memory_space<hbm>>
      tpu.wait_indirect_dma semaphore(%arg32 : memref<!tpu.dma_semaphore, #tpu.memory_space<semaphore_mem>>) src(%dma_wait3A_242 : memref<21824xf32, #tpu.memory_space<hbm>>) dst(%arg25 : memref<80xf32, #tpu.memory_space<vmem>>)
      %dma_wait3A_243 = arith.constant 0 : i32
      %dma_wait3A_244 = tpu.memref_slice %arg5[%dma_wait3A_243] : memref<21824xf32, #tpu.memory_space<hbm>> -> memref<21824xf32, #tpu.memory_space<hbm>>
      tpu.wait_indirect_dma semaphore(%arg32 : memref<!tpu.dma_semaphore, #tpu.memory_space<semaphore_mem>>) src(%dma_wait3A_244 : memref<21824xf32, #tpu.memory_space<hbm>>) dst(%arg26 : memref<80xf32, #tpu.memory_space<vmem>>)
      %broadcast_in_dim3A_245 = arith.constant 0.000000e+00 : f32
      %broadcast_in_dim3A_246 = vector.broadcast %broadcast_in_dim3A_245 : f32 to vector<16xf32>
      %get3A_247 = arith.constant 0 : index
      %get3A_248 = tpu.vector_load %arg23[%get3A_247] {strides = array<i32>} : memref<80xf32, #tpu.memory_space<vmem>>, vector<16xf32>,
      %get3A_249 = arith.constant 0 : index
      %get3A_250 = tpu.vector_load %arg24[%get3A_249] {strides = array<i32>} : memref<80xf32, #tpu.memory_space<vmem>>, vector<16xf32>,
      %get3A_251 = arith.constant 0 : index
      %get3A_252 = tpu.vector_load %arg25[%get3A_251] {strides = array<i32>} : memref<80xf32, #tpu.memory_space<vmem>>, vector<16xf32>,
      %get3A_253 = arith.constant 0 : index
      %get3A_254 = tpu.vector_load %arg26[%get3A_253] {strides = array<i32>} : memref<80xf32, #tpu.memory_space<vmem>>, vector<16xf32>,
      %min3A = arith.minimumf %get3A_252, %gather3A_85 : vector<16xf32>
      %max3A = arith.maximumf %get3A_248, %gather3A : vector<16xf32>
      %sub3A_255 = arith.subf %min3A, %max3A : vector<16xf32>
      %max3A_256 = arith.constant 0.000000e+00 : f32
      %max3A_257 = vector.broadcast %max3A_256 : f32 to vector<16xf32>
      %max3A_258 = arith.maximumf %sub3A_255, %max3A_257 : vector<16xf32>
      %min3A_259 = arith.minimumf %get3A_254, %gather3A_87 : vector<16xf32>
      %max3A_260 = arith.maximumf %get3A_250, %gather3A_83 : vector<16xf32>
      %sub3A_261 = arith.subf %min3A_259, %max3A_260 : vector<16xf32>
      %max3A_262 = arith.constant 0.000000e+00 : f32
      %max3A_263 = vector.broadcast %max3A_262 : f32 to vector<16xf32>
      %max3A_264 = arith.maximumf %sub3A_261, %max3A_263 : vector<16xf32>
      %mul3A_265 = arith.mulf %max3A_258, %max3A_264 : vector<16xf32>
      %sub3A_266 = arith.subf %get3A_252, %get3A_248 : vector<16xf32>
      %sub3A_267 = arith.subf %get3A_254, %get3A_250 : vector<16xf32>
      %mul3A_268 = arith.mulf %sub3A_266, %sub3A_267 : vector<16xf32>
      %sub3A_269 = arith.subf %gather3A_85, %gather3A : vector<16xf32>
      %sub3A_270 = arith.subf %gather3A_87, %gather3A_83 : vector<16xf32>
      %mul3A_271 = arith.mulf %sub3A_269, %sub3A_270 : vector<16xf32>
      %add3A_272 = arith.addf %mul3A_268, %mul3A_271 : vector<16xf32>
      %sub3A_273 = arith.subf %add3A_272, %mul3A_265 : vector<16xf32>
      %max3A_274 = arith.constant 9.99999997E-7 : f32
      %max3A_275 = vector.broadcast %max3A_274 : f32 to vector<16xf32>
      %max3A_276 = arith.maximumf %sub3A_273, %max3A_275 : vector<16xf32>
      %div3A_277 = arith.divf %mul3A_265, %max3A_276 : vector<16xf32>
      %add3A_278 = arith.addf %get3A_248, %get3A_252 : vector<16xf32>
      %mul3A_279 = arith.constant 5.000000e-01 : f32
      %mul3A_280 = vector.broadcast %mul3A_279 : f32 to vector<16xf32>
      %mul3A_281 = arith.mulf %add3A_278, %mul3A_280 : vector<16xf32>
      %add3A_282 = arith.addf %get3A_250, %get3A_254 : vector<16xf32>
      %mul3A_283 = arith.constant 5.000000e-01 : f32
      %mul3A_284 = vector.broadcast %mul3A_283 : f32 to vector<16xf32>
      %mul3A_285 = arith.mulf %add3A_282, %mul3A_284 : vector<16xf32>
      %sub3A_286 = arith.subf %mul3A_281, %gather3A : vector<16xf32>
      %sub3A_287 = arith.subf %mul3A_285, %gather3A_83 : vector<16xf32>
      %min3A_288 = arith.minimumf %sub3A_286, %sub3A_287 : vector<16xf32>
      %sub3A_289 = arith.subf %gather3A_85, %mul3A_281 : vector<16xf32>
      %sub3A_290 = arith.subf %gather3A_87, %mul3A_285 : vector<16xf32>
      %min3A_291 = arith.minimumf %sub3A_289, %sub3A_290 : vector<16xf32>
      %min3A_292 = arith.minimumf %min3A_288, %min3A_291 : vector<16xf32>
      %jit3A_293 = arith.constant 0.000000e+00 : f32
      %broadcast_in_dim3A_294 = vector.broadcast %jit3A_293 : f32 to vector<16xf32>
      %select_n3A_295 = arith.select %lt3A_1, %div3A_277, %broadcast_in_dim3A_294 : vector<16xi1>, vector<16xf32>
      %iota3A_296 = tpu.iota {dimensions = array<i32: 0>} : vector<16xi32>
      %swap3A_297 = arith.constant 0 : index
      %swap3A_298 = tpu.vector_load %arg31[%swap3A_297] {strides = array<i32>} : memref<16xf32, #tpu.memory_space<vmem>>, vector<16xf32>,
      tpu.vector_store %arg31[%swap3A_297], %select_n3A_295 {strides = array<i32>} : memref<16xf32, #tpu.memory_space<vmem>>, vector<16xf32>,
      %xor3A = arith.constant 8 : i32
      %xor3A_299 = vector.broadcast %xor3A : i32 to vector<16xi32>
      %xor3A_300 = arith.xori %iota3A_296, %xor3A_299 : vector<16xi32>
      %gather3A_301 = tpu.vector_load_idx %arg31[%xor3A_300] : memref<16xf32, #tpu.memory_space<vmem>>[vector<16xi32>], vector<16xf32>,
      %add3A_302 = arith.addf %select_n3A_295, %gather3A_301 : vector<16xf32>
      %swap3A_303 = arith.constant 0 : index
      %swap3A_304 = tpu.vector_load %arg31[%swap3A_303] {strides = array<i32>} : memref<16xf32, #tpu.memory_space<vmem>>, vector<16xf32>,
      tpu.vector_store %arg31[%swap3A_303], %add3A_302 {strides = array<i32>} : memref<16xf32, #tpu.memory_space<vmem>>, vector<16xf32>,
      %xor3A_305 = arith.constant 4 : i32
      %xor3A_306 = vector.broadcast %xor3A_305 : i32 to vector<16xi32>
      %xor3A_307 = arith.xori %iota3A_296, %xor3A_306 : vector<16xi32>
      %gather3A_308 = tpu.vector_load_idx %arg31[%xor3A_307] : memref<16xf32, #tpu.memory_space<vmem>>[vector<16xi32>], vector<16xf32>,
      %add3A_309 = arith.addf %add3A_302, %gather3A_308 : vector<16xf32>
      %swap3A_310 = arith.constant 0 : index
      %swap3A_311 = tpu.vector_load %arg31[%swap3A_310] {strides = array<i32>} : memref<16xf32, #tpu.memory_space<vmem>>, vector<16xf32>,
      tpu.vector_store %arg31[%swap3A_310], %add3A_309 {strides = array<i32>} : memref<16xf32, #tpu.memory_space<vmem>>, vector<16xf32>,
      %xor3A_312 = arith.constant 2 : i32
      %xor3A_313 = vector.broadcast %xor3A_312 : i32 to vector<16xi32>
      %xor3A_314 = arith.xori %iota3A_296, %xor3A_313 : vector<16xi32>
      %gather3A_315 = tpu.vector_load_idx %arg31[%xor3A_314] : memref<16xf32, #tpu.memory_space<vmem>>[vector<16xi32>], vector<16xf32>,
      %add3A_316 = arith.addf %add3A_309, %gather3A_315 : vector<16xf32>
      %swap3A_317 = arith.constant 0 : index
      %swap3A_318 = tpu.vector_load %arg31[%swap3A_317] {strides = array<i32>} : memref<16xf32, #tpu.memory_space<vmem>>, vector<16xf32>,
      tpu.vector_store %arg31[%swap3A_317], %add3A_316 {strides = array<i32>} : memref<16xf32, #tpu.memory_space<vmem>>, vector<16xf32>,
      %xor3A_319 = arith.constant 1 : i32
      %xor3A_320 = vector.broadcast %xor3A_319 : i32 to vector<16xi32>
      %xor3A_321 = arith.xori %iota3A_296, %xor3A_320 : vector<16xi32>
      %gather3A_322 = tpu.vector_load_idx %arg31[%xor3A_321] : memref<16xf32, #tpu.memory_space<vmem>>[vector<16xi32>], vector<16xf32>,
      %add3A_323 = arith.addf %add3A_316, %gather3A_322 : vector<16xf32>
      %add3A_324 = arith.addf %broadcast_in_dim3A_246, %add3A_323 : vector<16xf32>
      %get3A_325 = arith.constant 16 : index
      %get3A_326 = tpu.vector_load %arg23[%get3A_325] {strides = array<i32>} : memref<80xf32, #tpu.memory_space<vmem>>, vector<16xf32>,
      %get3A_327 = arith.constant 16 : index
      %get3A_328 = tpu.vector_load %arg24[%get3A_327] {strides = array<i32>} : memref<80xf32, #tpu.memory_space<vmem>>, vector<16xf32>,
      %get3A_329 = arith.constant 16 : index
      %get3A_330 = tpu.vector_load %arg25[%get3A_329] {strides = array<i32>} : memref<80xf32, #tpu.memory_space<vmem>>, vector<16xf32>,
      %get3A_331 = arith.constant 16 : index
      %get3A_332 = tpu.vector_load %arg26[%get3A_331] {strides = array<i32>} : memref<80xf32, #tpu.memory_space<vmem>>, vector<16xf32>,
      %min3A_333 = arith.minimumf %get3A_330, %gather3A_85 : vector<16xf32>
      %max3A_334 = arith.maximumf %get3A_326, %gather3A : vector<16xf32>
      %sub3A_335 = arith.subf %min3A_333, %max3A_334 : vector<16xf32>
      %max3A_336 = arith.constant 0.000000e+00 : f32
      %max3A_337 = vector.broadcast %max3A_336 : f32 to vector<16xf32>
      %max3A_338 = arith.maximumf %sub3A_335, %max3A_337 : vector<16xf32>
      %min3A_339 = arith.minimumf %get3A_332, %gather3A_87 : vector<16xf32>
      %max3A_340 = arith.maximumf %get3A_328, %gather3A_83 : vector<16xf32>
      %sub3A_341 = arith.subf %min3A_339, %max3A_340 : vector<16xf32>
      %max3A_342 = arith.constant 0.000000e+00 : f32
      %max3A_343 = vector.broadcast %max3A_342 : f32 to vector<16xf32>
      %max3A_344 = arith.maximumf %sub3A_341, %max3A_343 : vector<16xf32>
      %mul3A_345 = arith.mulf %max3A_338, %max3A_344 : vector<16xf32>
      %sub3A_346 = arith.subf %get3A_330, %get3A_326 : vector<16xf32>
      %sub3A_347 = arith.subf %get3A_332, %get3A_328 : vector<16xf32>
      %mul3A_348 = arith.mulf %sub3A_346, %sub3A_347 : vector<16xf32>
      %sub3A_349 = arith.subf %gather3A_85, %gather3A : vector<16xf32>
      %sub3A_350 = arith.subf %gather3A_87, %gather3A_83 : vector<16xf32>
      %mul3A_351 = arith.mulf %sub3A_349, %sub3A_350 : vector<16xf32>
      %add3A_352 = arith.addf %mul3A_348, %mul3A_351 : vector<16xf32>
      %sub3A_353 = arith.subf %add3A_352, %mul3A_345 : vector<16xf32>
      %max3A_354 = arith.constant 9.99999997E-7 : f32
      %max3A_355 = vector.broadcast %max3A_354 : f32 to vector<16xf32>
      %max3A_356 = arith.maximumf %sub3A_353, %max3A_355 : vector<16xf32>
      %div3A_357 = arith.divf %mul3A_345, %max3A_356 : vector<16xf32>
      %add3A_358 = arith.addf %get3A_326, %get3A_330 : vector<16xf32>
      %mul3A_359 = arith.constant 5.000000e-01 : f32
      %mul3A_360 = vector.broadcast %mul3A_359 : f32 to vector<16xf32>
      %mul3A_361 = arith.mulf %add3A_358, %mul3A_360 : vector<16xf32>
      %add3A_362 = arith.addf %get3A_328, %get3A_332 : vector<16xf32>
      %mul3A_363 = arith.constant 5.000000e-01 : f32
      %mul3A_364 = vector.broadcast %mul3A_363 : f32 to vector<16xf32>
      %mul3A_365 = arith.mulf %add3A_362, %mul3A_364 : vector<16xf32>
      %sub3A_366 = arith.subf %mul3A_361, %gather3A : vector<16xf32>
      %sub3A_367 = arith.subf %mul3A_365, %gather3A_83 : vector<16xf32>
      %min3A_368 = arith.minimumf %sub3A_366, %sub3A_367 : vector<16xf32>
      %sub3A_369 = arith.subf %gather3A_85, %mul3A_361 : vector<16xf32>
      %sub3A_370 = arith.subf %gather3A_87, %mul3A_365 : vector<16xf32>
      %min3A_371 = arith.minimumf %sub3A_369, %sub3A_370 : vector<16xf32>
      %min3A_372 = arith.minimumf %min3A_368, %min3A_371 : vector<16xf32>
      %jit3A_373 = arith.constant 0.000000e+00 : f32
      %broadcast_in_dim3A_374 = vector.broadcast %jit3A_373 : f32 to vector<16xf32>
      %select_n3A_375 = arith.select %lt3A_1, %div3A_357, %broadcast_in_dim3A_374 : vector<16xi1>, vector<16xf32>
      %iota3A_376 = tpu.iota {dimensions = array<i32: 0>} : vector<16xi32>
      %swap3A_377 = arith.constant 0 : index
      %swap3A_378 = tpu.vector_load %arg31[%swap3A_377] {strides = array<i32>} : memref<16xf32, #tpu.memory_space<vmem>>, vector<16xf32>,
      tpu.vector_store %arg31[%swap3A_377], %select_n3A_375 {strides = array<i32>} : memref<16xf32, #tpu.memory_space<vmem>>, vector<16xf32>,
      %xor3A_379 = arith.constant 8 : i32
      %xor3A_380 = vector.broadcast %xor3A_379 : i32 to vector<16xi32>
      %xor3A_381 = arith.xori %iota3A_376, %xor3A_380 : vector<16xi32>
      %gather3A_382 = tpu.vector_load_idx %arg31[%xor3A_381] : memref<16xf32, #tpu.memory_space<vmem>>[vector<16xi32>], vector<16xf32>,
      %add3A_383 = arith.addf %select_n3A_375, %gather3A_382 : vector<16xf32>
      %swap3A_384 = arith.constant 0 : index
      %swap3A_385 = tpu.vector_load %arg31[%swap3A_384] {strides = array<i32>} : memref<16xf32, #tpu.memory_space<vmem>>, vector<16xf32>,
      tpu.vector_store %arg31[%swap3A_384], %add3A_383 {strides = array<i32>} : memref<16xf32, #tpu.memory_space<vmem>>, vector<16xf32>,
      %xor3A_386 = arith.constant 4 : i32
      %xor3A_387 = vector.broadcast %xor3A_386 : i32 to vector<16xi32>
      %xor3A_388 = arith.xori %iota3A_376, %xor3A_387 : vector<16xi32>
      %gather3A_389 = tpu.vector_load_idx %arg31[%xor3A_388] : memref<16xf32, #tpu.memory_space<vmem>>[vector<16xi32>], vector<16xf32>,
      %add3A_390 = arith.addf %add3A_383, %gather3A_389 : vector<16xf32>
      %swap3A_391 = arith.constant 0 : index
      %swap3A_392 = tpu.vector_load %arg31[%swap3A_391] {strides = array<i32>} : memref<16xf32, #tpu.memory_space<vmem>>, vector<16xf32>,
      tpu.vector_store %arg31[%swap3A_391], %add3A_390 {strides = array<i32>} : memref<16xf32, #tpu.memory_space<vmem>>, vector<16xf32>,
      %xor3A_393 = arith.constant 2 : i32
      %xor3A_394 = vector.broadcast %xor3A_393 : i32 to vector<16xi32>
      %xor3A_395 = arith.xori %iota3A_376, %xor3A_394 : vector<16xi32>
      %gather3A_396 = tpu.vector_load_idx %arg31[%xor3A_395] : memref<16xf32, #tpu.memory_space<vmem>>[vector<16xi32>], vector<16xf32>,
      %add3A_397 = arith.addf %add3A_390, %gather3A_396 : vector<16xf32>
      %swap3A_398 = arith.constant 0 : index
      %swap3A_399 = tpu.vector_load %arg31[%swap3A_398] {strides = array<i32>} : memref<16xf32, #tpu.memory_space<vmem>>, vector<16xf32>,
      tpu.vector_store %arg31[%swap3A_398], %add3A_397 {strides = array<i32>} : memref<16xf32, #tpu.memory_space<vmem>>, vector<16xf32>,
      %xor3A_400 = arith.constant 1 : i32
      %xor3A_401 = vector.broadcast %xor3A_400 : i32 to vector<16xi32>
      %xor3A_402 = arith.xori %iota3A_376, %xor3A_401 : vector<16xi32>
      %gather3A_403 = tpu.vector_load_idx %arg31[%xor3A_402] : memref<16xf32, #tpu.memory_space<vmem>>[vector<16xi32>], vector<16xf32>,
      %add3A_404 = arith.addf %add3A_397, %gather3A_403 : vector<16xf32>
      %add3A_405 = arith.addf %add3A_324, %add3A_404 : vector<16xf32>
      %get3A_406 = arith.constant 32 : index
      %get3A_407 = tpu.vector_load %arg23[%get3A_406] {strides = array<i32>} : memref<80xf32, #tpu.memory_space<vmem>>, vector<16xf32>,
      %get3A_408 = arith.constant 32 : index
      %get3A_409 = tpu.vector_load %arg24[%get3A_408] {strides = array<i32>} : memref<80xf32, #tpu.memory_space<vmem>>, vector<16xf32>,
      %get3A_410 = arith.constant 32 : index
      %get3A_411 = tpu.vector_load %arg25[%get3A_410] {strides = array<i32>} : memref<80xf32, #tpu.memory_space<vmem>>, vector<16xf32>,
      %get3A_412 = arith.constant 32 : index
      %get3A_413 = tpu.vector_load %arg26[%get3A_412] {strides = array<i32>} : memref<80xf32, #tpu.memory_space<vmem>>, vector<16xf32>,
      %min3A_414 = arith.minimumf %get3A_411, %gather3A_85 : vector<16xf32>
      %max3A_415 = arith.maximumf %get3A_407, %gather3A : vector<16xf32>
      %sub3A_416 = arith.subf %min3A_414, %max3A_415 : vector<16xf32>
      %max3A_417 = arith.constant 0.000000e+00 : f32
      %max3A_418 = vector.broadcast %max3A_417 : f32 to vector<16xf32>
      %max3A_419 = arith.maximumf %sub3A_416, %max3A_418 : vector<16xf32>
      %min3A_420 = arith.minimumf %get3A_413, %gather3A_87 : vector<16xf32>
      %max3A_421 = arith.maximumf %get3A_409, %gather3A_83 : vector<16xf32>
      %sub3A_422 = arith.subf %min3A_420, %max3A_421 : vector<16xf32>
      %max3A_423 = arith.constant 0.000000e+00 : f32
      %max3A_424 = vector.broadcast %max3A_423 : f32 to vector<16xf32>
      %max3A_425 = arith.maximumf %sub3A_422, %max3A_424 : vector<16xf32>
      %mul3A_426 = arith.mulf %max3A_419, %max3A_425 : vector<16xf32>
      %sub3A_427 = arith.subf %get3A_411, %get3A_407 : vector<16xf32>
      %sub3A_428 = arith.subf %get3A_413, %get3A_409 : vector<16xf32>
      %mul3A_429 = arith.mulf %sub3A_427, %sub3A_428 : vector<16xf32>
      %sub3A_430 = arith.subf %gather3A_85, %gather3A : vector<16xf32>
      %sub3A_431 = arith.subf %gather3A_87, %gather3A_83 : vector<16xf32>
      %mul3A_432 = arith.mulf %sub3A_430, %sub3A_431 : vector<16xf32>
      %add3A_433 = arith.addf %mul3A_429, %mul3A_432 : vector<16xf32>
      %sub3A_434 = arith.subf %add3A_433, %mul3A_426 : vector<16xf32>
      %max3A_435 = arith.constant 9.99999997E-7 : f32
      %max3A_436 = vector.broadcast %max3A_435 : f32 to vector<16xf32>
      %max3A_437 = arith.maximumf %sub3A_434, %max3A_436 : vector<16xf32>
      %div3A_438 = arith.divf %mul3A_426, %max3A_437 : vector<16xf32>
      %add3A_439 = arith.addf %get3A_407, %get3A_411 : vector<16xf32>
      %mul3A_440 = arith.constant 5.000000e-01 : f32
      %mul3A_441 = vector.broadcast %mul3A_440 : f32 to vector<16xf32>
      %mul3A_442 = arith.mulf %add3A_439, %mul3A_441 : vector<16xf32>
      %add3A_443 = arith.addf %get3A_409, %get3A_413 : vector<16xf32>
      %mul3A_444 = arith.constant 5.000000e-01 : f32
      %mul3A_445 = vector.broadcast %mul3A_444 : f32 to vector<16xf32>
      %mul3A_446 = arith.mulf %add3A_443, %mul3A_445 : vector<16xf32>
      %sub3A_447 = arith.subf %mul3A_442, %gather3A : vector<16xf32>
      %sub3A_448 = arith.subf %mul3A_446, %gather3A_83 : vector<16xf32>
      %min3A_449 = arith.minimumf %sub3A_447, %sub3A_448 : vector<16xf32>
      %sub3A_450 = arith.subf %gather3A_85, %mul3A_442 : vector<16xf32>
      %sub3A_451 = arith.subf %gather3A_87, %mul3A_446 : vector<16xf32>
      %min3A_452 = arith.minimumf %sub3A_450, %sub3A_451 : vector<16xf32>
      %min3A_453 = arith.minimumf %min3A_449, %min3A_452 : vector<16xf32>
      %jit3A_454 = arith.constant 0.000000e+00 : f32
      %broadcast_in_dim3A_455 = vector.broadcast %jit3A_454 : f32 to vector<16xf32>
      %select_n3A_456 = arith.select %lt3A_1, %div3A_438, %broadcast_in_dim3A_455 : vector<16xi1>, vector<16xf32>
      %iota3A_457 = tpu.iota {dimensions = array<i32: 0>} : vector<16xi32>
      %swap3A_458 = arith.constant 0 : index
      %swap3A_459 = tpu.vector_load %arg31[%swap3A_458] {strides = array<i32>} : memref<16xf32, #tpu.memory_space<vmem>>, vector<16xf32>,
      tpu.vector_store %arg31[%swap3A_458], %select_n3A_456 {strides = array<i32>} : memref<16xf32, #tpu.memory_space<vmem>>, vector<16xf32>,
      %xor3A_460 = arith.constant 8 : i32
      %xor3A_461 = vector.broadcast %xor3A_460 : i32 to vector<16xi32>
      %xor3A_462 = arith.xori %iota3A_457, %xor3A_461 : vector<16xi32>
      %gather3A_463 = tpu.vector_load_idx %arg31[%xor3A_462] : memref<16xf32, #tpu.memory_space<vmem>>[vector<16xi32>], vector<16xf32>,
      %add3A_464 = arith.addf %select_n3A_456, %gather3A_463 : vector<16xf32>
      %swap3A_465 = arith.constant 0 : index
      %swap3A_466 = tpu.vector_load %arg31[%swap3A_465] {strides = array<i32>} : memref<16xf32, #tpu.memory_space<vmem>>, vector<16xf32>,
      tpu.vector_store %arg31[%swap3A_465], %add3A_464 {strides = array<i32>} : memref<16xf32, #tpu.memory_space<vmem>>, vector<16xf32>,
      %xor3A_467 = arith.constant 4 : i32
      %xor3A_468 = vector.broadcast %xor3A_467 : i32 to vector<16xi32>
      %xor3A_469 = arith.xori %iota3A_457, %xor3A_468 : vector<16xi32>
      %gather3A_470 = tpu.vector_load_idx %arg31[%xor3A_469] : memref<16xf32, #tpu.memory_space<vmem>>[vector<16xi32>], vector<16xf32>,
      %add3A_471 = arith.addf %add3A_464, %gather3A_470 : vector<16xf32>
      %swap3A_472 = arith.constant 0 : index
      %swap3A_473 = tpu.vector_load %arg31[%swap3A_472] {strides = array<i32>} : memref<16xf32, #tpu.memory_space<vmem>>, vector<16xf32>,
      tpu.vector_store %arg31[%swap3A_472], %add3A_471 {strides = array<i32>} : memref<16xf32, #tpu.memory_space<vmem>>, vector<16xf32>,
      %xor3A_474 = arith.constant 2 : i32
      %xor3A_475 = vector.broadcast %xor3A_474 : i32 to vector<16xi32>
      %xor3A_476 = arith.xori %iota3A_457, %xor3A_475 : vector<16xi32>
      %gather3A_477 = tpu.vector_load_idx %arg31[%xor3A_476] : memref<16xf32, #tpu.memory_space<vmem>>[vector<16xi32>], vector<16xf32>,
      %add3A_478 = arith.addf %add3A_471, %gather3A_477 : vector<16xf32>
      %swap3A_479 = arith.constant 0 : index
      %swap3A_480 = tpu.vector_load %arg31[%swap3A_479] {strides = array<i32>} : memref<16xf32, #tpu.memory_space<vmem>>, vector<16xf32>,
      tpu.vector_store %arg31[%swap3A_479], %add3A_478 {strides = array<i32>} : memref<16xf32, #tpu.memory_space<vmem>>, vector<16xf32>,
      %xor3A_481 = arith.constant 1 : i32
      %xor3A_482 = vector.broadcast %xor3A_481 : i32 to vector<16xi32>
      %xor3A_483 = arith.xori %iota3A_457, %xor3A_482 : vector<16xi32>
      %gather3A_484 = tpu.vector_load_idx %arg31[%xor3A_483] : memref<16xf32, #tpu.memory_space<vmem>>[vector<16xi32>], vector<16xf32>,
      %add3A_485 = arith.addf %add3A_478, %gather3A_484 : vector<16xf32>
      %add3A_486 = arith.addf %add3A_405, %add3A_485 : vector<16xf32>
      %get3A_487 = arith.constant 48 : index
      %get3A_488 = tpu.vector_load %arg23[%get3A_487] {strides = array<i32>} : memref<80xf32, #tpu.memory_space<vmem>>, vector<16xf32>,
      %get3A_489 = arith.constant 48 : index
      %get3A_490 = tpu.vector_load %arg24[%get3A_489] {strides = array<i32>} : memref<80xf32, #tpu.memory_space<vmem>>, vector<16xf32>,
      %get3A_491 = arith.constant 48 : index
      %get3A_492 = tpu.vector_load %arg25[%get3A_491] {strides = array<i32>} : memref<80xf32, #tpu.memory_space<vmem>>, vector<16xf32>,
      %get3A_493 = arith.constant 48 : index
      %get3A_494 = tpu.vector_load %arg26[%get3A_493] {strides = array<i32>} : memref<80xf32, #tpu.memory_space<vmem>>, vector<16xf32>,
      %min3A_495 = arith.minimumf %get3A_492, %gather3A_85 : vector<16xf32>
      %max3A_496 = arith.maximumf %get3A_488, %gather3A : vector<16xf32>
      %sub3A_497 = arith.subf %min3A_495, %max3A_496 : vector<16xf32>
      %max3A_498 = arith.constant 0.000000e+00 : f32
      %max3A_499 = vector.broadcast %max3A_498 : f32 to vector<16xf32>
      %max3A_500 = arith.maximumf %sub3A_497, %max3A_499 : vector<16xf32>
      %min3A_501 = arith.minimumf %get3A_494, %gather3A_87 : vector<16xf32>
      %max3A_502 = arith.maximumf %get3A_490, %gather3A_83 : vector<16xf32>
      %sub3A_503 = arith.subf %min3A_501, %max3A_502 : vector<16xf32>
      %max3A_504 = arith.constant 0.000000e+00 : f32
      %max3A_505 = vector.broadcast %max3A_504 : f32 to vector<16xf32>
      %max3A_506 = arith.maximumf %sub3A_503, %max3A_505 : vector<16xf32>
      %mul3A_507 = arith.mulf %max3A_500, %max3A_506 : vector<16xf32>
      %sub3A_508 = arith.subf %get3A_492, %get3A_488 : vector<16xf32>
      %sub3A_509 = arith.subf %get3A_494, %get3A_490 : vector<16xf32>
      %mul3A_510 = arith.mulf %sub3A_508, %sub3A_509 : vector<16xf32>
      %sub3A_511 = arith.subf %gather3A_85, %gather3A : vector<16xf32>
      %sub3A_512 = arith.subf %gather3A_87, %gather3A_83 : vector<16xf32>
      %mul3A_513 = arith.mulf %sub3A_511, %sub3A_512 : vector<16xf32>
      %add3A_514 = arith.addf %mul3A_510, %mul3A_513 : vector<16xf32>
      %sub3A_515 = arith.subf %add3A_514, %mul3A_507 : vector<16xf32>
      %max3A_516 = arith.constant 9.99999997E-7 : f32
      %max3A_517 = vector.broadcast %max3A_516 : f32 to vector<16xf32>
      %max3A_518 = arith.maximumf %sub3A_515, %max3A_517 : vector<16xf32>
      %div3A_519 = arith.divf %mul3A_507, %max3A_518 : vector<16xf32>
      %add3A_520 = arith.addf %get3A_488, %get3A_492 : vector<16xf32>
      %mul3A_521 = arith.constant 5.000000e-01 : f32
      %mul3A_522 = vector.broadcast %mul3A_521 : f32 to vector<16xf32>
      %mul3A_523 = arith.mulf %add3A_520, %mul3A_522 : vector<16xf32>
      %add3A_524 = arith.addf %get3A_490, %get3A_494 : vector<16xf32>
      %mul3A_525 = arith.constant 5.000000e-01 : f32
      %mul3A_526 = vector.broadcast %mul3A_525 : f32 to vector<16xf32>
      %mul3A_527 = arith.mulf %add3A_524, %mul3A_526 : vector<16xf32>
      %sub3A_528 = arith.subf %mul3A_523, %gather3A : vector<16xf32>
      %sub3A_529 = arith.subf %mul3A_527, %gather3A_83 : vector<16xf32>
      %min3A_530 = arith.minimumf %sub3A_528, %sub3A_529 : vector<16xf32>
      %sub3A_531 = arith.subf %gather3A_85, %mul3A_523 : vector<16xf32>
      %sub3A_532 = arith.subf %gather3A_87, %mul3A_527 : vector<16xf32>
      %min3A_533 = arith.minimumf %sub3A_531, %sub3A_532 : vector<16xf32>
      %min3A_534 = arith.minimumf %min3A_530, %min3A_533 : vector<16xf32>
      %jit3A_535 = arith.constant 0.000000e+00 : f32
      %broadcast_in_dim3A_536 = vector.broadcast %jit3A_535 : f32 to vector<16xf32>
      %select_n3A_537 = arith.select %lt3A_1, %div3A_519, %broadcast_in_dim3A_536 : vector<16xi1>, vector<16xf32>
      %iota3A_538 = tpu.iota {dimensions = array<i32: 0>} : vector<16xi32>
      %swap3A_539 = arith.constant 0 : index
      %swap3A_540 = tpu.vector_load %arg31[%swap3A_539] {strides = array<i32>} : memref<16xf32, #tpu.memory_space<vmem>>, vector<16xf32>,
      tpu.vector_store %arg31[%swap3A_539], %select_n3A_537 {strides = array<i32>} : memref<16xf32, #tpu.memory_space<vmem>>, vector<16xf32>,
      %xor3A_541 = arith.constant 8 : i32
      %xor3A_542 = vector.broadcast %xor3A_541 : i32 to vector<16xi32>
      %xor3A_543 = arith.xori %iota3A_538, %xor3A_542 : vector<16xi32>
      %gather3A_544 = tpu.vector_load_idx %arg31[%xor3A_543] : memref<16xf32, #tpu.memory_space<vmem>>[vector<16xi32>], vector<16xf32>,
      %add3A_545 = arith.addf %select_n3A_537, %gather3A_544 : vector<16xf32>
      %swap3A_546 = arith.constant 0 : index
      %swap3A_547 = tpu.vector_load %arg31[%swap3A_546] {strides = array<i32>} : memref<16xf32, #tpu.memory_space<vmem>>, vector<16xf32>,
      tpu.vector_store %arg31[%swap3A_546], %add3A_545 {strides = array<i32>} : memref<16xf32, #tpu.memory_space<vmem>>, vector<16xf32>,
      %xor3A_548 = arith.constant 4 : i32
      %xor3A_549 = vector.broadcast %xor3A_548 : i32 to vector<16xi32>
      %xor3A_550 = arith.xori %iota3A_538, %xor3A_549 : vector<16xi32>
      %gather3A_551 = tpu.vector_load_idx %arg31[%xor3A_550] : memref<16xf32, #tpu.memory_space<vmem>>[vector<16xi32>], vector<16xf32>,
      %add3A_552 = arith.addf %add3A_545, %gather3A_551 : vector<16xf32>
      %swap3A_553 = arith.constant 0 : index
      %swap3A_554 = tpu.vector_load %arg31[%swap3A_553] {strides = array<i32>} : memref<16xf32, #tpu.memory_space<vmem>>, vector<16xf32>,
      tpu.vector_store %arg31[%swap3A_553], %add3A_552 {strides = array<i32>} : memref<16xf32, #tpu.memory_space<vmem>>, vector<16xf32>,
      %xor3A_555 = arith.constant 2 : i32
      %xor3A_556 = vector.broadcast %xor3A_555 : i32 to vector<16xi32>
      %xor3A_557 = arith.xori %iota3A_538, %xor3A_556 : vector<16xi32>
      %gather3A_558 = tpu.vector_load_idx %arg31[%xor3A_557] : memref<16xf32, #tpu.memory_space<vmem>>[vector<16xi32>], vector<16xf32>,
      %add3A_559 = arith.addf %add3A_552, %gather3A_558 : vector<16xf32>
      %swap3A_560 = arith.constant 0 : index
      %swap3A_561 = tpu.vector_load %arg31[%swap3A_560] {strides = array<i32>} : memref<16xf32, #tpu.memory_space<vmem>>, vector<16xf32>,
      tpu.vector_store %arg31[%swap3A_560], %add3A_559 {strides = array<i32>} : memref<16xf32, #tpu.memory_space<vmem>>, vector<16xf32>,
      %xor3A_562 = arith.constant 1 : i32
      %xor3A_563 = vector.broadcast %xor3A_562 : i32 to vector<16xi32>
      %xor3A_564 = arith.xori %iota3A_538, %xor3A_563 : vector<16xi32>
      %gather3A_565 = tpu.vector_load_idx %arg31[%xor3A_564] : memref<16xf32, #tpu.memory_space<vmem>>[vector<16xi32>], vector<16xf32>,
      %add3A_566 = arith.addf %add3A_559, %gather3A_565 : vector<16xf32>
      %add3A_567 = arith.addf %add3A_486, %add3A_566 : vector<16xf32>
      %get3A_568 = arith.constant 64 : index
      %get3A_569 = tpu.vector_load %arg23[%get3A_568] {strides = array<i32>} : memref<80xf32, #tpu.memory_space<vmem>>, vector<16xf32>,
      %get3A_570 = arith.constant 64 : index
      %get3A_571 = tpu.vector_load %arg24[%get3A_570] {strides = array<i32>} : memref<80xf32, #tpu.memory_space<vmem>>, vector<16xf32>,
      %get3A_572 = arith.constant 64 : index
      %get3A_573 = tpu.vector_load %arg25[%get3A_572] {strides = array<i32>} : memref<80xf32, #tpu.memory_space<vmem>>, vector<16xf32>,
      %get3A_574 = arith.constant 64 : index
      %get3A_575 = tpu.vector_load %arg26[%get3A_574] {strides = array<i32>} : memref<80xf32, #tpu.memory_space<vmem>>, vector<16xf32>,
      %min3A_576 = arith.minimumf %get3A_573, %gather3A_85 : vector<16xf32>
      %max3A_577 = arith.maximumf %get3A_569, %gather3A : vector<16xf32>
      %sub3A_578 = arith.subf %min3A_576, %max3A_577 : vector<16xf32>
      %max3A_579 = arith.constant 0.000000e+00 : f32
      %max3A_580 = vector.broadcast %max3A_579 : f32 to vector<16xf32>
      %max3A_581 = arith.maximumf %sub3A_578, %max3A_580 : vector<16xf32>
      %min3A_582 = arith.minimumf %get3A_575, %gather3A_87 : vector<16xf32>
      %max3A_583 = arith.maximumf %get3A_571, %gather3A_83 : vector<16xf32>
      %sub3A_584 = arith.subf %min3A_582, %max3A_583 : vector<16xf32>
      %max3A_585 = arith.constant 0.000000e+00 : f32
      %max3A_586 = vector.broadcast %max3A_585 : f32 to vector<16xf32>
      %max3A_587 = arith.maximumf %sub3A_584, %max3A_586 : vector<16xf32>
      %mul3A_588 = arith.mulf %max3A_581, %max3A_587 : vector<16xf32>
      %sub3A_589 = arith.subf %get3A_573, %get3A_569 : vector<16xf32>
      %sub3A_590 = arith.subf %get3A_575, %get3A_571 : vector<16xf32>
      %mul3A_591 = arith.mulf %sub3A_589, %sub3A_590 : vector<16xf32>
      %sub3A_592 = arith.subf %gather3A_85, %gather3A : vector<16xf32>
      %sub3A_593 = arith.subf %gather3A_87, %gather3A_83 : vector<16xf32>
      %mul3A_594 = arith.mulf %sub3A_592, %sub3A_593 : vector<16xf32>
      %add3A_595 = arith.addf %mul3A_591, %mul3A_594 : vector<16xf32>
      %sub3A_596 = arith.subf %add3A_595, %mul3A_588 : vector<16xf32>
      %max3A_597 = arith.constant 9.99999997E-7 : f32
      %max3A_598 = vector.broadcast %max3A_597 : f32 to vector<16xf32>
      %max3A_599 = arith.maximumf %sub3A_596, %max3A_598 : vector<16xf32>
      %div3A_600 = arith.divf %mul3A_588, %max3A_599 : vector<16xf32>
      %add3A_601 = arith.addf %get3A_569, %get3A_573 : vector<16xf32>
      %mul3A_602 = arith.constant 5.000000e-01 : f32
      %mul3A_603 = vector.broadcast %mul3A_602 : f32 to vector<16xf32>
      %mul3A_604 = arith.mulf %add3A_601, %mul3A_603 : vector<16xf32>
      %add3A_605 = arith.addf %get3A_571, %get3A_575 : vector<16xf32>
      %mul3A_606 = arith.constant 5.000000e-01 : f32
      %mul3A_607 = vector.broadcast %mul3A_606 : f32 to vector<16xf32>
      %mul3A_608 = arith.mulf %add3A_605, %mul3A_607 : vector<16xf32>
      %sub3A_609 = arith.subf %mul3A_604, %gather3A : vector<16xf32>
      %sub3A_610 = arith.subf %mul3A_608, %gather3A_83 : vector<16xf32>
      %min3A_611 = arith.minimumf %sub3A_609, %sub3A_610 : vector<16xf32>
      %sub3A_612 = arith.subf %gather3A_85, %mul3A_604 : vector<16xf32>
      %sub3A_613 = arith.subf %gather3A_87, %mul3A_608 : vector<16xf32>
      %min3A_614 = arith.minimumf %sub3A_612, %sub3A_613 : vector<16xf32>
      %min3A_615 = arith.minimumf %min3A_611, %min3A_614 : vector<16xf32>
      %jit3A_616 = arith.constant 0.000000e+00 : f32
      %broadcast_in_dim3A_617 = vector.broadcast %jit3A_616 : f32 to vector<16xf32>
      %select_n3A_618 = arith.select %lt3A_1, %div3A_600, %broadcast_in_dim3A_617 : vector<16xi1>, vector<16xf32>
      %iota3A_619 = tpu.iota {dimensions = array<i32: 0>} : vector<16xi32>
      %swap3A_620 = arith.constant 0 : index
      %swap3A_621 = tpu.vector_load %arg31[%swap3A_620] {strides = array<i32>} : memref<16xf32, #tpu.memory_space<vmem>>, vector<16xf32>,
      tpu.vector_store %arg31[%swap3A_620], %select_n3A_618 {strides = array<i32>} : memref<16xf32, #tpu.memory_space<vmem>>, vector<16xf32>,
      %xor3A_622 = arith.constant 8 : i32
      %xor3A_623 = vector.broadcast %xor3A_622 : i32 to vector<16xi32>
      %xor3A_624 = arith.xori %iota3A_619, %xor3A_623 : vector<16xi32>
      %gather3A_625 = tpu.vector_load_idx %arg31[%xor3A_624] : memref<16xf32, #tpu.memory_space<vmem>>[vector<16xi32>], vector<16xf32>,
      %add3A_626 = arith.addf %select_n3A_618, %gather3A_625 : vector<16xf32>
      %swap3A_627 = arith.constant 0 : index
      %swap3A_628 = tpu.vector_load %arg31[%swap3A_627] {strides = array<i32>} : memref<16xf32, #tpu.memory_space<vmem>>, vector<16xf32>,
      tpu.vector_store %arg31[%swap3A_627], %add3A_626 {strides = array<i32>} : memref<16xf32, #tpu.memory_space<vmem>>, vector<16xf32>,
      %xor3A_629 = arith.constant 4 : i32
      %xor3A_630 = vector.broadcast %xor3A_629 : i32 to vector<16xi32>
      %xor3A_631 = arith.xori %iota3A_619, %xor3A_630 : vector<16xi32>
      %gather3A_632 = tpu.vector_load_idx %arg31[%xor3A_631] : memref<16xf32, #tpu.memory_space<vmem>>[vector<16xi32>], vector<16xf32>,
      %add3A_633 = arith.addf %add3A_626, %gather3A_632 : vector<16xf32>
      %swap3A_634 = arith.constant 0 : index
      %swap3A_635 = tpu.vector_load %arg31[%swap3A_634] {strides = array<i32>} : memref<16xf32, #tpu.memory_space<vmem>>, vector<16xf32>,
      tpu.vector_store %arg31[%swap3A_634], %add3A_633 {strides = array<i32>} : memref<16xf32, #tpu.memory_space<vmem>>, vector<16xf32>,
      %xor3A_636 = arith.constant 2 : i32
      %xor3A_637 = vector.broadcast %xor3A_636 : i32 to vector<16xi32>
      %xor3A_638 = arith.xori %iota3A_619, %xor3A_637 : vector<16xi32>
      %gather3A_639 = tpu.vector_load_idx %arg31[%xor3A_638] : memref<16xf32, #tpu.memory_space<vmem>>[vector<16xi32>], vector<16xf32>,
      %add3A_640 = arith.addf %add3A_633, %gather3A_639 : vector<16xf32>
      %swap3A_641 = arith.constant 0 : index
      %swap3A_642 = tpu.vector_load %arg31[%swap3A_641] {strides = array<i32>} : memref<16xf32, #tpu.memory_space<vmem>>, vector<16xf32>,
      tpu.vector_store %arg31[%swap3A_641], %add3A_640 {strides = array<i32>} : memref<16xf32, #tpu.memory_space<vmem>>, vector<16xf32>,
      %xor3A_643 = arith.constant 1 : i32
      %xor3A_644 = vector.broadcast %xor3A_643 : i32 to vector<16xi32>
      %xor3A_645 = arith.xori %iota3A_619, %xor3A_644 : vector<16xi32>
      %gather3A_646 = tpu.vector_load_idx %arg31[%xor3A_645] : memref<16xf32, #tpu.memory_space<vmem>>[vector<16xi32>], vector<16xf32>,
      %add3A_647 = arith.addf %add3A_640, %gather3A_646 : vector<16xf32>
      %add3A_648 = arith.addf %add3A_567, %add3A_647 : vector<16xf32>
      %div3A_649 = arith.constant 4.500000e+01 : f32
      %div3A_650 = vector.broadcast %div3A_649 : f32 to vector<16xf32>
      %div3A_651 = arith.divf %add3A_648, %div3A_650 : vector<16xf32>
      %broadcast_in_dim3A_652 = arith.constant 0.000000e+00 : f32
      %broadcast_in_dim3A_653 = vector.broadcast %broadcast_in_dim3A_652 : f32 to vector<16xf32>
      %sub3A_654 = arith.subf %div3A_277, %div3A_651 : vector<16xf32>
      %mul3A_655 = arith.mulf %sub3A_654, %sub3A_654 : vector<16xf32>
      %jit3A_656 = arith.constant 0.000000e+00 : f32
      %broadcast_in_dim3A_657 = vector.broadcast %jit3A_656 : f32 to vector<16xf32>
      %select_n3A_658 = arith.select %lt3A_1, %mul3A_655, %broadcast_in_dim3A_657 : vector<16xi1>, vector<16xf32>
      %iota3A_659 = tpu.iota {dimensions = array<i32: 0>} : vector<16xi32>
      %swap3A_660 = arith.constant 0 : index
      %swap3A_661 = tpu.vector_load %arg31[%swap3A_660] {strides = array<i32>} : memref<16xf32, #tpu.memory_space<vmem>>, vector<16xf32>,
      tpu.vector_store %arg31[%swap3A_660], %select_n3A_658 {strides = array<i32>} : memref<16xf32, #tpu.memory_space<vmem>>, vector<16xf32>,
      %xor3A_662 = arith.constant 8 : i32
      %xor3A_663 = vector.broadcast %xor3A_662 : i32 to vector<16xi32>
      %xor3A_664 = arith.xori %iota3A_659, %xor3A_663 : vector<16xi32>
      %gather3A_665 = tpu.vector_load_idx %arg31[%xor3A_664] : memref<16xf32, #tpu.memory_space<vmem>>[vector<16xi32>], vector<16xf32>,
      %add3A_666 = arith.addf %select_n3A_658, %gather3A_665 : vector<16xf32>
      %swap3A_667 = arith.constant 0 : index
      %swap3A_668 = tpu.vector_load %arg31[%swap3A_667] {strides = array<i32>} : memref<16xf32, #tpu.memory_space<vmem>>, vector<16xf32>,
      tpu.vector_store %arg31[%swap3A_667], %add3A_666 {strides = array<i32>} : memref<16xf32, #tpu.memory_space<vmem>>, vector<16xf32>,
      %xor3A_669 = arith.constant 4 : i32
      %xor3A_670 = vector.broadcast %xor3A_669 : i32 to vector<16xi32>
      %xor3A_671 = arith.xori %iota3A_659, %xor3A_670 : vector<16xi32>
      %gather3A_672 = tpu.vector_load_idx %arg31[%xor3A_671] : memref<16xf32, #tpu.memory_space<vmem>>[vector<16xi32>], vector<16xf32>,
      %add3A_673 = arith.addf %add3A_666, %gather3A_672 : vector<16xf32>
      %swap3A_674 = arith.constant 0 : index
      %swap3A_675 = tpu.vector_load %arg31[%swap3A_674] {strides = array<i32>} : memref<16xf32, #tpu.memory_space<vmem>>, vector<16xf32>,
      tpu.vector_store %arg31[%swap3A_674], %add3A_673 {strides = array<i32>} : memref<16xf32, #tpu.memory_space<vmem>>, vector<16xf32>,
      %xor3A_676 = arith.constant 2 : i32
      %xor3A_677 = vector.broadcast %xor3A_676 : i32 to vector<16xi32>
      %xor3A_678 = arith.xori %iota3A_659, %xor3A_677 : vector<16xi32>
      %gather3A_679 = tpu.vector_load_idx %arg31[%xor3A_678] : memref<16xf32, #tpu.memory_space<vmem>>[vector<16xi32>], vector<16xf32>,
      %add3A_680 = arith.addf %add3A_673, %gather3A_679 : vector<16xf32>
      %swap3A_681 = arith.constant 0 : index
      %swap3A_682 = tpu.vector_load %arg31[%swap3A_681] {strides = array<i32>} : memref<16xf32, #tpu.memory_space<vmem>>, vector<16xf32>,
      tpu.vector_store %arg31[%swap3A_681], %add3A_680 {strides = array<i32>} : memref<16xf32, #tpu.memory_space<vmem>>, vector<16xf32>,
      %xor3A_683 = arith.constant 1 : i32
      %xor3A_684 = vector.broadcast %xor3A_683 : i32 to vector<16xi32>
      %xor3A_685 = arith.xori %iota3A_659, %xor3A_684 : vector<16xi32>
      %gather3A_686 = tpu.vector_load_idx %arg31[%xor3A_685] : memref<16xf32, #tpu.memory_space<vmem>>[vector<16xi32>], vector<16xf32>,
      %add3A_687 = arith.addf %add3A_680, %gather3A_686 : vector<16xf32>
      %add3A_688 = arith.addf %broadcast_in_dim3A_653, %add3A_687 : vector<16xf32>
      %sub3A_689 = arith.subf %div3A_357, %div3A_651 : vector<16xf32>
      %mul3A_690 = arith.mulf %sub3A_689, %sub3A_689 : vector<16xf32>
      %jit3A_691 = arith.constant 0.000000e+00 : f32
      %broadcast_in_dim3A_692 = vector.broadcast %jit3A_691 : f32 to vector<16xf32>
      %select_n3A_693 = arith.select %lt3A_1, %mul3A_690, %broadcast_in_dim3A_692 : vector<16xi1>, vector<16xf32>
      %iota3A_694 = tpu.iota {dimensions = array<i32: 0>} : vector<16xi32>
      %swap3A_695 = arith.constant 0 : index
      %swap3A_696 = tpu.vector_load %arg31[%swap3A_695] {strides = array<i32>} : memref<16xf32, #tpu.memory_space<vmem>>, vector<16xf32>,
      tpu.vector_store %arg31[%swap3A_695], %select_n3A_693 {strides = array<i32>} : memref<16xf32, #tpu.memory_space<vmem>>, vector<16xf32>,
      %xor3A_697 = arith.constant 8 : i32
      %xor3A_698 = vector.broadcast %xor3A_697 : i32 to vector<16xi32>
      %xor3A_699 = arith.xori %iota3A_694, %xor3A_698 : vector<16xi32>
      %gather3A_700 = tpu.vector_load_idx %arg31[%xor3A_699] : memref<16xf32, #tpu.memory_space<vmem>>[vector<16xi32>], vector<16xf32>,
      %add3A_701 = arith.addf %select_n3A_693, %gather3A_700 : vector<16xf32>
      %swap3A_702 = arith.constant 0 : index
      %swap3A_703 = tpu.vector_load %arg31[%swap3A_702] {strides = array<i32>} : memref<16xf32, #tpu.memory_space<vmem>>, vector<16xf32>,
      tpu.vector_store %arg31[%swap3A_702], %add3A_701 {strides = array<i32>} : memref<16xf32, #tpu.memory_space<vmem>>, vector<16xf32>,
      %xor3A_704 = arith.constant 4 : i32
      %xor3A_705 = vector.broadcast %xor3A_704 : i32 to vector<16xi32>
      %xor3A_706 = arith.xori %iota3A_694, %xor3A_705 : vector<16xi32>
      %gather3A_707 = tpu.vector_load_idx %arg31[%xor3A_706] : memref<16xf32, #tpu.memory_space<vmem>>[vector<16xi32>], vector<16xf32>,
      %add3A_708 = arith.addf %add3A_701, %gather3A_707 : vector<16xf32>
      %swap3A_709 = arith.constant 0 : index
      %swap3A_710 = tpu.vector_load %arg31[%swap3A_709] {strides = array<i32>} : memref<16xf32, #tpu.memory_space<vmem>>, vector<16xf32>,
      tpu.vector_store %arg31[%swap3A_709], %add3A_708 {strides = array<i32>} : memref<16xf32, #tpu.memory_space<vmem>>, vector<16xf32>,
      %xor3A_711 = arith.constant 2 : i32
      %xor3A_712 = vector.broadcast %xor3A_711 : i32 to vector<16xi32>
      %xor3A_713 = arith.xori %iota3A_694, %xor3A_712 : vector<16xi32>
      %gather3A_714 = tpu.vector_load_idx %arg31[%xor3A_713] : memref<16xf32, #tpu.memory_space<vmem>>[vector<16xi32>], vector<16xf32>,
      %add3A_715 = arith.addf %add3A_708, %gather3A_714 : vector<16xf32>
      %swap3A_716 = arith.constant 0 : index
      %swap3A_717 = tpu.vector_load %arg31[%swap3A_716] {strides = array<i32>} : memref<16xf32, #tpu.memory_space<vmem>>, vector<16xf32>,
      tpu.vector_store %arg31[%swap3A_716], %add3A_715 {strides = array<i32>} : memref<16xf32, #tpu.memory_space<vmem>>, vector<16xf32>,
      %xor3A_718 = arith.constant 1 : i32
      %xor3A_719 = vector.broadcast %xor3A_718 : i32 to vector<16xi32>
      %xor3A_720 = arith.xori %iota3A_694, %xor3A_719 : vector<16xi32>
      %gather3A_721 = tpu.vector_load_idx %arg31[%xor3A_720] : memref<16xf32, #tpu.memory_space<vmem>>[vector<16xi32>], vector<16xf32>,
      %add3A_722 = arith.addf %add3A_715, %gather3A_721 : vector<16xf32>
      %add3A_723 = arith.addf %add3A_688, %add3A_722 : vector<16xf32>
      %sub3A_724 = arith.subf %div3A_438, %div3A_651 : vector<16xf32>
      %mul3A_725 = arith.mulf %sub3A_724, %sub3A_724 : vector<16xf32>
      %jit3A_726 = arith.constant 0.000000e+00 : f32
      %broadcast_in_dim3A_727 = vector.broadcast %jit3A_726 : f32 to vector<16xf32>
      %select_n3A_728 = arith.select %lt3A_1, %mul3A_725, %broadcast_in_dim3A_727 : vector<16xi1>, vector<16xf32>
      %iota3A_729 = tpu.iota {dimensions = array<i32: 0>} : vector<16xi32>
      %swap3A_730 = arith.constant 0 : index
      %swap3A_731 = tpu.vector_load %arg31[%swap3A_730] {strides = array<i32>} : memref<16xf32, #tpu.memory_space<vmem>>, vector<16xf32>,
      tpu.vector_store %arg31[%swap3A_730], %select_n3A_728 {strides = array<i32>} : memref<16xf32, #tpu.memory_space<vmem>>, vector<16xf32>,
      %xor3A_732 = arith.constant 8 : i32
      %xor3A_733 = vector.broadcast %xor3A_732 : i32 to vector<16xi32>
      %xor3A_734 = arith.xori %iota3A_729, %xor3A_733 : vector<16xi32>
      %gather3A_735 = tpu.vector_load_idx %arg31[%xor3A_734] : memref<16xf32, #tpu.memory_space<vmem>>[vector<16xi32>], vector<16xf32>,
      %add3A_736 = arith.addf %select_n3A_728, %gather3A_735 : vector<16xf32>
      %swap3A_737 = arith.constant 0 : index
      %swap3A_738 = tpu.vector_load %arg31[%swap3A_737] {strides = array<i32>} : memref<16xf32, #tpu.memory_space<vmem>>, vector<16xf32>,
      tpu.vector_store %arg31[%swap3A_737], %add3A_736 {strides = array<i32>} : memref<16xf32, #tpu.memory_space<vmem>>, vector<16xf32>,
      %xor3A_739 = arith.constant 4 : i32
      %xor3A_740 = vector.broadcast %xor3A_739 : i32 to vector<16xi32>
      %xor3A_741 = arith.xori %iota3A_729, %xor3A_740 : vector<16xi32>
      %gather3A_742 = tpu.vector_load_idx %arg31[%xor3A_741] : memref<16xf32, #tpu.memory_space<vmem>>[vector<16xi32>], vector<16xf32>,
      %add3A_743 = arith.addf %add3A_736, %gather3A_742 : vector<16xf32>
      %swap3A_744 = arith.constant 0 : index
      %swap3A_745 = tpu.vector_load %arg31[%swap3A_744] {strides = array<i32>} : memref<16xf32, #tpu.memory_space<vmem>>, vector<16xf32>,
      tpu.vector_store %arg31[%swap3A_744], %add3A_743 {strides = array<i32>} : memref<16xf32, #tpu.memory_space<vmem>>, vector<16xf32>,
      %xor3A_746 = arith.constant 2 : i32
      %xor3A_747 = vector.broadcast %xor3A_746 : i32 to vector<16xi32>
      %xor3A_748 = arith.xori %iota3A_729, %xor3A_747 : vector<16xi32>
      %gather3A_749 = tpu.vector_load_idx %arg31[%xor3A_748] : memref<16xf32, #tpu.memory_space<vmem>>[vector<16xi32>], vector<16xf32>,
      %add3A_750 = arith.addf %add3A_743, %gather3A_749 : vector<16xf32>
      %swap3A_751 = arith.constant 0 : index
      %swap3A_752 = tpu.vector_load %arg31[%swap3A_751] {strides = array<i32>} : memref<16xf32, #tpu.memory_space<vmem>>, vector<16xf32>,
      tpu.vector_store %arg31[%swap3A_751], %add3A_750 {strides = array<i32>} : memref<16xf32, #tpu.memory_space<vmem>>, vector<16xf32>,
      %xor3A_753 = arith.constant 1 : i32
      %xor3A_754 = vector.broadcast %xor3A_753 : i32 to vector<16xi32>
      %xor3A_755 = arith.xori %iota3A_729, %xor3A_754 : vector<16xi32>
      %gather3A_756 = tpu.vector_load_idx %arg31[%xor3A_755] : memref<16xf32, #tpu.memory_space<vmem>>[vector<16xi32>], vector<16xf32>,
      %add3A_757 = arith.addf %add3A_750, %gather3A_756 : vector<16xf32>
      %add3A_758 = arith.addf %add3A_723, %add3A_757 : vector<16xf32>
      %sub3A_759 = arith.subf %div3A_519, %div3A_651 : vector<16xf32>
      %mul3A_760 = arith.mulf %sub3A_759, %sub3A_759 : vector<16xf32>
      %jit3A_761 = arith.constant 0.000000e+00 : f32
      %broadcast_in_dim3A_762 = vector.broadcast %jit3A_761 : f32 to vector<16xf32>
      %select_n3A_763 = arith.select %lt3A_1, %mul3A_760, %broadcast_in_dim3A_762 : vector<16xi1>, vector<16xf32>
      %iota3A_764 = tpu.iota {dimensions = array<i32: 0>} : vector<16xi32>
      %swap3A_765 = arith.constant 0 : index
      %swap3A_766 = tpu.vector_load %arg31[%swap3A_765] {strides = array<i32>} : memref<16xf32, #tpu.memory_space<vmem>>, vector<16xf32>,
      tpu.vector_store %arg31[%swap3A_765], %select_n3A_763 {strides = array<i32>} : memref<16xf32, #tpu.memory_space<vmem>>, vector<16xf32>,
      %xor3A_767 = arith.constant 8 : i32
      %xor3A_768 = vector.broadcast %xor3A_767 : i32 to vector<16xi32>
      %xor3A_769 = arith.xori %iota3A_764, %xor3A_768 : vector<16xi32>
      %gather3A_770 = tpu.vector_load_idx %arg31[%xor3A_769] : memref<16xf32, #tpu.memory_space<vmem>>[vector<16xi32>], vector<16xf32>,
      %add3A_771 = arith.addf %select_n3A_763, %gather3A_770 : vector<16xf32>
      %swap3A_772 = arith.constant 0 : index
      %swap3A_773 = tpu.vector_load %arg31[%swap3A_772] {strides = array<i32>} : memref<16xf32, #tpu.memory_space<vmem>>, vector<16xf32>,
      tpu.vector_store %arg31[%swap3A_772], %add3A_771 {strides = array<i32>} : memref<16xf32, #tpu.memory_space<vmem>>, vector<16xf32>,
      %xor3A_774 = arith.constant 4 : i32
      %xor3A_775 = vector.broadcast %xor3A_774 : i32 to vector<16xi32>
      %xor3A_776 = arith.xori %iota3A_764, %xor3A_775 : vector<16xi32>
      %gather3A_777 = tpu.vector_load_idx %arg31[%xor3A_776] : memref<16xf32, #tpu.memory_space<vmem>>[vector<16xi32>], vector<16xf32>,
      %add3A_778 = arith.addf %add3A_771, %gather3A_777 : vector<16xf32>
      %swap3A_779 = arith.constant 0 : index
      %swap3A_780 = tpu.vector_load %arg31[%swap3A_779] {strides = array<i32>} : memref<16xf32, #tpu.memory_space<vmem>>, vector<16xf32>,
      tpu.vector_store %arg31[%swap3A_779], %add3A_778 {strides = array<i32>} : memref<16xf32, #tpu.memory_space<vmem>>, vector<16xf32>,
      %xor3A_781 = arith.constant 2 : i32
      %xor3A_782 = vector.broadcast %xor3A_781 : i32 to vector<16xi32>
      %xor3A_783 = arith.xori %iota3A_764, %xor3A_782 : vector<16xi32>
      %gather3A_784 = tpu.vector_load_idx %arg31[%xor3A_783] : memref<16xf32, #tpu.memory_space<vmem>>[vector<16xi32>], vector<16xf32>,
      %add3A_785 = arith.addf %add3A_778, %gather3A_784 : vector<16xf32>
      %swap3A_786 = arith.constant 0 : index
      %swap3A_787 = tpu.vector_load %arg31[%swap3A_786] {strides = array<i32>} : memref<16xf32, #tpu.memory_space<vmem>>, vector<16xf32>,
      tpu.vector_store %arg31[%swap3A_786], %add3A_785 {strides = array<i32>} : memref<16xf32, #tpu.memory_space<vmem>>, vector<16xf32>,
      %xor3A_788 = arith.constant 1 : i32
      %xor3A_789 = vector.broadcast %xor3A_788 : i32 to vector<16xi32>
      %xor3A_790 = arith.xori %iota3A_764, %xor3A_789 : vector<16xi32>
      %gather3A_791 = tpu.vector_load_idx %arg31[%xor3A_790] : memref<16xf32, #tpu.memory_space<vmem>>[vector<16xi32>], vector<16xf32>,
      %add3A_792 = arith.addf %add3A_785, %gather3A_791 : vector<16xf32>
      %add3A_793 = arith.addf %add3A_758, %add3A_792 : vector<16xf32>
      %sub3A_794 = arith.subf %div3A_600, %div3A_651 : vector<16xf32>
      %mul3A_795 = arith.mulf %sub3A_794, %sub3A_794 : vector<16xf32>
      %jit3A_796 = arith.constant 0.000000e+00 : f32
      %broadcast_in_dim3A_797 = vector.broadcast %jit3A_796 : f32 to vector<16xf32>
      %select_n3A_798 = arith.select %lt3A_1, %mul3A_795, %broadcast_in_dim3A_797 : vector<16xi1>, vector<16xf32>
      %iota3A_799 = tpu.iota {dimensions = array<i32: 0>} : vector<16xi32>
      %swap3A_800 = arith.constant 0 : index
      %swap3A_801 = tpu.vector_load %arg31[%swap3A_800] {strides = array<i32>} : memref<16xf32, #tpu.memory_space<vmem>>, vector<16xf32>,
      tpu.vector_store %arg31[%swap3A_800], %select_n3A_798 {strides = array<i32>} : memref<16xf32, #tpu.memory_space<vmem>>, vector<16xf32>,
      %xor3A_802 = arith.constant 8 : i32
      %xor3A_803 = vector.broadcast %xor3A_802 : i32 to vector<16xi32>
      %xor3A_804 = arith.xori %iota3A_799, %xor3A_803 : vector<16xi32>
      %gather3A_805 = tpu.vector_load_idx %arg31[%xor3A_804] : memref<16xf32, #tpu.memory_space<vmem>>[vector<16xi32>], vector<16xf32>,
      %add3A_806 = arith.addf %select_n3A_798, %gather3A_805 : vector<16xf32>
      %swap3A_807 = arith.constant 0 : index
      %swap3A_808 = tpu.vector_load %arg31[%swap3A_807] {strides = array<i32>} : memref<16xf32, #tpu.memory_space<vmem>>, vector<16xf32>,
      tpu.vector_store %arg31[%swap3A_807], %add3A_806 {strides = array<i32>} : memref<16xf32, #tpu.memory_space<vmem>>, vector<16xf32>,
      %xor3A_809 = arith.constant 4 : i32
      %xor3A_810 = vector.broadcast %xor3A_809 : i32 to vector<16xi32>
      %xor3A_811 = arith.xori %iota3A_799, %xor3A_810 : vector<16xi32>
      %gather3A_812 = tpu.vector_load_idx %arg31[%xor3A_811] : memref<16xf32, #tpu.memory_space<vmem>>[vector<16xi32>], vector<16xf32>,
      %add3A_813 = arith.addf %add3A_806, %gather3A_812 : vector<16xf32>
      %swap3A_814 = arith.constant 0 : index
      %swap3A_815 = tpu.vector_load %arg31[%swap3A_814] {strides = array<i32>} : memref<16xf32, #tpu.memory_space<vmem>>, vector<16xf32>,
      tpu.vector_store %arg31[%swap3A_814], %add3A_813 {strides = array<i32>} : memref<16xf32, #tpu.memory_space<vmem>>, vector<16xf32>,
      %xor3A_816 = arith.constant 2 : i32
      %xor3A_817 = vector.broadcast %xor3A_816 : i32 to vector<16xi32>
      %xor3A_818 = arith.xori %iota3A_799, %xor3A_817 : vector<16xi32>
      %gather3A_819 = tpu.vector_load_idx %arg31[%xor3A_818] : memref<16xf32, #tpu.memory_space<vmem>>[vector<16xi32>], vector<16xf32>,
      %add3A_820 = arith.addf %add3A_813, %gather3A_819 : vector<16xf32>
      %swap3A_821 = arith.constant 0 : index
      %swap3A_822 = tpu.vector_load %arg31[%swap3A_821] {strides = array<i32>} : memref<16xf32, #tpu.memory_space<vmem>>, vector<16xf32>,
      tpu.vector_store %arg31[%swap3A_821], %add3A_820 {strides = array<i32>} : memref<16xf32, #tpu.memory_space<vmem>>, vector<16xf32>,
      %xor3A_823 = arith.constant 1 : i32
      %xor3A_824 = vector.broadcast %xor3A_823 : i32 to vector<16xi32>
      %xor3A_825 = arith.xori %iota3A_799, %xor3A_824 : vector<16xi32>
      %gather3A_826 = tpu.vector_load_idx %arg31[%xor3A_825] : memref<16xf32, #tpu.memory_space<vmem>>[vector<16xi32>], vector<16xf32>,
      %add3A_827 = arith.addf %add3A_820, %gather3A_826 : vector<16xf32>
      %add3A_828 = arith.addf %add3A_793, %add3A_827 : vector<16xf32>
      %div3A_829 = arith.constant 4.400000e+01 : f32
      %div3A_830 = vector.broadcast %div3A_829 : f32 to vector<16xf32>
      %div3A_831 = arith.divf %add3A_828, %div3A_830 : vector<16xf32>
      %bitcast_convert_type3A = tpu.bitcast %div3A_831 : vector<16xf32> -> vector<16xi32>
      %shift_right_arithmetic3A = arith.constant 1 : i32
      %shift_right_arithmetic3A_832 = vector.broadcast %shift_right_arithmetic3A : i32 to vector<16xi32>
      %shift_right_arithmetic3A_833 = arith.shrsi %bitcast_convert_type3A, %shift_right_arithmetic3A_832 : vector<16xi32>
      %add3A_834 = arith.constant 532487670 : i32
      %add3A_835 = vector.broadcast %add3A_834 : i32 to vector<16xi32>
      %add3A_836 = arith.addi %shift_right_arithmetic3A_833, %add3A_835 : vector<16xi32>
      %bitcast_convert_type3A_837 = tpu.bitcast %add3A_836 : vector<16xi32> -> vector<16xf32>
      %div3A_838 = arith.divf %div3A_831, %bitcast_convert_type3A_837 : vector<16xf32>
      %add3A_839 = arith.addf %bitcast_convert_type3A_837, %div3A_838 : vector<16xf32>
      %mul3A_840 = arith.constant 5.000000e-01 : f32
      %mul3A_841 = vector.broadcast %mul3A_840 : f32 to vector<16xf32>
      %mul3A_842 = arith.mulf %mul3A_841, %add3A_839 : vector<16xf32>
      %div3A_843 = arith.divf %div3A_831, %mul3A_842 : vector<16xf32>
      %add3A_844 = arith.addf %mul3A_842, %div3A_843 : vector<16xf32>
      %mul3A_845 = arith.constant 5.000000e-01 : f32
      %mul3A_846 = vector.broadcast %mul3A_845 : f32 to vector<16xf32>
      %mul3A_847 = arith.mulf %mul3A_846, %add3A_844 : vector<16xf32>
      %div3A_848 = arith.divf %div3A_831, %mul3A_847 : vector<16xf32>
      %add3A_849 = arith.addf %mul3A_847, %div3A_848 : vector<16xf32>
      %mul3A_850 = arith.constant 5.000000e-01 : f32
      %mul3A_851 = vector.broadcast %mul3A_850 : f32 to vector<16xf32>
      %mul3A_852 = arith.mulf %mul3A_851, %add3A_849 : vector<16xf32>
      %div3A_853 = arith.divf %div3A_831, %mul3A_852 : vector<16xf32>
      %add3A_854 = arith.addf %mul3A_852, %div3A_853 : vector<16xf32>
      %mul3A_855 = arith.constant 5.000000e-01 : f32
      %mul3A_856 = vector.broadcast %mul3A_855 : f32 to vector<16xf32>
      %mul3A_857 = arith.mulf %mul3A_856, %add3A_854 : vector<16xf32>
      %gt3A_858 = arith.constant 0.000000e+00 : f32
      %gt3A_859 = vector.broadcast %gt3A_858 : f32 to vector<16xf32>
      %gt3A_860 = arith.cmpf ogt, %div3A_831, %gt3A_859 : vector<16xf32>
      %jit3A_861 = arith.constant 0.000000e+00 : f32
      %broadcast_in_dim3A_862 = vector.broadcast %jit3A_861 : f32 to vector<16xf32>
      %select_n3A_863 = arith.select %gt3A_860, %mul3A_857, %broadcast_in_dim3A_862 : vector<16xi1>, vector<16xf32>
      %add3A_864 = arith.addf %div3A_651, %select_n3A_863 : vector<16xf32>
      %ge3A = arith.cmpf oge, %div3A_277, %add3A_864 : vector<16xf32>
      %and3A_865 = arith.andi %lt3A_1, %ge3A : vector<16xi1>
      %gt3A_866 = arith.constant 0.00999999977 : f32
      %gt3A_867 = vector.broadcast %gt3A_866 : f32 to vector<16xf32>
      %gt3A_868 = arith.cmpf ogt, %min3A_292, %gt3A_867 : vector<16xf32>
      %and3A_869 = arith.andi %and3A_865, %gt3A_868 : vector<16xi1>
      %jit3A_870 = arith.constant -1.000000e+00 : f32
      %broadcast_in_dim3A_871 = vector.broadcast %jit3A_870 : f32 to vector<16xf32>
      %select_n3A_872 = arith.select %and3A_869, %div3A_277, %broadcast_in_dim3A_871 : vector<16xi1>, vector<16xf32>
      %swap3A_873 = arith.constant 0 : index
      %swap3A_874 = tpu.vector_load %arg22[%swap3A_873] {strides = array<i32>} : memref<80xf32, #tpu.memory_space<vmem>>, vector<16xf32>,
      tpu.vector_store %arg22[%swap3A_873], %select_n3A_872 {strides = array<i32>} : memref<80xf32, #tpu.memory_space<vmem>>, vector<16xf32>,
      %ge3A_875 = arith.cmpf oge, %div3A_357, %add3A_864 : vector<16xf32>
      %and3A_876 = arith.andi %lt3A_1, %ge3A_875 : vector<16xi1>
      %gt3A_877 = arith.constant 0.00999999977 : f32
      %gt3A_878 = vector.broadcast %gt3A_877 : f32 to vector<16xf32>
      %gt3A_879 = arith.cmpf ogt, %min3A_372, %gt3A_878 : vector<16xf32>
      %and3A_880 = arith.andi %and3A_876, %gt3A_879 : vector<16xi1>
      %jit3A_881 = arith.constant -1.000000e+00 : f32
      %broadcast_in_dim3A_882 = vector.broadcast %jit3A_881 : f32 to vector<16xf32>
      %select_n3A_883 = arith.select %and3A_880, %div3A_357, %broadcast_in_dim3A_882 : vector<16xi1>, vector<16xf32>
      %swap3A_884 = arith.constant 16 : index
      %swap3A_885 = tpu.vector_load %arg22[%swap3A_884] {strides = array<i32>} : memref<80xf32, #tpu.memory_space<vmem>>, vector<16xf32>,
      tpu.vector_store %arg22[%swap3A_884], %select_n3A_883 {strides = array<i32>} : memref<80xf32, #tpu.memory_space<vmem>>, vector<16xf32>,
      %ge3A_886 = arith.cmpf oge, %div3A_438, %add3A_864 : vector<16xf32>
      %and3A_887 = arith.andi %lt3A_1, %ge3A_886 : vector<16xi1>
      %gt3A_888 = arith.constant 0.00999999977 : f32
      %gt3A_889 = vector.broadcast %gt3A_888 : f32 to vector<16xf32>
      %gt3A_890 = arith.cmpf ogt, %min3A_453, %gt3A_889 : vector<16xf32>
      %and3A_891 = arith.andi %and3A_887, %gt3A_890 : vector<16xi1>
      %jit3A_892 = arith.constant -1.000000e+00 : f32
      %broadcast_in_dim3A_893 = vector.broadcast %jit3A_892 : f32 to vector<16xf32>
      %select_n3A_894 = arith.select %and3A_891, %div3A_438, %broadcast_in_dim3A_893 : vector<16xi1>, vector<16xf32>
      %swap3A_895 = arith.constant 32 : index
      %swap3A_896 = tpu.vector_load %arg22[%swap3A_895] {strides = array<i32>} : memref<80xf32, #tpu.memory_space<vmem>>, vector<16xf32>,
      tpu.vector_store %arg22[%swap3A_895], %select_n3A_894 {strides = array<i32>} : memref<80xf32, #tpu.memory_space<vmem>>, vector<16xf32>,
      %ge3A_897 = arith.cmpf oge, %div3A_519, %add3A_864 : vector<16xf32>
      %and3A_898 = arith.andi %lt3A_1, %ge3A_897 : vector<16xi1>
      %gt3A_899 = arith.constant 0.00999999977 : f32
      %gt3A_900 = vector.broadcast %gt3A_899 : f32 to vector<16xf32>
      %gt3A_901 = arith.cmpf ogt, %min3A_534, %gt3A_900 : vector<16xf32>
      %and3A_902 = arith.andi %and3A_898, %gt3A_901 : vector<16xi1>
      %jit3A_903 = arith.constant -1.000000e+00 : f32
      %broadcast_in_dim3A_904 = vector.broadcast %jit3A_903 : f32 to vector<16xf32>
      %select_n3A_905 = arith.select %and3A_902, %div3A_519, %broadcast_in_dim3A_904 : vector<16xi1>, vector<16xf32>
      %swap3A_906 = arith.constant 48 : index
      %swap3A_907 = tpu.vector_load %arg22[%swap3A_906] {strides = array<i32>} : memref<80xf32, #tpu.memory_space<vmem>>, vector<16xf32>,
      tpu.vector_store %arg22[%swap3A_906], %select_n3A_905 {strides = array<i32>} : memref<80xf32, #tpu.memory_space<vmem>>, vector<16xf32>,
      %ge3A_908 = arith.cmpf oge, %div3A_600, %add3A_864 : vector<16xf32>
      %and3A_909 = arith.andi %lt3A_1, %ge3A_908 : vector<16xi1>
      %gt3A_910 = arith.constant 0.00999999977 : f32
      %gt3A_911 = vector.broadcast %gt3A_910 : f32 to vector<16xf32>
      %gt3A_912 = arith.cmpf ogt, %min3A_615, %gt3A_911 : vector<16xf32>
      %and3A_913 = arith.andi %and3A_909, %gt3A_912 : vector<16xi1>
      %jit3A_914 = arith.constant -1.000000e+00 : f32
      %broadcast_in_dim3A_915 = vector.broadcast %jit3A_914 : f32 to vector<16xf32>
      %select_n3A_916 = arith.select %and3A_913, %div3A_600, %broadcast_in_dim3A_915 : vector<16xi1>, vector<16xf32>
      %swap3A_917 = arith.constant 64 : index
      %swap3A_918 = tpu.vector_load %arg22[%swap3A_917] {strides = array<i32>} : memref<80xf32, #tpu.memory_space<vmem>>, vector<16xf32>,
      tpu.vector_store %arg22[%swap3A_917], %select_n3A_916 {strides = array<i32>} : memref<80xf32, #tpu.memory_space<vmem>>, vector<16xf32>,
      %mul3A_919 = arith.constant 80 : i32
      %mul3A_920 = arith.muli %add3A_81, %mul3A_919 : i32
      "tpu.region"() ({
        %run_scoped3A = tpu.sem_alloc : memref<!tpu.dma_semaphore, #tpu.memory_space<semaphore_mem>>
        %dma_start3A_924 = tpu.memref_slice %arg12[%mul3A_920] : memref<8000xf32, #tpu.memory_space<hbm>> -> memref<80xf32, #tpu.memory_space<hbm>>
        %dma_start3A_925 = tpu.memref_slice %arg12[%mul3A_920] : memref<8000xf32, #tpu.memory_space<hbm>> -> memref<80xf32, #tpu.memory_space<hbm>>
        tpu.enqueue_dma source(%arg22 : memref<80xf32, #tpu.memory_space<vmem>>) target(%dma_start3A_925 : memref<80xf32, #tpu.memory_space<hbm>>) target_semaphore(%run_scoped3A : memref<!tpu.dma_semaphore, #tpu.memory_space<semaphore_mem>>)
        %dma_wait3A_926 = tpu.memref_slice %arg12[%mul3A_920] : memref<8000xf32, #tpu.memory_space<hbm>> -> memref<80xf32, #tpu.memory_space<hbm>>
        %dma_wait3A_927 = tpu.memref_slice %arg12[%mul3A_920] : memref<8000xf32, #tpu.memory_space<hbm>> -> memref<80xf32, #tpu.memory_space<hbm>>
        tpu.wait_dma2 semaphore(%run_scoped3A : memref<!tpu.dma_semaphore, #tpu.memory_space<semaphore_mem>>) src(%arg22 : memref<80xf32, #tpu.memory_space<vmem>>) dst(%dma_wait3A_927 : memref<80xf32, #tpu.memory_space<hbm>>)
        tpu.yield
      }) : () -> ()
      %mul3A_921 = arith.constant 80 : i32
      %mul3A_922 = arith.muli %add3A_81, %mul3A_921 : i32
      "tpu.region"() ({
        %run_scoped3A = tpu.sem_alloc : memref<!tpu.dma_semaphore, #tpu.memory_space<semaphore_mem>>
        %dma_start3A_924 = tpu.memref_slice %arg13[%mul3A_922] : memref<8000xi32, #tpu.memory_space<hbm>> -> memref<80xi32, #tpu.memory_space<hbm>>
        %dma_start3A_925 = tpu.memref_slice %arg13[%mul3A_922] : memref<8000xi32, #tpu.memory_space<hbm>> -> memref<80xi32, #tpu.memory_space<hbm>>
        tpu.enqueue_dma source(%arg21 : memref<80xi32, #tpu.memory_space<vmem>>) target(%dma_start3A_925 : memref<80xi32, #tpu.memory_space<hbm>>) target_semaphore(%run_scoped3A : memref<!tpu.dma_semaphore, #tpu.memory_space<semaphore_mem>>)
        %dma_wait3A_926 = tpu.memref_slice %arg13[%mul3A_922] : memref<8000xi32, #tpu.memory_space<hbm>> -> memref<80xi32, #tpu.memory_space<hbm>>
        %dma_wait3A_927 = tpu.memref_slice %arg13[%mul3A_922] : memref<8000xi32, #tpu.memory_space<hbm>> -> memref<80xi32, #tpu.memory_space<hbm>>
        tpu.wait_dma2 semaphore(%run_scoped3A : memref<!tpu.dma_semaphore, #tpu.memory_space<semaphore_mem>>) src(%arg21 : memref<80xi32, #tpu.memory_space<vmem>>) dst(%dma_wait3A_927 : memref<80xi32, #tpu.memory_space<hbm>>)
        tpu.yield
      }) : () -> ()
      %while3A_923 = arith.constant 0 : i32
      scf.yield %while3A_923 : i32
    }
    %while3A_43 = arith.constant 1 : i32
    %while3A_44 = scf.for %while3A_74 = %while3A_40 to %while3A_36 step %while3A_43 iter_args(%while3A_75 = %while3A_42) -> (i32)  : i32 {
      %mul3A_76 = arith.constant 50 : i32
      %mul3A_77 = arith.muli %arg0, %mul3A_76 : i32
      %add3A_78 = arith.addi %mul3A_77, %arg1 : i32
      %mul3A_79 = arith.constant 16 : i32
      %mul3A_80 = arith.muli %mul3A_79, %while3A_74 : i32
      %add3A_81 = arith.addi %add3A_78, %mul3A_80 : i32
      %broadcast_in_dim3A = vector.broadcast %add3A_81 : i32 to vector<16xi32>
      %gather3A = tpu.vector_load_idx %arg17[%broadcast_in_dim3A] : memref<112xf32, #tpu.memory_space<vmem>>[vector<16xi32>], vector<16xf32>,
      %broadcast_in_dim3A_82 = vector.broadcast %add3A_81 : i32 to vector<16xi32>
      %gather3A_83 = tpu.vector_load_idx %arg18[%broadcast_in_dim3A_82] : memref<112xf32, #tpu.memory_space<vmem>>[vector<16xi32>], vector<16xf32>,
      %broadcast_in_dim3A_84 = vector.broadcast %add3A_81 : i32 to vector<16xi32>
      %gather3A_85 = tpu.vector_load_idx %arg19[%broadcast_in_dim3A_84] : memref<112xf32, #tpu.memory_space<vmem>>[vector<16xi32>], vector<16xf32>,
      %broadcast_in_dim3A_86 = vector.broadcast %add3A_81 : i32 to vector<16xi32>
      %gather3A_87 = tpu.vector_load_idx %arg20[%broadcast_in_dim3A_86] : memref<112xf32, #tpu.memory_space<vmem>>[vector<16xi32>], vector<16xf32>,
      %add3A_88 = arith.addf %gather3A, %gather3A_85 : vector<16xf32>
      %mul3A_89 = arith.constant 5.000000e-01 : f32
      %mul3A_90 = vector.broadcast %mul3A_89 : f32 to vector<16xf32>
      %mul3A_91 = arith.mulf %add3A_88, %mul3A_90 : vector<16xf32>
      %add3A_92 = arith.addf %gather3A_83, %gather3A_87 : vector<16xf32>
      %mul3A_93 = arith.constant 5.000000e-01 : f32
      %mul3A_94 = vector.broadcast %mul3A_93 : f32 to vector<16xf32>
      %mul3A_95 = arith.mulf %add3A_92, %mul3A_94 : vector<16xf32>
      %iota3A_96 = tpu.iota {dimensions = array<i32: 0>} : vector<16xi32>
      %broadcast_in_dim3A_97 = arith.constant 3.000000e+38 : f32
      %broadcast_in_dim3A_98 = vector.broadcast %broadcast_in_dim3A_97 : f32 to vector<16xf32>
      %broadcast_in_dim3A_99 = arith.constant 0 : i32
      %broadcast_in_dim3A_100 = vector.broadcast %broadcast_in_dim3A_99 : i32 to vector<16xi32>
      %broadcast_in_dim3A_101 = arith.constant 3.000000e+38 : f32
      %broadcast_in_dim3A_102 = vector.broadcast %broadcast_in_dim3A_101 : f32 to vector<16xf32>
      %scan3A_103 = arith.constant 0 : i32
      %scan3A_104 = arith.constant 128 : i32
      %scan3A_105 = arith.addi %scan3A_103, %scan3A_104 : i32
      %scan3A_106 = arith.constant 1 : i32
      %scan3A_107:3 = scf.for %scan3A_924 = %scan3A_103 to %scan3A_105 step %scan3A_106 iter_args(%scan3A_925 = %broadcast_in_dim3A_98, %scan3A_926 = %broadcast_in_dim3A_100, %scan3A_927 = %broadcast_in_dim3A_102) -> (vector<16xf32>, vector<16xi32>, vector<16xf32>)  : i32 {
        %mul3A_928 = arith.constant 128 : i32
        %mul3A_929 = arith.muli %scan3A_924, %mul3A_928 : i32
        %add3A_930 = arith.constant 0 : i32
        %add3A_931 = arith.addi %add3A_930, %mul3A_929 : i32
        %add3A_932 = arith.constant 0 : i32
        %add3A_933 = arith.addi %add3A_931, %add3A_932 : i32
        %get3A_934 = arith.index_cast %add3A_933 : i32 to index
        %get3A_935 = tpu.vector_load %arg14[%get3A_934] {strides = array<i32>} : memref<21824xf32, #tpu.memory_space<vmem>>, vector<16xf32>,
        %sub3A_936 = arith.subf %get3A_935, %mul3A_91 : vector<16xf32>
        %add3A_937 = arith.constant 0 : i32
        %add3A_938 = arith.addi %add3A_931, %add3A_937 : i32
        %get3A_939 = arith.index_cast %add3A_938 : i32 to index
        %get3A_940 = tpu.vector_load %arg15[%get3A_939] {strides = array<i32>} : memref<21824xf32, #tpu.memory_space<vmem>>, vector<16xf32>,
        %sub3A_941 = arith.subf %get3A_940, %mul3A_95 : vector<16xf32>
        %mul3A_942 = arith.mulf %sub3A_936, %sub3A_936 : vector<16xf32>
        %mul3A_943 = arith.mulf %sub3A_941, %sub3A_941 : vector<16xf32>
        %add3A_944 = arith.addf %mul3A_942, %mul3A_943 : vector<16xf32>
        %lt3A_945 = arith.cmpf olt, %add3A_944, %scan3A_927 : vector<16xf32>
        %add3A_946 = arith.constant 16 : i32
        %add3A_947 = arith.addi %add3A_931, %add3A_946 : i32
        %get3A_948 = arith.index_cast %add3A_947 : i32 to index
        %get3A_949 = tpu.vector_load %arg14[%get3A_948] {strides = array<i32>} : memref<21824xf32, #tpu.memory_space<vmem>>, vector<16xf32>,
        %sub3A_950 = arith.subf %get3A_949, %mul3A_91 : vector<16xf32>
        %add3A_951 = arith.constant 16 : i32
        %add3A_952 = arith.addi %add3A_931, %add3A_951 : i32
        %get3A_953 = arith.index_cast %add3A_952 : i32 to index
        %get3A_954 = tpu.vector_load %arg15[%get3A_953] {strides = array<i32>} : memref<21824xf32, #tpu.memory_space<vmem>>, vector<16xf32>,
        %sub3A_955 = arith.subf %get3A_954, %mul3A_95 : vector<16xf32>
        %mul3A_956 = arith.mulf %sub3A_950, %sub3A_950 : vector<16xf32>
        %mul3A_957 = arith.mulf %sub3A_955, %sub3A_955 : vector<16xf32>
        %add3A_958 = arith.addf %mul3A_956, %mul3A_957 : vector<16xf32>
        %lt3A_959 = arith.cmpf olt, %add3A_958, %scan3A_927 : vector<16xf32>
        %or3A_960 = arith.ori %lt3A_945, %lt3A_959 : vector<16xi1>
        %add3A_961 = arith.constant 32 : i32
        %add3A_962 = arith.addi %add3A_931, %add3A_961 : i32
        %get3A_963 = arith.index_cast %add3A_962 : i32 to index
        %get3A_964 = tpu.vector_load %arg14[%get3A_963] {strides = array<i32>} : memref<21824xf32, #tpu.memory_space<vmem>>, vector<16xf32>,
        %sub3A_965 = arith.subf %get3A_964, %mul3A_91 : vector<16xf32>
        %add3A_966 = arith.constant 32 : i32
        %add3A_967 = arith.addi %add3A_931, %add3A_966 : i32
        %get3A_968 = arith.index_cast %add3A_967 : i32 to index
        %get3A_969 = tpu.vector_load %arg15[%get3A_968] {strides = array<i32>} : memref<21824xf32, #tpu.memory_space<vmem>>, vector<16xf32>,
        %sub3A_970 = arith.subf %get3A_969, %mul3A_95 : vector<16xf32>
        %mul3A_971 = arith.mulf %sub3A_965, %sub3A_965 : vector<16xf32>
        %mul3A_972 = arith.mulf %sub3A_970, %sub3A_970 : vector<16xf32>
        %add3A_973 = arith.addf %mul3A_971, %mul3A_972 : vector<16xf32>
        %lt3A_974 = arith.cmpf olt, %add3A_973, %scan3A_927 : vector<16xf32>
        %or3A_975 = arith.ori %or3A_960, %lt3A_974 : vector<16xi1>
        %add3A_976 = arith.constant 48 : i32
        %add3A_977 = arith.addi %add3A_931, %add3A_976 : i32
        %get3A_978 = arith.index_cast %add3A_977 : i32 to index
        %get3A_979 = tpu.vector_load %arg14[%get3A_978] {strides = array<i32>} : memref<21824xf32, #tpu.memory_space<vmem>>, vector<16xf32>,
        %sub3A_980 = arith.subf %get3A_979, %mul3A_91 : vector<16xf32>
        %add3A_981 = arith.constant 48 : i32
        %add3A_982 = arith.addi %add3A_931, %add3A_981 : i32
        %get3A_983 = arith.index_cast %add3A_982 : i32 to index
        %get3A_984 = tpu.vector_load %arg15[%get3A_983] {strides = array<i32>} : memref<21824xf32, #tpu.memory_space<vmem>>, vector<16xf32>,
        %sub3A_985 = arith.subf %get3A_984, %mul3A_95 : vector<16xf32>
        %mul3A_986 = arith.mulf %sub3A_980, %sub3A_980 : vector<16xf32>
        %mul3A_987 = arith.mulf %sub3A_985, %sub3A_985 : vector<16xf32>
        %add3A_988 = arith.addf %mul3A_986, %mul3A_987 : vector<16xf32>
        %lt3A_989 = arith.cmpf olt, %add3A_988, %scan3A_927 : vector<16xf32>
        %or3A_990 = arith.ori %or3A_975, %lt3A_989 : vector<16xi1>
        %add3A_991 = arith.constant 64 : i32
        %add3A_992 = arith.addi %add3A_931, %add3A_991 : i32
        %get3A_993 = arith.index_cast %add3A_992 : i32 to index
        %get3A_994 = tpu.vector_load %arg14[%get3A_993] {strides = array<i32>} : memref<21824xf32, #tpu.memory_space<vmem>>, vector<16xf32>,
        %sub3A_995 = arith.subf %get3A_994, %mul3A_91 : vector<16xf32>
        %add3A_996 = arith.constant 64 : i32
        %add3A_997 = arith.addi %add3A_931, %add3A_996 : i32
        %get3A_998 = arith.index_cast %add3A_997 : i32 to index
        %get3A_999 = tpu.vector_load %arg15[%get3A_998] {strides = array<i32>} : memref<21824xf32, #tpu.memory_space<vmem>>, vector<16xf32>,
        %sub3A_1000 = arith.subf %get3A_999, %mul3A_95 : vector<16xf32>
        %mul3A_1001 = arith.mulf %sub3A_995, %sub3A_995 : vector<16xf32>
        %mul3A_1002 = arith.mulf %sub3A_1000, %sub3A_1000 : vector<16xf32>
        %add3A_1003 = arith.addf %mul3A_1001, %mul3A_1002 : vector<16xf32>
        %lt3A_1004 = arith.cmpf olt, %add3A_1003, %scan3A_927 : vector<16xf32>
        %or3A_1005 = arith.ori %or3A_990, %lt3A_1004 : vector<16xi1>
        %add3A_1006 = arith.constant 80 : i32
        %add3A_1007 = arith.addi %add3A_931, %add3A_1006 : i32
        %get3A_1008 = arith.index_cast %add3A_1007 : i32 to index
        %get3A_1009 = tpu.vector_load %arg14[%get3A_1008] {strides = array<i32>} : memref<21824xf32, #tpu.memory_space<vmem>>, vector<16xf32>,
        %sub3A_1010 = arith.subf %get3A_1009, %mul3A_91 : vector<16xf32>
        %add3A_1011 = arith.constant 80 : i32
        %add3A_1012 = arith.addi %add3A_931, %add3A_1011 : i32
        %get3A_1013 = arith.index_cast %add3A_1012 : i32 to index
        %get3A_1014 = tpu.vector_load %arg15[%get3A_1013] {strides = array<i32>} : memref<21824xf32, #tpu.memory_space<vmem>>, vector<16xf32>,
        %sub3A_1015 = arith.subf %get3A_1014, %mul3A_95 : vector<16xf32>
        %mul3A_1016 = arith.mulf %sub3A_1010, %sub3A_1010 : vector<16xf32>
        %mul3A_1017 = arith.mulf %sub3A_1015, %sub3A_1015 : vector<16xf32>
        %add3A_1018 = arith.addf %mul3A_1016, %mul3A_1017 : vector<16xf32>
        %lt3A_1019 = arith.cmpf olt, %add3A_1018, %scan3A_927 : vector<16xf32>
        %or3A_1020 = arith.ori %or3A_1005, %lt3A_1019 : vector<16xi1>
        %add3A_1021 = arith.constant 96 : i32
        %add3A_1022 = arith.addi %add3A_931, %add3A_1021 : i32
        %get3A_1023 = arith.index_cast %add3A_1022 : i32 to index
        %get3A_1024 = tpu.vector_load %arg14[%get3A_1023] {strides = array<i32>} : memref<21824xf32, #tpu.memory_space<vmem>>, vector<16xf32>,
        %sub3A_1025 = arith.subf %get3A_1024, %mul3A_91 : vector<16xf32>
        %add3A_1026 = arith.constant 96 : i32
        %add3A_1027 = arith.addi %add3A_931, %add3A_1026 : i32
        %get3A_1028 = arith.index_cast %add3A_1027 : i32 to index
        %get3A_1029 = tpu.vector_load %arg15[%get3A_1028] {strides = array<i32>} : memref<21824xf32, #tpu.memory_space<vmem>>, vector<16xf32>,
        %sub3A_1030 = arith.subf %get3A_1029, %mul3A_95 : vector<16xf32>
        %mul3A_1031 = arith.mulf %sub3A_1025, %sub3A_1025 : vector<16xf32>
        %mul3A_1032 = arith.mulf %sub3A_1030, %sub3A_1030 : vector<16xf32>
        %add3A_1033 = arith.addf %mul3A_1031, %mul3A_1032 : vector<16xf32>
        %lt3A_1034 = arith.cmpf olt, %add3A_1033, %scan3A_927 : vector<16xf32>
        %or3A_1035 = arith.ori %or3A_1020, %lt3A_1034 : vector<16xi1>
        %add3A_1036 = arith.constant 112 : i32
        %add3A_1037 = arith.addi %add3A_931, %add3A_1036 : i32
        %get3A_1038 = arith.index_cast %add3A_1037 : i32 to index
        %get3A_1039 = tpu.vector_load %arg14[%get3A_1038] {strides = array<i32>} : memref<21824xf32, #tpu.memory_space<vmem>>, vector<16xf32>,
        %sub3A_1040 = arith.subf %get3A_1039, %mul3A_91 : vector<16xf32>
        %add3A_1041 = arith.constant 112 : i32
        %add3A_1042 = arith.addi %add3A_931, %add3A_1041 : i32
        %get3A_1043 = arith.index_cast %add3A_1042 : i32 to index
        %get3A_1044 = tpu.vector_load %arg15[%get3A_1043] {strides = array<i32>} : memref<21824xf32, #tpu.memory_space<vmem>>, vector<16xf32>,
        %sub3A_1045 = arith.subf %get3A_1044, %mul3A_95 : vector<16xf32>
        %mul3A_1046 = arith.mulf %sub3A_1040, %sub3A_1040 : vector<16xf32>
        %mul3A_1047 = arith.mulf %sub3A_1045, %sub3A_1045 : vector<16xf32>
        %add3A_1048 = arith.addf %mul3A_1046, %mul3A_1047 : vector<16xf32>
        %lt3A_1049 = arith.cmpf olt, %add3A_1048, %scan3A_927 : vector<16xf32>
        %or3A_1050 = arith.ori %or3A_1035, %lt3A_1049 : vector<16xi1>
        %all_reduce_population_count3A_1051 = tpu.all_reduce %or3A_1050 {dim = 0 : i64, kind = #tpu.reduction_kind<sum>} : vector<16xi1> -> vector<16xi32>
        %slice3A_1052 = vector.extract_strided_slice %all_reduce_population_count3A_1051 {offsets = [0], sizes = [1], strides = [1]} : vector<16xi32> to vector<1xi32>
        %squeeze3A_1053 = vector.extract %slice3A_1052[0] : i32 from vector<1xi32>
        %gt3A_1054 = arith.constant 0 : i32
        %gt3A_1055 = arith.cmpi sgt, %squeeze3A_1053, %gt3A_1054 : i32
        %convert_element_type3A_1056 = arith.extui %gt3A_1055 : i1 to i32
        %cond3A_1057 = arith.constant 0 : i32
        %cond3A_1058 = arith.constant 0 : i32
        %cond3A_1059 = arith.cmpi ne, %convert_element_type3A_1056, %cond3A_1058 : i32
        %cond3A_1060:3 = scf.if %cond3A_1059 -> (vector<16xf32>, vector<16xi32>, vector<16xf32>) {
          %add3A_1061 = arith.constant 0 : i32
          %add3A_1062 = arith.addi %add3A_931, %add3A_1061 : i32
          %add3A_1063 = vector.broadcast %add3A_1062 : i32 to vector<16xi32>
          %add3A_1064 = arith.addi %add3A_1063, %iota3A_96 : vector<16xi32>
          %masked_sort3A = arith.constant dense<true> : vector<16xi1>
          %masked_sort3A_1065, %masked_sort3A_1066, %masked_sort3A_1067 = tpu.sort %add3A_944, %add3A_1064 masked %masked_sort3A : (vector<16xf32>, vector<16xi32>, vector<16xi1>) -> (vector<16xi1>, vector<16xf32>, vector<16xi32>)
          %rev3A = arith.constant 15 : i32
          %rev3A_1068 = vector.broadcast %rev3A : i32 to vector<16xi32>
          %rev3A_1069 = tpu.iota {dimensions = array<i32: 0>} : vector<16xi32>
          %rev3A_1070 = arith.subi %rev3A_1068, %rev3A_1069 : vector<16xi32>
          %rev3A_1071 = tpu.dynamic_gather %masked_sort3A_1066[%rev3A_1070] in [0] : vector<16xf32>, vector<16xi32> -> vector<16xf32>
          %rev3A_1072 = arith.constant 15 : i32
          %rev3A_1073 = vector.broadcast %rev3A_1072 : i32 to vector<16xi32>
          %rev3A_1074 = tpu.iota {dimensions = array<i32: 0>} : vector<16xi32>
          %rev3A_1075 = arith.subi %rev3A_1073, %rev3A_1074 : vector<16xi32>
          %rev3A_1076 = tpu.dynamic_gather %masked_sort3A_1067[%rev3A_1075] in [0] : vector<16xi32>, vector<16xi32> -> vector<16xi32>
          %le3A = arith.cmpf ole, %scan3A_925, %rev3A_1071 : vector<16xf32>
          %select_n3A_1077 = arith.select %le3A, %scan3A_925, %rev3A_1071 : vector<16xi1>, vector<16xf32>
          %select_n3A_1078 = arith.select %le3A, %scan3A_926, %rev3A_1076 : vector<16xi1>, vector<16xi32>
          %masked_sort3A_1079 = arith.constant dense<true> : vector<16xi1>
          %masked_sort3A_1080, %masked_sort3A_1081, %masked_sort3A_1082 = tpu.sort %select_n3A_1077, %select_n3A_1078 masked %masked_sort3A_1079 : (vector<16xf32>, vector<16xi32>, vector<16xi1>) -> (vector<16xi1>, vector<16xf32>, vector<16xi32>)
          %add3A_1083 = arith.constant 16 : i32
          %add3A_1084 = arith.addi %add3A_931, %add3A_1083 : i32
          %add3A_1085 = vector.broadcast %add3A_1084 : i32 to vector<16xi32>
          %add3A_1086 = arith.addi %add3A_1085, %iota3A_96 : vector<16xi32>
          %masked_sort3A_1087 = arith.constant dense<true> : vector<16xi1>
          %masked_sort3A_1088, %masked_sort3A_1089, %masked_sort3A_1090 = tpu.sort %add3A_958, %add3A_1086 masked %masked_sort3A_1087 : (vector<16xf32>, vector<16xi32>, vector<16xi1>) -> (vector<16xi1>, vector<16xf32>, vector<16xi32>)
          %rev3A_1091 = arith.constant 15 : i32
          %rev3A_1092 = vector.broadcast %rev3A_1091 : i32 to vector<16xi32>
          %rev3A_1093 = tpu.iota {dimensions = array<i32: 0>} : vector<16xi32>
          %rev3A_1094 = arith.subi %rev3A_1092, %rev3A_1093 : vector<16xi32>
          %rev3A_1095 = tpu.dynamic_gather %masked_sort3A_1089[%rev3A_1094] in [0] : vector<16xf32>, vector<16xi32> -> vector<16xf32>
          %rev3A_1096 = arith.constant 15 : i32
          %rev3A_1097 = vector.broadcast %rev3A_1096 : i32 to vector<16xi32>
          %rev3A_1098 = tpu.iota {dimensions = array<i32: 0>} : vector<16xi32>
          %rev3A_1099 = arith.subi %rev3A_1097, %rev3A_1098 : vector<16xi32>
          %rev3A_1100 = tpu.dynamic_gather %masked_sort3A_1090[%rev3A_1099] in [0] : vector<16xi32>, vector<16xi32> -> vector<16xi32>
          %le3A_1101 = arith.cmpf ole, %masked_sort3A_1081, %rev3A_1095 : vector<16xf32>
          %select_n3A_1102 = arith.select %le3A_1101, %masked_sort3A_1081, %rev3A_1095 : vector<16xi1>, vector<16xf32>
          %select_n3A_1103 = arith.select %le3A_1101, %masked_sort3A_1082, %rev3A_1100 : vector<16xi1>, vector<16xi32>
          %masked_sort3A_1104 = arith.constant dense<true> : vector<16xi1>
          %masked_sort3A_1105, %masked_sort3A_1106, %masked_sort3A_1107 = tpu.sort %select_n3A_1102, %select_n3A_1103 masked %masked_sort3A_1104 : (vector<16xf32>, vector<16xi32>, vector<16xi1>) -> (vector<16xi1>, vector<16xf32>, vector<16xi32>)
          %add3A_1108 = arith.constant 32 : i32
          %add3A_1109 = arith.addi %add3A_931, %add3A_1108 : i32
          %add3A_1110 = vector.broadcast %add3A_1109 : i32 to vector<16xi32>
          %add3A_1111 = arith.addi %add3A_1110, %iota3A_96 : vector<16xi32>
          %masked_sort3A_1112 = arith.constant dense<true> : vector<16xi1>
          %masked_sort3A_1113, %masked_sort3A_1114, %masked_sort3A_1115 = tpu.sort %add3A_973, %add3A_1111 masked %masked_sort3A_1112 : (vector<16xf32>, vector<16xi32>, vector<16xi1>) -> (vector<16xi1>, vector<16xf32>, vector<16xi32>)
          %rev3A_1116 = arith.constant 15 : i32
          %rev3A_1117 = vector.broadcast %rev3A_1116 : i32 to vector<16xi32>
          %rev3A_1118 = tpu.iota {dimensions = array<i32: 0>} : vector<16xi32>
          %rev3A_1119 = arith.subi %rev3A_1117, %rev3A_1118 : vector<16xi32>
          %rev3A_1120 = tpu.dynamic_gather %masked_sort3A_1114[%rev3A_1119] in [0] : vector<16xf32>, vector<16xi32> -> vector<16xf32>
          %rev3A_1121 = arith.constant 15 : i32
          %rev3A_1122 = vector.broadcast %rev3A_1121 : i32 to vector<16xi32>
          %rev3A_1123 = tpu.iota {dimensions = array<i32: 0>} : vector<16xi32>
          %rev3A_1124 = arith.subi %rev3A_1122, %rev3A_1123 : vector<16xi32>
          %rev3A_1125 = tpu.dynamic_gather %masked_sort3A_1115[%rev3A_1124] in [0] : vector<16xi32>, vector<16xi32> -> vector<16xi32>
          %le3A_1126 = arith.cmpf ole, %masked_sort3A_1106, %rev3A_1120 : vector<16xf32>
          %select_n3A_1127 = arith.select %le3A_1126, %masked_sort3A_1106, %rev3A_1120 : vector<16xi1>, vector<16xf32>
          %select_n3A_1128 = arith.select %le3A_1126, %masked_sort3A_1107, %rev3A_1125 : vector<16xi1>, vector<16xi32>
          %masked_sort3A_1129 = arith.constant dense<true> : vector<16xi1>
          %masked_sort3A_1130, %masked_sort3A_1131, %masked_sort3A_1132 = tpu.sort %select_n3A_1127, %select_n3A_1128 masked %masked_sort3A_1129 : (vector<16xf32>, vector<16xi32>, vector<16xi1>) -> (vector<16xi1>, vector<16xf32>, vector<16xi32>)
          %add3A_1133 = arith.constant 48 : i32
          %add3A_1134 = arith.addi %add3A_931, %add3A_1133 : i32
          %add3A_1135 = vector.broadcast %add3A_1134 : i32 to vector<16xi32>
          %add3A_1136 = arith.addi %add3A_1135, %iota3A_96 : vector<16xi32>
          %masked_sort3A_1137 = arith.constant dense<true> : vector<16xi1>
          %masked_sort3A_1138, %masked_sort3A_1139, %masked_sort3A_1140 = tpu.sort %add3A_988, %add3A_1136 masked %masked_sort3A_1137 : (vector<16xf32>, vector<16xi32>, vector<16xi1>) -> (vector<16xi1>, vector<16xf32>, vector<16xi32>)
          %rev3A_1141 = arith.constant 15 : i32
          %rev3A_1142 = vector.broadcast %rev3A_1141 : i32 to vector<16xi32>
          %rev3A_1143 = tpu.iota {dimensions = array<i32: 0>} : vector<16xi32>
          %rev3A_1144 = arith.subi %rev3A_1142, %rev3A_1143 : vector<16xi32>
          %rev3A_1145 = tpu.dynamic_gather %masked_sort3A_1139[%rev3A_1144] in [0] : vector<16xf32>, vector<16xi32> -> vector<16xf32>
          %rev3A_1146 = arith.constant 15 : i32
          %rev3A_1147 = vector.broadcast %rev3A_1146 : i32 to vector<16xi32>
          %rev3A_1148 = tpu.iota {dimensions = array<i32: 0>} : vector<16xi32>
          %rev3A_1149 = arith.subi %rev3A_1147, %rev3A_1148 : vector<16xi32>
          %rev3A_1150 = tpu.dynamic_gather %masked_sort3A_1140[%rev3A_1149] in [0] : vector<16xi32>, vector<16xi32> -> vector<16xi32>
          %le3A_1151 = arith.cmpf ole, %masked_sort3A_1131, %rev3A_1145 : vector<16xf32>
          %select_n3A_1152 = arith.select %le3A_1151, %masked_sort3A_1131, %rev3A_1145 : vector<16xi1>, vector<16xf32>
          %select_n3A_1153 = arith.select %le3A_1151, %masked_sort3A_1132, %rev3A_1150 : vector<16xi1>, vector<16xi32>
          %masked_sort3A_1154 = arith.constant dense<true> : vector<16xi1>
          %masked_sort3A_1155, %masked_sort3A_1156, %masked_sort3A_1157 = tpu.sort %select_n3A_1152, %select_n3A_1153 masked %masked_sort3A_1154 : (vector<16xf32>, vector<16xi32>, vector<16xi1>) -> (vector<16xi1>, vector<16xf32>, vector<16xi32>)
          %add3A_1158 = arith.constant 64 : i32
          %add3A_1159 = arith.addi %add3A_931, %add3A_1158 : i32
          %add3A_1160 = vector.broadcast %add3A_1159 : i32 to vector<16xi32>
          %add3A_1161 = arith.addi %add3A_1160, %iota3A_96 : vector<16xi32>
          %masked_sort3A_1162 = arith.constant dense<true> : vector<16xi1>
          %masked_sort3A_1163, %masked_sort3A_1164, %masked_sort3A_1165 = tpu.sort %add3A_1003, %add3A_1161 masked %masked_sort3A_1162 : (vector<16xf32>, vector<16xi32>, vector<16xi1>) -> (vector<16xi1>, vector<16xf32>, vector<16xi32>)
          %rev3A_1166 = arith.constant 15 : i32
          %rev3A_1167 = vector.broadcast %rev3A_1166 : i32 to vector<16xi32>
          %rev3A_1168 = tpu.iota {dimensions = array<i32: 0>} : vector<16xi32>
          %rev3A_1169 = arith.subi %rev3A_1167, %rev3A_1168 : vector<16xi32>
          %rev3A_1170 = tpu.dynamic_gather %masked_sort3A_1164[%rev3A_1169] in [0] : vector<16xf32>, vector<16xi32> -> vector<16xf32>
          %rev3A_1171 = arith.constant 15 : i32
          %rev3A_1172 = vector.broadcast %rev3A_1171 : i32 to vector<16xi32>
          %rev3A_1173 = tpu.iota {dimensions = array<i32: 0>} : vector<16xi32>
          %rev3A_1174 = arith.subi %rev3A_1172, %rev3A_1173 : vector<16xi32>
          %rev3A_1175 = tpu.dynamic_gather %masked_sort3A_1165[%rev3A_1174] in [0] : vector<16xi32>, vector<16xi32> -> vector<16xi32>
          %le3A_1176 = arith.cmpf ole, %masked_sort3A_1156, %rev3A_1170 : vector<16xf32>
          %select_n3A_1177 = arith.select %le3A_1176, %masked_sort3A_1156, %rev3A_1170 : vector<16xi1>, vector<16xf32>
          %select_n3A_1178 = arith.select %le3A_1176, %masked_sort3A_1157, %rev3A_1175 : vector<16xi1>, vector<16xi32>
          %masked_sort3A_1179 = arith.constant dense<true> : vector<16xi1>
          %masked_sort3A_1180, %masked_sort3A_1181, %masked_sort3A_1182 = tpu.sort %select_n3A_1177, %select_n3A_1178 masked %masked_sort3A_1179 : (vector<16xf32>, vector<16xi32>, vector<16xi1>) -> (vector<16xi1>, vector<16xf32>, vector<16xi32>)
          %add3A_1183 = arith.constant 80 : i32
          %add3A_1184 = arith.addi %add3A_931, %add3A_1183 : i32
          %add3A_1185 = vector.broadcast %add3A_1184 : i32 to vector<16xi32>
          %add3A_1186 = arith.addi %add3A_1185, %iota3A_96 : vector<16xi32>
          %masked_sort3A_1187 = arith.constant dense<true> : vector<16xi1>
          %masked_sort3A_1188, %masked_sort3A_1189, %masked_sort3A_1190 = tpu.sort %add3A_1018, %add3A_1186 masked %masked_sort3A_1187 : (vector<16xf32>, vector<16xi32>, vector<16xi1>) -> (vector<16xi1>, vector<16xf32>, vector<16xi32>)
          %rev3A_1191 = arith.constant 15 : i32
          %rev3A_1192 = vector.broadcast %rev3A_1191 : i32 to vector<16xi32>
          %rev3A_1193 = tpu.iota {dimensions = array<i32: 0>} : vector<16xi32>
          %rev3A_1194 = arith.subi %rev3A_1192, %rev3A_1193 : vector<16xi32>
          %rev3A_1195 = tpu.dynamic_gather %masked_sort3A_1189[%rev3A_1194] in [0] : vector<16xf32>, vector<16xi32> -> vector<16xf32>
          %rev3A_1196 = arith.constant 15 : i32
          %rev3A_1197 = vector.broadcast %rev3A_1196 : i32 to vector<16xi32>
          %rev3A_1198 = tpu.iota {dimensions = array<i32: 0>} : vector<16xi32>
          %rev3A_1199 = arith.subi %rev3A_1197, %rev3A_1198 : vector<16xi32>
          %rev3A_1200 = tpu.dynamic_gather %masked_sort3A_1190[%rev3A_1199] in [0] : vector<16xi32>, vector<16xi32> -> vector<16xi32>
          %le3A_1201 = arith.cmpf ole, %masked_sort3A_1181, %rev3A_1195 : vector<16xf32>
          %select_n3A_1202 = arith.select %le3A_1201, %masked_sort3A_1181, %rev3A_1195 : vector<16xi1>, vector<16xf32>
          %select_n3A_1203 = arith.select %le3A_1201, %masked_sort3A_1182, %rev3A_1200 : vector<16xi1>, vector<16xi32>
          %masked_sort3A_1204 = arith.constant dense<true> : vector<16xi1>
          %masked_sort3A_1205, %masked_sort3A_1206, %masked_sort3A_1207 = tpu.sort %select_n3A_1202, %select_n3A_1203 masked %masked_sort3A_1204 : (vector<16xf32>, vector<16xi32>, vector<16xi1>) -> (vector<16xi1>, vector<16xf32>, vector<16xi32>)
          %add3A_1208 = arith.constant 96 : i32
          %add3A_1209 = arith.addi %add3A_931, %add3A_1208 : i32
          %add3A_1210 = vector.broadcast %add3A_1209 : i32 to vector<16xi32>
          %add3A_1211 = arith.addi %add3A_1210, %iota3A_96 : vector<16xi32>
          %masked_sort3A_1212 = arith.constant dense<true> : vector<16xi1>
          %masked_sort3A_1213, %masked_sort3A_1214, %masked_sort3A_1215 = tpu.sort %add3A_1033, %add3A_1211 masked %masked_sort3A_1212 : (vector<16xf32>, vector<16xi32>, vector<16xi1>) -> (vector<16xi1>, vector<16xf32>, vector<16xi32>)
          %rev3A_1216 = arith.constant 15 : i32
          %rev3A_1217 = vector.broadcast %rev3A_1216 : i32 to vector<16xi32>
          %rev3A_1218 = tpu.iota {dimensions = array<i32: 0>} : vector<16xi32>
          %rev3A_1219 = arith.subi %rev3A_1217, %rev3A_1218 : vector<16xi32>
          %rev3A_1220 = tpu.dynamic_gather %masked_sort3A_1214[%rev3A_1219] in [0] : vector<16xf32>, vector<16xi32> -> vector<16xf32>
          %rev3A_1221 = arith.constant 15 : i32
          %rev3A_1222 = vector.broadcast %rev3A_1221 : i32 to vector<16xi32>
          %rev3A_1223 = tpu.iota {dimensions = array<i32: 0>} : vector<16xi32>
          %rev3A_1224 = arith.subi %rev3A_1222, %rev3A_1223 : vector<16xi32>
          %rev3A_1225 = tpu.dynamic_gather %masked_sort3A_1215[%rev3A_1224] in [0] : vector<16xi32>, vector<16xi32> -> vector<16xi32>
          %le3A_1226 = arith.cmpf ole, %masked_sort3A_1206, %rev3A_1220 : vector<16xf32>
          %select_n3A_1227 = arith.select %le3A_1226, %masked_sort3A_1206, %rev3A_1220 : vector<16xi1>, vector<16xf32>
          %select_n3A_1228 = arith.select %le3A_1226, %masked_sort3A_1207, %rev3A_1225 : vector<16xi1>, vector<16xi32>
          %masked_sort3A_1229 = arith.constant dense<true> : vector<16xi1>
          %masked_sort3A_1230, %masked_sort3A_1231, %masked_sort3A_1232 = tpu.sort %select_n3A_1227, %select_n3A_1228 masked %masked_sort3A_1229 : (vector<16xf32>, vector<16xi32>, vector<16xi1>) -> (vector<16xi1>, vector<16xf32>, vector<16xi32>)
          %add3A_1233 = arith.constant 112 : i32
          %add3A_1234 = arith.addi %add3A_931, %add3A_1233 : i32
          %add3A_1235 = vector.broadcast %add3A_1234 : i32 to vector<16xi32>
          %add3A_1236 = arith.addi %add3A_1235, %iota3A_96 : vector<16xi32>
          %masked_sort3A_1237 = arith.constant dense<true> : vector<16xi1>
          %masked_sort3A_1238, %masked_sort3A_1239, %masked_sort3A_1240 = tpu.sort %add3A_1048, %add3A_1236 masked %masked_sort3A_1237 : (vector<16xf32>, vector<16xi32>, vector<16xi1>) -> (vector<16xi1>, vector<16xf32>, vector<16xi32>)
          %rev3A_1241 = arith.constant 15 : i32
          %rev3A_1242 = vector.broadcast %rev3A_1241 : i32 to vector<16xi32>
          %rev3A_1243 = tpu.iota {dimensions = array<i32: 0>} : vector<16xi32>
          %rev3A_1244 = arith.subi %rev3A_1242, %rev3A_1243 : vector<16xi32>
          %rev3A_1245 = tpu.dynamic_gather %masked_sort3A_1239[%rev3A_1244] in [0] : vector<16xf32>, vector<16xi32> -> vector<16xf32>
          %rev3A_1246 = arith.constant 15 : i32
          %rev3A_1247 = vector.broadcast %rev3A_1246 : i32 to vector<16xi32>
          %rev3A_1248 = tpu.iota {dimensions = array<i32: 0>} : vector<16xi32>
          %rev3A_1249 = arith.subi %rev3A_1247, %rev3A_1248 : vector<16xi32>
          %rev3A_1250 = tpu.dynamic_gather %masked_sort3A_1240[%rev3A_1249] in [0] : vector<16xi32>, vector<16xi32> -> vector<16xi32>
          %le3A_1251 = arith.cmpf ole, %masked_sort3A_1231, %rev3A_1245 : vector<16xf32>
          %select_n3A_1252 = arith.select %le3A_1251, %masked_sort3A_1231, %rev3A_1245 : vector<16xi1>, vector<16xf32>
          %select_n3A_1253 = arith.select %le3A_1251, %masked_sort3A_1232, %rev3A_1250 : vector<16xi1>, vector<16xi32>
          %masked_sort3A_1254 = arith.constant dense<true> : vector<16xi1>
          %masked_sort3A_1255, %masked_sort3A_1256, %masked_sort3A_1257 = tpu.sort %select_n3A_1252, %select_n3A_1253 masked %masked_sort3A_1254 : (vector<16xf32>, vector<16xi32>, vector<16xi1>) -> (vector<16xi1>, vector<16xf32>, vector<16xi32>)
          %swap3A_1258 = arith.constant 0 : index
          %swap3A_1259 = tpu.vector_load %arg31[%swap3A_1258] {strides = array<i32>} : memref<16xf32, #tpu.memory_space<vmem>>, vector<16xf32>,
          tpu.vector_store %arg31[%swap3A_1258], %masked_sort3A_1256 {strides = array<i32>} : memref<16xf32, #tpu.memory_space<vmem>>, vector<16xf32>,
          %broadcast_in_dim3A_1260 = arith.constant 8 : i32
          %broadcast_in_dim3A_1261 = vector.broadcast %broadcast_in_dim3A_1260 : i32 to vector<16xi32>
          %gather3A_1262 = tpu.vector_load_idx %arg31[%broadcast_in_dim3A_1261] : memref<16xf32, #tpu.memory_space<vmem>>[vector<16xi32>], vector<16xf32>,
          scf.yield %masked_sort3A_1256, %masked_sort3A_1257, %gather3A_1262 : vector<16xf32>, vector<16xi32>, vector<16xf32>
        } else {
          scf.yield %scan3A_925, %scan3A_926, %scan3A_927 : vector<16xf32>, vector<16xi32>, vector<16xf32>
        }
        scf.yield %cond3A_1060#0, %cond3A_1060#1, %cond3A_1060#2 : vector<16xf32>, vector<16xi32>, vector<16xf32>
      }
      %scan3A_108 = arith.constant 128 : i32
      %swap3A = arith.constant 0 : index
      %swap3A_109 = tpu.vector_load %arg21[%swap3A] {strides = array<i32>} : memref<80xi32, #tpu.memory_space<vmem>>, vector<16xi32>,
      tpu.vector_store %arg21[%swap3A], %scan3A_107#1 {strides = array<i32>} : memref<80xi32, #tpu.memory_space<vmem>>, vector<16xi32>,
      %iota3A_110 = tpu.iota {dimensions = array<i32: 0>} : vector<16xi32>
      %broadcast_in_dim3A_111 = arith.constant 3.000000e+38 : f32
      %broadcast_in_dim3A_112 = vector.broadcast %broadcast_in_dim3A_111 : f32 to vector<16xf32>
      %broadcast_in_dim3A_113 = arith.constant 0 : i32
      %broadcast_in_dim3A_114 = vector.broadcast %broadcast_in_dim3A_113 : i32 to vector<16xi32>
      %broadcast_in_dim3A_115 = arith.constant 3.000000e+38 : f32
      %broadcast_in_dim3A_116 = vector.broadcast %broadcast_in_dim3A_115 : f32 to vector<16xf32>
      %scan3A_117 = arith.constant 0 : i32
      %scan3A_118 = arith.constant 32 : i32
      %scan3A_119 = arith.addi %scan3A_117, %scan3A_118 : i32
      %scan3A_120 = arith.constant 1 : i32
      %scan3A_121:3 = scf.for %scan3A_924 = %scan3A_117 to %scan3A_119 step %scan3A_120 iter_args(%scan3A_925 = %broadcast_in_dim3A_112, %scan3A_926 = %broadcast_in_dim3A_114, %scan3A_927 = %broadcast_in_dim3A_116) -> (vector<16xf32>, vector<16xi32>, vector<16xf32>)  : i32 {
        %mul3A_928 = arith.constant 128 : i32
        %mul3A_929 = arith.muli %scan3A_924, %mul3A_928 : i32
        %add3A_930 = arith.constant 16384 : i32
        %add3A_931 = arith.addi %add3A_930, %mul3A_929 : i32
        %add3A_932 = arith.constant 0 : i32
        %add3A_933 = arith.addi %add3A_931, %add3A_932 : i32
        %get3A_934 = arith.index_cast %add3A_933 : i32 to index
        %get3A_935 = tpu.vector_load %arg14[%get3A_934] {strides = array<i32>} : memref<21824xf32, #tpu.memory_space<vmem>>, vector<16xf32>,
        %sub3A_936 = arith.subf %get3A_935, %mul3A_91 : vector<16xf32>
        %add3A_937 = arith.constant 0 : i32
        %add3A_938 = arith.addi %add3A_931, %add3A_937 : i32
        %get3A_939 = arith.index_cast %add3A_938 : i32 to index
        %get3A_940 = tpu.vector_load %arg15[%get3A_939] {strides = array<i32>} : memref<21824xf32, #tpu.memory_space<vmem>>, vector<16xf32>,
        %sub3A_941 = arith.subf %get3A_940, %mul3A_95 : vector<16xf32>
        %mul3A_942 = arith.mulf %sub3A_936, %sub3A_936 : vector<16xf32>
        %mul3A_943 = arith.mulf %sub3A_941, %sub3A_941 : vector<16xf32>
        %add3A_944 = arith.addf %mul3A_942, %mul3A_943 : vector<16xf32>
        %lt3A_945 = arith.cmpf olt, %add3A_944, %scan3A_927 : vector<16xf32>
        %add3A_946 = arith.constant 16 : i32
        %add3A_947 = arith.addi %add3A_931, %add3A_946 : i32
        %get3A_948 = arith.index_cast %add3A_947 : i32 to index
        %get3A_949 = tpu.vector_load %arg14[%get3A_948] {strides = array<i32>} : memref<21824xf32, #tpu.memory_space<vmem>>, vector<16xf32>,
        %sub3A_950 = arith.subf %get3A_949, %mul3A_91 : vector<16xf32>
        %add3A_951 = arith.constant 16 : i32
        %add3A_952 = arith.addi %add3A_931, %add3A_951 : i32
        %get3A_953 = arith.index_cast %add3A_952 : i32 to index
        %get3A_954 = tpu.vector_load %arg15[%get3A_953] {strides = array<i32>} : memref<21824xf32, #tpu.memory_space<vmem>>, vector<16xf32>,
        %sub3A_955 = arith.subf %get3A_954, %mul3A_95 : vector<16xf32>
        %mul3A_956 = arith.mulf %sub3A_950, %sub3A_950 : vector<16xf32>
        %mul3A_957 = arith.mulf %sub3A_955, %sub3A_955 : vector<16xf32>
        %add3A_958 = arith.addf %mul3A_956, %mul3A_957 : vector<16xf32>
        %lt3A_959 = arith.cmpf olt, %add3A_958, %scan3A_927 : vector<16xf32>
        %or3A_960 = arith.ori %lt3A_945, %lt3A_959 : vector<16xi1>
        %add3A_961 = arith.constant 32 : i32
        %add3A_962 = arith.addi %add3A_931, %add3A_961 : i32
        %get3A_963 = arith.index_cast %add3A_962 : i32 to index
        %get3A_964 = tpu.vector_load %arg14[%get3A_963] {strides = array<i32>} : memref<21824xf32, #tpu.memory_space<vmem>>, vector<16xf32>,
        %sub3A_965 = arith.subf %get3A_964, %mul3A_91 : vector<16xf32>
        %add3A_966 = arith.constant 32 : i32
        %add3A_967 = arith.addi %add3A_931, %add3A_966 : i32
        %get3A_968 = arith.index_cast %add3A_967 : i32 to index
        %get3A_969 = tpu.vector_load %arg15[%get3A_968] {strides = array<i32>} : memref<21824xf32, #tpu.memory_space<vmem>>, vector<16xf32>,
        %sub3A_970 = arith.subf %get3A_969, %mul3A_95 : vector<16xf32>
        %mul3A_971 = arith.mulf %sub3A_965, %sub3A_965 : vector<16xf32>
        %mul3A_972 = arith.mulf %sub3A_970, %sub3A_970 : vector<16xf32>
        %add3A_973 = arith.addf %mul3A_971, %mul3A_972 : vector<16xf32>
        %lt3A_974 = arith.cmpf olt, %add3A_973, %scan3A_927 : vector<16xf32>
        %or3A_975 = arith.ori %or3A_960, %lt3A_974 : vector<16xi1>
        %add3A_976 = arith.constant 48 : i32
        %add3A_977 = arith.addi %add3A_931, %add3A_976 : i32
        %get3A_978 = arith.index_cast %add3A_977 : i32 to index
        %get3A_979 = tpu.vector_load %arg14[%get3A_978] {strides = array<i32>} : memref<21824xf32, #tpu.memory_space<vmem>>, vector<16xf32>,
        %sub3A_980 = arith.subf %get3A_979, %mul3A_91 : vector<16xf32>
        %add3A_981 = arith.constant 48 : i32
        %add3A_982 = arith.addi %add3A_931, %add3A_981 : i32
        %get3A_983 = arith.index_cast %add3A_982 : i32 to index
        %get3A_984 = tpu.vector_load %arg15[%get3A_983] {strides = array<i32>} : memref<21824xf32, #tpu.memory_space<vmem>>, vector<16xf32>,
        %sub3A_985 = arith.subf %get3A_984, %mul3A_95 : vector<16xf32>
        %mul3A_986 = arith.mulf %sub3A_980, %sub3A_980 : vector<16xf32>
        %mul3A_987 = arith.mulf %sub3A_985, %sub3A_985 : vector<16xf32>
        %add3A_988 = arith.addf %mul3A_986, %mul3A_987 : vector<16xf32>
        %lt3A_989 = arith.cmpf olt, %add3A_988, %scan3A_927 : vector<16xf32>
        %or3A_990 = arith.ori %or3A_975, %lt3A_989 : vector<16xi1>
        %add3A_991 = arith.constant 64 : i32
        %add3A_992 = arith.addi %add3A_931, %add3A_991 : i32
        %get3A_993 = arith.index_cast %add3A_992 : i32 to index
        %get3A_994 = tpu.vector_load %arg14[%get3A_993] {strides = array<i32>} : memref<21824xf32, #tpu.memory_space<vmem>>, vector<16xf32>,
        %sub3A_995 = arith.subf %get3A_994, %mul3A_91 : vector<16xf32>
        %add3A_996 = arith.constant 64 : i32
        %add3A_997 = arith.addi %add3A_931, %add3A_996 : i32
        %get3A_998 = arith.index_cast %add3A_997 : i32 to index
        %get3A_999 = tpu.vector_load %arg15[%get3A_998] {strides = array<i32>} : memref<21824xf32, #tpu.memory_space<vmem>>, vector<16xf32>,
        %sub3A_1000 = arith.subf %get3A_999, %mul3A_95 : vector<16xf32>
        %mul3A_1001 = arith.mulf %sub3A_995, %sub3A_995 : vector<16xf32>
        %mul3A_1002 = arith.mulf %sub3A_1000, %sub3A_1000 : vector<16xf32>
        %add3A_1003 = arith.addf %mul3A_1001, %mul3A_1002 : vector<16xf32>
        %lt3A_1004 = arith.cmpf olt, %add3A_1003, %scan3A_927 : vector<16xf32>
        %or3A_1005 = arith.ori %or3A_990, %lt3A_1004 : vector<16xi1>
        %add3A_1006 = arith.constant 80 : i32
        %add3A_1007 = arith.addi %add3A_931, %add3A_1006 : i32
        %get3A_1008 = arith.index_cast %add3A_1007 : i32 to index
        %get3A_1009 = tpu.vector_load %arg14[%get3A_1008] {strides = array<i32>} : memref<21824xf32, #tpu.memory_space<vmem>>, vector<16xf32>,
        %sub3A_1010 = arith.subf %get3A_1009, %mul3A_91 : vector<16xf32>
        %add3A_1011 = arith.constant 80 : i32
        %add3A_1012 = arith.addi %add3A_931, %add3A_1011 : i32
        %get3A_1013 = arith.index_cast %add3A_1012 : i32 to index
        %get3A_1014 = tpu.vector_load %arg15[%get3A_1013] {strides = array<i32>} : memref<21824xf32, #tpu.memory_space<vmem>>, vector<16xf32>,
        %sub3A_1015 = arith.subf %get3A_1014, %mul3A_95 : vector<16xf32>
        %mul3A_1016 = arith.mulf %sub3A_1010, %sub3A_1010 : vector<16xf32>
        %mul3A_1017 = arith.mulf %sub3A_1015, %sub3A_1015 : vector<16xf32>
        %add3A_1018 = arith.addf %mul3A_1016, %mul3A_1017 : vector<16xf32>
        %lt3A_1019 = arith.cmpf olt, %add3A_1018, %scan3A_927 : vector<16xf32>
        %or3A_1020 = arith.ori %or3A_1005, %lt3A_1019 : vector<16xi1>
        %add3A_1021 = arith.constant 96 : i32
        %add3A_1022 = arith.addi %add3A_931, %add3A_1021 : i32
        %get3A_1023 = arith.index_cast %add3A_1022 : i32 to index
        %get3A_1024 = tpu.vector_load %arg14[%get3A_1023] {strides = array<i32>} : memref<21824xf32, #tpu.memory_space<vmem>>, vector<16xf32>,
        %sub3A_1025 = arith.subf %get3A_1024, %mul3A_91 : vector<16xf32>
        %add3A_1026 = arith.constant 96 : i32
        %add3A_1027 = arith.addi %add3A_931, %add3A_1026 : i32
        %get3A_1028 = arith.index_cast %add3A_1027 : i32 to index
        %get3A_1029 = tpu.vector_load %arg15[%get3A_1028] {strides = array<i32>} : memref<21824xf32, #tpu.memory_space<vmem>>, vector<16xf32>,
        %sub3A_1030 = arith.subf %get3A_1029, %mul3A_95 : vector<16xf32>
        %mul3A_1031 = arith.mulf %sub3A_1025, %sub3A_1025 : vector<16xf32>
        %mul3A_1032 = arith.mulf %sub3A_1030, %sub3A_1030 : vector<16xf32>
        %add3A_1033 = arith.addf %mul3A_1031, %mul3A_1032 : vector<16xf32>
        %lt3A_1034 = arith.cmpf olt, %add3A_1033, %scan3A_927 : vector<16xf32>
        %or3A_1035 = arith.ori %or3A_1020, %lt3A_1034 : vector<16xi1>
        %add3A_1036 = arith.constant 112 : i32
        %add3A_1037 = arith.addi %add3A_931, %add3A_1036 : i32
        %get3A_1038 = arith.index_cast %add3A_1037 : i32 to index
        %get3A_1039 = tpu.vector_load %arg14[%get3A_1038] {strides = array<i32>} : memref<21824xf32, #tpu.memory_space<vmem>>, vector<16xf32>,
        %sub3A_1040 = arith.subf %get3A_1039, %mul3A_91 : vector<16xf32>
        %add3A_1041 = arith.constant 112 : i32
        %add3A_1042 = arith.addi %add3A_931, %add3A_1041 : i32
        %get3A_1043 = arith.index_cast %add3A_1042 : i32 to index
        %get3A_1044 = tpu.vector_load %arg15[%get3A_1043] {strides = array<i32>} : memref<21824xf32, #tpu.memory_space<vmem>>, vector<16xf32>,
        %sub3A_1045 = arith.subf %get3A_1044, %mul3A_95 : vector<16xf32>
        %mul3A_1046 = arith.mulf %sub3A_1040, %sub3A_1040 : vector<16xf32>
        %mul3A_1047 = arith.mulf %sub3A_1045, %sub3A_1045 : vector<16xf32>
        %add3A_1048 = arith.addf %mul3A_1046, %mul3A_1047 : vector<16xf32>
        %lt3A_1049 = arith.cmpf olt, %add3A_1048, %scan3A_927 : vector<16xf32>
        %or3A_1050 = arith.ori %or3A_1035, %lt3A_1049 : vector<16xi1>
        %all_reduce_population_count3A_1051 = tpu.all_reduce %or3A_1050 {dim = 0 : i64, kind = #tpu.reduction_kind<sum>} : vector<16xi1> -> vector<16xi32>
        %slice3A_1052 = vector.extract_strided_slice %all_reduce_population_count3A_1051 {offsets = [0], sizes = [1], strides = [1]} : vector<16xi32> to vector<1xi32>
        %squeeze3A_1053 = vector.extract %slice3A_1052[0] : i32 from vector<1xi32>
        %gt3A_1054 = arith.constant 0 : i32
        %gt3A_1055 = arith.cmpi sgt, %squeeze3A_1053, %gt3A_1054 : i32
        %convert_element_type3A_1056 = arith.extui %gt3A_1055 : i1 to i32
        %cond3A_1057 = arith.constant 0 : i32
        %cond3A_1058 = arith.constant 0 : i32
        %cond3A_1059 = arith.cmpi ne, %convert_element_type3A_1056, %cond3A_1058 : i32
        %cond3A_1060:3 = scf.if %cond3A_1059 -> (vector<16xf32>, vector<16xi32>, vector<16xf32>) {
          %add3A_1061 = arith.constant 0 : i32
          %add3A_1062 = arith.addi %add3A_931, %add3A_1061 : i32
          %add3A_1063 = vector.broadcast %add3A_1062 : i32 to vector<16xi32>
          %add3A_1064 = arith.addi %add3A_1063, %iota3A_110 : vector<16xi32>
          %masked_sort3A = arith.constant dense<true> : vector<16xi1>
          %masked_sort3A_1065, %masked_sort3A_1066, %masked_sort3A_1067 = tpu.sort %add3A_944, %add3A_1064 masked %masked_sort3A : (vector<16xf32>, vector<16xi32>, vector<16xi1>) -> (vector<16xi1>, vector<16xf32>, vector<16xi32>)
          %rev3A = arith.constant 15 : i32
          %rev3A_1068 = vector.broadcast %rev3A : i32 to vector<16xi32>
          %rev3A_1069 = tpu.iota {dimensions = array<i32: 0>} : vector<16xi32>
          %rev3A_1070 = arith.subi %rev3A_1068, %rev3A_1069 : vector<16xi32>
          %rev3A_1071 = tpu.dynamic_gather %masked_sort3A_1066[%rev3A_1070] in [0] : vector<16xf32>, vector<16xi32> -> vector<16xf32>
          %rev3A_1072 = arith.constant 15 : i32
          %rev3A_1073 = vector.broadcast %rev3A_1072 : i32 to vector<16xi32>
          %rev3A_1074 = tpu.iota {dimensions = array<i32: 0>} : vector<16xi32>
          %rev3A_1075 = arith.subi %rev3A_1073, %rev3A_1074 : vector<16xi32>
          %rev3A_1076 = tpu.dynamic_gather %masked_sort3A_1067[%rev3A_1075] in [0] : vector<16xi32>, vector<16xi32> -> vector<16xi32>
          %le3A = arith.cmpf ole, %scan3A_925, %rev3A_1071 : vector<16xf32>
          %select_n3A_1077 = arith.select %le3A, %scan3A_925, %rev3A_1071 : vector<16xi1>, vector<16xf32>
          %select_n3A_1078 = arith.select %le3A, %scan3A_926, %rev3A_1076 : vector<16xi1>, vector<16xi32>
          %masked_sort3A_1079 = arith.constant dense<true> : vector<16xi1>
          %masked_sort3A_1080, %masked_sort3A_1081, %masked_sort3A_1082 = tpu.sort %select_n3A_1077, %select_n3A_1078 masked %masked_sort3A_1079 : (vector<16xf32>, vector<16xi32>, vector<16xi1>) -> (vector<16xi1>, vector<16xf32>, vector<16xi32>)
          %add3A_1083 = arith.constant 16 : i32
          %add3A_1084 = arith.addi %add3A_931, %add3A_1083 : i32
          %add3A_1085 = vector.broadcast %add3A_1084 : i32 to vector<16xi32>
          %add3A_1086 = arith.addi %add3A_1085, %iota3A_110 : vector<16xi32>
          %masked_sort3A_1087 = arith.constant dense<true> : vector<16xi1>
          %masked_sort3A_1088, %masked_sort3A_1089, %masked_sort3A_1090 = tpu.sort %add3A_958, %add3A_1086 masked %masked_sort3A_1087 : (vector<16xf32>, vector<16xi32>, vector<16xi1>) -> (vector<16xi1>, vector<16xf32>, vector<16xi32>)
          %rev3A_1091 = arith.constant 15 : i32
          %rev3A_1092 = vector.broadcast %rev3A_1091 : i32 to vector<16xi32>
          %rev3A_1093 = tpu.iota {dimensions = array<i32: 0>} : vector<16xi32>
          %rev3A_1094 = arith.subi %rev3A_1092, %rev3A_1093 : vector<16xi32>
          %rev3A_1095 = tpu.dynamic_gather %masked_sort3A_1089[%rev3A_1094] in [0] : vector<16xf32>, vector<16xi32> -> vector<16xf32>
          %rev3A_1096 = arith.constant 15 : i32
          %rev3A_1097 = vector.broadcast %rev3A_1096 : i32 to vector<16xi32>
          %rev3A_1098 = tpu.iota {dimensions = array<i32: 0>} : vector<16xi32>
          %rev3A_1099 = arith.subi %rev3A_1097, %rev3A_1098 : vector<16xi32>
          %rev3A_1100 = tpu.dynamic_gather %masked_sort3A_1090[%rev3A_1099] in [0] : vector<16xi32>, vector<16xi32> -> vector<16xi32>
          %le3A_1101 = arith.cmpf ole, %masked_sort3A_1081, %rev3A_1095 : vector<16xf32>
          %select_n3A_1102 = arith.select %le3A_1101, %masked_sort3A_1081, %rev3A_1095 : vector<16xi1>, vector<16xf32>
          %select_n3A_1103 = arith.select %le3A_1101, %masked_sort3A_1082, %rev3A_1100 : vector<16xi1>, vector<16xi32>
          %masked_sort3A_1104 = arith.constant dense<true> : vector<16xi1>
          %masked_sort3A_1105, %masked_sort3A_1106, %masked_sort3A_1107 = tpu.sort %select_n3A_1102, %select_n3A_1103 masked %masked_sort3A_1104 : (vector<16xf32>, vector<16xi32>, vector<16xi1>) -> (vector<16xi1>, vector<16xf32>, vector<16xi32>)
          %add3A_1108 = arith.constant 32 : i32
          %add3A_1109 = arith.addi %add3A_931, %add3A_1108 : i32
          %add3A_1110 = vector.broadcast %add3A_1109 : i32 to vector<16xi32>
          %add3A_1111 = arith.addi %add3A_1110, %iota3A_110 : vector<16xi32>
          %masked_sort3A_1112 = arith.constant dense<true> : vector<16xi1>
          %masked_sort3A_1113, %masked_sort3A_1114, %masked_sort3A_1115 = tpu.sort %add3A_973, %add3A_1111 masked %masked_sort3A_1112 : (vector<16xf32>, vector<16xi32>, vector<16xi1>) -> (vector<16xi1>, vector<16xf32>, vector<16xi32>)
          %rev3A_1116 = arith.constant 15 : i32
          %rev3A_1117 = vector.broadcast %rev3A_1116 : i32 to vector<16xi32>
          %rev3A_1118 = tpu.iota {dimensions = array<i32: 0>} : vector<16xi32>
          %rev3A_1119 = arith.subi %rev3A_1117, %rev3A_1118 : vector<16xi32>
          %rev3A_1120 = tpu.dynamic_gather %masked_sort3A_1114[%rev3A_1119] in [0] : vector<16xf32>, vector<16xi32> -> vector<16xf32>
          %rev3A_1121 = arith.constant 15 : i32
          %rev3A_1122 = vector.broadcast %rev3A_1121 : i32 to vector<16xi32>
          %rev3A_1123 = tpu.iota {dimensions = array<i32: 0>} : vector<16xi32>
          %rev3A_1124 = arith.subi %rev3A_1122, %rev3A_1123 : vector<16xi32>
          %rev3A_1125 = tpu.dynamic_gather %masked_sort3A_1115[%rev3A_1124] in [0] : vector<16xi32>, vector<16xi32> -> vector<16xi32>
          %le3A_1126 = arith.cmpf ole, %masked_sort3A_1106, %rev3A_1120 : vector<16xf32>
          %select_n3A_1127 = arith.select %le3A_1126, %masked_sort3A_1106, %rev3A_1120 : vector<16xi1>, vector<16xf32>
          %select_n3A_1128 = arith.select %le3A_1126, %masked_sort3A_1107, %rev3A_1125 : vector<16xi1>, vector<16xi32>
          %masked_sort3A_1129 = arith.constant dense<true> : vector<16xi1>
          %masked_sort3A_1130, %masked_sort3A_1131, %masked_sort3A_1132 = tpu.sort %select_n3A_1127, %select_n3A_1128 masked %masked_sort3A_1129 : (vector<16xf32>, vector<16xi32>, vector<16xi1>) -> (vector<16xi1>, vector<16xf32>, vector<16xi32>)
          %add3A_1133 = arith.constant 48 : i32
          %add3A_1134 = arith.addi %add3A_931, %add3A_1133 : i32
          %add3A_1135 = vector.broadcast %add3A_1134 : i32 to vector<16xi32>
          %add3A_1136 = arith.addi %add3A_1135, %iota3A_110 : vector<16xi32>
          %masked_sort3A_1137 = arith.constant dense<true> : vector<16xi1>
          %masked_sort3A_1138, %masked_sort3A_1139, %masked_sort3A_1140 = tpu.sort %add3A_988, %add3A_1136 masked %masked_sort3A_1137 : (vector<16xf32>, vector<16xi32>, vector<16xi1>) -> (vector<16xi1>, vector<16xf32>, vector<16xi32>)
          %rev3A_1141 = arith.constant 15 : i32
          %rev3A_1142 = vector.broadcast %rev3A_1141 : i32 to vector<16xi32>
          %rev3A_1143 = tpu.iota {dimensions = array<i32: 0>} : vector<16xi32>
          %rev3A_1144 = arith.subi %rev3A_1142, %rev3A_1143 : vector<16xi32>
          %rev3A_1145 = tpu.dynamic_gather %masked_sort3A_1139[%rev3A_1144] in [0] : vector<16xf32>, vector<16xi32> -> vector<16xf32>
          %rev3A_1146 = arith.constant 15 : i32
          %rev3A_1147 = vector.broadcast %rev3A_1146 : i32 to vector<16xi32>
          %rev3A_1148 = tpu.iota {dimensions = array<i32: 0>} : vector<16xi32>
          %rev3A_1149 = arith.subi %rev3A_1147, %rev3A_1148 : vector<16xi32>
          %rev3A_1150 = tpu.dynamic_gather %masked_sort3A_1140[%rev3A_1149] in [0] : vector<16xi32>, vector<16xi32> -> vector<16xi32>
          %le3A_1151 = arith.cmpf ole, %masked_sort3A_1131, %rev3A_1145 : vector<16xf32>
          %select_n3A_1152 = arith.select %le3A_1151, %masked_sort3A_1131, %rev3A_1145 : vector<16xi1>, vector<16xf32>
          %select_n3A_1153 = arith.select %le3A_1151, %masked_sort3A_1132, %rev3A_1150 : vector<16xi1>, vector<16xi32>
          %masked_sort3A_1154 = arith.constant dense<true> : vector<16xi1>
          %masked_sort3A_1155, %masked_sort3A_1156, %masked_sort3A_1157 = tpu.sort %select_n3A_1152, %select_n3A_1153 masked %masked_sort3A_1154 : (vector<16xf32>, vector<16xi32>, vector<16xi1>) -> (vector<16xi1>, vector<16xf32>, vector<16xi32>)
          %add3A_1158 = arith.constant 64 : i32
          %add3A_1159 = arith.addi %add3A_931, %add3A_1158 : i32
          %add3A_1160 = vector.broadcast %add3A_1159 : i32 to vector<16xi32>
          %add3A_1161 = arith.addi %add3A_1160, %iota3A_110 : vector<16xi32>
          %masked_sort3A_1162 = arith.constant dense<true> : vector<16xi1>
          %masked_sort3A_1163, %masked_sort3A_1164, %masked_sort3A_1165 = tpu.sort %add3A_1003, %add3A_1161 masked %masked_sort3A_1162 : (vector<16xf32>, vector<16xi32>, vector<16xi1>) -> (vector<16xi1>, vector<16xf32>, vector<16xi32>)
          %rev3A_1166 = arith.constant 15 : i32
          %rev3A_1167 = vector.broadcast %rev3A_1166 : i32 to vector<16xi32>
          %rev3A_1168 = tpu.iota {dimensions = array<i32: 0>} : vector<16xi32>
          %rev3A_1169 = arith.subi %rev3A_1167, %rev3A_1168 : vector<16xi32>
          %rev3A_1170 = tpu.dynamic_gather %masked_sort3A_1164[%rev3A_1169] in [0] : vector<16xf32>, vector<16xi32> -> vector<16xf32>
          %rev3A_1171 = arith.constant 15 : i32
          %rev3A_1172 = vector.broadcast %rev3A_1171 : i32 to vector<16xi32>
          %rev3A_1173 = tpu.iota {dimensions = array<i32: 0>} : vector<16xi32>
          %rev3A_1174 = arith.subi %rev3A_1172, %rev3A_1173 : vector<16xi32>
          %rev3A_1175 = tpu.dynamic_gather %masked_sort3A_1165[%rev3A_1174] in [0] : vector<16xi32>, vector<16xi32> -> vector<16xi32>
          %le3A_1176 = arith.cmpf ole, %masked_sort3A_1156, %rev3A_1170 : vector<16xf32>
          %select_n3A_1177 = arith.select %le3A_1176, %masked_sort3A_1156, %rev3A_1170 : vector<16xi1>, vector<16xf32>
          %select_n3A_1178 = arith.select %le3A_1176, %masked_sort3A_1157, %rev3A_1175 : vector<16xi1>, vector<16xi32>
          %masked_sort3A_1179 = arith.constant dense<true> : vector<16xi1>
          %masked_sort3A_1180, %masked_sort3A_1181, %masked_sort3A_1182 = tpu.sort %select_n3A_1177, %select_n3A_1178 masked %masked_sort3A_1179 : (vector<16xf32>, vector<16xi32>, vector<16xi1>) -> (vector<16xi1>, vector<16xf32>, vector<16xi32>)
          %add3A_1183 = arith.constant 80 : i32
          %add3A_1184 = arith.addi %add3A_931, %add3A_1183 : i32
          %add3A_1185 = vector.broadcast %add3A_1184 : i32 to vector<16xi32>
          %add3A_1186 = arith.addi %add3A_1185, %iota3A_110 : vector<16xi32>
          %masked_sort3A_1187 = arith.constant dense<true> : vector<16xi1>
          %masked_sort3A_1188, %masked_sort3A_1189, %masked_sort3A_1190 = tpu.sort %add3A_1018, %add3A_1186 masked %masked_sort3A_1187 : (vector<16xf32>, vector<16xi32>, vector<16xi1>) -> (vector<16xi1>, vector<16xf32>, vector<16xi32>)
          %rev3A_1191 = arith.constant 15 : i32
          %rev3A_1192 = vector.broadcast %rev3A_1191 : i32 to vector<16xi32>
          %rev3A_1193 = tpu.iota {dimensions = array<i32: 0>} : vector<16xi32>
          %rev3A_1194 = arith.subi %rev3A_1192, %rev3A_1193 : vector<16xi32>
          %rev3A_1195 = tpu.dynamic_gather %masked_sort3A_1189[%rev3A_1194] in [0] : vector<16xf32>, vector<16xi32> -> vector<16xf32>
          %rev3A_1196 = arith.constant 15 : i32
          %rev3A_1197 = vector.broadcast %rev3A_1196 : i32 to vector<16xi32>
          %rev3A_1198 = tpu.iota {dimensions = array<i32: 0>} : vector<16xi32>
          %rev3A_1199 = arith.subi %rev3A_1197, %rev3A_1198 : vector<16xi32>
          %rev3A_1200 = tpu.dynamic_gather %masked_sort3A_1190[%rev3A_1199] in [0] : vector<16xi32>, vector<16xi32> -> vector<16xi32>
          %le3A_1201 = arith.cmpf ole, %masked_sort3A_1181, %rev3A_1195 : vector<16xf32>
          %select_n3A_1202 = arith.select %le3A_1201, %masked_sort3A_1181, %rev3A_1195 : vector<16xi1>, vector<16xf32>
          %select_n3A_1203 = arith.select %le3A_1201, %masked_sort3A_1182, %rev3A_1200 : vector<16xi1>, vector<16xi32>
          %masked_sort3A_1204 = arith.constant dense<true> : vector<16xi1>
          %masked_sort3A_1205, %masked_sort3A_1206, %masked_sort3A_1207 = tpu.sort %select_n3A_1202, %select_n3A_1203 masked %masked_sort3A_1204 : (vector<16xf32>, vector<16xi32>, vector<16xi1>) -> (vector<16xi1>, vector<16xf32>, vector<16xi32>)
          %add3A_1208 = arith.constant 96 : i32
          %add3A_1209 = arith.addi %add3A_931, %add3A_1208 : i32
          %add3A_1210 = vector.broadcast %add3A_1209 : i32 to vector<16xi32>
          %add3A_1211 = arith.addi %add3A_1210, %iota3A_110 : vector<16xi32>
          %masked_sort3A_1212 = arith.constant dense<true> : vector<16xi1>
          %masked_sort3A_1213, %masked_sort3A_1214, %masked_sort3A_1215 = tpu.sort %add3A_1033, %add3A_1211 masked %masked_sort3A_1212 : (vector<16xf32>, vector<16xi32>, vector<16xi1>) -> (vector<16xi1>, vector<16xf32>, vector<16xi32>)
          %rev3A_1216 = arith.constant 15 : i32
          %rev3A_1217 = vector.broadcast %rev3A_1216 : i32 to vector<16xi32>
          %rev3A_1218 = tpu.iota {dimensions = array<i32: 0>} : vector<16xi32>
          %rev3A_1219 = arith.subi %rev3A_1217, %rev3A_1218 : vector<16xi32>
          %rev3A_1220 = tpu.dynamic_gather %masked_sort3A_1214[%rev3A_1219] in [0] : vector<16xf32>, vector<16xi32> -> vector<16xf32>
          %rev3A_1221 = arith.constant 15 : i32
          %rev3A_1222 = vector.broadcast %rev3A_1221 : i32 to vector<16xi32>
          %rev3A_1223 = tpu.iota {dimensions = array<i32: 0>} : vector<16xi32>
          %rev3A_1224 = arith.subi %rev3A_1222, %rev3A_1223 : vector<16xi32>
          %rev3A_1225 = tpu.dynamic_gather %masked_sort3A_1215[%rev3A_1224] in [0] : vector<16xi32>, vector<16xi32> -> vector<16xi32>
          %le3A_1226 = arith.cmpf ole, %masked_sort3A_1206, %rev3A_1220 : vector<16xf32>
          %select_n3A_1227 = arith.select %le3A_1226, %masked_sort3A_1206, %rev3A_1220 : vector<16xi1>, vector<16xf32>
          %select_n3A_1228 = arith.select %le3A_1226, %masked_sort3A_1207, %rev3A_1225 : vector<16xi1>, vector<16xi32>
          %masked_sort3A_1229 = arith.constant dense<true> : vector<16xi1>
          %masked_sort3A_1230, %masked_sort3A_1231, %masked_sort3A_1232 = tpu.sort %select_n3A_1227, %select_n3A_1228 masked %masked_sort3A_1229 : (vector<16xf32>, vector<16xi32>, vector<16xi1>) -> (vector<16xi1>, vector<16xf32>, vector<16xi32>)
          %add3A_1233 = arith.constant 112 : i32
          %add3A_1234 = arith.addi %add3A_931, %add3A_1233 : i32
          %add3A_1235 = vector.broadcast %add3A_1234 : i32 to vector<16xi32>
          %add3A_1236 = arith.addi %add3A_1235, %iota3A_110 : vector<16xi32>
          %masked_sort3A_1237 = arith.constant dense<true> : vector<16xi1>
          %masked_sort3A_1238, %masked_sort3A_1239, %masked_sort3A_1240 = tpu.sort %add3A_1048, %add3A_1236 masked %masked_sort3A_1237 : (vector<16xf32>, vector<16xi32>, vector<16xi1>) -> (vector<16xi1>, vector<16xf32>, vector<16xi32>)
          %rev3A_1241 = arith.constant 15 : i32
          %rev3A_1242 = vector.broadcast %rev3A_1241 : i32 to vector<16xi32>
          %rev3A_1243 = tpu.iota {dimensions = array<i32: 0>} : vector<16xi32>
          %rev3A_1244 = arith.subi %rev3A_1242, %rev3A_1243 : vector<16xi32>
          %rev3A_1245 = tpu.dynamic_gather %masked_sort3A_1239[%rev3A_1244] in [0] : vector<16xf32>, vector<16xi32> -> vector<16xf32>
          %rev3A_1246 = arith.constant 15 : i32
          %rev3A_1247 = vector.broadcast %rev3A_1246 : i32 to vector<16xi32>
          %rev3A_1248 = tpu.iota {dimensions = array<i32: 0>} : vector<16xi32>
          %rev3A_1249 = arith.subi %rev3A_1247, %rev3A_1248 : vector<16xi32>
          %rev3A_1250 = tpu.dynamic_gather %masked_sort3A_1240[%rev3A_1249] in [0] : vector<16xi32>, vector<16xi32> -> vector<16xi32>
          %le3A_1251 = arith.cmpf ole, %masked_sort3A_1231, %rev3A_1245 : vector<16xf32>
          %select_n3A_1252 = arith.select %le3A_1251, %masked_sort3A_1231, %rev3A_1245 : vector<16xi1>, vector<16xf32>
          %select_n3A_1253 = arith.select %le3A_1251, %masked_sort3A_1232, %rev3A_1250 : vector<16xi1>, vector<16xi32>
          %masked_sort3A_1254 = arith.constant dense<true> : vector<16xi1>
          %masked_sort3A_1255, %masked_sort3A_1256, %masked_sort3A_1257 = tpu.sort %select_n3A_1252, %select_n3A_1253 masked %masked_sort3A_1254 : (vector<16xf32>, vector<16xi32>, vector<16xi1>) -> (vector<16xi1>, vector<16xf32>, vector<16xi32>)
          %swap3A_1258 = arith.constant 0 : index
          %swap3A_1259 = tpu.vector_load %arg31[%swap3A_1258] {strides = array<i32>} : memref<16xf32, #tpu.memory_space<vmem>>, vector<16xf32>,
          tpu.vector_store %arg31[%swap3A_1258], %masked_sort3A_1256 {strides = array<i32>} : memref<16xf32, #tpu.memory_space<vmem>>, vector<16xf32>,
          %broadcast_in_dim3A_1260 = arith.constant 8 : i32
          %broadcast_in_dim3A_1261 = vector.broadcast %broadcast_in_dim3A_1260 : i32 to vector<16xi32>
          %gather3A_1262 = tpu.vector_load_idx %arg31[%broadcast_in_dim3A_1261] : memref<16xf32, #tpu.memory_space<vmem>>[vector<16xi32>], vector<16xf32>,
          scf.yield %masked_sort3A_1256, %masked_sort3A_1257, %gather3A_1262 : vector<16xf32>, vector<16xi32>, vector<16xf32>
        } else {
          scf.yield %scan3A_925, %scan3A_926, %scan3A_927 : vector<16xf32>, vector<16xi32>, vector<16xf32>
        }
        scf.yield %cond3A_1060#0, %cond3A_1060#1, %cond3A_1060#2 : vector<16xf32>, vector<16xi32>, vector<16xf32>
      }
      %scan3A_122 = arith.constant 32 : i32
      %swap3A_123 = arith.constant 16 : index
      %swap3A_124 = tpu.vector_load %arg21[%swap3A_123] {strides = array<i32>} : memref<80xi32, #tpu.memory_space<vmem>>, vector<16xi32>,
      tpu.vector_store %arg21[%swap3A_123], %scan3A_121#1 {strides = array<i32>} : memref<80xi32, #tpu.memory_space<vmem>>, vector<16xi32>,
      %iota3A_125 = tpu.iota {dimensions = array<i32: 0>} : vector<16xi32>
      %broadcast_in_dim3A_126 = arith.constant 3.000000e+38 : f32
      %broadcast_in_dim3A_127 = vector.broadcast %broadcast_in_dim3A_126 : f32 to vector<16xf32>
      %broadcast_in_dim3A_128 = arith.constant 0 : i32
      %broadcast_in_dim3A_129 = vector.broadcast %broadcast_in_dim3A_128 : i32 to vector<16xi32>
      %broadcast_in_dim3A_130 = arith.constant 3.000000e+38 : f32
      %broadcast_in_dim3A_131 = vector.broadcast %broadcast_in_dim3A_130 : f32 to vector<16xf32>
      %scan3A_132 = arith.constant 0 : i32
      %scan3A_133 = arith.constant 8 : i32
      %scan3A_134 = arith.addi %scan3A_132, %scan3A_133 : i32
      %scan3A_135 = arith.constant 1 : i32
      %scan3A_136:3 = scf.for %scan3A_924 = %scan3A_132 to %scan3A_134 step %scan3A_135 iter_args(%scan3A_925 = %broadcast_in_dim3A_127, %scan3A_926 = %broadcast_in_dim3A_129, %scan3A_927 = %broadcast_in_dim3A_131) -> (vector<16xf32>, vector<16xi32>, vector<16xf32>)  : i32 {
        %mul3A_928 = arith.constant 128 : i32
        %mul3A_929 = arith.muli %scan3A_924, %mul3A_928 : i32
        %add3A_930 = arith.constant 20480 : i32
        %add3A_931 = arith.addi %add3A_930, %mul3A_929 : i32
        %add3A_932 = arith.constant 0 : i32
        %add3A_933 = arith.addi %add3A_931, %add3A_932 : i32
        %get3A_934 = arith.index_cast %add3A_933 : i32 to index
        %get3A_935 = tpu.vector_load %arg14[%get3A_934] {strides = array<i32>} : memref<21824xf32, #tpu.memory_space<vmem>>, vector<16xf32>,
        %sub3A_936 = arith.subf %get3A_935, %mul3A_91 : vector<16xf32>
        %add3A_937 = arith.constant 0 : i32
        %add3A_938 = arith.addi %add3A_931, %add3A_937 : i32
        %get3A_939 = arith.index_cast %add3A_938 : i32 to index
        %get3A_940 = tpu.vector_load %arg15[%get3A_939] {strides = array<i32>} : memref<21824xf32, #tpu.memory_space<vmem>>, vector<16xf32>,
        %sub3A_941 = arith.subf %get3A_940, %mul3A_95 : vector<16xf32>
        %mul3A_942 = arith.mulf %sub3A_936, %sub3A_936 : vector<16xf32>
        %mul3A_943 = arith.mulf %sub3A_941, %sub3A_941 : vector<16xf32>
        %add3A_944 = arith.addf %mul3A_942, %mul3A_943 : vector<16xf32>
        %lt3A_945 = arith.cmpf olt, %add3A_944, %scan3A_927 : vector<16xf32>
        %add3A_946 = arith.constant 16 : i32
        %add3A_947 = arith.addi %add3A_931, %add3A_946 : i32
        %get3A_948 = arith.index_cast %add3A_947 : i32 to index
        %get3A_949 = tpu.vector_load %arg14[%get3A_948] {strides = array<i32>} : memref<21824xf32, #tpu.memory_space<vmem>>, vector<16xf32>,
        %sub3A_950 = arith.subf %get3A_949, %mul3A_91 : vector<16xf32>
        %add3A_951 = arith.constant 16 : i32
        %add3A_952 = arith.addi %add3A_931, %add3A_951 : i32
        %get3A_953 = arith.index_cast %add3A_952 : i32 to index
        %get3A_954 = tpu.vector_load %arg15[%get3A_953] {strides = array<i32>} : memref<21824xf32, #tpu.memory_space<vmem>>, vector<16xf32>,
        %sub3A_955 = arith.subf %get3A_954, %mul3A_95 : vector<16xf32>
        %mul3A_956 = arith.mulf %sub3A_950, %sub3A_950 : vector<16xf32>
        %mul3A_957 = arith.mulf %sub3A_955, %sub3A_955 : vector<16xf32>
        %add3A_958 = arith.addf %mul3A_956, %mul3A_957 : vector<16xf32>
        %lt3A_959 = arith.cmpf olt, %add3A_958, %scan3A_927 : vector<16xf32>
        %or3A_960 = arith.ori %lt3A_945, %lt3A_959 : vector<16xi1>
        %add3A_961 = arith.constant 32 : i32
        %add3A_962 = arith.addi %add3A_931, %add3A_961 : i32
        %get3A_963 = arith.index_cast %add3A_962 : i32 to index
        %get3A_964 = tpu.vector_load %arg14[%get3A_963] {strides = array<i32>} : memref<21824xf32, #tpu.memory_space<vmem>>, vector<16xf32>,
        %sub3A_965 = arith.subf %get3A_964, %mul3A_91 : vector<16xf32>
        %add3A_966 = arith.constant 32 : i32
        %add3A_967 = arith.addi %add3A_931, %add3A_966 : i32
        %get3A_968 = arith.index_cast %add3A_967 : i32 to index
        %get3A_969 = tpu.vector_load %arg15[%get3A_968] {strides = array<i32>} : memref<21824xf32, #tpu.memory_space<vmem>>, vector<16xf32>,
        %sub3A_970 = arith.subf %get3A_969, %mul3A_95 : vector<16xf32>
        %mul3A_971 = arith.mulf %sub3A_965, %sub3A_965 : vector<16xf32>
        %mul3A_972 = arith.mulf %sub3A_970, %sub3A_970 : vector<16xf32>
        %add3A_973 = arith.addf %mul3A_971, %mul3A_972 : vector<16xf32>
        %lt3A_974 = arith.cmpf olt, %add3A_973, %scan3A_927 : vector<16xf32>
        %or3A_975 = arith.ori %or3A_960, %lt3A_974 : vector<16xi1>
        %add3A_976 = arith.constant 48 : i32
        %add3A_977 = arith.addi %add3A_931, %add3A_976 : i32
        %get3A_978 = arith.index_cast %add3A_977 : i32 to index
        %get3A_979 = tpu.vector_load %arg14[%get3A_978] {strides = array<i32>} : memref<21824xf32, #tpu.memory_space<vmem>>, vector<16xf32>,
        %sub3A_980 = arith.subf %get3A_979, %mul3A_91 : vector<16xf32>
        %add3A_981 = arith.constant 48 : i32
        %add3A_982 = arith.addi %add3A_931, %add3A_981 : i32
        %get3A_983 = arith.index_cast %add3A_982 : i32 to index
        %get3A_984 = tpu.vector_load %arg15[%get3A_983] {strides = array<i32>} : memref<21824xf32, #tpu.memory_space<vmem>>, vector<16xf32>,
        %sub3A_985 = arith.subf %get3A_984, %mul3A_95 : vector<16xf32>
        %mul3A_986 = arith.mulf %sub3A_980, %sub3A_980 : vector<16xf32>
        %mul3A_987 = arith.mulf %sub3A_985, %sub3A_985 : vector<16xf32>
        %add3A_988 = arith.addf %mul3A_986, %mul3A_987 : vector<16xf32>
        %lt3A_989 = arith.cmpf olt, %add3A_988, %scan3A_927 : vector<16xf32>
        %or3A_990 = arith.ori %or3A_975, %lt3A_989 : vector<16xi1>
        %add3A_991 = arith.constant 64 : i32
        %add3A_992 = arith.addi %add3A_931, %add3A_991 : i32
        %get3A_993 = arith.index_cast %add3A_992 : i32 to index
        %get3A_994 = tpu.vector_load %arg14[%get3A_993] {strides = array<i32>} : memref<21824xf32, #tpu.memory_space<vmem>>, vector<16xf32>,
        %sub3A_995 = arith.subf %get3A_994, %mul3A_91 : vector<16xf32>
        %add3A_996 = arith.constant 64 : i32
        %add3A_997 = arith.addi %add3A_931, %add3A_996 : i32
        %get3A_998 = arith.index_cast %add3A_997 : i32 to index
        %get3A_999 = tpu.vector_load %arg15[%get3A_998] {strides = array<i32>} : memref<21824xf32, #tpu.memory_space<vmem>>, vector<16xf32>,
        %sub3A_1000 = arith.subf %get3A_999, %mul3A_95 : vector<16xf32>
        %mul3A_1001 = arith.mulf %sub3A_995, %sub3A_995 : vector<16xf32>
        %mul3A_1002 = arith.mulf %sub3A_1000, %sub3A_1000 : vector<16xf32>
        %add3A_1003 = arith.addf %mul3A_1001, %mul3A_1002 : vector<16xf32>
        %lt3A_1004 = arith.cmpf olt, %add3A_1003, %scan3A_927 : vector<16xf32>
        %or3A_1005 = arith.ori %or3A_990, %lt3A_1004 : vector<16xi1>
        %add3A_1006 = arith.constant 80 : i32
        %add3A_1007 = arith.addi %add3A_931, %add3A_1006 : i32
        %get3A_1008 = arith.index_cast %add3A_1007 : i32 to index
        %get3A_1009 = tpu.vector_load %arg14[%get3A_1008] {strides = array<i32>} : memref<21824xf32, #tpu.memory_space<vmem>>, vector<16xf32>,
        %sub3A_1010 = arith.subf %get3A_1009, %mul3A_91 : vector<16xf32>
        %add3A_1011 = arith.constant 80 : i32
        %add3A_1012 = arith.addi %add3A_931, %add3A_1011 : i32
        %get3A_1013 = arith.index_cast %add3A_1012 : i32 to index
        %get3A_1014 = tpu.vector_load %arg15[%get3A_1013] {strides = array<i32>} : memref<21824xf32, #tpu.memory_space<vmem>>, vector<16xf32>,
        %sub3A_1015 = arith.subf %get3A_1014, %mul3A_95 : vector<16xf32>
        %mul3A_1016 = arith.mulf %sub3A_1010, %sub3A_1010 : vector<16xf32>
        %mul3A_1017 = arith.mulf %sub3A_1015, %sub3A_1015 : vector<16xf32>
        %add3A_1018 = arith.addf %mul3A_1016, %mul3A_1017 : vector<16xf32>
        %lt3A_1019 = arith.cmpf olt, %add3A_1018, %scan3A_927 : vector<16xf32>
        %or3A_1020 = arith.ori %or3A_1005, %lt3A_1019 : vector<16xi1>
        %add3A_1021 = arith.constant 96 : i32
        %add3A_1022 = arith.addi %add3A_931, %add3A_1021 : i32
        %get3A_1023 = arith.index_cast %add3A_1022 : i32 to index
        %get3A_1024 = tpu.vector_load %arg14[%get3A_1023] {strides = array<i32>} : memref<21824xf32, #tpu.memory_space<vmem>>, vector<16xf32>,
        %sub3A_1025 = arith.subf %get3A_1024, %mul3A_91 : vector<16xf32>
        %add3A_1026 = arith.constant 96 : i32
        %add3A_1027 = arith.addi %add3A_931, %add3A_1026 : i32
        %get3A_1028 = arith.index_cast %add3A_1027 : i32 to index
        %get3A_1029 = tpu.vector_load %arg15[%get3A_1028] {strides = array<i32>} : memref<21824xf32, #tpu.memory_space<vmem>>, vector<16xf32>,
        %sub3A_1030 = arith.subf %get3A_1029, %mul3A_95 : vector<16xf32>
        %mul3A_1031 = arith.mulf %sub3A_1025, %sub3A_1025 : vector<16xf32>
        %mul3A_1032 = arith.mulf %sub3A_1030, %sub3A_1030 : vector<16xf32>
        %add3A_1033 = arith.addf %mul3A_1031, %mul3A_1032 : vector<16xf32>
        %lt3A_1034 = arith.cmpf olt, %add3A_1033, %scan3A_927 : vector<16xf32>
        %or3A_1035 = arith.ori %or3A_1020, %lt3A_1034 : vector<16xi1>
        %add3A_1036 = arith.constant 112 : i32
        %add3A_1037 = arith.addi %add3A_931, %add3A_1036 : i32
        %get3A_1038 = arith.index_cast %add3A_1037 : i32 to index
        %get3A_1039 = tpu.vector_load %arg14[%get3A_1038] {strides = array<i32>} : memref<21824xf32, #tpu.memory_space<vmem>>, vector<16xf32>,
        %sub3A_1040 = arith.subf %get3A_1039, %mul3A_91 : vector<16xf32>
        %add3A_1041 = arith.constant 112 : i32
        %add3A_1042 = arith.addi %add3A_931, %add3A_1041 : i32
        %get3A_1043 = arith.index_cast %add3A_1042 : i32 to index
        %get3A_1044 = tpu.vector_load %arg15[%get3A_1043] {strides = array<i32>} : memref<21824xf32, #tpu.memory_space<vmem>>, vector<16xf32>,
        %sub3A_1045 = arith.subf %get3A_1044, %mul3A_95 : vector<16xf32>
        %mul3A_1046 = arith.mulf %sub3A_1040, %sub3A_1040 : vector<16xf32>
        %mul3A_1047 = arith.mulf %sub3A_1045, %sub3A_1045 : vector<16xf32>
        %add3A_1048 = arith.addf %mul3A_1046, %mul3A_1047 : vector<16xf32>
        %lt3A_1049 = arith.cmpf olt, %add3A_1048, %scan3A_927 : vector<16xf32>
        %or3A_1050 = arith.ori %or3A_1035, %lt3A_1049 : vector<16xi1>
        %all_reduce_population_count3A_1051 = tpu.all_reduce %or3A_1050 {dim = 0 : i64, kind = #tpu.reduction_kind<sum>} : vector<16xi1> -> vector<16xi32>
        %slice3A_1052 = vector.extract_strided_slice %all_reduce_population_count3A_1051 {offsets = [0], sizes = [1], strides = [1]} : vector<16xi32> to vector<1xi32>
        %squeeze3A_1053 = vector.extract %slice3A_1052[0] : i32 from vector<1xi32>
        %gt3A_1054 = arith.constant 0 : i32
        %gt3A_1055 = arith.cmpi sgt, %squeeze3A_1053, %gt3A_1054 : i32
        %convert_element_type3A_1056 = arith.extui %gt3A_1055 : i1 to i32
        %cond3A_1057 = arith.constant 0 : i32
        %cond3A_1058 = arith.constant 0 : i32
        %cond3A_1059 = arith.cmpi ne, %convert_element_type3A_1056, %cond3A_1058 : i32
        %cond3A_1060:3 = scf.if %cond3A_1059 -> (vector<16xf32>, vector<16xi32>, vector<16xf32>) {
          %add3A_1061 = arith.constant 0 : i32
          %add3A_1062 = arith.addi %add3A_931, %add3A_1061 : i32
          %add3A_1063 = vector.broadcast %add3A_1062 : i32 to vector<16xi32>
          %add3A_1064 = arith.addi %add3A_1063, %iota3A_125 : vector<16xi32>
          %masked_sort3A = arith.constant dense<true> : vector<16xi1>
          %masked_sort3A_1065, %masked_sort3A_1066, %masked_sort3A_1067 = tpu.sort %add3A_944, %add3A_1064 masked %masked_sort3A : (vector<16xf32>, vector<16xi32>, vector<16xi1>) -> (vector<16xi1>, vector<16xf32>, vector<16xi32>)
          %rev3A = arith.constant 15 : i32
          %rev3A_1068 = vector.broadcast %rev3A : i32 to vector<16xi32>
          %rev3A_1069 = tpu.iota {dimensions = array<i32: 0>} : vector<16xi32>
          %rev3A_1070 = arith.subi %rev3A_1068, %rev3A_1069 : vector<16xi32>
          %rev3A_1071 = tpu.dynamic_gather %masked_sort3A_1066[%rev3A_1070] in [0] : vector<16xf32>, vector<16xi32> -> vector<16xf32>
          %rev3A_1072 = arith.constant 15 : i32
          %rev3A_1073 = vector.broadcast %rev3A_1072 : i32 to vector<16xi32>
          %rev3A_1074 = tpu.iota {dimensions = array<i32: 0>} : vector<16xi32>
          %rev3A_1075 = arith.subi %rev3A_1073, %rev3A_1074 : vector<16xi32>
          %rev3A_1076 = tpu.dynamic_gather %masked_sort3A_1067[%rev3A_1075] in [0] : vector<16xi32>, vector<16xi32> -> vector<16xi32>
          %le3A = arith.cmpf ole, %scan3A_925, %rev3A_1071 : vector<16xf32>
          %select_n3A_1077 = arith.select %le3A, %scan3A_925, %rev3A_1071 : vector<16xi1>, vector<16xf32>
          %select_n3A_1078 = arith.select %le3A, %scan3A_926, %rev3A_1076 : vector<16xi1>, vector<16xi32>
          %masked_sort3A_1079 = arith.constant dense<true> : vector<16xi1>
          %masked_sort3A_1080, %masked_sort3A_1081, %masked_sort3A_1082 = tpu.sort %select_n3A_1077, %select_n3A_1078 masked %masked_sort3A_1079 : (vector<16xf32>, vector<16xi32>, vector<16xi1>) -> (vector<16xi1>, vector<16xf32>, vector<16xi32>)
          %add3A_1083 = arith.constant 16 : i32
          %add3A_1084 = arith.addi %add3A_931, %add3A_1083 : i32
          %add3A_1085 = vector.broadcast %add3A_1084 : i32 to vector<16xi32>
          %add3A_1086 = arith.addi %add3A_1085, %iota3A_125 : vector<16xi32>
          %masked_sort3A_1087 = arith.constant dense<true> : vector<16xi1>
          %masked_sort3A_1088, %masked_sort3A_1089, %masked_sort3A_1090 = tpu.sort %add3A_958, %add3A_1086 masked %masked_sort3A_1087 : (vector<16xf32>, vector<16xi32>, vector<16xi1>) -> (vector<16xi1>, vector<16xf32>, vector<16xi32>)
          %rev3A_1091 = arith.constant 15 : i32
          %rev3A_1092 = vector.broadcast %rev3A_1091 : i32 to vector<16xi32>
          %rev3A_1093 = tpu.iota {dimensions = array<i32: 0>} : vector<16xi32>
          %rev3A_1094 = arith.subi %rev3A_1092, %rev3A_1093 : vector<16xi32>
          %rev3A_1095 = tpu.dynamic_gather %masked_sort3A_1089[%rev3A_1094] in [0] : vector<16xf32>, vector<16xi32> -> vector<16xf32>
          %rev3A_1096 = arith.constant 15 : i32
          %rev3A_1097 = vector.broadcast %rev3A_1096 : i32 to vector<16xi32>
          %rev3A_1098 = tpu.iota {dimensions = array<i32: 0>} : vector<16xi32>
          %rev3A_1099 = arith.subi %rev3A_1097, %rev3A_1098 : vector<16xi32>
          %rev3A_1100 = tpu.dynamic_gather %masked_sort3A_1090[%rev3A_1099] in [0] : vector<16xi32>, vector<16xi32> -> vector<16xi32>
          %le3A_1101 = arith.cmpf ole, %masked_sort3A_1081, %rev3A_1095 : vector<16xf32>
          %select_n3A_1102 = arith.select %le3A_1101, %masked_sort3A_1081, %rev3A_1095 : vector<16xi1>, vector<16xf32>
          %select_n3A_1103 = arith.select %le3A_1101, %masked_sort3A_1082, %rev3A_1100 : vector<16xi1>, vector<16xi32>
          %masked_sort3A_1104 = arith.constant dense<true> : vector<16xi1>
          %masked_sort3A_1105, %masked_sort3A_1106, %masked_sort3A_1107 = tpu.sort %select_n3A_1102, %select_n3A_1103 masked %masked_sort3A_1104 : (vector<16xf32>, vector<16xi32>, vector<16xi1>) -> (vector<16xi1>, vector<16xf32>, vector<16xi32>)
          %add3A_1108 = arith.constant 32 : i32
          %add3A_1109 = arith.addi %add3A_931, %add3A_1108 : i32
          %add3A_1110 = vector.broadcast %add3A_1109 : i32 to vector<16xi32>
          %add3A_1111 = arith.addi %add3A_1110, %iota3A_125 : vector<16xi32>
          %masked_sort3A_1112 = arith.constant dense<true> : vector<16xi1>
          %masked_sort3A_1113, %masked_sort3A_1114, %masked_sort3A_1115 = tpu.sort %add3A_973, %add3A_1111 masked %masked_sort3A_1112 : (vector<16xf32>, vector<16xi32>, vector<16xi1>) -> (vector<16xi1>, vector<16xf32>, vector<16xi32>)
          %rev3A_1116 = arith.constant 15 : i32
          %rev3A_1117 = vector.broadcast %rev3A_1116 : i32 to vector<16xi32>
          %rev3A_1118 = tpu.iota {dimensions = array<i32: 0>} : vector<16xi32>
          %rev3A_1119 = arith.subi %rev3A_1117, %rev3A_1118 : vector<16xi32>
          %rev3A_1120 = tpu.dynamic_gather %masked_sort3A_1114[%rev3A_1119] in [0] : vector<16xf32>, vector<16xi32> -> vector<16xf32>
          %rev3A_1121 = arith.constant 15 : i32
          %rev3A_1122 = vector.broadcast %rev3A_1121 : i32 to vector<16xi32>
          %rev3A_1123 = tpu.iota {dimensions = array<i32: 0>} : vector<16xi32>
          %rev3A_1124 = arith.subi %rev3A_1122, %rev3A_1123 : vector<16xi32>
          %rev3A_1125 = tpu.dynamic_gather %masked_sort3A_1115[%rev3A_1124] in [0] : vector<16xi32>, vector<16xi32> -> vector<16xi32>
          %le3A_1126 = arith.cmpf ole, %masked_sort3A_1106, %rev3A_1120 : vector<16xf32>
          %select_n3A_1127 = arith.select %le3A_1126, %masked_sort3A_1106, %rev3A_1120 : vector<16xi1>, vector<16xf32>
          %select_n3A_1128 = arith.select %le3A_1126, %masked_sort3A_1107, %rev3A_1125 : vector<16xi1>, vector<16xi32>
          %masked_sort3A_1129 = arith.constant dense<true> : vector<16xi1>
          %masked_sort3A_1130, %masked_sort3A_1131, %masked_sort3A_1132 = tpu.sort %select_n3A_1127, %select_n3A_1128 masked %masked_sort3A_1129 : (vector<16xf32>, vector<16xi32>, vector<16xi1>) -> (vector<16xi1>, vector<16xf32>, vector<16xi32>)
          %add3A_1133 = arith.constant 48 : i32
          %add3A_1134 = arith.addi %add3A_931, %add3A_1133 : i32
          %add3A_1135 = vector.broadcast %add3A_1134 : i32 to vector<16xi32>
          %add3A_1136 = arith.addi %add3A_1135, %iota3A_125 : vector<16xi32>
          %masked_sort3A_1137 = arith.constant dense<true> : vector<16xi1>
          %masked_sort3A_1138, %masked_sort3A_1139, %masked_sort3A_1140 = tpu.sort %add3A_988, %add3A_1136 masked %masked_sort3A_1137 : (vector<16xf32>, vector<16xi32>, vector<16xi1>) -> (vector<16xi1>, vector<16xf32>, vector<16xi32>)
          %rev3A_1141 = arith.constant 15 : i32
          %rev3A_1142 = vector.broadcast %rev3A_1141 : i32 to vector<16xi32>
          %rev3A_1143 = tpu.iota {dimensions = array<i32: 0>} : vector<16xi32>
          %rev3A_1144 = arith.subi %rev3A_1142, %rev3A_1143 : vector<16xi32>
          %rev3A_1145 = tpu.dynamic_gather %masked_sort3A_1139[%rev3A_1144] in [0] : vector<16xf32>, vector<16xi32> -> vector<16xf32>
          %rev3A_1146 = arith.constant 15 : i32
          %rev3A_1147 = vector.broadcast %rev3A_1146 : i32 to vector<16xi32>
          %rev3A_1148 = tpu.iota {dimensions = array<i32: 0>} : vector<16xi32>
          %rev3A_1149 = arith.subi %rev3A_1147, %rev3A_1148 : vector<16xi32>
          %rev3A_1150 = tpu.dynamic_gather %masked_sort3A_1140[%rev3A_1149] in [0] : vector<16xi32>, vector<16xi32> -> vector<16xi32>
          %le3A_1151 = arith.cmpf ole, %masked_sort3A_1131, %rev3A_1145 : vector<16xf32>
          %select_n3A_1152 = arith.select %le3A_1151, %masked_sort3A_1131, %rev3A_1145 : vector<16xi1>, vector<16xf32>
          %select_n3A_1153 = arith.select %le3A_1151, %masked_sort3A_1132, %rev3A_1150 : vector<16xi1>, vector<16xi32>
          %masked_sort3A_1154 = arith.constant dense<true> : vector<16xi1>
          %masked_sort3A_1155, %masked_sort3A_1156, %masked_sort3A_1157 = tpu.sort %select_n3A_1152, %select_n3A_1153 masked %masked_sort3A_1154 : (vector<16xf32>, vector<16xi32>, vector<16xi1>) -> (vector<16xi1>, vector<16xf32>, vector<16xi32>)
          %add3A_1158 = arith.constant 64 : i32
          %add3A_1159 = arith.addi %add3A_931, %add3A_1158 : i32
          %add3A_1160 = vector.broadcast %add3A_1159 : i32 to vector<16xi32>
          %add3A_1161 = arith.addi %add3A_1160, %iota3A_125 : vector<16xi32>
          %masked_sort3A_1162 = arith.constant dense<true> : vector<16xi1>
          %masked_sort3A_1163, %masked_sort3A_1164, %masked_sort3A_1165 = tpu.sort %add3A_1003, %add3A_1161 masked %masked_sort3A_1162 : (vector<16xf32>, vector<16xi32>, vector<16xi1>) -> (vector<16xi1>, vector<16xf32>, vector<16xi32>)
          %rev3A_1166 = arith.constant 15 : i32
          %rev3A_1167 = vector.broadcast %rev3A_1166 : i32 to vector<16xi32>
          %rev3A_1168 = tpu.iota {dimensions = array<i32: 0>} : vector<16xi32>
          %rev3A_1169 = arith.subi %rev3A_1167, %rev3A_1168 : vector<16xi32>
          %rev3A_1170 = tpu.dynamic_gather %masked_sort3A_1164[%rev3A_1169] in [0] : vector<16xf32>, vector<16xi32> -> vector<16xf32>
          %rev3A_1171 = arith.constant 15 : i32
          %rev3A_1172 = vector.broadcast %rev3A_1171 : i32 to vector<16xi32>
          %rev3A_1173 = tpu.iota {dimensions = array<i32: 0>} : vector<16xi32>
          %rev3A_1174 = arith.subi %rev3A_1172, %rev3A_1173 : vector<16xi32>
          %rev3A_1175 = tpu.dynamic_gather %masked_sort3A_1165[%rev3A_1174] in [0] : vector<16xi32>, vector<16xi32> -> vector<16xi32>
          %le3A_1176 = arith.cmpf ole, %masked_sort3A_1156, %rev3A_1170 : vector<16xf32>
          %select_n3A_1177 = arith.select %le3A_1176, %masked_sort3A_1156, %rev3A_1170 : vector<16xi1>, vector<16xf32>
          %select_n3A_1178 = arith.select %le3A_1176, %masked_sort3A_1157, %rev3A_1175 : vector<16xi1>, vector<16xi32>
          %masked_sort3A_1179 = arith.constant dense<true> : vector<16xi1>
          %masked_sort3A_1180, %masked_sort3A_1181, %masked_sort3A_1182 = tpu.sort %select_n3A_1177, %select_n3A_1178 masked %masked_sort3A_1179 : (vector<16xf32>, vector<16xi32>, vector<16xi1>) -> (vector<16xi1>, vector<16xf32>, vector<16xi32>)
          %add3A_1183 = arith.constant 80 : i32
          %add3A_1184 = arith.addi %add3A_931, %add3A_1183 : i32
          %add3A_1185 = vector.broadcast %add3A_1184 : i32 to vector<16xi32>
          %add3A_1186 = arith.addi %add3A_1185, %iota3A_125 : vector<16xi32>
          %masked_sort3A_1187 = arith.constant dense<true> : vector<16xi1>
          %masked_sort3A_1188, %masked_sort3A_1189, %masked_sort3A_1190 = tpu.sort %add3A_1018, %add3A_1186 masked %masked_sort3A_1187 : (vector<16xf32>, vector<16xi32>, vector<16xi1>) -> (vector<16xi1>, vector<16xf32>, vector<16xi32>)
          %rev3A_1191 = arith.constant 15 : i32
          %rev3A_1192 = vector.broadcast %rev3A_1191 : i32 to vector<16xi32>
          %rev3A_1193 = tpu.iota {dimensions = array<i32: 0>} : vector<16xi32>
          %rev3A_1194 = arith.subi %rev3A_1192, %rev3A_1193 : vector<16xi32>
          %rev3A_1195 = tpu.dynamic_gather %masked_sort3A_1189[%rev3A_1194] in [0] : vector<16xf32>, vector<16xi32> -> vector<16xf32>
          %rev3A_1196 = arith.constant 15 : i32
          %rev3A_1197 = vector.broadcast %rev3A_1196 : i32 to vector<16xi32>
          %rev3A_1198 = tpu.iota {dimensions = array<i32: 0>} : vector<16xi32>
          %rev3A_1199 = arith.subi %rev3A_1197, %rev3A_1198 : vector<16xi32>
          %rev3A_1200 = tpu.dynamic_gather %masked_sort3A_1190[%rev3A_1199] in [0] : vector<16xi32>, vector<16xi32> -> vector<16xi32>
          %le3A_1201 = arith.cmpf ole, %masked_sort3A_1181, %rev3A_1195 : vector<16xf32>
          %select_n3A_1202 = arith.select %le3A_1201, %masked_sort3A_1181, %rev3A_1195 : vector<16xi1>, vector<16xf32>
          %select_n3A_1203 = arith.select %le3A_1201, %masked_sort3A_1182, %rev3A_1200 : vector<16xi1>, vector<16xi32>
          %masked_sort3A_1204 = arith.constant dense<true> : vector<16xi1>
          %masked_sort3A_1205, %masked_sort3A_1206, %masked_sort3A_1207 = tpu.sort %select_n3A_1202, %select_n3A_1203 masked %masked_sort3A_1204 : (vector<16xf32>, vector<16xi32>, vector<16xi1>) -> (vector<16xi1>, vector<16xf32>, vector<16xi32>)
          %add3A_1208 = arith.constant 96 : i32
          %add3A_1209 = arith.addi %add3A_931, %add3A_1208 : i32
          %add3A_1210 = vector.broadcast %add3A_1209 : i32 to vector<16xi32>
          %add3A_1211 = arith.addi %add3A_1210, %iota3A_125 : vector<16xi32>
          %masked_sort3A_1212 = arith.constant dense<true> : vector<16xi1>
          %masked_sort3A_1213, %masked_sort3A_1214, %masked_sort3A_1215 = tpu.sort %add3A_1033, %add3A_1211 masked %masked_sort3A_1212 : (vector<16xf32>, vector<16xi32>, vector<16xi1>) -> (vector<16xi1>, vector<16xf32>, vector<16xi32>)
          %rev3A_1216 = arith.constant 15 : i32
          %rev3A_1217 = vector.broadcast %rev3A_1216 : i32 to vector<16xi32>
          %rev3A_1218 = tpu.iota {dimensions = array<i32: 0>} : vector<16xi32>
          %rev3A_1219 = arith.subi %rev3A_1217, %rev3A_1218 : vector<16xi32>
          %rev3A_1220 = tpu.dynamic_gather %masked_sort3A_1214[%rev3A_1219] in [0] : vector<16xf32>, vector<16xi32> -> vector<16xf32>
          %rev3A_1221 = arith.constant 15 : i32
          %rev3A_1222 = vector.broadcast %rev3A_1221 : i32 to vector<16xi32>
          %rev3A_1223 = tpu.iota {dimensions = array<i32: 0>} : vector<16xi32>
          %rev3A_1224 = arith.subi %rev3A_1222, %rev3A_1223 : vector<16xi32>
          %rev3A_1225 = tpu.dynamic_gather %masked_sort3A_1215[%rev3A_1224] in [0] : vector<16xi32>, vector<16xi32> -> vector<16xi32>
          %le3A_1226 = arith.cmpf ole, %masked_sort3A_1206, %rev3A_1220 : vector<16xf32>
          %select_n3A_1227 = arith.select %le3A_1226, %masked_sort3A_1206, %rev3A_1220 : vector<16xi1>, vector<16xf32>
          %select_n3A_1228 = arith.select %le3A_1226, %masked_sort3A_1207, %rev3A_1225 : vector<16xi1>, vector<16xi32>
          %masked_sort3A_1229 = arith.constant dense<true> : vector<16xi1>
          %masked_sort3A_1230, %masked_sort3A_1231, %masked_sort3A_1232 = tpu.sort %select_n3A_1227, %select_n3A_1228 masked %masked_sort3A_1229 : (vector<16xf32>, vector<16xi32>, vector<16xi1>) -> (vector<16xi1>, vector<16xf32>, vector<16xi32>)
          %add3A_1233 = arith.constant 112 : i32
          %add3A_1234 = arith.addi %add3A_931, %add3A_1233 : i32
          %add3A_1235 = vector.broadcast %add3A_1234 : i32 to vector<16xi32>
          %add3A_1236 = arith.addi %add3A_1235, %iota3A_125 : vector<16xi32>
          %masked_sort3A_1237 = arith.constant dense<true> : vector<16xi1>
          %masked_sort3A_1238, %masked_sort3A_1239, %masked_sort3A_1240 = tpu.sort %add3A_1048, %add3A_1236 masked %masked_sort3A_1237 : (vector<16xf32>, vector<16xi32>, vector<16xi1>) -> (vector<16xi1>, vector<16xf32>, vector<16xi32>)
          %rev3A_1241 = arith.constant 15 : i32
          %rev3A_1242 = vector.broadcast %rev3A_1241 : i32 to vector<16xi32>
          %rev3A_1243 = tpu.iota {dimensions = array<i32: 0>} : vector<16xi32>
          %rev3A_1244 = arith.subi %rev3A_1242, %rev3A_1243 : vector<16xi32>
          %rev3A_1245 = tpu.dynamic_gather %masked_sort3A_1239[%rev3A_1244] in [0] : vector<16xf32>, vector<16xi32> -> vector<16xf32>
          %rev3A_1246 = arith.constant 15 : i32
          %rev3A_1247 = vector.broadcast %rev3A_1246 : i32 to vector<16xi32>
          %rev3A_1248 = tpu.iota {dimensions = array<i32: 0>} : vector<16xi32>
          %rev3A_1249 = arith.subi %rev3A_1247, %rev3A_1248 : vector<16xi32>
          %rev3A_1250 = tpu.dynamic_gather %masked_sort3A_1240[%rev3A_1249] in [0] : vector<16xi32>, vector<16xi32> -> vector<16xi32>
          %le3A_1251 = arith.cmpf ole, %masked_sort3A_1231, %rev3A_1245 : vector<16xf32>
          %select_n3A_1252 = arith.select %le3A_1251, %masked_sort3A_1231, %rev3A_1245 : vector<16xi1>, vector<16xf32>
          %select_n3A_1253 = arith.select %le3A_1251, %masked_sort3A_1232, %rev3A_1250 : vector<16xi1>, vector<16xi32>
          %masked_sort3A_1254 = arith.constant dense<true> : vector<16xi1>
          %masked_sort3A_1255, %masked_sort3A_1256, %masked_sort3A_1257 = tpu.sort %select_n3A_1252, %select_n3A_1253 masked %masked_sort3A_1254 : (vector<16xf32>, vector<16xi32>, vector<16xi1>) -> (vector<16xi1>, vector<16xf32>, vector<16xi32>)
          %swap3A_1258 = arith.constant 0 : index
          %swap3A_1259 = tpu.vector_load %arg31[%swap3A_1258] {strides = array<i32>} : memref<16xf32, #tpu.memory_space<vmem>>, vector<16xf32>,
          tpu.vector_store %arg31[%swap3A_1258], %masked_sort3A_1256 {strides = array<i32>} : memref<16xf32, #tpu.memory_space<vmem>>, vector<16xf32>,
          %broadcast_in_dim3A_1260 = arith.constant 8 : i32
          %broadcast_in_dim3A_1261 = vector.broadcast %broadcast_in_dim3A_1260 : i32 to vector<16xi32>
          %gather3A_1262 = tpu.vector_load_idx %arg31[%broadcast_in_dim3A_1261] : memref<16xf32, #tpu.memory_space<vmem>>[vector<16xi32>], vector<16xf32>,
          scf.yield %masked_sort3A_1256, %masked_sort3A_1257, %gather3A_1262 : vector<16xf32>, vector<16xi32>, vector<16xf32>
        } else {
          scf.yield %scan3A_925, %scan3A_926, %scan3A_927 : vector<16xf32>, vector<16xi32>, vector<16xf32>
        }
        scf.yield %cond3A_1060#0, %cond3A_1060#1, %cond3A_1060#2 : vector<16xf32>, vector<16xi32>, vector<16xf32>
      }
      %scan3A_137 = arith.constant 8 : i32
      %swap3A_138 = arith.constant 32 : index
      %swap3A_139 = tpu.vector_load %arg21[%swap3A_138] {strides = array<i32>} : memref<80xi32, #tpu.memory_space<vmem>>, vector<16xi32>,
      tpu.vector_store %arg21[%swap3A_138], %scan3A_136#1 {strides = array<i32>} : memref<80xi32, #tpu.memory_space<vmem>>, vector<16xi32>,
      %iota3A_140 = tpu.iota {dimensions = array<i32: 0>} : vector<16xi32>
      %broadcast_in_dim3A_141 = arith.constant 3.000000e+38 : f32
      %broadcast_in_dim3A_142 = vector.broadcast %broadcast_in_dim3A_141 : f32 to vector<16xf32>
      %broadcast_in_dim3A_143 = arith.constant 0 : i32
      %broadcast_in_dim3A_144 = vector.broadcast %broadcast_in_dim3A_143 : i32 to vector<16xi32>
      %broadcast_in_dim3A_145 = arith.constant 3.000000e+38 : f32
      %broadcast_in_dim3A_146 = vector.broadcast %broadcast_in_dim3A_145 : f32 to vector<16xf32>
      %scan3A_147 = arith.constant 0 : i32
      %scan3A_148 = arith.constant 2 : i32
      %scan3A_149 = arith.addi %scan3A_147, %scan3A_148 : i32
      %scan3A_150 = arith.constant 1 : i32
      %scan3A_151:3 = scf.for %scan3A_924 = %scan3A_147 to %scan3A_149 step %scan3A_150 iter_args(%scan3A_925 = %broadcast_in_dim3A_142, %scan3A_926 = %broadcast_in_dim3A_144, %scan3A_927 = %broadcast_in_dim3A_146) -> (vector<16xf32>, vector<16xi32>, vector<16xf32>)  : i32 {
        %mul3A_928 = arith.constant 128 : i32
        %mul3A_929 = arith.muli %scan3A_924, %mul3A_928 : i32
        %add3A_930 = arith.constant 21504 : i32
        %add3A_931 = arith.addi %add3A_930, %mul3A_929 : i32
        %add3A_932 = arith.constant 0 : i32
        %add3A_933 = arith.addi %add3A_931, %add3A_932 : i32
        %get3A_934 = arith.index_cast %add3A_933 : i32 to index
        %get3A_935 = tpu.vector_load %arg14[%get3A_934] {strides = array<i32>} : memref<21824xf32, #tpu.memory_space<vmem>>, vector<16xf32>,
        %sub3A_936 = arith.subf %get3A_935, %mul3A_91 : vector<16xf32>
        %add3A_937 = arith.constant 0 : i32
        %add3A_938 = arith.addi %add3A_931, %add3A_937 : i32
        %get3A_939 = arith.index_cast %add3A_938 : i32 to index
        %get3A_940 = tpu.vector_load %arg15[%get3A_939] {strides = array<i32>} : memref<21824xf32, #tpu.memory_space<vmem>>, vector<16xf32>,
        %sub3A_941 = arith.subf %get3A_940, %mul3A_95 : vector<16xf32>
        %mul3A_942 = arith.mulf %sub3A_936, %sub3A_936 : vector<16xf32>
        %mul3A_943 = arith.mulf %sub3A_941, %sub3A_941 : vector<16xf32>
        %add3A_944 = arith.addf %mul3A_942, %mul3A_943 : vector<16xf32>
        %lt3A_945 = arith.cmpf olt, %add3A_944, %scan3A_927 : vector<16xf32>
        %add3A_946 = arith.constant 16 : i32
        %add3A_947 = arith.addi %add3A_931, %add3A_946 : i32
        %get3A_948 = arith.index_cast %add3A_947 : i32 to index
        %get3A_949 = tpu.vector_load %arg14[%get3A_948] {strides = array<i32>} : memref<21824xf32, #tpu.memory_space<vmem>>, vector<16xf32>,
        %sub3A_950 = arith.subf %get3A_949, %mul3A_91 : vector<16xf32>
        %add3A_951 = arith.constant 16 : i32
        %add3A_952 = arith.addi %add3A_931, %add3A_951 : i32
        %get3A_953 = arith.index_cast %add3A_952 : i32 to index
        %get3A_954 = tpu.vector_load %arg15[%get3A_953] {strides = array<i32>} : memref<21824xf32, #tpu.memory_space<vmem>>, vector<16xf32>,
        %sub3A_955 = arith.subf %get3A_954, %mul3A_95 : vector<16xf32>
        %mul3A_956 = arith.mulf %sub3A_950, %sub3A_950 : vector<16xf32>
        %mul3A_957 = arith.mulf %sub3A_955, %sub3A_955 : vector<16xf32>
        %add3A_958 = arith.addf %mul3A_956, %mul3A_957 : vector<16xf32>
        %lt3A_959 = arith.cmpf olt, %add3A_958, %scan3A_927 : vector<16xf32>
        %or3A_960 = arith.ori %lt3A_945, %lt3A_959 : vector<16xi1>
        %add3A_961 = arith.constant 32 : i32
        %add3A_962 = arith.addi %add3A_931, %add3A_961 : i32
        %get3A_963 = arith.index_cast %add3A_962 : i32 to index
        %get3A_964 = tpu.vector_load %arg14[%get3A_963] {strides = array<i32>} : memref<21824xf32, #tpu.memory_space<vmem>>, vector<16xf32>,
        %sub3A_965 = arith.subf %get3A_964, %mul3A_91 : vector<16xf32>
        %add3A_966 = arith.constant 32 : i32
        %add3A_967 = arith.addi %add3A_931, %add3A_966 : i32
        %get3A_968 = arith.index_cast %add3A_967 : i32 to index
        %get3A_969 = tpu.vector_load %arg15[%get3A_968] {strides = array<i32>} : memref<21824xf32, #tpu.memory_space<vmem>>, vector<16xf32>,
        %sub3A_970 = arith.subf %get3A_969, %mul3A_95 : vector<16xf32>
        %mul3A_971 = arith.mulf %sub3A_965, %sub3A_965 : vector<16xf32>
        %mul3A_972 = arith.mulf %sub3A_970, %sub3A_970 : vector<16xf32>
        %add3A_973 = arith.addf %mul3A_971, %mul3A_972 : vector<16xf32>
        %lt3A_974 = arith.cmpf olt, %add3A_973, %scan3A_927 : vector<16xf32>
        %or3A_975 = arith.ori %or3A_960, %lt3A_974 : vector<16xi1>
        %add3A_976 = arith.constant 48 : i32
        %add3A_977 = arith.addi %add3A_931, %add3A_976 : i32
        %get3A_978 = arith.index_cast %add3A_977 : i32 to index
        %get3A_979 = tpu.vector_load %arg14[%get3A_978] {strides = array<i32>} : memref<21824xf32, #tpu.memory_space<vmem>>, vector<16xf32>,
        %sub3A_980 = arith.subf %get3A_979, %mul3A_91 : vector<16xf32>
        %add3A_981 = arith.constant 48 : i32
        %add3A_982 = arith.addi %add3A_931, %add3A_981 : i32
        %get3A_983 = arith.index_cast %add3A_982 : i32 to index
        %get3A_984 = tpu.vector_load %arg15[%get3A_983] {strides = array<i32>} : memref<21824xf32, #tpu.memory_space<vmem>>, vector<16xf32>,
        %sub3A_985 = arith.subf %get3A_984, %mul3A_95 : vector<16xf32>
        %mul3A_986 = arith.mulf %sub3A_980, %sub3A_980 : vector<16xf32>
        %mul3A_987 = arith.mulf %sub3A_985, %sub3A_985 : vector<16xf32>
        %add3A_988 = arith.addf %mul3A_986, %mul3A_987 : vector<16xf32>
        %lt3A_989 = arith.cmpf olt, %add3A_988, %scan3A_927 : vector<16xf32>
        %or3A_990 = arith.ori %or3A_975, %lt3A_989 : vector<16xi1>
        %add3A_991 = arith.constant 64 : i32
        %add3A_992 = arith.addi %add3A_931, %add3A_991 : i32
        %get3A_993 = arith.index_cast %add3A_992 : i32 to index
        %get3A_994 = tpu.vector_load %arg14[%get3A_993] {strides = array<i32>} : memref<21824xf32, #tpu.memory_space<vmem>>, vector<16xf32>,
        %sub3A_995 = arith.subf %get3A_994, %mul3A_91 : vector<16xf32>
        %add3A_996 = arith.constant 64 : i32
        %add3A_997 = arith.addi %add3A_931, %add3A_996 : i32
        %get3A_998 = arith.index_cast %add3A_997 : i32 to index
        %get3A_999 = tpu.vector_load %arg15[%get3A_998] {strides = array<i32>} : memref<21824xf32, #tpu.memory_space<vmem>>, vector<16xf32>,
        %sub3A_1000 = arith.subf %get3A_999, %mul3A_95 : vector<16xf32>
        %mul3A_1001 = arith.mulf %sub3A_995, %sub3A_995 : vector<16xf32>
        %mul3A_1002 = arith.mulf %sub3A_1000, %sub3A_1000 : vector<16xf32>
        %add3A_1003 = arith.addf %mul3A_1001, %mul3A_1002 : vector<16xf32>
        %lt3A_1004 = arith.cmpf olt, %add3A_1003, %scan3A_927 : vector<16xf32>
        %or3A_1005 = arith.ori %or3A_990, %lt3A_1004 : vector<16xi1>
        %add3A_1006 = arith.constant 80 : i32
        %add3A_1007 = arith.addi %add3A_931, %add3A_1006 : i32
        %get3A_1008 = arith.index_cast %add3A_1007 : i32 to index
        %get3A_1009 = tpu.vector_load %arg14[%get3A_1008] {strides = array<i32>} : memref<21824xf32, #tpu.memory_space<vmem>>, vector<16xf32>,
        %sub3A_1010 = arith.subf %get3A_1009, %mul3A_91 : vector<16xf32>
        %add3A_1011 = arith.constant 80 : i32
        %add3A_1012 = arith.addi %add3A_931, %add3A_1011 : i32
        %get3A_1013 = arith.index_cast %add3A_1012 : i32 to index
        %get3A_1014 = tpu.vector_load %arg15[%get3A_1013] {strides = array<i32>} : memref<21824xf32, #tpu.memory_space<vmem>>, vector<16xf32>,
        %sub3A_1015 = arith.subf %get3A_1014, %mul3A_95 : vector<16xf32>
        %mul3A_1016 = arith.mulf %sub3A_1010, %sub3A_1010 : vector<16xf32>
        %mul3A_1017 = arith.mulf %sub3A_1015, %sub3A_1015 : vector<16xf32>
        %add3A_1018 = arith.addf %mul3A_1016, %mul3A_1017 : vector<16xf32>
        %lt3A_1019 = arith.cmpf olt, %add3A_1018, %scan3A_927 : vector<16xf32>
        %or3A_1020 = arith.ori %or3A_1005, %lt3A_1019 : vector<16xi1>
        %add3A_1021 = arith.constant 96 : i32
        %add3A_1022 = arith.addi %add3A_931, %add3A_1021 : i32
        %get3A_1023 = arith.index_cast %add3A_1022 : i32 to index
        %get3A_1024 = tpu.vector_load %arg14[%get3A_1023] {strides = array<i32>} : memref<21824xf32, #tpu.memory_space<vmem>>, vector<16xf32>,
        %sub3A_1025 = arith.subf %get3A_1024, %mul3A_91 : vector<16xf32>
        %add3A_1026 = arith.constant 96 : i32
        %add3A_1027 = arith.addi %add3A_931, %add3A_1026 : i32
        %get3A_1028 = arith.index_cast %add3A_1027 : i32 to index
        %get3A_1029 = tpu.vector_load %arg15[%get3A_1028] {strides = array<i32>} : memref<21824xf32, #tpu.memory_space<vmem>>, vector<16xf32>,
        %sub3A_1030 = arith.subf %get3A_1029, %mul3A_95 : vector<16xf32>
        %mul3A_1031 = arith.mulf %sub3A_1025, %sub3A_1025 : vector<16xf32>
        %mul3A_1032 = arith.mulf %sub3A_1030, %sub3A_1030 : vector<16xf32>
        %add3A_1033 = arith.addf %mul3A_1031, %mul3A_1032 : vector<16xf32>
        %lt3A_1034 = arith.cmpf olt, %add3A_1033, %scan3A_927 : vector<16xf32>
        %or3A_1035 = arith.ori %or3A_1020, %lt3A_1034 : vector<16xi1>
        %add3A_1036 = arith.constant 112 : i32
        %add3A_1037 = arith.addi %add3A_931, %add3A_1036 : i32
        %get3A_1038 = arith.index_cast %add3A_1037 : i32 to index
        %get3A_1039 = tpu.vector_load %arg14[%get3A_1038] {strides = array<i32>} : memref<21824xf32, #tpu.memory_space<vmem>>, vector<16xf32>,
        %sub3A_1040 = arith.subf %get3A_1039, %mul3A_91 : vector<16xf32>
        %add3A_1041 = arith.constant 112 : i32
        %add3A_1042 = arith.addi %add3A_931, %add3A_1041 : i32
        %get3A_1043 = arith.index_cast %add3A_1042 : i32 to index
        %get3A_1044 = tpu.vector_load %arg15[%get3A_1043] {strides = array<i32>} : memref<21824xf32, #tpu.memory_space<vmem>>, vector<16xf32>,
        %sub3A_1045 = arith.subf %get3A_1044, %mul3A_95 : vector<16xf32>
        %mul3A_1046 = arith.mulf %sub3A_1040, %sub3A_1040 : vector<16xf32>
        %mul3A_1047 = arith.mulf %sub3A_1045, %sub3A_1045 : vector<16xf32>
        %add3A_1048 = arith.addf %mul3A_1046, %mul3A_1047 : vector<16xf32>
        %lt3A_1049 = arith.cmpf olt, %add3A_1048, %scan3A_927 : vector<16xf32>
        %or3A_1050 = arith.ori %or3A_1035, %lt3A_1049 : vector<16xi1>
        %all_reduce_population_count3A_1051 = tpu.all_reduce %or3A_1050 {dim = 0 : i64, kind = #tpu.reduction_kind<sum>} : vector<16xi1> -> vector<16xi32>
        %slice3A_1052 = vector.extract_strided_slice %all_reduce_population_count3A_1051 {offsets = [0], sizes = [1], strides = [1]} : vector<16xi32> to vector<1xi32>
        %squeeze3A_1053 = vector.extract %slice3A_1052[0] : i32 from vector<1xi32>
        %gt3A_1054 = arith.constant 0 : i32
        %gt3A_1055 = arith.cmpi sgt, %squeeze3A_1053, %gt3A_1054 : i32
        %convert_element_type3A_1056 = arith.extui %gt3A_1055 : i1 to i32
        %cond3A_1057 = arith.constant 0 : i32
        %cond3A_1058 = arith.constant 0 : i32
        %cond3A_1059 = arith.cmpi ne, %convert_element_type3A_1056, %cond3A_1058 : i32
        %cond3A_1060:3 = scf.if %cond3A_1059 -> (vector<16xf32>, vector<16xi32>, vector<16xf32>) {
          %add3A_1061 = arith.constant 0 : i32
          %add3A_1062 = arith.addi %add3A_931, %add3A_1061 : i32
          %add3A_1063 = vector.broadcast %add3A_1062 : i32 to vector<16xi32>
          %add3A_1064 = arith.addi %add3A_1063, %iota3A_140 : vector<16xi32>
          %masked_sort3A = arith.constant dense<true> : vector<16xi1>
          %masked_sort3A_1065, %masked_sort3A_1066, %masked_sort3A_1067 = tpu.sort %add3A_944, %add3A_1064 masked %masked_sort3A : (vector<16xf32>, vector<16xi32>, vector<16xi1>) -> (vector<16xi1>, vector<16xf32>, vector<16xi32>)
          %rev3A = arith.constant 15 : i32
          %rev3A_1068 = vector.broadcast %rev3A : i32 to vector<16xi32>
          %rev3A_1069 = tpu.iota {dimensions = array<i32: 0>} : vector<16xi32>
          %rev3A_1070 = arith.subi %rev3A_1068, %rev3A_1069 : vector<16xi32>
          %rev3A_1071 = tpu.dynamic_gather %masked_sort3A_1066[%rev3A_1070] in [0] : vector<16xf32>, vector<16xi32> -> vector<16xf32>
          %rev3A_1072 = arith.constant 15 : i32
          %rev3A_1073 = vector.broadcast %rev3A_1072 : i32 to vector<16xi32>
          %rev3A_1074 = tpu.iota {dimensions = array<i32: 0>} : vector<16xi32>
          %rev3A_1075 = arith.subi %rev3A_1073, %rev3A_1074 : vector<16xi32>
          %rev3A_1076 = tpu.dynamic_gather %masked_sort3A_1067[%rev3A_1075] in [0] : vector<16xi32>, vector<16xi32> -> vector<16xi32>
          %le3A = arith.cmpf ole, %scan3A_925, %rev3A_1071 : vector<16xf32>
          %select_n3A_1077 = arith.select %le3A, %scan3A_925, %rev3A_1071 : vector<16xi1>, vector<16xf32>
          %select_n3A_1078 = arith.select %le3A, %scan3A_926, %rev3A_1076 : vector<16xi1>, vector<16xi32>
          %masked_sort3A_1079 = arith.constant dense<true> : vector<16xi1>
          %masked_sort3A_1080, %masked_sort3A_1081, %masked_sort3A_1082 = tpu.sort %select_n3A_1077, %select_n3A_1078 masked %masked_sort3A_1079 : (vector<16xf32>, vector<16xi32>, vector<16xi1>) -> (vector<16xi1>, vector<16xf32>, vector<16xi32>)
          %add3A_1083 = arith.constant 16 : i32
          %add3A_1084 = arith.addi %add3A_931, %add3A_1083 : i32
          %add3A_1085 = vector.broadcast %add3A_1084 : i32 to vector<16xi32>
          %add3A_1086 = arith.addi %add3A_1085, %iota3A_140 : vector<16xi32>
          %masked_sort3A_1087 = arith.constant dense<true> : vector<16xi1>
          %masked_sort3A_1088, %masked_sort3A_1089, %masked_sort3A_1090 = tpu.sort %add3A_958, %add3A_1086 masked %masked_sort3A_1087 : (vector<16xf32>, vector<16xi32>, vector<16xi1>) -> (vector<16xi1>, vector<16xf32>, vector<16xi32>)
          %rev3A_1091 = arith.constant 15 : i32
          %rev3A_1092 = vector.broadcast %rev3A_1091 : i32 to vector<16xi32>
          %rev3A_1093 = tpu.iota {dimensions = array<i32: 0>} : vector<16xi32>
          %rev3A_1094 = arith.subi %rev3A_1092, %rev3A_1093 : vector<16xi32>
          %rev3A_1095 = tpu.dynamic_gather %masked_sort3A_1089[%rev3A_1094] in [0] : vector<16xf32>, vector<16xi32> -> vector<16xf32>
          %rev3A_1096 = arith.constant 15 : i32
          %rev3A_1097 = vector.broadcast %rev3A_1096 : i32 to vector<16xi32>
          %rev3A_1098 = tpu.iota {dimensions = array<i32: 0>} : vector<16xi32>
          %rev3A_1099 = arith.subi %rev3A_1097, %rev3A_1098 : vector<16xi32>
          %rev3A_1100 = tpu.dynamic_gather %masked_sort3A_1090[%rev3A_1099] in [0] : vector<16xi32>, vector<16xi32> -> vector<16xi32>
          %le3A_1101 = arith.cmpf ole, %masked_sort3A_1081, %rev3A_1095 : vector<16xf32>
          %select_n3A_1102 = arith.select %le3A_1101, %masked_sort3A_1081, %rev3A_1095 : vector<16xi1>, vector<16xf32>
          %select_n3A_1103 = arith.select %le3A_1101, %masked_sort3A_1082, %rev3A_1100 : vector<16xi1>, vector<16xi32>
          %masked_sort3A_1104 = arith.constant dense<true> : vector<16xi1>
          %masked_sort3A_1105, %masked_sort3A_1106, %masked_sort3A_1107 = tpu.sort %select_n3A_1102, %select_n3A_1103 masked %masked_sort3A_1104 : (vector<16xf32>, vector<16xi32>, vector<16xi1>) -> (vector<16xi1>, vector<16xf32>, vector<16xi32>)
          %add3A_1108 = arith.constant 32 : i32
          %add3A_1109 = arith.addi %add3A_931, %add3A_1108 : i32
          %add3A_1110 = vector.broadcast %add3A_1109 : i32 to vector<16xi32>
          %add3A_1111 = arith.addi %add3A_1110, %iota3A_140 : vector<16xi32>
          %masked_sort3A_1112 = arith.constant dense<true> : vector<16xi1>
          %masked_sort3A_1113, %masked_sort3A_1114, %masked_sort3A_1115 = tpu.sort %add3A_973, %add3A_1111 masked %masked_sort3A_1112 : (vector<16xf32>, vector<16xi32>, vector<16xi1>) -> (vector<16xi1>, vector<16xf32>, vector<16xi32>)
          %rev3A_1116 = arith.constant 15 : i32
          %rev3A_1117 = vector.broadcast %rev3A_1116 : i32 to vector<16xi32>
          %rev3A_1118 = tpu.iota {dimensions = array<i32: 0>} : vector<16xi32>
          %rev3A_1119 = arith.subi %rev3A_1117, %rev3A_1118 : vector<16xi32>
          %rev3A_1120 = tpu.dynamic_gather %masked_sort3A_1114[%rev3A_1119] in [0] : vector<16xf32>, vector<16xi32> -> vector<16xf32>
          %rev3A_1121 = arith.constant 15 : i32
          %rev3A_1122 = vector.broadcast %rev3A_1121 : i32 to vector<16xi32>
          %rev3A_1123 = tpu.iota {dimensions = array<i32: 0>} : vector<16xi32>
          %rev3A_1124 = arith.subi %rev3A_1122, %rev3A_1123 : vector<16xi32>
          %rev3A_1125 = tpu.dynamic_gather %masked_sort3A_1115[%rev3A_1124] in [0] : vector<16xi32>, vector<16xi32> -> vector<16xi32>
          %le3A_1126 = arith.cmpf ole, %masked_sort3A_1106, %rev3A_1120 : vector<16xf32>
          %select_n3A_1127 = arith.select %le3A_1126, %masked_sort3A_1106, %rev3A_1120 : vector<16xi1>, vector<16xf32>
          %select_n3A_1128 = arith.select %le3A_1126, %masked_sort3A_1107, %rev3A_1125 : vector<16xi1>, vector<16xi32>
          %masked_sort3A_1129 = arith.constant dense<true> : vector<16xi1>
          %masked_sort3A_1130, %masked_sort3A_1131, %masked_sort3A_1132 = tpu.sort %select_n3A_1127, %select_n3A_1128 masked %masked_sort3A_1129 : (vector<16xf32>, vector<16xi32>, vector<16xi1>) -> (vector<16xi1>, vector<16xf32>, vector<16xi32>)
          %add3A_1133 = arith.constant 48 : i32
          %add3A_1134 = arith.addi %add3A_931, %add3A_1133 : i32
          %add3A_1135 = vector.broadcast %add3A_1134 : i32 to vector<16xi32>
          %add3A_1136 = arith.addi %add3A_1135, %iota3A_140 : vector<16xi32>
          %masked_sort3A_1137 = arith.constant dense<true> : vector<16xi1>
          %masked_sort3A_1138, %masked_sort3A_1139, %masked_sort3A_1140 = tpu.sort %add3A_988, %add3A_1136 masked %masked_sort3A_1137 : (vector<16xf32>, vector<16xi32>, vector<16xi1>) -> (vector<16xi1>, vector<16xf32>, vector<16xi32>)
          %rev3A_1141 = arith.constant 15 : i32
          %rev3A_1142 = vector.broadcast %rev3A_1141 : i32 to vector<16xi32>
          %rev3A_1143 = tpu.iota {dimensions = array<i32: 0>} : vector<16xi32>
          %rev3A_1144 = arith.subi %rev3A_1142, %rev3A_1143 : vector<16xi32>
          %rev3A_1145 = tpu.dynamic_gather %masked_sort3A_1139[%rev3A_1144] in [0] : vector<16xf32>, vector<16xi32> -> vector<16xf32>
          %rev3A_1146 = arith.constant 15 : i32
          %rev3A_1147 = vector.broadcast %rev3A_1146 : i32 to vector<16xi32>
          %rev3A_1148 = tpu.iota {dimensions = array<i32: 0>} : vector<16xi32>
          %rev3A_1149 = arith.subi %rev3A_1147, %rev3A_1148 : vector<16xi32>
          %rev3A_1150 = tpu.dynamic_gather %masked_sort3A_1140[%rev3A_1149] in [0] : vector<16xi32>, vector<16xi32> -> vector<16xi32>
          %le3A_1151 = arith.cmpf ole, %masked_sort3A_1131, %rev3A_1145 : vector<16xf32>
          %select_n3A_1152 = arith.select %le3A_1151, %masked_sort3A_1131, %rev3A_1145 : vector<16xi1>, vector<16xf32>
          %select_n3A_1153 = arith.select %le3A_1151, %masked_sort3A_1132, %rev3A_1150 : vector<16xi1>, vector<16xi32>
          %masked_sort3A_1154 = arith.constant dense<true> : vector<16xi1>
          %masked_sort3A_1155, %masked_sort3A_1156, %masked_sort3A_1157 = tpu.sort %select_n3A_1152, %select_n3A_1153 masked %masked_sort3A_1154 : (vector<16xf32>, vector<16xi32>, vector<16xi1>) -> (vector<16xi1>, vector<16xf32>, vector<16xi32>)
          %add3A_1158 = arith.constant 64 : i32
          %add3A_1159 = arith.addi %add3A_931, %add3A_1158 : i32
          %add3A_1160 = vector.broadcast %add3A_1159 : i32 to vector<16xi32>
          %add3A_1161 = arith.addi %add3A_1160, %iota3A_140 : vector<16xi32>
          %masked_sort3A_1162 = arith.constant dense<true> : vector<16xi1>
          %masked_sort3A_1163, %masked_sort3A_1164, %masked_sort3A_1165 = tpu.sort %add3A_1003, %add3A_1161 masked %masked_sort3A_1162 : (vector<16xf32>, vector<16xi32>, vector<16xi1>) -> (vector<16xi1>, vector<16xf32>, vector<16xi32>)
          %rev3A_1166 = arith.constant 15 : i32
          %rev3A_1167 = vector.broadcast %rev3A_1166 : i32 to vector<16xi32>
          %rev3A_1168 = tpu.iota {dimensions = array<i32: 0>} : vector<16xi32>
          %rev3A_1169 = arith.subi %rev3A_1167, %rev3A_1168 : vector<16xi32>
          %rev3A_1170 = tpu.dynamic_gather %masked_sort3A_1164[%rev3A_1169] in [0] : vector<16xf32>, vector<16xi32> -> vector<16xf32>
          %rev3A_1171 = arith.constant 15 : i32
          %rev3A_1172 = vector.broadcast %rev3A_1171 : i32 to vector<16xi32>
          %rev3A_1173 = tpu.iota {dimensions = array<i32: 0>} : vector<16xi32>
          %rev3A_1174 = arith.subi %rev3A_1172, %rev3A_1173 : vector<16xi32>
          %rev3A_1175 = tpu.dynamic_gather %masked_sort3A_1165[%rev3A_1174] in [0] : vector<16xi32>, vector<16xi32> -> vector<16xi32>
          %le3A_1176 = arith.cmpf ole, %masked_sort3A_1156, %rev3A_1170 : vector<16xf32>
          %select_n3A_1177 = arith.select %le3A_1176, %masked_sort3A_1156, %rev3A_1170 : vector<16xi1>, vector<16xf32>
          %select_n3A_1178 = arith.select %le3A_1176, %masked_sort3A_1157, %rev3A_1175 : vector<16xi1>, vector<16xi32>
          %masked_sort3A_1179 = arith.constant dense<true> : vector<16xi1>
          %masked_sort3A_1180, %masked_sort3A_1181, %masked_sort3A_1182 = tpu.sort %select_n3A_1177, %select_n3A_1178 masked %masked_sort3A_1179 : (vector<16xf32>, vector<16xi32>, vector<16xi1>) -> (vector<16xi1>, vector<16xf32>, vector<16xi32>)
          %add3A_1183 = arith.constant 80 : i32
          %add3A_1184 = arith.addi %add3A_931, %add3A_1183 : i32
          %add3A_1185 = vector.broadcast %add3A_1184 : i32 to vector<16xi32>
          %add3A_1186 = arith.addi %add3A_1185, %iota3A_140 : vector<16xi32>
          %masked_sort3A_1187 = arith.constant dense<true> : vector<16xi1>
          %masked_sort3A_1188, %masked_sort3A_1189, %masked_sort3A_1190 = tpu.sort %add3A_1018, %add3A_1186 masked %masked_sort3A_1187 : (vector<16xf32>, vector<16xi32>, vector<16xi1>) -> (vector<16xi1>, vector<16xf32>, vector<16xi32>)
          %rev3A_1191 = arith.constant 15 : i32
          %rev3A_1192 = vector.broadcast %rev3A_1191 : i32 to vector<16xi32>
          %rev3A_1193 = tpu.iota {dimensions = array<i32: 0>} : vector<16xi32>
          %rev3A_1194 = arith.subi %rev3A_1192, %rev3A_1193 : vector<16xi32>
          %rev3A_1195 = tpu.dynamic_gather %masked_sort3A_1189[%rev3A_1194] in [0] : vector<16xf32>, vector<16xi32> -> vector<16xf32>
          %rev3A_1196 = arith.constant 15 : i32
          %rev3A_1197 = vector.broadcast %rev3A_1196 : i32 to vector<16xi32>
          %rev3A_1198 = tpu.iota {dimensions = array<i32: 0>} : vector<16xi32>
          %rev3A_1199 = arith.subi %rev3A_1197, %rev3A_1198 : vector<16xi32>
          %rev3A_1200 = tpu.dynamic_gather %masked_sort3A_1190[%rev3A_1199] in [0] : vector<16xi32>, vector<16xi32> -> vector<16xi32>
          %le3A_1201 = arith.cmpf ole, %masked_sort3A_1181, %rev3A_1195 : vector<16xf32>
          %select_n3A_1202 = arith.select %le3A_1201, %masked_sort3A_1181, %rev3A_1195 : vector<16xi1>, vector<16xf32>
          %select_n3A_1203 = arith.select %le3A_1201, %masked_sort3A_1182, %rev3A_1200 : vector<16xi1>, vector<16xi32>
          %masked_sort3A_1204 = arith.constant dense<true> : vector<16xi1>
          %masked_sort3A_1205, %masked_sort3A_1206, %masked_sort3A_1207 = tpu.sort %select_n3A_1202, %select_n3A_1203 masked %masked_sort3A_1204 : (vector<16xf32>, vector<16xi32>, vector<16xi1>) -> (vector<16xi1>, vector<16xf32>, vector<16xi32>)
          %add3A_1208 = arith.constant 96 : i32
          %add3A_1209 = arith.addi %add3A_931, %add3A_1208 : i32
          %add3A_1210 = vector.broadcast %add3A_1209 : i32 to vector<16xi32>
          %add3A_1211 = arith.addi %add3A_1210, %iota3A_140 : vector<16xi32>
          %masked_sort3A_1212 = arith.constant dense<true> : vector<16xi1>
          %masked_sort3A_1213, %masked_sort3A_1214, %masked_sort3A_1215 = tpu.sort %add3A_1033, %add3A_1211 masked %masked_sort3A_1212 : (vector<16xf32>, vector<16xi32>, vector<16xi1>) -> (vector<16xi1>, vector<16xf32>, vector<16xi32>)
          %rev3A_1216 = arith.constant 15 : i32
          %rev3A_1217 = vector.broadcast %rev3A_1216 : i32 to vector<16xi32>
          %rev3A_1218 = tpu.iota {dimensions = array<i32: 0>} : vector<16xi32>
          %rev3A_1219 = arith.subi %rev3A_1217, %rev3A_1218 : vector<16xi32>
          %rev3A_1220 = tpu.dynamic_gather %masked_sort3A_1214[%rev3A_1219] in [0] : vector<16xf32>, vector<16xi32> -> vector<16xf32>
          %rev3A_1221 = arith.constant 15 : i32
          %rev3A_1222 = vector.broadcast %rev3A_1221 : i32 to vector<16xi32>
          %rev3A_1223 = tpu.iota {dimensions = array<i32: 0>} : vector<16xi32>
          %rev3A_1224 = arith.subi %rev3A_1222, %rev3A_1223 : vector<16xi32>
          %rev3A_1225 = tpu.dynamic_gather %masked_sort3A_1215[%rev3A_1224] in [0] : vector<16xi32>, vector<16xi32> -> vector<16xi32>
          %le3A_1226 = arith.cmpf ole, %masked_sort3A_1206, %rev3A_1220 : vector<16xf32>
          %select_n3A_1227 = arith.select %le3A_1226, %masked_sort3A_1206, %rev3A_1220 : vector<16xi1>, vector<16xf32>
          %select_n3A_1228 = arith.select %le3A_1226, %masked_sort3A_1207, %rev3A_1225 : vector<16xi1>, vector<16xi32>
          %masked_sort3A_1229 = arith.constant dense<true> : vector<16xi1>
          %masked_sort3A_1230, %masked_sort3A_1231, %masked_sort3A_1232 = tpu.sort %select_n3A_1227, %select_n3A_1228 masked %masked_sort3A_1229 : (vector<16xf32>, vector<16xi32>, vector<16xi1>) -> (vector<16xi1>, vector<16xf32>, vector<16xi32>)
          %add3A_1233 = arith.constant 112 : i32
          %add3A_1234 = arith.addi %add3A_931, %add3A_1233 : i32
          %add3A_1235 = vector.broadcast %add3A_1234 : i32 to vector<16xi32>
          %add3A_1236 = arith.addi %add3A_1235, %iota3A_140 : vector<16xi32>
          %masked_sort3A_1237 = arith.constant dense<true> : vector<16xi1>
          %masked_sort3A_1238, %masked_sort3A_1239, %masked_sort3A_1240 = tpu.sort %add3A_1048, %add3A_1236 masked %masked_sort3A_1237 : (vector<16xf32>, vector<16xi32>, vector<16xi1>) -> (vector<16xi1>, vector<16xf32>, vector<16xi32>)
          %rev3A_1241 = arith.constant 15 : i32
          %rev3A_1242 = vector.broadcast %rev3A_1241 : i32 to vector<16xi32>
          %rev3A_1243 = tpu.iota {dimensions = array<i32: 0>} : vector<16xi32>
          %rev3A_1244 = arith.subi %rev3A_1242, %rev3A_1243 : vector<16xi32>
          %rev3A_1245 = tpu.dynamic_gather %masked_sort3A_1239[%rev3A_1244] in [0] : vector<16xf32>, vector<16xi32> -> vector<16xf32>
          %rev3A_1246 = arith.constant 15 : i32
          %rev3A_1247 = vector.broadcast %rev3A_1246 : i32 to vector<16xi32>
          %rev3A_1248 = tpu.iota {dimensions = array<i32: 0>} : vector<16xi32>
          %rev3A_1249 = arith.subi %rev3A_1247, %rev3A_1248 : vector<16xi32>
          %rev3A_1250 = tpu.dynamic_gather %masked_sort3A_1240[%rev3A_1249] in [0] : vector<16xi32>, vector<16xi32> -> vector<16xi32>
          %le3A_1251 = arith.cmpf ole, %masked_sort3A_1231, %rev3A_1245 : vector<16xf32>
          %select_n3A_1252 = arith.select %le3A_1251, %masked_sort3A_1231, %rev3A_1245 : vector<16xi1>, vector<16xf32>
          %select_n3A_1253 = arith.select %le3A_1251, %masked_sort3A_1232, %rev3A_1250 : vector<16xi1>, vector<16xi32>
          %masked_sort3A_1254 = arith.constant dense<true> : vector<16xi1>
          %masked_sort3A_1255, %masked_sort3A_1256, %masked_sort3A_1257 = tpu.sort %select_n3A_1252, %select_n3A_1253 masked %masked_sort3A_1254 : (vector<16xf32>, vector<16xi32>, vector<16xi1>) -> (vector<16xi1>, vector<16xf32>, vector<16xi32>)
          %swap3A_1258 = arith.constant 0 : index
          %swap3A_1259 = tpu.vector_load %arg31[%swap3A_1258] {strides = array<i32>} : memref<16xf32, #tpu.memory_space<vmem>>, vector<16xf32>,
          tpu.vector_store %arg31[%swap3A_1258], %masked_sort3A_1256 {strides = array<i32>} : memref<16xf32, #tpu.memory_space<vmem>>, vector<16xf32>,
          %broadcast_in_dim3A_1260 = arith.constant 8 : i32
          %broadcast_in_dim3A_1261 = vector.broadcast %broadcast_in_dim3A_1260 : i32 to vector<16xi32>
          %gather3A_1262 = tpu.vector_load_idx %arg31[%broadcast_in_dim3A_1261] : memref<16xf32, #tpu.memory_space<vmem>>[vector<16xi32>], vector<16xf32>,
          scf.yield %masked_sort3A_1256, %masked_sort3A_1257, %gather3A_1262 : vector<16xf32>, vector<16xi32>, vector<16xf32>
        } else {
          scf.yield %scan3A_925, %scan3A_926, %scan3A_927 : vector<16xf32>, vector<16xi32>, vector<16xf32>
        }
        scf.yield %cond3A_1060#0, %cond3A_1060#1, %cond3A_1060#2 : vector<16xf32>, vector<16xi32>, vector<16xf32>
      }
      %scan3A_152 = arith.constant 2 : i32
      %swap3A_153 = arith.constant 48 : index
      %swap3A_154 = tpu.vector_load %arg21[%swap3A_153] {strides = array<i32>} : memref<80xi32, #tpu.memory_space<vmem>>, vector<16xi32>,
      tpu.vector_store %arg21[%swap3A_153], %scan3A_151#1 {strides = array<i32>} : memref<80xi32, #tpu.memory_space<vmem>>, vector<16xi32>,
      %iota3A_155 = tpu.iota {dimensions = array<i32: 0>} : vector<16xi32>
      %broadcast_in_dim3A_156 = arith.constant 3.000000e+38 : f32
      %broadcast_in_dim3A_157 = vector.broadcast %broadcast_in_dim3A_156 : f32 to vector<16xf32>
      %broadcast_in_dim3A_158 = arith.constant 0 : i32
      %broadcast_in_dim3A_159 = vector.broadcast %broadcast_in_dim3A_158 : i32 to vector<16xi32>
      %broadcast_in_dim3A_160 = arith.constant 3.000000e+38 : f32
      %broadcast_in_dim3A_161 = vector.broadcast %broadcast_in_dim3A_160 : f32 to vector<16xf32>
      %scan3A_162 = arith.constant 0 : i32
      %mul3A_163 = arith.constant 64 : i32
      %mul3A_164 = arith.muli %scan3A_162, %mul3A_163 : i32
      %add3A_165 = arith.constant 21760 : i32
      %add3A_166 = arith.addi %add3A_165, %mul3A_164 : i32
      %add3A_167 = arith.constant 0 : i32
      %add3A_168 = arith.addi %add3A_166, %add3A_167 : i32
      %get3A = arith.index_cast %add3A_168 : i32 to index
      %get3A_169 = tpu.vector_load %arg14[%get3A] {strides = array<i32>} : memref<21824xf32, #tpu.memory_space<vmem>>, vector<16xf32>,
      %sub3A_170 = arith.subf %get3A_169, %mul3A_91 : vector<16xf32>
      %add3A_171 = arith.constant 0 : i32
      %add3A_172 = arith.addi %add3A_166, %add3A_171 : i32
      %get3A_173 = arith.index_cast %add3A_172 : i32 to index
      %get3A_174 = tpu.vector_load %arg15[%get3A_173] {strides = array<i32>} : memref<21824xf32, #tpu.memory_space<vmem>>, vector<16xf32>,
      %sub3A_175 = arith.subf %get3A_174, %mul3A_95 : vector<16xf32>
      %mul3A_176 = arith.mulf %sub3A_170, %sub3A_170 : vector<16xf32>
      %mul3A_177 = arith.mulf %sub3A_175, %sub3A_175 : vector<16xf32>
      %add3A_178 = arith.addf %mul3A_176, %mul3A_177 : vector<16xf32>
      %lt3A_179 = arith.cmpf olt, %add3A_178, %broadcast_in_dim3A_161 : vector<16xf32>
      %add3A_180 = arith.constant 16 : i32
      %add3A_181 = arith.addi %add3A_166, %add3A_180 : i32
      %get3A_182 = arith.index_cast %add3A_181 : i32 to index
      %get3A_183 = tpu.vector_load %arg14[%get3A_182] {strides = array<i32>} : memref<21824xf32, #tpu.memory_space<vmem>>, vector<16xf32>,
      %sub3A_184 = arith.subf %get3A_183, %mul3A_91 : vector<16xf32>
      %add3A_185 = arith.constant 16 : i32
      %add3A_186 = arith.addi %add3A_166, %add3A_185 : i32
      %get3A_187 = arith.index_cast %add3A_186 : i32 to index
      %get3A_188 = tpu.vector_load %arg15[%get3A_187] {strides = array<i32>} : memref<21824xf32, #tpu.memory_space<vmem>>, vector<16xf32>,
      %sub3A_189 = arith.subf %get3A_188, %mul3A_95 : vector<16xf32>
      %mul3A_190 = arith.mulf %sub3A_184, %sub3A_184 : vector<16xf32>
      %mul3A_191 = arith.mulf %sub3A_189, %sub3A_189 : vector<16xf32>
      %add3A_192 = arith.addf %mul3A_190, %mul3A_191 : vector<16xf32>
      %lt3A_193 = arith.cmpf olt, %add3A_192, %broadcast_in_dim3A_161 : vector<16xf32>
      %or3A = arith.ori %lt3A_179, %lt3A_193 : vector<16xi1>
      %add3A_194 = arith.constant 32 : i32
      %add3A_195 = arith.addi %add3A_166, %add3A_194 : i32
      %get3A_196 = arith.index_cast %add3A_195 : i32 to index
      %get3A_197 = tpu.vector_load %arg14[%get3A_196] {strides = array<i32>} : memref<21824xf32, #tpu.memory_space<vmem>>, vector<16xf32>,
      %sub3A_198 = arith.subf %get3A_197, %mul3A_91 : vector<16xf32>
      %add3A_199 = arith.constant 32 : i32
      %add3A_200 = arith.addi %add3A_166, %add3A_199 : i32
      %get3A_201 = arith.index_cast %add3A_200 : i32 to index
      %get3A_202 = tpu.vector_load %arg15[%get3A_201] {strides = array<i32>} : memref<21824xf32, #tpu.memory_space<vmem>>, vector<16xf32>,
      %sub3A_203 = arith.subf %get3A_202, %mul3A_95 : vector<16xf32>
      %mul3A_204 = arith.mulf %sub3A_198, %sub3A_198 : vector<16xf32>
      %mul3A_205 = arith.mulf %sub3A_203, %sub3A_203 : vector<16xf32>
      %add3A_206 = arith.addf %mul3A_204, %mul3A_205 : vector<16xf32>
      %lt3A_207 = arith.cmpf olt, %add3A_206, %broadcast_in_dim3A_161 : vector<16xf32>
      %or3A_208 = arith.ori %or3A, %lt3A_207 : vector<16xi1>
      %add3A_209 = arith.constant 48 : i32
      %add3A_210 = arith.addi %add3A_166, %add3A_209 : i32
      %get3A_211 = arith.index_cast %add3A_210 : i32 to index
      %get3A_212 = tpu.vector_load %arg14[%get3A_211] {strides = array<i32>} : memref<21824xf32, #tpu.memory_space<vmem>>, vector<16xf32>,
      %sub3A_213 = arith.subf %get3A_212, %mul3A_91 : vector<16xf32>
      %add3A_214 = arith.constant 48 : i32
      %add3A_215 = arith.addi %add3A_166, %add3A_214 : i32
      %get3A_216 = arith.index_cast %add3A_215 : i32 to index
      %get3A_217 = tpu.vector_load %arg15[%get3A_216] {strides = array<i32>} : memref<21824xf32, #tpu.memory_space<vmem>>, vector<16xf32>,
      %sub3A_218 = arith.subf %get3A_217, %mul3A_95 : vector<16xf32>
      %mul3A_219 = arith.mulf %sub3A_213, %sub3A_213 : vector<16xf32>
      %mul3A_220 = arith.mulf %sub3A_218, %sub3A_218 : vector<16xf32>
      %add3A_221 = arith.addf %mul3A_219, %mul3A_220 : vector<16xf32>
      %lt3A_222 = arith.cmpf olt, %add3A_221, %broadcast_in_dim3A_161 : vector<16xf32>
      %or3A_223 = arith.ori %or3A_208, %lt3A_222 : vector<16xi1>
      %all_reduce_population_count3A = tpu.all_reduce %or3A_223 {dim = 0 : i64, kind = #tpu.reduction_kind<sum>} : vector<16xi1> -> vector<16xi32>
      %slice3A = vector.extract_strided_slice %all_reduce_population_count3A {offsets = [0], sizes = [1], strides = [1]} : vector<16xi32> to vector<1xi32>
      %squeeze3A = vector.extract %slice3A[0] : i32 from vector<1xi32>
      %gt3A = arith.constant 0 : i32
      %gt3A_224 = arith.cmpi sgt, %squeeze3A, %gt3A : i32
      %convert_element_type3A = arith.extui %gt3A_224 : i1 to i32
      %cond3A = arith.constant 0 : i32
      %cond3A_225 = arith.constant 0 : i32
      %cond3A_226 = arith.cmpi ne, %convert_element_type3A, %cond3A_225 : i32
      %cond3A_227:3 = scf.if %cond3A_226 -> (vector<16xf32>, vector<16xi32>, vector<16xf32>) {
        %add3A_924 = arith.constant 0 : i32
        %add3A_925 = arith.addi %add3A_166, %add3A_924 : i32
        %add3A_926 = vector.broadcast %add3A_925 : i32 to vector<16xi32>
        %add3A_927 = arith.addi %add3A_926, %iota3A_155 : vector<16xi32>
        %masked_sort3A = arith.constant dense<true> : vector<16xi1>
        %masked_sort3A_928, %masked_sort3A_929, %masked_sort3A_930 = tpu.sort %add3A_178, %add3A_927 masked %masked_sort3A : (vector<16xf32>, vector<16xi32>, vector<16xi1>) -> (vector<16xi1>, vector<16xf32>, vector<16xi32>)
        %rev3A = arith.constant 15 : i32
        %rev3A_931 = vector.broadcast %rev3A : i32 to vector<16xi32>
        %rev3A_932 = tpu.iota {dimensions = array<i32: 0>} : vector<16xi32>
        %rev3A_933 = arith.subi %rev3A_931, %rev3A_932 : vector<16xi32>
        %rev3A_934 = tpu.dynamic_gather %masked_sort3A_929[%rev3A_933] in [0] : vector<16xf32>, vector<16xi32> -> vector<16xf32>
        %rev3A_935 = arith.constant 15 : i32
        %rev3A_936 = vector.broadcast %rev3A_935 : i32 to vector<16xi32>
        %rev3A_937 = tpu.iota {dimensions = array<i32: 0>} : vector<16xi32>
        %rev3A_938 = arith.subi %rev3A_936, %rev3A_937 : vector<16xi32>
        %rev3A_939 = tpu.dynamic_gather %masked_sort3A_930[%rev3A_938] in [0] : vector<16xi32>, vector<16xi32> -> vector<16xi32>
        %le3A = arith.cmpf ole, %broadcast_in_dim3A_157, %rev3A_934 : vector<16xf32>
        %select_n3A_940 = arith.select %le3A, %broadcast_in_dim3A_157, %rev3A_934 : vector<16xi1>, vector<16xf32>
        %select_n3A_941 = arith.select %le3A, %broadcast_in_dim3A_159, %rev3A_939 : vector<16xi1>, vector<16xi32>
        %masked_sort3A_942 = arith.constant dense<true> : vector<16xi1>
        %masked_sort3A_943, %masked_sort3A_944, %masked_sort3A_945 = tpu.sort %select_n3A_940, %select_n3A_941 masked %masked_sort3A_942 : (vector<16xf32>, vector<16xi32>, vector<16xi1>) -> (vector<16xi1>, vector<16xf32>, vector<16xi32>)
        %add3A_946 = arith.constant 16 : i32
        %add3A_947 = arith.addi %add3A_166, %add3A_946 : i32
        %add3A_948 = vector.broadcast %add3A_947 : i32 to vector<16xi32>
        %add3A_949 = arith.addi %add3A_948, %iota3A_155 : vector<16xi32>
        %masked_sort3A_950 = arith.constant dense<true> : vector<16xi1>
        %masked_sort3A_951, %masked_sort3A_952, %masked_sort3A_953 = tpu.sort %add3A_192, %add3A_949 masked %masked_sort3A_950 : (vector<16xf32>, vector<16xi32>, vector<16xi1>) -> (vector<16xi1>, vector<16xf32>, vector<16xi32>)
        %rev3A_954 = arith.constant 15 : i32
        %rev3A_955 = vector.broadcast %rev3A_954 : i32 to vector<16xi32>
        %rev3A_956 = tpu.iota {dimensions = array<i32: 0>} : vector<16xi32>
        %rev3A_957 = arith.subi %rev3A_955, %rev3A_956 : vector<16xi32>
        %rev3A_958 = tpu.dynamic_gather %masked_sort3A_952[%rev3A_957] in [0] : vector<16xf32>, vector<16xi32> -> vector<16xf32>
        %rev3A_959 = arith.constant 15 : i32
        %rev3A_960 = vector.broadcast %rev3A_959 : i32 to vector<16xi32>
        %rev3A_961 = tpu.iota {dimensions = array<i32: 0>} : vector<16xi32>
        %rev3A_962 = arith.subi %rev3A_960, %rev3A_961 : vector<16xi32>
        %rev3A_963 = tpu.dynamic_gather %masked_sort3A_953[%rev3A_962] in [0] : vector<16xi32>, vector<16xi32> -> vector<16xi32>
        %le3A_964 = arith.cmpf ole, %masked_sort3A_944, %rev3A_958 : vector<16xf32>
        %select_n3A_965 = arith.select %le3A_964, %masked_sort3A_944, %rev3A_958 : vector<16xi1>, vector<16xf32>
        %select_n3A_966 = arith.select %le3A_964, %masked_sort3A_945, %rev3A_963 : vector<16xi1>, vector<16xi32>
        %masked_sort3A_967 = arith.constant dense<true> : vector<16xi1>
        %masked_sort3A_968, %masked_sort3A_969, %masked_sort3A_970 = tpu.sort %select_n3A_965, %select_n3A_966 masked %masked_sort3A_967 : (vector<16xf32>, vector<16xi32>, vector<16xi1>) -> (vector<16xi1>, vector<16xf32>, vector<16xi32>)
        %add3A_971 = arith.constant 32 : i32
        %add3A_972 = arith.addi %add3A_166, %add3A_971 : i32
        %add3A_973 = vector.broadcast %add3A_972 : i32 to vector<16xi32>
        %add3A_974 = arith.addi %add3A_973, %iota3A_155 : vector<16xi32>
        %masked_sort3A_975 = arith.constant dense<true> : vector<16xi1>
        %masked_sort3A_976, %masked_sort3A_977, %masked_sort3A_978 = tpu.sort %add3A_206, %add3A_974 masked %masked_sort3A_975 : (vector<16xf32>, vector<16xi32>, vector<16xi1>) -> (vector<16xi1>, vector<16xf32>, vector<16xi32>)
        %rev3A_979 = arith.constant 15 : i32
        %rev3A_980 = vector.broadcast %rev3A_979 : i32 to vector<16xi32>
        %rev3A_981 = tpu.iota {dimensions = array<i32: 0>} : vector<16xi32>
        %rev3A_982 = arith.subi %rev3A_980, %rev3A_981 : vector<16xi32>
        %rev3A_983 = tpu.dynamic_gather %masked_sort3A_977[%rev3A_982] in [0] : vector<16xf32>, vector<16xi32> -> vector<16xf32>
        %rev3A_984 = arith.constant 15 : i32
        %rev3A_985 = vector.broadcast %rev3A_984 : i32 to vector<16xi32>
        %rev3A_986 = tpu.iota {dimensions = array<i32: 0>} : vector<16xi32>
        %rev3A_987 = arith.subi %rev3A_985, %rev3A_986 : vector<16xi32>
        %rev3A_988 = tpu.dynamic_gather %masked_sort3A_978[%rev3A_987] in [0] : vector<16xi32>, vector<16xi32> -> vector<16xi32>
        %le3A_989 = arith.cmpf ole, %masked_sort3A_969, %rev3A_983 : vector<16xf32>
        %select_n3A_990 = arith.select %le3A_989, %masked_sort3A_969, %rev3A_983 : vector<16xi1>, vector<16xf32>
        %select_n3A_991 = arith.select %le3A_989, %masked_sort3A_970, %rev3A_988 : vector<16xi1>, vector<16xi32>
        %masked_sort3A_992 = arith.constant dense<true> : vector<16xi1>
        %masked_sort3A_993, %masked_sort3A_994, %masked_sort3A_995 = tpu.sort %select_n3A_990, %select_n3A_991 masked %masked_sort3A_992 : (vector<16xf32>, vector<16xi32>, vector<16xi1>) -> (vector<16xi1>, vector<16xf32>, vector<16xi32>)
        %add3A_996 = arith.constant 48 : i32
        %add3A_997 = arith.addi %add3A_166, %add3A_996 : i32
        %add3A_998 = vector.broadcast %add3A_997 : i32 to vector<16xi32>
        %add3A_999 = arith.addi %add3A_998, %iota3A_155 : vector<16xi32>
        %masked_sort3A_1000 = arith.constant dense<true> : vector<16xi1>
        %masked_sort3A_1001, %masked_sort3A_1002, %masked_sort3A_1003 = tpu.sort %add3A_221, %add3A_999 masked %masked_sort3A_1000 : (vector<16xf32>, vector<16xi32>, vector<16xi1>) -> (vector<16xi1>, vector<16xf32>, vector<16xi32>)
        %rev3A_1004 = arith.constant 15 : i32
        %rev3A_1005 = vector.broadcast %rev3A_1004 : i32 to vector<16xi32>
        %rev3A_1006 = tpu.iota {dimensions = array<i32: 0>} : vector<16xi32>
        %rev3A_1007 = arith.subi %rev3A_1005, %rev3A_1006 : vector<16xi32>
        %rev3A_1008 = tpu.dynamic_gather %masked_sort3A_1002[%rev3A_1007] in [0] : vector<16xf32>, vector<16xi32> -> vector<16xf32>
        %rev3A_1009 = arith.constant 15 : i32
        %rev3A_1010 = vector.broadcast %rev3A_1009 : i32 to vector<16xi32>
        %rev3A_1011 = tpu.iota {dimensions = array<i32: 0>} : vector<16xi32>
        %rev3A_1012 = arith.subi %rev3A_1010, %rev3A_1011 : vector<16xi32>
        %rev3A_1013 = tpu.dynamic_gather %masked_sort3A_1003[%rev3A_1012] in [0] : vector<16xi32>, vector<16xi32> -> vector<16xi32>
        %le3A_1014 = arith.cmpf ole, %masked_sort3A_994, %rev3A_1008 : vector<16xf32>
        %select_n3A_1015 = arith.select %le3A_1014, %masked_sort3A_994, %rev3A_1008 : vector<16xi1>, vector<16xf32>
        %select_n3A_1016 = arith.select %le3A_1014, %masked_sort3A_995, %rev3A_1013 : vector<16xi1>, vector<16xi32>
        %masked_sort3A_1017 = arith.constant dense<true> : vector<16xi1>
        %masked_sort3A_1018, %masked_sort3A_1019, %masked_sort3A_1020 = tpu.sort %select_n3A_1015, %select_n3A_1016 masked %masked_sort3A_1017 : (vector<16xf32>, vector<16xi32>, vector<16xi1>) -> (vector<16xi1>, vector<16xf32>, vector<16xi32>)
        %swap3A_1021 = arith.constant 0 : index
        %swap3A_1022 = tpu.vector_load %arg31[%swap3A_1021] {strides = array<i32>} : memref<16xf32, #tpu.memory_space<vmem>>, vector<16xf32>,
        tpu.vector_store %arg31[%swap3A_1021], %masked_sort3A_1019 {strides = array<i32>} : memref<16xf32, #tpu.memory_space<vmem>>, vector<16xf32>,
        %broadcast_in_dim3A_1023 = arith.constant 8 : i32
        %broadcast_in_dim3A_1024 = vector.broadcast %broadcast_in_dim3A_1023 : i32 to vector<16xi32>
        %gather3A_1025 = tpu.vector_load_idx %arg31[%broadcast_in_dim3A_1024] : memref<16xf32, #tpu.memory_space<vmem>>[vector<16xi32>], vector<16xf32>,
        scf.yield %masked_sort3A_1019, %masked_sort3A_1020, %gather3A_1025 : vector<16xf32>, vector<16xi32>, vector<16xf32>
      } else {
        scf.yield %broadcast_in_dim3A_157, %broadcast_in_dim3A_159, %broadcast_in_dim3A_161 : vector<16xf32>, vector<16xi32>, vector<16xf32>
      }
      %scan3A_228 = arith.constant 1 : i32
      %swap3A_229 = arith.constant 64 : index
      %swap3A_230 = tpu.vector_load %arg21[%swap3A_229] {strides = array<i32>} : memref<80xi32, #tpu.memory_space<vmem>>, vector<16xi32>,
      tpu.vector_store %arg21[%swap3A_229], %cond3A_227#1 {strides = array<i32>} : memref<80xi32, #tpu.memory_space<vmem>>, vector<16xi32>,
      %dma_start3A = arith.constant 0 : i32
      %dma_start3A_231 = tpu.memref_slice %arg2[%dma_start3A] : memref<21824xf32, #tpu.memory_space<hbm>> -> memref<21824xf32, #tpu.memory_space<hbm>>
      tpu.enqueue_indirect_dma source(%dma_start3A_231 : memref<21824xf32, #tpu.memory_space<hbm>>) target(%arg23 : memref<80xf32, #tpu.memory_space<vmem>>) offsets(%arg21 : memref<80xi32, #tpu.memory_space<vmem>>) semaphore(%arg32 : memref<!tpu.dma_semaphore, #tpu.memory_space<semaphore_mem>>)
      %dma_start3A_232 = arith.constant 0 : i32
      %dma_start3A_233 = tpu.memref_slice %arg3[%dma_start3A_232] : memref<21824xf32, #tpu.memory_space<hbm>> -> memref<21824xf32, #tpu.memory_space<hbm>>
      tpu.enqueue_indirect_dma source(%dma_start3A_233 : memref<21824xf32, #tpu.memory_space<hbm>>) target(%arg24 : memref<80xf32, #tpu.memory_space<vmem>>) offsets(%arg21 : memref<80xi32, #tpu.memory_space<vmem>>) semaphore(%arg32 : memref<!tpu.dma_semaphore, #tpu.memory_space<semaphore_mem>>)
      %dma_start3A_234 = arith.constant 0 : i32
      %dma_start3A_235 = tpu.memref_slice %arg4[%dma_start3A_234] : memref<21824xf32, #tpu.memory_space<hbm>> -> memref<21824xf32, #tpu.memory_space<hbm>>
      tpu.enqueue_indirect_dma source(%dma_start3A_235 : memref<21824xf32, #tpu.memory_space<hbm>>) target(%arg25 : memref<80xf32, #tpu.memory_space<vmem>>) offsets(%arg21 : memref<80xi32, #tpu.memory_space<vmem>>) semaphore(%arg32 : memref<!tpu.dma_semaphore, #tpu.memory_space<semaphore_mem>>)
      %dma_start3A_236 = arith.constant 0 : i32
      %dma_start3A_237 = tpu.memref_slice %arg5[%dma_start3A_236] : memref<21824xf32, #tpu.memory_space<hbm>> -> memref<21824xf32, #tpu.memory_space<hbm>>
      tpu.enqueue_indirect_dma source(%dma_start3A_237 : memref<21824xf32, #tpu.memory_space<hbm>>) target(%arg26 : memref<80xf32, #tpu.memory_space<vmem>>) offsets(%arg21 : memref<80xi32, #tpu.memory_space<vmem>>) semaphore(%arg32 : memref<!tpu.dma_semaphore, #tpu.memory_space<semaphore_mem>>)
      %dma_wait3A = arith.constant 0 : i32
      %dma_wait3A_238 = tpu.memref_slice %arg2[%dma_wait3A] : memref<21824xf32, #tpu.memory_space<hbm>> -> memref<21824xf32, #tpu.memory_space<hbm>>
      tpu.wait_indirect_dma semaphore(%arg32 : memref<!tpu.dma_semaphore, #tpu.memory_space<semaphore_mem>>) src(%dma_wait3A_238 : memref<21824xf32, #tpu.memory_space<hbm>>) dst(%arg23 : memref<80xf32, #tpu.memory_space<vmem>>)
      %dma_wait3A_239 = arith.constant 0 : i32
      %dma_wait3A_240 = tpu.memref_slice %arg3[%dma_wait3A_239] : memref<21824xf32, #tpu.memory_space<hbm>> -> memref<21824xf32, #tpu.memory_space<hbm>>
      tpu.wait_indirect_dma semaphore(%arg32 : memref<!tpu.dma_semaphore, #tpu.memory_space<semaphore_mem>>) src(%dma_wait3A_240 : memref<21824xf32, #tpu.memory_space<hbm>>) dst(%arg24 : memref<80xf32, #tpu.memory_space<vmem>>)
      %dma_wait3A_241 = arith.constant 0 : i32
      %dma_wait3A_242 = tpu.memref_slice %arg4[%dma_wait3A_241] : memref<21824xf32, #tpu.memory_space<hbm>> -> memref<21824xf32, #tpu.memory_space<hbm>>
      tpu.wait_indirect_dma semaphore(%arg32 : memref<!tpu.dma_semaphore, #tpu.memory_space<semaphore_mem>>) src(%dma_wait3A_242 : memref<21824xf32, #tpu.memory_space<hbm>>) dst(%arg25 : memref<80xf32, #tpu.memory_space<vmem>>)
      %dma_wait3A_243 = arith.constant 0 : i32
      %dma_wait3A_244 = tpu.memref_slice %arg5[%dma_wait3A_243] : memref<21824xf32, #tpu.memory_space<hbm>> -> memref<21824xf32, #tpu.memory_space<hbm>>
      tpu.wait_indirect_dma semaphore(%arg32 : memref<!tpu.dma_semaphore, #tpu.memory_space<semaphore_mem>>) src(%dma_wait3A_244 : memref<21824xf32, #tpu.memory_space<hbm>>) dst(%arg26 : memref<80xf32, #tpu.memory_space<vmem>>)
      %broadcast_in_dim3A_245 = arith.constant 0.000000e+00 : f32
      %broadcast_in_dim3A_246 = vector.broadcast %broadcast_in_dim3A_245 : f32 to vector<16xf32>
      %get3A_247 = arith.constant 0 : index
      %get3A_248 = tpu.vector_load %arg23[%get3A_247] {strides = array<i32>} : memref<80xf32, #tpu.memory_space<vmem>>, vector<16xf32>,
      %get3A_249 = arith.constant 0 : index
      %get3A_250 = tpu.vector_load %arg24[%get3A_249] {strides = array<i32>} : memref<80xf32, #tpu.memory_space<vmem>>, vector<16xf32>,
      %get3A_251 = arith.constant 0 : index
      %get3A_252 = tpu.vector_load %arg25[%get3A_251] {strides = array<i32>} : memref<80xf32, #tpu.memory_space<vmem>>, vector<16xf32>,
      %get3A_253 = arith.constant 0 : index
      %get3A_254 = tpu.vector_load %arg26[%get3A_253] {strides = array<i32>} : memref<80xf32, #tpu.memory_space<vmem>>, vector<16xf32>,
      %min3A = arith.minimumf %get3A_252, %gather3A_85 : vector<16xf32>
      %max3A = arith.maximumf %get3A_248, %gather3A : vector<16xf32>
      %sub3A_255 = arith.subf %min3A, %max3A : vector<16xf32>
      %max3A_256 = arith.constant 0.000000e+00 : f32
      %max3A_257 = vector.broadcast %max3A_256 : f32 to vector<16xf32>
      %max3A_258 = arith.maximumf %sub3A_255, %max3A_257 : vector<16xf32>
      %min3A_259 = arith.minimumf %get3A_254, %gather3A_87 : vector<16xf32>
      %max3A_260 = arith.maximumf %get3A_250, %gather3A_83 : vector<16xf32>
      %sub3A_261 = arith.subf %min3A_259, %max3A_260 : vector<16xf32>
      %max3A_262 = arith.constant 0.000000e+00 : f32
      %max3A_263 = vector.broadcast %max3A_262 : f32 to vector<16xf32>
      %max3A_264 = arith.maximumf %sub3A_261, %max3A_263 : vector<16xf32>
      %mul3A_265 = arith.mulf %max3A_258, %max3A_264 : vector<16xf32>
      %sub3A_266 = arith.subf %get3A_252, %get3A_248 : vector<16xf32>
      %sub3A_267 = arith.subf %get3A_254, %get3A_250 : vector<16xf32>
      %mul3A_268 = arith.mulf %sub3A_266, %sub3A_267 : vector<16xf32>
      %sub3A_269 = arith.subf %gather3A_85, %gather3A : vector<16xf32>
      %sub3A_270 = arith.subf %gather3A_87, %gather3A_83 : vector<16xf32>
      %mul3A_271 = arith.mulf %sub3A_269, %sub3A_270 : vector<16xf32>
      %add3A_272 = arith.addf %mul3A_268, %mul3A_271 : vector<16xf32>
      %sub3A_273 = arith.subf %add3A_272, %mul3A_265 : vector<16xf32>
      %max3A_274 = arith.constant 9.99999997E-7 : f32
      %max3A_275 = vector.broadcast %max3A_274 : f32 to vector<16xf32>
      %max3A_276 = arith.maximumf %sub3A_273, %max3A_275 : vector<16xf32>
      %div3A_277 = arith.divf %mul3A_265, %max3A_276 : vector<16xf32>
      %add3A_278 = arith.addf %get3A_248, %get3A_252 : vector<16xf32>
      %mul3A_279 = arith.constant 5.000000e-01 : f32
      %mul3A_280 = vector.broadcast %mul3A_279 : f32 to vector<16xf32>
      %mul3A_281 = arith.mulf %add3A_278, %mul3A_280 : vector<16xf32>
      %add3A_282 = arith.addf %get3A_250, %get3A_254 : vector<16xf32>
      %mul3A_283 = arith.constant 5.000000e-01 : f32
      %mul3A_284 = vector.broadcast %mul3A_283 : f32 to vector<16xf32>
      %mul3A_285 = arith.mulf %add3A_282, %mul3A_284 : vector<16xf32>
      %sub3A_286 = arith.subf %mul3A_281, %gather3A : vector<16xf32>
      %sub3A_287 = arith.subf %mul3A_285, %gather3A_83 : vector<16xf32>
      %min3A_288 = arith.minimumf %sub3A_286, %sub3A_287 : vector<16xf32>
      %sub3A_289 = arith.subf %gather3A_85, %mul3A_281 : vector<16xf32>
      %sub3A_290 = arith.subf %gather3A_87, %mul3A_285 : vector<16xf32>
      %min3A_291 = arith.minimumf %sub3A_289, %sub3A_290 : vector<16xf32>
      %min3A_292 = arith.minimumf %min3A_288, %min3A_291 : vector<16xf32>
      %jit3A_293 = arith.constant 0.000000e+00 : f32
      %broadcast_in_dim3A_294 = vector.broadcast %jit3A_293 : f32 to vector<16xf32>
      %select_n3A_295 = arith.select %lt3A_1, %div3A_277, %broadcast_in_dim3A_294 : vector<16xi1>, vector<16xf32>
      %iota3A_296 = tpu.iota {dimensions = array<i32: 0>} : vector<16xi32>
      %swap3A_297 = arith.constant 0 : index
      %swap3A_298 = tpu.vector_load %arg31[%swap3A_297] {strides = array<i32>} : memref<16xf32, #tpu.memory_space<vmem>>, vector<16xf32>,
      tpu.vector_store %arg31[%swap3A_297], %select_n3A_295 {strides = array<i32>} : memref<16xf32, #tpu.memory_space<vmem>>, vector<16xf32>,
      %xor3A = arith.constant 8 : i32
      %xor3A_299 = vector.broadcast %xor3A : i32 to vector<16xi32>
      %xor3A_300 = arith.xori %iota3A_296, %xor3A_299 : vector<16xi32>
      %gather3A_301 = tpu.vector_load_idx %arg31[%xor3A_300] : memref<16xf32, #tpu.memory_space<vmem>>[vector<16xi32>], vector<16xf32>,
      %add3A_302 = arith.addf %select_n3A_295, %gather3A_301 : vector<16xf32>
      %swap3A_303 = arith.constant 0 : index
      %swap3A_304 = tpu.vector_load %arg31[%swap3A_303] {strides = array<i32>} : memref<16xf32, #tpu.memory_space<vmem>>, vector<16xf32>,
      tpu.vector_store %arg31[%swap3A_303], %add3A_302 {strides = array<i32>} : memref<16xf32, #tpu.memory_space<vmem>>, vector<16xf32>,
      %xor3A_305 = arith.constant 4 : i32
      %xor3A_306 = vector.broadcast %xor3A_305 : i32 to vector<16xi32>
      %xor3A_307 = arith.xori %iota3A_296, %xor3A_306 : vector<16xi32>
      %gather3A_308 = tpu.vector_load_idx %arg31[%xor3A_307] : memref<16xf32, #tpu.memory_space<vmem>>[vector<16xi32>], vector<16xf32>,
      %add3A_309 = arith.addf %add3A_302, %gather3A_308 : vector<16xf32>
      %swap3A_310 = arith.constant 0 : index
      %swap3A_311 = tpu.vector_load %arg31[%swap3A_310] {strides = array<i32>} : memref<16xf32, #tpu.memory_space<vmem>>, vector<16xf32>,
      tpu.vector_store %arg31[%swap3A_310], %add3A_309 {strides = array<i32>} : memref<16xf32, #tpu.memory_space<vmem>>, vector<16xf32>,
      %xor3A_312 = arith.constant 2 : i32
      %xor3A_313 = vector.broadcast %xor3A_312 : i32 to vector<16xi32>
      %xor3A_314 = arith.xori %iota3A_296, %xor3A_313 : vector<16xi32>
      %gather3A_315 = tpu.vector_load_idx %arg31[%xor3A_314] : memref<16xf32, #tpu.memory_space<vmem>>[vector<16xi32>], vector<16xf32>,
      %add3A_316 = arith.addf %add3A_309, %gather3A_315 : vector<16xf32>
      %swap3A_317 = arith.constant 0 : index
      %swap3A_318 = tpu.vector_load %arg31[%swap3A_317] {strides = array<i32>} : memref<16xf32, #tpu.memory_space<vmem>>, vector<16xf32>,
      tpu.vector_store %arg31[%swap3A_317], %add3A_316 {strides = array<i32>} : memref<16xf32, #tpu.memory_space<vmem>>, vector<16xf32>,
      %xor3A_319 = arith.constant 1 : i32
      %xor3A_320 = vector.broadcast %xor3A_319 : i32 to vector<16xi32>
      %xor3A_321 = arith.xori %iota3A_296, %xor3A_320 : vector<16xi32>
      %gather3A_322 = tpu.vector_load_idx %arg31[%xor3A_321] : memref<16xf32, #tpu.memory_space<vmem>>[vector<16xi32>], vector<16xf32>,
      %add3A_323 = arith.addf %add3A_316, %gather3A_322 : vector<16xf32>
      %add3A_324 = arith.addf %broadcast_in_dim3A_246, %add3A_323 : vector<16xf32>
      %get3A_325 = arith.constant 16 : index
      %get3A_326 = tpu.vector_load %arg23[%get3A_325] {strides = array<i32>} : memref<80xf32, #tpu.memory_space<vmem>>, vector<16xf32>,
      %get3A_327 = arith.constant 16 : index
      %get3A_328 = tpu.vector_load %arg24[%get3A_327] {strides = array<i32>} : memref<80xf32, #tpu.memory_space<vmem>>, vector<16xf32>,
      %get3A_329 = arith.constant 16 : index
      %get3A_330 = tpu.vector_load %arg25[%get3A_329] {strides = array<i32>} : memref<80xf32, #tpu.memory_space<vmem>>, vector<16xf32>,
      %get3A_331 = arith.constant 16 : index
      %get3A_332 = tpu.vector_load %arg26[%get3A_331] {strides = array<i32>} : memref<80xf32, #tpu.memory_space<vmem>>, vector<16xf32>,
      %min3A_333 = arith.minimumf %get3A_330, %gather3A_85 : vector<16xf32>
      %max3A_334 = arith.maximumf %get3A_326, %gather3A : vector<16xf32>
      %sub3A_335 = arith.subf %min3A_333, %max3A_334 : vector<16xf32>
      %max3A_336 = arith.constant 0.000000e+00 : f32
      %max3A_337 = vector.broadcast %max3A_336 : f32 to vector<16xf32>
      %max3A_338 = arith.maximumf %sub3A_335, %max3A_337 : vector<16xf32>
      %min3A_339 = arith.minimumf %get3A_332, %gather3A_87 : vector<16xf32>
      %max3A_340 = arith.maximumf %get3A_328, %gather3A_83 : vector<16xf32>
      %sub3A_341 = arith.subf %min3A_339, %max3A_340 : vector<16xf32>
      %max3A_342 = arith.constant 0.000000e+00 : f32
      %max3A_343 = vector.broadcast %max3A_342 : f32 to vector<16xf32>
      %max3A_344 = arith.maximumf %sub3A_341, %max3A_343 : vector<16xf32>
      %mul3A_345 = arith.mulf %max3A_338, %max3A_344 : vector<16xf32>
      %sub3A_346 = arith.subf %get3A_330, %get3A_326 : vector<16xf32>
      %sub3A_347 = arith.subf %get3A_332, %get3A_328 : vector<16xf32>
      %mul3A_348 = arith.mulf %sub3A_346, %sub3A_347 : vector<16xf32>
      %sub3A_349 = arith.subf %gather3A_85, %gather3A : vector<16xf32>
      %sub3A_350 = arith.subf %gather3A_87, %gather3A_83 : vector<16xf32>
      %mul3A_351 = arith.mulf %sub3A_349, %sub3A_350 : vector<16xf32>
      %add3A_352 = arith.addf %mul3A_348, %mul3A_351 : vector<16xf32>
      %sub3A_353 = arith.subf %add3A_352, %mul3A_345 : vector<16xf32>
      %max3A_354 = arith.constant 9.99999997E-7 : f32
      %max3A_355 = vector.broadcast %max3A_354 : f32 to vector<16xf32>
      %max3A_356 = arith.maximumf %sub3A_353, %max3A_355 : vector<16xf32>
      %div3A_357 = arith.divf %mul3A_345, %max3A_356 : vector<16xf32>
      %add3A_358 = arith.addf %get3A_326, %get3A_330 : vector<16xf32>
      %mul3A_359 = arith.constant 5.000000e-01 : f32
      %mul3A_360 = vector.broadcast %mul3A_359 : f32 to vector<16xf32>
      %mul3A_361 = arith.mulf %add3A_358, %mul3A_360 : vector<16xf32>
      %add3A_362 = arith.addf %get3A_328, %get3A_332 : vector<16xf32>
      %mul3A_363 = arith.constant 5.000000e-01 : f32
      %mul3A_364 = vector.broadcast %mul3A_363 : f32 to vector<16xf32>
      %mul3A_365 = arith.mulf %add3A_362, %mul3A_364 : vector<16xf32>
      %sub3A_366 = arith.subf %mul3A_361, %gather3A : vector<16xf32>
      %sub3A_367 = arith.subf %mul3A_365, %gather3A_83 : vector<16xf32>
      %min3A_368 = arith.minimumf %sub3A_366, %sub3A_367 : vector<16xf32>
      %sub3A_369 = arith.subf %gather3A_85, %mul3A_361 : vector<16xf32>
      %sub3A_370 = arith.subf %gather3A_87, %mul3A_365 : vector<16xf32>
      %min3A_371 = arith.minimumf %sub3A_369, %sub3A_370 : vector<16xf32>
      %min3A_372 = arith.minimumf %min3A_368, %min3A_371 : vector<16xf32>
      %jit3A_373 = arith.constant 0.000000e+00 : f32
      %broadcast_in_dim3A_374 = vector.broadcast %jit3A_373 : f32 to vector<16xf32>
      %select_n3A_375 = arith.select %lt3A_1, %div3A_357, %broadcast_in_dim3A_374 : vector<16xi1>, vector<16xf32>
      %iota3A_376 = tpu.iota {dimensions = array<i32: 0>} : vector<16xi32>
      %swap3A_377 = arith.constant 0 : index
      %swap3A_378 = tpu.vector_load %arg31[%swap3A_377] {strides = array<i32>} : memref<16xf32, #tpu.memory_space<vmem>>, vector<16xf32>,
      tpu.vector_store %arg31[%swap3A_377], %select_n3A_375 {strides = array<i32>} : memref<16xf32, #tpu.memory_space<vmem>>, vector<16xf32>,
      %xor3A_379 = arith.constant 8 : i32
      %xor3A_380 = vector.broadcast %xor3A_379 : i32 to vector<16xi32>
      %xor3A_381 = arith.xori %iota3A_376, %xor3A_380 : vector<16xi32>
      %gather3A_382 = tpu.vector_load_idx %arg31[%xor3A_381] : memref<16xf32, #tpu.memory_space<vmem>>[vector<16xi32>], vector<16xf32>,
      %add3A_383 = arith.addf %select_n3A_375, %gather3A_382 : vector<16xf32>
      %swap3A_384 = arith.constant 0 : index
      %swap3A_385 = tpu.vector_load %arg31[%swap3A_384] {strides = array<i32>} : memref<16xf32, #tpu.memory_space<vmem>>, vector<16xf32>,
      tpu.vector_store %arg31[%swap3A_384], %add3A_383 {strides = array<i32>} : memref<16xf32, #tpu.memory_space<vmem>>, vector<16xf32>,
      %xor3A_386 = arith.constant 4 : i32
      %xor3A_387 = vector.broadcast %xor3A_386 : i32 to vector<16xi32>
      %xor3A_388 = arith.xori %iota3A_376, %xor3A_387 : vector<16xi32>
      %gather3A_389 = tpu.vector_load_idx %arg31[%xor3A_388] : memref<16xf32, #tpu.memory_space<vmem>>[vector<16xi32>], vector<16xf32>,
      %add3A_390 = arith.addf %add3A_383, %gather3A_389 : vector<16xf32>
      %swap3A_391 = arith.constant 0 : index
      %swap3A_392 = tpu.vector_load %arg31[%swap3A_391] {strides = array<i32>} : memref<16xf32, #tpu.memory_space<vmem>>, vector<16xf32>,
      tpu.vector_store %arg31[%swap3A_391], %add3A_390 {strides = array<i32>} : memref<16xf32, #tpu.memory_space<vmem>>, vector<16xf32>,
      %xor3A_393 = arith.constant 2 : i32
      %xor3A_394 = vector.broadcast %xor3A_393 : i32 to vector<16xi32>
      %xor3A_395 = arith.xori %iota3A_376, %xor3A_394 : vector<16xi32>
      %gather3A_396 = tpu.vector_load_idx %arg31[%xor3A_395] : memref<16xf32, #tpu.memory_space<vmem>>[vector<16xi32>], vector<16xf32>,
      %add3A_397 = arith.addf %add3A_390, %gather3A_396 : vector<16xf32>
      %swap3A_398 = arith.constant 0 : index
      %swap3A_399 = tpu.vector_load %arg31[%swap3A_398] {strides = array<i32>} : memref<16xf32, #tpu.memory_space<vmem>>, vector<16xf32>,
      tpu.vector_store %arg31[%swap3A_398], %add3A_397 {strides = array<i32>} : memref<16xf32, #tpu.memory_space<vmem>>, vector<16xf32>,
      %xor3A_400 = arith.constant 1 : i32
      %xor3A_401 = vector.broadcast %xor3A_400 : i32 to vector<16xi32>
      %xor3A_402 = arith.xori %iota3A_376, %xor3A_401 : vector<16xi32>
      %gather3A_403 = tpu.vector_load_idx %arg31[%xor3A_402] : memref<16xf32, #tpu.memory_space<vmem>>[vector<16xi32>], vector<16xf32>,
      %add3A_404 = arith.addf %add3A_397, %gather3A_403 : vector<16xf32>
      %add3A_405 = arith.addf %add3A_324, %add3A_404 : vector<16xf32>
      %get3A_406 = arith.constant 32 : index
      %get3A_407 = tpu.vector_load %arg23[%get3A_406] {strides = array<i32>} : memref<80xf32, #tpu.memory_space<vmem>>, vector<16xf32>,
      %get3A_408 = arith.constant 32 : index
      %get3A_409 = tpu.vector_load %arg24[%get3A_408] {strides = array<i32>} : memref<80xf32, #tpu.memory_space<vmem>>, vector<16xf32>,
      %get3A_410 = arith.constant 32 : index
      %get3A_411 = tpu.vector_load %arg25[%get3A_410] {strides = array<i32>} : memref<80xf32, #tpu.memory_space<vmem>>, vector<16xf32>,
      %get3A_412 = arith.constant 32 : index
      %get3A_413 = tpu.vector_load %arg26[%get3A_412] {strides = array<i32>} : memref<80xf32, #tpu.memory_space<vmem>>, vector<16xf32>,
      %min3A_414 = arith.minimumf %get3A_411, %gather3A_85 : vector<16xf32>
      %max3A_415 = arith.maximumf %get3A_407, %gather3A : vector<16xf32>
      %sub3A_416 = arith.subf %min3A_414, %max3A_415 : vector<16xf32>
      %max3A_417 = arith.constant 0.000000e+00 : f32
      %max3A_418 = vector.broadcast %max3A_417 : f32 to vector<16xf32>
      %max3A_419 = arith.maximumf %sub3A_416, %max3A_418 : vector<16xf32>
      %min3A_420 = arith.minimumf %get3A_413, %gather3A_87 : vector<16xf32>
      %max3A_421 = arith.maximumf %get3A_409, %gather3A_83 : vector<16xf32>
      %sub3A_422 = arith.subf %min3A_420, %max3A_421 : vector<16xf32>
      %max3A_423 = arith.constant 0.000000e+00 : f32
      %max3A_424 = vector.broadcast %max3A_423 : f32 to vector<16xf32>
      %max3A_425 = arith.maximumf %sub3A_422, %max3A_424 : vector<16xf32>
      %mul3A_426 = arith.mulf %max3A_419, %max3A_425 : vector<16xf32>
      %sub3A_427 = arith.subf %get3A_411, %get3A_407 : vector<16xf32>
      %sub3A_428 = arith.subf %get3A_413, %get3A_409 : vector<16xf32>
      %mul3A_429 = arith.mulf %sub3A_427, %sub3A_428 : vector<16xf32>
      %sub3A_430 = arith.subf %gather3A_85, %gather3A : vector<16xf32>
      %sub3A_431 = arith.subf %gather3A_87, %gather3A_83 : vector<16xf32>
      %mul3A_432 = arith.mulf %sub3A_430, %sub3A_431 : vector<16xf32>
      %add3A_433 = arith.addf %mul3A_429, %mul3A_432 : vector<16xf32>
      %sub3A_434 = arith.subf %add3A_433, %mul3A_426 : vector<16xf32>
      %max3A_435 = arith.constant 9.99999997E-7 : f32
      %max3A_436 = vector.broadcast %max3A_435 : f32 to vector<16xf32>
      %max3A_437 = arith.maximumf %sub3A_434, %max3A_436 : vector<16xf32>
      %div3A_438 = arith.divf %mul3A_426, %max3A_437 : vector<16xf32>
      %add3A_439 = arith.addf %get3A_407, %get3A_411 : vector<16xf32>
      %mul3A_440 = arith.constant 5.000000e-01 : f32
      %mul3A_441 = vector.broadcast %mul3A_440 : f32 to vector<16xf32>
      %mul3A_442 = arith.mulf %add3A_439, %mul3A_441 : vector<16xf32>
      %add3A_443 = arith.addf %get3A_409, %get3A_413 : vector<16xf32>
      %mul3A_444 = arith.constant 5.000000e-01 : f32
      %mul3A_445 = vector.broadcast %mul3A_444 : f32 to vector<16xf32>
      %mul3A_446 = arith.mulf %add3A_443, %mul3A_445 : vector<16xf32>
      %sub3A_447 = arith.subf %mul3A_442, %gather3A : vector<16xf32>
      %sub3A_448 = arith.subf %mul3A_446, %gather3A_83 : vector<16xf32>
      %min3A_449 = arith.minimumf %sub3A_447, %sub3A_448 : vector<16xf32>
      %sub3A_450 = arith.subf %gather3A_85, %mul3A_442 : vector<16xf32>
      %sub3A_451 = arith.subf %gather3A_87, %mul3A_446 : vector<16xf32>
      %min3A_452 = arith.minimumf %sub3A_450, %sub3A_451 : vector<16xf32>
      %min3A_453 = arith.minimumf %min3A_449, %min3A_452 : vector<16xf32>
      %jit3A_454 = arith.constant 0.000000e+00 : f32
      %broadcast_in_dim3A_455 = vector.broadcast %jit3A_454 : f32 to vector<16xf32>
      %select_n3A_456 = arith.select %lt3A_1, %div3A_438, %broadcast_in_dim3A_455 : vector<16xi1>, vector<16xf32>
      %iota3A_457 = tpu.iota {dimensions = array<i32: 0>} : vector<16xi32>
      %swap3A_458 = arith.constant 0 : index
      %swap3A_459 = tpu.vector_load %arg31[%swap3A_458] {strides = array<i32>} : memref<16xf32, #tpu.memory_space<vmem>>, vector<16xf32>,
      tpu.vector_store %arg31[%swap3A_458], %select_n3A_456 {strides = array<i32>} : memref<16xf32, #tpu.memory_space<vmem>>, vector<16xf32>,
      %xor3A_460 = arith.constant 8 : i32
      %xor3A_461 = vector.broadcast %xor3A_460 : i32 to vector<16xi32>
      %xor3A_462 = arith.xori %iota3A_457, %xor3A_461 : vector<16xi32>
      %gather3A_463 = tpu.vector_load_idx %arg31[%xor3A_462] : memref<16xf32, #tpu.memory_space<vmem>>[vector<16xi32>], vector<16xf32>,
      %add3A_464 = arith.addf %select_n3A_456, %gather3A_463 : vector<16xf32>
      %swap3A_465 = arith.constant 0 : index
      %swap3A_466 = tpu.vector_load %arg31[%swap3A_465] {strides = array<i32>} : memref<16xf32, #tpu.memory_space<vmem>>, vector<16xf32>,
      tpu.vector_store %arg31[%swap3A_465], %add3A_464 {strides = array<i32>} : memref<16xf32, #tpu.memory_space<vmem>>, vector<16xf32>,
      %xor3A_467 = arith.constant 4 : i32
      %xor3A_468 = vector.broadcast %xor3A_467 : i32 to vector<16xi32>
      %xor3A_469 = arith.xori %iota3A_457, %xor3A_468 : vector<16xi32>
      %gather3A_470 = tpu.vector_load_idx %arg31[%xor3A_469] : memref<16xf32, #tpu.memory_space<vmem>>[vector<16xi32>], vector<16xf32>,
      %add3A_471 = arith.addf %add3A_464, %gather3A_470 : vector<16xf32>
      %swap3A_472 = arith.constant 0 : index
      %swap3A_473 = tpu.vector_load %arg31[%swap3A_472] {strides = array<i32>} : memref<16xf32, #tpu.memory_space<vmem>>, vector<16xf32>,
      tpu.vector_store %arg31[%swap3A_472], %add3A_471 {strides = array<i32>} : memref<16xf32, #tpu.memory_space<vmem>>, vector<16xf32>,
      %xor3A_474 = arith.constant 2 : i32
      %xor3A_475 = vector.broadcast %xor3A_474 : i32 to vector<16xi32>
      %xor3A_476 = arith.xori %iota3A_457, %xor3A_475 : vector<16xi32>
      %gather3A_477 = tpu.vector_load_idx %arg31[%xor3A_476] : memref<16xf32, #tpu.memory_space<vmem>>[vector<16xi32>], vector<16xf32>,
      %add3A_478 = arith.addf %add3A_471, %gather3A_477 : vector<16xf32>
      %swap3A_479 = arith.constant 0 : index
      %swap3A_480 = tpu.vector_load %arg31[%swap3A_479] {strides = array<i32>} : memref<16xf32, #tpu.memory_space<vmem>>, vector<16xf32>,
      tpu.vector_store %arg31[%swap3A_479], %add3A_478 {strides = array<i32>} : memref<16xf32, #tpu.memory_space<vmem>>, vector<16xf32>,
      %xor3A_481 = arith.constant 1 : i32
      %xor3A_482 = vector.broadcast %xor3A_481 : i32 to vector<16xi32>
      %xor3A_483 = arith.xori %iota3A_457, %xor3A_482 : vector<16xi32>
      %gather3A_484 = tpu.vector_load_idx %arg31[%xor3A_483] : memref<16xf32, #tpu.memory_space<vmem>>[vector<16xi32>], vector<16xf32>,
      %add3A_485 = arith.addf %add3A_478, %gather3A_484 : vector<16xf32>
      %add3A_486 = arith.addf %add3A_405, %add3A_485 : vector<16xf32>
      %get3A_487 = arith.constant 48 : index
      %get3A_488 = tpu.vector_load %arg23[%get3A_487] {strides = array<i32>} : memref<80xf32, #tpu.memory_space<vmem>>, vector<16xf32>,
      %get3A_489 = arith.constant 48 : index
      %get3A_490 = tpu.vector_load %arg24[%get3A_489] {strides = array<i32>} : memref<80xf32, #tpu.memory_space<vmem>>, vector<16xf32>,
      %get3A_491 = arith.constant 48 : index
      %get3A_492 = tpu.vector_load %arg25[%get3A_491] {strides = array<i32>} : memref<80xf32, #tpu.memory_space<vmem>>, vector<16xf32>,
      %get3A_493 = arith.constant 48 : index
      %get3A_494 = tpu.vector_load %arg26[%get3A_493] {strides = array<i32>} : memref<80xf32, #tpu.memory_space<vmem>>, vector<16xf32>,
      %min3A_495 = arith.minimumf %get3A_492, %gather3A_85 : vector<16xf32>
      %max3A_496 = arith.maximumf %get3A_488, %gather3A : vector<16xf32>
      %sub3A_497 = arith.subf %min3A_495, %max3A_496 : vector<16xf32>
      %max3A_498 = arith.constant 0.000000e+00 : f32
      %max3A_499 = vector.broadcast %max3A_498 : f32 to vector<16xf32>
      %max3A_500 = arith.maximumf %sub3A_497, %max3A_499 : vector<16xf32>
      %min3A_501 = arith.minimumf %get3A_494, %gather3A_87 : vector<16xf32>
      %max3A_502 = arith.maximumf %get3A_490, %gather3A_83 : vector<16xf32>
      %sub3A_503 = arith.subf %min3A_501, %max3A_502 : vector<16xf32>
      %max3A_504 = arith.constant 0.000000e+00 : f32
      %max3A_505 = vector.broadcast %max3A_504 : f32 to vector<16xf32>
      %max3A_506 = arith.maximumf %sub3A_503, %max3A_505 : vector<16xf32>
      %mul3A_507 = arith.mulf %max3A_500, %max3A_506 : vector<16xf32>
      %sub3A_508 = arith.subf %get3A_492, %get3A_488 : vector<16xf32>
      %sub3A_509 = arith.subf %get3A_494, %get3A_490 : vector<16xf32>
      %mul3A_510 = arith.mulf %sub3A_508, %sub3A_509 : vector<16xf32>
      %sub3A_511 = arith.subf %gather3A_85, %gather3A : vector<16xf32>
      %sub3A_512 = arith.subf %gather3A_87, %gather3A_83 : vector<16xf32>
      %mul3A_513 = arith.mulf %sub3A_511, %sub3A_512 : vector<16xf32>
      %add3A_514 = arith.addf %mul3A_510, %mul3A_513 : vector<16xf32>
      %sub3A_515 = arith.subf %add3A_514, %mul3A_507 : vector<16xf32>
      %max3A_516 = arith.constant 9.99999997E-7 : f32
      %max3A_517 = vector.broadcast %max3A_516 : f32 to vector<16xf32>
      %max3A_518 = arith.maximumf %sub3A_515, %max3A_517 : vector<16xf32>
      %div3A_519 = arith.divf %mul3A_507, %max3A_518 : vector<16xf32>
      %add3A_520 = arith.addf %get3A_488, %get3A_492 : vector<16xf32>
      %mul3A_521 = arith.constant 5.000000e-01 : f32
      %mul3A_522 = vector.broadcast %mul3A_521 : f32 to vector<16xf32>
      %mul3A_523 = arith.mulf %add3A_520, %mul3A_522 : vector<16xf32>
      %add3A_524 = arith.addf %get3A_490, %get3A_494 : vector<16xf32>
      %mul3A_525 = arith.constant 5.000000e-01 : f32
      %mul3A_526 = vector.broadcast %mul3A_525 : f32 to vector<16xf32>
      %mul3A_527 = arith.mulf %add3A_524, %mul3A_526 : vector<16xf32>
      %sub3A_528 = arith.subf %mul3A_523, %gather3A : vector<16xf32>
      %sub3A_529 = arith.subf %mul3A_527, %gather3A_83 : vector<16xf32>
      %min3A_530 = arith.minimumf %sub3A_528, %sub3A_529 : vector<16xf32>
      %sub3A_531 = arith.subf %gather3A_85, %mul3A_523 : vector<16xf32>
      %sub3A_532 = arith.subf %gather3A_87, %mul3A_527 : vector<16xf32>
      %min3A_533 = arith.minimumf %sub3A_531, %sub3A_532 : vector<16xf32>
      %min3A_534 = arith.minimumf %min3A_530, %min3A_533 : vector<16xf32>
      %jit3A_535 = arith.constant 0.000000e+00 : f32
      %broadcast_in_dim3A_536 = vector.broadcast %jit3A_535 : f32 to vector<16xf32>
      %select_n3A_537 = arith.select %lt3A_1, %div3A_519, %broadcast_in_dim3A_536 : vector<16xi1>, vector<16xf32>
      %iota3A_538 = tpu.iota {dimensions = array<i32: 0>} : vector<16xi32>
      %swap3A_539 = arith.constant 0 : index
      %swap3A_540 = tpu.vector_load %arg31[%swap3A_539] {strides = array<i32>} : memref<16xf32, #tpu.memory_space<vmem>>, vector<16xf32>,
      tpu.vector_store %arg31[%swap3A_539], %select_n3A_537 {strides = array<i32>} : memref<16xf32, #tpu.memory_space<vmem>>, vector<16xf32>,
      %xor3A_541 = arith.constant 8 : i32
      %xor3A_542 = vector.broadcast %xor3A_541 : i32 to vector<16xi32>
      %xor3A_543 = arith.xori %iota3A_538, %xor3A_542 : vector<16xi32>
      %gather3A_544 = tpu.vector_load_idx %arg31[%xor3A_543] : memref<16xf32, #tpu.memory_space<vmem>>[vector<16xi32>], vector<16xf32>,
      %add3A_545 = arith.addf %select_n3A_537, %gather3A_544 : vector<16xf32>
      %swap3A_546 = arith.constant 0 : index
      %swap3A_547 = tpu.vector_load %arg31[%swap3A_546] {strides = array<i32>} : memref<16xf32, #tpu.memory_space<vmem>>, vector<16xf32>,
      tpu.vector_store %arg31[%swap3A_546], %add3A_545 {strides = array<i32>} : memref<16xf32, #tpu.memory_space<vmem>>, vector<16xf32>,
      %xor3A_548 = arith.constant 4 : i32
      %xor3A_549 = vector.broadcast %xor3A_548 : i32 to vector<16xi32>
      %xor3A_550 = arith.xori %iota3A_538, %xor3A_549 : vector<16xi32>
      %gather3A_551 = tpu.vector_load_idx %arg31[%xor3A_550] : memref<16xf32, #tpu.memory_space<vmem>>[vector<16xi32>], vector<16xf32>,
      %add3A_552 = arith.addf %add3A_545, %gather3A_551 : vector<16xf32>
      %swap3A_553 = arith.constant 0 : index
      %swap3A_554 = tpu.vector_load %arg31[%swap3A_553] {strides = array<i32>} : memref<16xf32, #tpu.memory_space<vmem>>, vector<16xf32>,
      tpu.vector_store %arg31[%swap3A_553], %add3A_552 {strides = array<i32>} : memref<16xf32, #tpu.memory_space<vmem>>, vector<16xf32>,
      %xor3A_555 = arith.constant 2 : i32
      %xor3A_556 = vector.broadcast %xor3A_555 : i32 to vector<16xi32>
      %xor3A_557 = arith.xori %iota3A_538, %xor3A_556 : vector<16xi32>
      %gather3A_558 = tpu.vector_load_idx %arg31[%xor3A_557] : memref<16xf32, #tpu.memory_space<vmem>>[vector<16xi32>], vector<16xf32>,
      %add3A_559 = arith.addf %add3A_552, %gather3A_558 : vector<16xf32>
      %swap3A_560 = arith.constant 0 : index
      %swap3A_561 = tpu.vector_load %arg31[%swap3A_560] {strides = array<i32>} : memref<16xf32, #tpu.memory_space<vmem>>, vector<16xf32>,
      tpu.vector_store %arg31[%swap3A_560], %add3A_559 {strides = array<i32>} : memref<16xf32, #tpu.memory_space<vmem>>, vector<16xf32>,
      %xor3A_562 = arith.constant 1 : i32
      %xor3A_563 = vector.broadcast %xor3A_562 : i32 to vector<16xi32>
      %xor3A_564 = arith.xori %iota3A_538, %xor3A_563 : vector<16xi32>
      %gather3A_565 = tpu.vector_load_idx %arg31[%xor3A_564] : memref<16xf32, #tpu.memory_space<vmem>>[vector<16xi32>], vector<16xf32>,
      %add3A_566 = arith.addf %add3A_559, %gather3A_565 : vector<16xf32>
      %add3A_567 = arith.addf %add3A_486, %add3A_566 : vector<16xf32>
      %get3A_568 = arith.constant 64 : index
      %get3A_569 = tpu.vector_load %arg23[%get3A_568] {strides = array<i32>} : memref<80xf32, #tpu.memory_space<vmem>>, vector<16xf32>,
      %get3A_570 = arith.constant 64 : index
      %get3A_571 = tpu.vector_load %arg24[%get3A_570] {strides = array<i32>} : memref<80xf32, #tpu.memory_space<vmem>>, vector<16xf32>,
      %get3A_572 = arith.constant 64 : index
      %get3A_573 = tpu.vector_load %arg25[%get3A_572] {strides = array<i32>} : memref<80xf32, #tpu.memory_space<vmem>>, vector<16xf32>,
      %get3A_574 = arith.constant 64 : index
      %get3A_575 = tpu.vector_load %arg26[%get3A_574] {strides = array<i32>} : memref<80xf32, #tpu.memory_space<vmem>>, vector<16xf32>,
      %min3A_576 = arith.minimumf %get3A_573, %gather3A_85 : vector<16xf32>
      %max3A_577 = arith.maximumf %get3A_569, %gather3A : vector<16xf32>
      %sub3A_578 = arith.subf %min3A_576, %max3A_577 : vector<16xf32>
      %max3A_579 = arith.constant 0.000000e+00 : f32
      %max3A_580 = vector.broadcast %max3A_579 : f32 to vector<16xf32>
      %max3A_581 = arith.maximumf %sub3A_578, %max3A_580 : vector<16xf32>
      %min3A_582 = arith.minimumf %get3A_575, %gather3A_87 : vector<16xf32>
      %max3A_583 = arith.maximumf %get3A_571, %gather3A_83 : vector<16xf32>
      %sub3A_584 = arith.subf %min3A_582, %max3A_583 : vector<16xf32>
      %max3A_585 = arith.constant 0.000000e+00 : f32
      %max3A_586 = vector.broadcast %max3A_585 : f32 to vector<16xf32>
      %max3A_587 = arith.maximumf %sub3A_584, %max3A_586 : vector<16xf32>
      %mul3A_588 = arith.mulf %max3A_581, %max3A_587 : vector<16xf32>
      %sub3A_589 = arith.subf %get3A_573, %get3A_569 : vector<16xf32>
      %sub3A_590 = arith.subf %get3A_575, %get3A_571 : vector<16xf32>
      %mul3A_591 = arith.mulf %sub3A_589, %sub3A_590 : vector<16xf32>
      %sub3A_592 = arith.subf %gather3A_85, %gather3A : vector<16xf32>
      %sub3A_593 = arith.subf %gather3A_87, %gather3A_83 : vector<16xf32>
      %mul3A_594 = arith.mulf %sub3A_592, %sub3A_593 : vector<16xf32>
      %add3A_595 = arith.addf %mul3A_591, %mul3A_594 : vector<16xf32>
      %sub3A_596 = arith.subf %add3A_595, %mul3A_588 : vector<16xf32>
      %max3A_597 = arith.constant 9.99999997E-7 : f32
      %max3A_598 = vector.broadcast %max3A_597 : f32 to vector<16xf32>
      %max3A_599 = arith.maximumf %sub3A_596, %max3A_598 : vector<16xf32>
      %div3A_600 = arith.divf %mul3A_588, %max3A_599 : vector<16xf32>
      %add3A_601 = arith.addf %get3A_569, %get3A_573 : vector<16xf32>
      %mul3A_602 = arith.constant 5.000000e-01 : f32
      %mul3A_603 = vector.broadcast %mul3A_602 : f32 to vector<16xf32>
      %mul3A_604 = arith.mulf %add3A_601, %mul3A_603 : vector<16xf32>
      %add3A_605 = arith.addf %get3A_571, %get3A_575 : vector<16xf32>
      %mul3A_606 = arith.constant 5.000000e-01 : f32
      %mul3A_607 = vector.broadcast %mul3A_606 : f32 to vector<16xf32>
      %mul3A_608 = arith.mulf %add3A_605, %mul3A_607 : vector<16xf32>
      %sub3A_609 = arith.subf %mul3A_604, %gather3A : vector<16xf32>
      %sub3A_610 = arith.subf %mul3A_608, %gather3A_83 : vector<16xf32>
      %min3A_611 = arith.minimumf %sub3A_609, %sub3A_610 : vector<16xf32>
      %sub3A_612 = arith.subf %gather3A_85, %mul3A_604 : vector<16xf32>
      %sub3A_613 = arith.subf %gather3A_87, %mul3A_608 : vector<16xf32>
      %min3A_614 = arith.minimumf %sub3A_612, %sub3A_613 : vector<16xf32>
      %min3A_615 = arith.minimumf %min3A_611, %min3A_614 : vector<16xf32>
      %jit3A_616 = arith.constant 0.000000e+00 : f32
      %broadcast_in_dim3A_617 = vector.broadcast %jit3A_616 : f32 to vector<16xf32>
      %select_n3A_618 = arith.select %lt3A_1, %div3A_600, %broadcast_in_dim3A_617 : vector<16xi1>, vector<16xf32>
      %iota3A_619 = tpu.iota {dimensions = array<i32: 0>} : vector<16xi32>
      %swap3A_620 = arith.constant 0 : index
      %swap3A_621 = tpu.vector_load %arg31[%swap3A_620] {strides = array<i32>} : memref<16xf32, #tpu.memory_space<vmem>>, vector<16xf32>,
      tpu.vector_store %arg31[%swap3A_620], %select_n3A_618 {strides = array<i32>} : memref<16xf32, #tpu.memory_space<vmem>>, vector<16xf32>,
      %xor3A_622 = arith.constant 8 : i32
      %xor3A_623 = vector.broadcast %xor3A_622 : i32 to vector<16xi32>
      %xor3A_624 = arith.xori %iota3A_619, %xor3A_623 : vector<16xi32>
      %gather3A_625 = tpu.vector_load_idx %arg31[%xor3A_624] : memref<16xf32, #tpu.memory_space<vmem>>[vector<16xi32>], vector<16xf32>,
      %add3A_626 = arith.addf %select_n3A_618, %gather3A_625 : vector<16xf32>
      %swap3A_627 = arith.constant 0 : index
      %swap3A_628 = tpu.vector_load %arg31[%swap3A_627] {strides = array<i32>} : memref<16xf32, #tpu.memory_space<vmem>>, vector<16xf32>,
      tpu.vector_store %arg31[%swap3A_627], %add3A_626 {strides = array<i32>} : memref<16xf32, #tpu.memory_space<vmem>>, vector<16xf32>,
      %xor3A_629 = arith.constant 4 : i32
      %xor3A_630 = vector.broadcast %xor3A_629 : i32 to vector<16xi32>
      %xor3A_631 = arith.xori %iota3A_619, %xor3A_630 : vector<16xi32>
      %gather3A_632 = tpu.vector_load_idx %arg31[%xor3A_631] : memref<16xf32, #tpu.memory_space<vmem>>[vector<16xi32>], vector<16xf32>,
      %add3A_633 = arith.addf %add3A_626, %gather3A_632 : vector<16xf32>
      %swap3A_634 = arith.constant 0 : index
      %swap3A_635 = tpu.vector_load %arg31[%swap3A_634] {strides = array<i32>} : memref<16xf32, #tpu.memory_space<vmem>>, vector<16xf32>,
      tpu.vector_store %arg31[%swap3A_634], %add3A_633 {strides = array<i32>} : memref<16xf32, #tpu.memory_space<vmem>>, vector<16xf32>,
      %xor3A_636 = arith.constant 2 : i32
      %xor3A_637 = vector.broadcast %xor3A_636 : i32 to vector<16xi32>
      %xor3A_638 = arith.xori %iota3A_619, %xor3A_637 : vector<16xi32>
      %gather3A_639 = tpu.vector_load_idx %arg31[%xor3A_638] : memref<16xf32, #tpu.memory_space<vmem>>[vector<16xi32>], vector<16xf32>,
      %add3A_640 = arith.addf %add3A_633, %gather3A_639 : vector<16xf32>
      %swap3A_641 = arith.constant 0 : index
      %swap3A_642 = tpu.vector_load %arg31[%swap3A_641] {strides = array<i32>} : memref<16xf32, #tpu.memory_space<vmem>>, vector<16xf32>,
      tpu.vector_store %arg31[%swap3A_641], %add3A_640 {strides = array<i32>} : memref<16xf32, #tpu.memory_space<vmem>>, vector<16xf32>,
      %xor3A_643 = arith.constant 1 : i32
      %xor3A_644 = vector.broadcast %xor3A_643 : i32 to vector<16xi32>
      %xor3A_645 = arith.xori %iota3A_619, %xor3A_644 : vector<16xi32>
      %gather3A_646 = tpu.vector_load_idx %arg31[%xor3A_645] : memref<16xf32, #tpu.memory_space<vmem>>[vector<16xi32>], vector<16xf32>,
      %add3A_647 = arith.addf %add3A_640, %gather3A_646 : vector<16xf32>
      %add3A_648 = arith.addf %add3A_567, %add3A_647 : vector<16xf32>
      %div3A_649 = arith.constant 4.500000e+01 : f32
      %div3A_650 = vector.broadcast %div3A_649 : f32 to vector<16xf32>
      %div3A_651 = arith.divf %add3A_648, %div3A_650 : vector<16xf32>
      %broadcast_in_dim3A_652 = arith.constant 0.000000e+00 : f32
      %broadcast_in_dim3A_653 = vector.broadcast %broadcast_in_dim3A_652 : f32 to vector<16xf32>
      %sub3A_654 = arith.subf %div3A_277, %div3A_651 : vector<16xf32>
      %mul3A_655 = arith.mulf %sub3A_654, %sub3A_654 : vector<16xf32>
      %jit3A_656 = arith.constant 0.000000e+00 : f32
      %broadcast_in_dim3A_657 = vector.broadcast %jit3A_656 : f32 to vector<16xf32>
      %select_n3A_658 = arith.select %lt3A_1, %mul3A_655, %broadcast_in_dim3A_657 : vector<16xi1>, vector<16xf32>
      %iota3A_659 = tpu.iota {dimensions = array<i32: 0>} : vector<16xi32>
      %swap3A_660 = arith.constant 0 : index
      %swap3A_661 = tpu.vector_load %arg31[%swap3A_660] {strides = array<i32>} : memref<16xf32, #tpu.memory_space<vmem>>, vector<16xf32>,
      tpu.vector_store %arg31[%swap3A_660], %select_n3A_658 {strides = array<i32>} : memref<16xf32, #tpu.memory_space<vmem>>, vector<16xf32>,
      %xor3A_662 = arith.constant 8 : i32
      %xor3A_663 = vector.broadcast %xor3A_662 : i32 to vector<16xi32>
      %xor3A_664 = arith.xori %iota3A_659, %xor3A_663 : vector<16xi32>
      %gather3A_665 = tpu.vector_load_idx %arg31[%xor3A_664] : memref<16xf32, #tpu.memory_space<vmem>>[vector<16xi32>], vector<16xf32>,
      %add3A_666 = arith.addf %select_n3A_658, %gather3A_665 : vector<16xf32>
      %swap3A_667 = arith.constant 0 : index
      %swap3A_668 = tpu.vector_load %arg31[%swap3A_667] {strides = array<i32>} : memref<16xf32, #tpu.memory_space<vmem>>, vector<16xf32>,
      tpu.vector_store %arg31[%swap3A_667], %add3A_666 {strides = array<i32>} : memref<16xf32, #tpu.memory_space<vmem>>, vector<16xf32>,
      %xor3A_669 = arith.constant 4 : i32
      %xor3A_670 = vector.broadcast %xor3A_669 : i32 to vector<16xi32>
      %xor3A_671 = arith.xori %iota3A_659, %xor3A_670 : vector<16xi32>
      %gather3A_672 = tpu.vector_load_idx %arg31[%xor3A_671] : memref<16xf32, #tpu.memory_space<vmem>>[vector<16xi32>], vector<16xf32>,
      %add3A_673 = arith.addf %add3A_666, %gather3A_672 : vector<16xf32>
      %swap3A_674 = arith.constant 0 : index
      %swap3A_675 = tpu.vector_load %arg31[%swap3A_674] {strides = array<i32>} : memref<16xf32, #tpu.memory_space<vmem>>, vector<16xf32>,
      tpu.vector_store %arg31[%swap3A_674], %add3A_673 {strides = array<i32>} : memref<16xf32, #tpu.memory_space<vmem>>, vector<16xf32>,
      %xor3A_676 = arith.constant 2 : i32
      %xor3A_677 = vector.broadcast %xor3A_676 : i32 to vector<16xi32>
      %xor3A_678 = arith.xori %iota3A_659, %xor3A_677 : vector<16xi32>
      %gather3A_679 = tpu.vector_load_idx %arg31[%xor3A_678] : memref<16xf32, #tpu.memory_space<vmem>>[vector<16xi32>], vector<16xf32>,
      %add3A_680 = arith.addf %add3A_673, %gather3A_679 : vector<16xf32>
      %swap3A_681 = arith.constant 0 : index
      %swap3A_682 = tpu.vector_load %arg31[%swap3A_681] {strides = array<i32>} : memref<16xf32, #tpu.memory_space<vmem>>, vector<16xf32>,
      tpu.vector_store %arg31[%swap3A_681], %add3A_680 {strides = array<i32>} : memref<16xf32, #tpu.memory_space<vmem>>, vector<16xf32>,
      %xor3A_683 = arith.constant 1 : i32
      %xor3A_684 = vector.broadcast %xor3A_683 : i32 to vector<16xi32>
      %xor3A_685 = arith.xori %iota3A_659, %xor3A_684 : vector<16xi32>
      %gather3A_686 = tpu.vector_load_idx %arg31[%xor3A_685] : memref<16xf32, #tpu.memory_space<vmem>>[vector<16xi32>], vector<16xf32>,
      %add3A_687 = arith.addf %add3A_680, %gather3A_686 : vector<16xf32>
      %add3A_688 = arith.addf %broadcast_in_dim3A_653, %add3A_687 : vector<16xf32>
      %sub3A_689 = arith.subf %div3A_357, %div3A_651 : vector<16xf32>
      %mul3A_690 = arith.mulf %sub3A_689, %sub3A_689 : vector<16xf32>
      %jit3A_691 = arith.constant 0.000000e+00 : f32
      %broadcast_in_dim3A_692 = vector.broadcast %jit3A_691 : f32 to vector<16xf32>
      %select_n3A_693 = arith.select %lt3A_1, %mul3A_690, %broadcast_in_dim3A_692 : vector<16xi1>, vector<16xf32>
      %iota3A_694 = tpu.iota {dimensions = array<i32: 0>} : vector<16xi32>
      %swap3A_695 = arith.constant 0 : index
      %swap3A_696 = tpu.vector_load %arg31[%swap3A_695] {strides = array<i32>} : memref<16xf32, #tpu.memory_space<vmem>>, vector<16xf32>,
      tpu.vector_store %arg31[%swap3A_695], %select_n3A_693 {strides = array<i32>} : memref<16xf32, #tpu.memory_space<vmem>>, vector<16xf32>,
      %xor3A_697 = arith.constant 8 : i32
      %xor3A_698 = vector.broadcast %xor3A_697 : i32 to vector<16xi32>
      %xor3A_699 = arith.xori %iota3A_694, %xor3A_698 : vector<16xi32>
      %gather3A_700 = tpu.vector_load_idx %arg31[%xor3A_699] : memref<16xf32, #tpu.memory_space<vmem>>[vector<16xi32>], vector<16xf32>,
      %add3A_701 = arith.addf %select_n3A_693, %gather3A_700 : vector<16xf32>
      %swap3A_702 = arith.constant 0 : index
      %swap3A_703 = tpu.vector_load %arg31[%swap3A_702] {strides = array<i32>} : memref<16xf32, #tpu.memory_space<vmem>>, vector<16xf32>,
      tpu.vector_store %arg31[%swap3A_702], %add3A_701 {strides = array<i32>} : memref<16xf32, #tpu.memory_space<vmem>>, vector<16xf32>,
      %xor3A_704 = arith.constant 4 : i32
      %xor3A_705 = vector.broadcast %xor3A_704 : i32 to vector<16xi32>
      %xor3A_706 = arith.xori %iota3A_694, %xor3A_705 : vector<16xi32>
      %gather3A_707 = tpu.vector_load_idx %arg31[%xor3A_706] : memref<16xf32, #tpu.memory_space<vmem>>[vector<16xi32>], vector<16xf32>,
      %add3A_708 = arith.addf %add3A_701, %gather3A_707 : vector<16xf32>
      %swap3A_709 = arith.constant 0 : index
      %swap3A_710 = tpu.vector_load %arg31[%swap3A_709] {strides = array<i32>} : memref<16xf32, #tpu.memory_space<vmem>>, vector<16xf32>,
      tpu.vector_store %arg31[%swap3A_709], %add3A_708 {strides = array<i32>} : memref<16xf32, #tpu.memory_space<vmem>>, vector<16xf32>,
      %xor3A_711 = arith.constant 2 : i32
      %xor3A_712 = vector.broadcast %xor3A_711 : i32 to vector<16xi32>
      %xor3A_713 = arith.xori %iota3A_694, %xor3A_712 : vector<16xi32>
      %gather3A_714 = tpu.vector_load_idx %arg31[%xor3A_713] : memref<16xf32, #tpu.memory_space<vmem>>[vector<16xi32>], vector<16xf32>,
      %add3A_715 = arith.addf %add3A_708, %gather3A_714 : vector<16xf32>
      %swap3A_716 = arith.constant 0 : index
      %swap3A_717 = tpu.vector_load %arg31[%swap3A_716] {strides = array<i32>} : memref<16xf32, #tpu.memory_space<vmem>>, vector<16xf32>,
      tpu.vector_store %arg31[%swap3A_716], %add3A_715 {strides = array<i32>} : memref<16xf32, #tpu.memory_space<vmem>>, vector<16xf32>,
      %xor3A_718 = arith.constant 1 : i32
      %xor3A_719 = vector.broadcast %xor3A_718 : i32 to vector<16xi32>
      %xor3A_720 = arith.xori %iota3A_694, %xor3A_719 : vector<16xi32>
      %gather3A_721 = tpu.vector_load_idx %arg31[%xor3A_720] : memref<16xf32, #tpu.memory_space<vmem>>[vector<16xi32>], vector<16xf32>,
      %add3A_722 = arith.addf %add3A_715, %gather3A_721 : vector<16xf32>
      %add3A_723 = arith.addf %add3A_688, %add3A_722 : vector<16xf32>
      %sub3A_724 = arith.subf %div3A_438, %div3A_651 : vector<16xf32>
      %mul3A_725 = arith.mulf %sub3A_724, %sub3A_724 : vector<16xf32>
      %jit3A_726 = arith.constant 0.000000e+00 : f32
      %broadcast_in_dim3A_727 = vector.broadcast %jit3A_726 : f32 to vector<16xf32>
      %select_n3A_728 = arith.select %lt3A_1, %mul3A_725, %broadcast_in_dim3A_727 : vector<16xi1>, vector<16xf32>
      %iota3A_729 = tpu.iota {dimensions = array<i32: 0>} : vector<16xi32>
      %swap3A_730 = arith.constant 0 : index
      %swap3A_731 = tpu.vector_load %arg31[%swap3A_730] {strides = array<i32>} : memref<16xf32, #tpu.memory_space<vmem>>, vector<16xf32>,
      tpu.vector_store %arg31[%swap3A_730], %select_n3A_728 {strides = array<i32>} : memref<16xf32, #tpu.memory_space<vmem>>, vector<16xf32>,
      %xor3A_732 = arith.constant 8 : i32
      %xor3A_733 = vector.broadcast %xor3A_732 : i32 to vector<16xi32>
      %xor3A_734 = arith.xori %iota3A_729, %xor3A_733 : vector<16xi32>
      %gather3A_735 = tpu.vector_load_idx %arg31[%xor3A_734] : memref<16xf32, #tpu.memory_space<vmem>>[vector<16xi32>], vector<16xf32>,
      %add3A_736 = arith.addf %select_n3A_728, %gather3A_735 : vector<16xf32>
      %swap3A_737 = arith.constant 0 : index
      %swap3A_738 = tpu.vector_load %arg31[%swap3A_737] {strides = array<i32>} : memref<16xf32, #tpu.memory_space<vmem>>, vector<16xf32>,
      tpu.vector_store %arg31[%swap3A_737], %add3A_736 {strides = array<i32>} : memref<16xf32, #tpu.memory_space<vmem>>, vector<16xf32>,
      %xor3A_739 = arith.constant 4 : i32
      %xor3A_740 = vector.broadcast %xor3A_739 : i32 to vector<16xi32>
      %xor3A_741 = arith.xori %iota3A_729, %xor3A_740 : vector<16xi32>
      %gather3A_742 = tpu.vector_load_idx %arg31[%xor3A_741] : memref<16xf32, #tpu.memory_space<vmem>>[vector<16xi32>], vector<16xf32>,
      %add3A_743 = arith.addf %add3A_736, %gather3A_742 : vector<16xf32>
      %swap3A_744 = arith.constant 0 : index
      %swap3A_745 = tpu.vector_load %arg31[%swap3A_744] {strides = array<i32>} : memref<16xf32, #tpu.memory_space<vmem>>, vector<16xf32>,
      tpu.vector_store %arg31[%swap3A_744], %add3A_743 {strides = array<i32>} : memref<16xf32, #tpu.memory_space<vmem>>, vector<16xf32>,
      %xor3A_746 = arith.constant 2 : i32
      %xor3A_747 = vector.broadcast %xor3A_746 : i32 to vector<16xi32>
      %xor3A_748 = arith.xori %iota3A_729, %xor3A_747 : vector<16xi32>
      %gather3A_749 = tpu.vector_load_idx %arg31[%xor3A_748] : memref<16xf32, #tpu.memory_space<vmem>>[vector<16xi32>], vector<16xf32>,
      %add3A_750 = arith.addf %add3A_743, %gather3A_749 : vector<16xf32>
      %swap3A_751 = arith.constant 0 : index
      %swap3A_752 = tpu.vector_load %arg31[%swap3A_751] {strides = array<i32>} : memref<16xf32, #tpu.memory_space<vmem>>, vector<16xf32>,
      tpu.vector_store %arg31[%swap3A_751], %add3A_750 {strides = array<i32>} : memref<16xf32, #tpu.memory_space<vmem>>, vector<16xf32>,
      %xor3A_753 = arith.constant 1 : i32
      %xor3A_754 = vector.broadcast %xor3A_753 : i32 to vector<16xi32>
      %xor3A_755 = arith.xori %iota3A_729, %xor3A_754 : vector<16xi32>
      %gather3A_756 = tpu.vector_load_idx %arg31[%xor3A_755] : memref<16xf32, #tpu.memory_space<vmem>>[vector<16xi32>], vector<16xf32>,
      %add3A_757 = arith.addf %add3A_750, %gather3A_756 : vector<16xf32>
      %add3A_758 = arith.addf %add3A_723, %add3A_757 : vector<16xf32>
      %sub3A_759 = arith.subf %div3A_519, %div3A_651 : vector<16xf32>
      %mul3A_760 = arith.mulf %sub3A_759, %sub3A_759 : vector<16xf32>
      %jit3A_761 = arith.constant 0.000000e+00 : f32
      %broadcast_in_dim3A_762 = vector.broadcast %jit3A_761 : f32 to vector<16xf32>
      %select_n3A_763 = arith.select %lt3A_1, %mul3A_760, %broadcast_in_dim3A_762 : vector<16xi1>, vector<16xf32>
      %iota3A_764 = tpu.iota {dimensions = array<i32: 0>} : vector<16xi32>
      %swap3A_765 = arith.constant 0 : index
      %swap3A_766 = tpu.vector_load %arg31[%swap3A_765] {strides = array<i32>} : memref<16xf32, #tpu.memory_space<vmem>>, vector<16xf32>,
      tpu.vector_store %arg31[%swap3A_765], %select_n3A_763 {strides = array<i32>} : memref<16xf32, #tpu.memory_space<vmem>>, vector<16xf32>,
      %xor3A_767 = arith.constant 8 : i32
      %xor3A_768 = vector.broadcast %xor3A_767 : i32 to vector<16xi32>
      %xor3A_769 = arith.xori %iota3A_764, %xor3A_768 : vector<16xi32>
      %gather3A_770 = tpu.vector_load_idx %arg31[%xor3A_769] : memref<16xf32, #tpu.memory_space<vmem>>[vector<16xi32>], vector<16xf32>,
      %add3A_771 = arith.addf %select_n3A_763, %gather3A_770 : vector<16xf32>
      %swap3A_772 = arith.constant 0 : index
      %swap3A_773 = tpu.vector_load %arg31[%swap3A_772] {strides = array<i32>} : memref<16xf32, #tpu.memory_space<vmem>>, vector<16xf32>,
      tpu.vector_store %arg31[%swap3A_772], %add3A_771 {strides = array<i32>} : memref<16xf32, #tpu.memory_space<vmem>>, vector<16xf32>,
      %xor3A_774 = arith.constant 4 : i32
      %xor3A_775 = vector.broadcast %xor3A_774 : i32 to vector<16xi32>
      %xor3A_776 = arith.xori %iota3A_764, %xor3A_775 : vector<16xi32>
      %gather3A_777 = tpu.vector_load_idx %arg31[%xor3A_776] : memref<16xf32, #tpu.memory_space<vmem>>[vector<16xi32>], vector<16xf32>,
      %add3A_778 = arith.addf %add3A_771, %gather3A_777 : vector<16xf32>
      %swap3A_779 = arith.constant 0 : index
      %swap3A_780 = tpu.vector_load %arg31[%swap3A_779] {strides = array<i32>} : memref<16xf32, #tpu.memory_space<vmem>>, vector<16xf32>,
      tpu.vector_store %arg31[%swap3A_779], %add3A_778 {strides = array<i32>} : memref<16xf32, #tpu.memory_space<vmem>>, vector<16xf32>,
      %xor3A_781 = arith.constant 2 : i32
      %xor3A_782 = vector.broadcast %xor3A_781 : i32 to vector<16xi32>
      %xor3A_783 = arith.xori %iota3A_764, %xor3A_782 : vector<16xi32>
      %gather3A_784 = tpu.vector_load_idx %arg31[%xor3A_783] : memref<16xf32, #tpu.memory_space<vmem>>[vector<16xi32>], vector<16xf32>,
      %add3A_785 = arith.addf %add3A_778, %gather3A_784 : vector<16xf32>
      %swap3A_786 = arith.constant 0 : index
      %swap3A_787 = tpu.vector_load %arg31[%swap3A_786] {strides = array<i32>} : memref<16xf32, #tpu.memory_space<vmem>>, vector<16xf32>,
      tpu.vector_store %arg31[%swap3A_786], %add3A_785 {strides = array<i32>} : memref<16xf32, #tpu.memory_space<vmem>>, vector<16xf32>,
      %xor3A_788 = arith.constant 1 : i32
      %xor3A_789 = vector.broadcast %xor3A_788 : i32 to vector<16xi32>
      %xor3A_790 = arith.xori %iota3A_764, %xor3A_789 : vector<16xi32>
      %gather3A_791 = tpu.vector_load_idx %arg31[%xor3A_790] : memref<16xf32, #tpu.memory_space<vmem>>[vector<16xi32>], vector<16xf32>,
      %add3A_792 = arith.addf %add3A_785, %gather3A_791 : vector<16xf32>
      %add3A_793 = arith.addf %add3A_758, %add3A_792 : vector<16xf32>
      %sub3A_794 = arith.subf %div3A_600, %div3A_651 : vector<16xf32>
      %mul3A_795 = arith.mulf %sub3A_794, %sub3A_794 : vector<16xf32>
      %jit3A_796 = arith.constant 0.000000e+00 : f32
      %broadcast_in_dim3A_797 = vector.broadcast %jit3A_796 : f32 to vector<16xf32>
      %select_n3A_798 = arith.select %lt3A_1, %mul3A_795, %broadcast_in_dim3A_797 : vector<16xi1>, vector<16xf32>
      %iota3A_799 = tpu.iota {dimensions = array<i32: 0>} : vector<16xi32>
      %swap3A_800 = arith.constant 0 : index
      %swap3A_801 = tpu.vector_load %arg31[%swap3A_800] {strides = array<i32>} : memref<16xf32, #tpu.memory_space<vmem>>, vector<16xf32>,
      tpu.vector_store %arg31[%swap3A_800], %select_n3A_798 {strides = array<i32>} : memref<16xf32, #tpu.memory_space<vmem>>, vector<16xf32>,
      %xor3A_802 = arith.constant 8 : i32
      %xor3A_803 = vector.broadcast %xor3A_802 : i32 to vector<16xi32>
      %xor3A_804 = arith.xori %iota3A_799, %xor3A_803 : vector<16xi32>
      %gather3A_805 = tpu.vector_load_idx %arg31[%xor3A_804] : memref<16xf32, #tpu.memory_space<vmem>>[vector<16xi32>], vector<16xf32>,
      %add3A_806 = arith.addf %select_n3A_798, %gather3A_805 : vector<16xf32>
      %swap3A_807 = arith.constant 0 : index
      %swap3A_808 = tpu.vector_load %arg31[%swap3A_807] {strides = array<i32>} : memref<16xf32, #tpu.memory_space<vmem>>, vector<16xf32>,
      tpu.vector_store %arg31[%swap3A_807], %add3A_806 {strides = array<i32>} : memref<16xf32, #tpu.memory_space<vmem>>, vector<16xf32>,
      %xor3A_809 = arith.constant 4 : i32
      %xor3A_810 = vector.broadcast %xor3A_809 : i32 to vector<16xi32>
      %xor3A_811 = arith.xori %iota3A_799, %xor3A_810 : vector<16xi32>
      %gather3A_812 = tpu.vector_load_idx %arg31[%xor3A_811] : memref<16xf32, #tpu.memory_space<vmem>>[vector<16xi32>], vector<16xf32>,
      %add3A_813 = arith.addf %add3A_806, %gather3A_812 : vector<16xf32>
      %swap3A_814 = arith.constant 0 : index
      %swap3A_815 = tpu.vector_load %arg31[%swap3A_814] {strides = array<i32>} : memref<16xf32, #tpu.memory_space<vmem>>, vector<16xf32>,
      tpu.vector_store %arg31[%swap3A_814], %add3A_813 {strides = array<i32>} : memref<16xf32, #tpu.memory_space<vmem>>, vector<16xf32>,
      %xor3A_816 = arith.constant 2 : i32
      %xor3A_817 = vector.broadcast %xor3A_816 : i32 to vector<16xi32>
      %xor3A_818 = arith.xori %iota3A_799, %xor3A_817 : vector<16xi32>
      %gather3A_819 = tpu.vector_load_idx %arg31[%xor3A_818] : memref<16xf32, #tpu.memory_space<vmem>>[vector<16xi32>], vector<16xf32>,
      %add3A_820 = arith.addf %add3A_813, %gather3A_819 : vector<16xf32>
      %swap3A_821 = arith.constant 0 : index
      %swap3A_822 = tpu.vector_load %arg31[%swap3A_821] {strides = array<i32>} : memref<16xf32, #tpu.memory_space<vmem>>, vector<16xf32>,
      tpu.vector_store %arg31[%swap3A_821], %add3A_820 {strides = array<i32>} : memref<16xf32, #tpu.memory_space<vmem>>, vector<16xf32>,
      %xor3A_823 = arith.constant 1 : i32
      %xor3A_824 = vector.broadcast %xor3A_823 : i32 to vector<16xi32>
      %xor3A_825 = arith.xori %iota3A_799, %xor3A_824 : vector<16xi32>
      %gather3A_826 = tpu.vector_load_idx %arg31[%xor3A_825] : memref<16xf32, #tpu.memory_space<vmem>>[vector<16xi32>], vector<16xf32>,
      %add3A_827 = arith.addf %add3A_820, %gather3A_826 : vector<16xf32>
      %add3A_828 = arith.addf %add3A_793, %add3A_827 : vector<16xf32>
      %div3A_829 = arith.constant 4.400000e+01 : f32
      %div3A_830 = vector.broadcast %div3A_829 : f32 to vector<16xf32>
      %div3A_831 = arith.divf %add3A_828, %div3A_830 : vector<16xf32>
      %bitcast_convert_type3A = tpu.bitcast %div3A_831 : vector<16xf32> -> vector<16xi32>
      %shift_right_arithmetic3A = arith.constant 1 : i32
      %shift_right_arithmetic3A_832 = vector.broadcast %shift_right_arithmetic3A : i32 to vector<16xi32>
      %shift_right_arithmetic3A_833 = arith.shrsi %bitcast_convert_type3A, %shift_right_arithmetic3A_832 : vector<16xi32>
      %add3A_834 = arith.constant 532487670 : i32
      %add3A_835 = vector.broadcast %add3A_834 : i32 to vector<16xi32>
      %add3A_836 = arith.addi %shift_right_arithmetic3A_833, %add3A_835 : vector<16xi32>
      %bitcast_convert_type3A_837 = tpu.bitcast %add3A_836 : vector<16xi32> -> vector<16xf32>
      %div3A_838 = arith.divf %div3A_831, %bitcast_convert_type3A_837 : vector<16xf32>
      %add3A_839 = arith.addf %bitcast_convert_type3A_837, %div3A_838 : vector<16xf32>
      %mul3A_840 = arith.constant 5.000000e-01 : f32
      %mul3A_841 = vector.broadcast %mul3A_840 : f32 to vector<16xf32>
      %mul3A_842 = arith.mulf %mul3A_841, %add3A_839 : vector<16xf32>
      %div3A_843 = arith.divf %div3A_831, %mul3A_842 : vector<16xf32>
      %add3A_844 = arith.addf %mul3A_842, %div3A_843 : vector<16xf32>
      %mul3A_845 = arith.constant 5.000000e-01 : f32
      %mul3A_846 = vector.broadcast %mul3A_845 : f32 to vector<16xf32>
      %mul3A_847 = arith.mulf %mul3A_846, %add3A_844 : vector<16xf32>
      %div3A_848 = arith.divf %div3A_831, %mul3A_847 : vector<16xf32>
      %add3A_849 = arith.addf %mul3A_847, %div3A_848 : vector<16xf32>
      %mul3A_850 = arith.constant 5.000000e-01 : f32
      %mul3A_851 = vector.broadcast %mul3A_850 : f32 to vector<16xf32>
      %mul3A_852 = arith.mulf %mul3A_851, %add3A_849 : vector<16xf32>
      %div3A_853 = arith.divf %div3A_831, %mul3A_852 : vector<16xf32>
      %add3A_854 = arith.addf %mul3A_852, %div3A_853 : vector<16xf32>
      %mul3A_855 = arith.constant 5.000000e-01 : f32
      %mul3A_856 = vector.broadcast %mul3A_855 : f32 to vector<16xf32>
      %mul3A_857 = arith.mulf %mul3A_856, %add3A_854 : vector<16xf32>
      %gt3A_858 = arith.constant 0.000000e+00 : f32
      %gt3A_859 = vector.broadcast %gt3A_858 : f32 to vector<16xf32>
      %gt3A_860 = arith.cmpf ogt, %div3A_831, %gt3A_859 : vector<16xf32>
      %jit3A_861 = arith.constant 0.000000e+00 : f32
      %broadcast_in_dim3A_862 = vector.broadcast %jit3A_861 : f32 to vector<16xf32>
      %select_n3A_863 = arith.select %gt3A_860, %mul3A_857, %broadcast_in_dim3A_862 : vector<16xi1>, vector<16xf32>
      %add3A_864 = arith.addf %div3A_651, %select_n3A_863 : vector<16xf32>
      %ge3A = arith.cmpf oge, %div3A_277, %add3A_864 : vector<16xf32>
      %and3A_865 = arith.andi %lt3A_1, %ge3A : vector<16xi1>
      %gt3A_866 = arith.constant 0.00999999977 : f32
      %gt3A_867 = vector.broadcast %gt3A_866 : f32 to vector<16xf32>
      %gt3A_868 = arith.cmpf ogt, %min3A_292, %gt3A_867 : vector<16xf32>
      %and3A_869 = arith.andi %and3A_865, %gt3A_868 : vector<16xi1>
      %jit3A_870 = arith.constant -1.000000e+00 : f32
      %broadcast_in_dim3A_871 = vector.broadcast %jit3A_870 : f32 to vector<16xf32>
      %select_n3A_872 = arith.select %and3A_869, %div3A_277, %broadcast_in_dim3A_871 : vector<16xi1>, vector<16xf32>
      %swap3A_873 = arith.constant 0 : index
      %swap3A_874 = tpu.vector_load %arg22[%swap3A_873] {strides = array<i32>} : memref<80xf32, #tpu.memory_space<vmem>>, vector<16xf32>,
      tpu.vector_store %arg22[%swap3A_873], %select_n3A_872 {strides = array<i32>} : memref<80xf32, #tpu.memory_space<vmem>>, vector<16xf32>,
      %ge3A_875 = arith.cmpf oge, %div3A_357, %add3A_864 : vector<16xf32>
      %and3A_876 = arith.andi %lt3A_1, %ge3A_875 : vector<16xi1>
      %gt3A_877 = arith.constant 0.00999999977 : f32
      %gt3A_878 = vector.broadcast %gt3A_877 : f32 to vector<16xf32>
      %gt3A_879 = arith.cmpf ogt, %min3A_372, %gt3A_878 : vector<16xf32>
      %and3A_880 = arith.andi %and3A_876, %gt3A_879 : vector<16xi1>
      %jit3A_881 = arith.constant -1.000000e+00 : f32
      %broadcast_in_dim3A_882 = vector.broadcast %jit3A_881 : f32 to vector<16xf32>
      %select_n3A_883 = arith.select %and3A_880, %div3A_357, %broadcast_in_dim3A_882 : vector<16xi1>, vector<16xf32>
      %swap3A_884 = arith.constant 16 : index
      %swap3A_885 = tpu.vector_load %arg22[%swap3A_884] {strides = array<i32>} : memref<80xf32, #tpu.memory_space<vmem>>, vector<16xf32>,
      tpu.vector_store %arg22[%swap3A_884], %select_n3A_883 {strides = array<i32>} : memref<80xf32, #tpu.memory_space<vmem>>, vector<16xf32>,
      %ge3A_886 = arith.cmpf oge, %div3A_438, %add3A_864 : vector<16xf32>
      %and3A_887 = arith.andi %lt3A_1, %ge3A_886 : vector<16xi1>
      %gt3A_888 = arith.constant 0.00999999977 : f32
      %gt3A_889 = vector.broadcast %gt3A_888 : f32 to vector<16xf32>
      %gt3A_890 = arith.cmpf ogt, %min3A_453, %gt3A_889 : vector<16xf32>
      %and3A_891 = arith.andi %and3A_887, %gt3A_890 : vector<16xi1>
      %jit3A_892 = arith.constant -1.000000e+00 : f32
      %broadcast_in_dim3A_893 = vector.broadcast %jit3A_892 : f32 to vector<16xf32>
      %select_n3A_894 = arith.select %and3A_891, %div3A_438, %broadcast_in_dim3A_893 : vector<16xi1>, vector<16xf32>
      %swap3A_895 = arith.constant 32 : index
      %swap3A_896 = tpu.vector_load %arg22[%swap3A_895] {strides = array<i32>} : memref<80xf32, #tpu.memory_space<vmem>>, vector<16xf32>,
      tpu.vector_store %arg22[%swap3A_895], %select_n3A_894 {strides = array<i32>} : memref<80xf32, #tpu.memory_space<vmem>>, vector<16xf32>,
      %ge3A_897 = arith.cmpf oge, %div3A_519, %add3A_864 : vector<16xf32>
      %and3A_898 = arith.andi %lt3A_1, %ge3A_897 : vector<16xi1>
      %gt3A_899 = arith.constant 0.00999999977 : f32
      %gt3A_900 = vector.broadcast %gt3A_899 : f32 to vector<16xf32>
      %gt3A_901 = arith.cmpf ogt, %min3A_534, %gt3A_900 : vector<16xf32>
      %and3A_902 = arith.andi %and3A_898, %gt3A_901 : vector<16xi1>
      %jit3A_903 = arith.constant -1.000000e+00 : f32
      %broadcast_in_dim3A_904 = vector.broadcast %jit3A_903 : f32 to vector<16xf32>
      %select_n3A_905 = arith.select %and3A_902, %div3A_519, %broadcast_in_dim3A_904 : vector<16xi1>, vector<16xf32>
      %swap3A_906 = arith.constant 48 : index
      %swap3A_907 = tpu.vector_load %arg22[%swap3A_906] {strides = array<i32>} : memref<80xf32, #tpu.memory_space<vmem>>, vector<16xf32>,
      tpu.vector_store %arg22[%swap3A_906], %select_n3A_905 {strides = array<i32>} : memref<80xf32, #tpu.memory_space<vmem>>, vector<16xf32>,
      %ge3A_908 = arith.cmpf oge, %div3A_600, %add3A_864 : vector<16xf32>
      %and3A_909 = arith.andi %lt3A_1, %ge3A_908 : vector<16xi1>
      %gt3A_910 = arith.constant 0.00999999977 : f32
      %gt3A_911 = vector.broadcast %gt3A_910 : f32 to vector<16xf32>
      %gt3A_912 = arith.cmpf ogt, %min3A_615, %gt3A_911 : vector<16xf32>
      %and3A_913 = arith.andi %and3A_909, %gt3A_912 : vector<16xi1>
      %jit3A_914 = arith.constant -1.000000e+00 : f32
      %broadcast_in_dim3A_915 = vector.broadcast %jit3A_914 : f32 to vector<16xf32>
      %select_n3A_916 = arith.select %and3A_913, %div3A_600, %broadcast_in_dim3A_915 : vector<16xi1>, vector<16xf32>
      %swap3A_917 = arith.constant 64 : index
      %swap3A_918 = tpu.vector_load %arg22[%swap3A_917] {strides = array<i32>} : memref<80xf32, #tpu.memory_space<vmem>>, vector<16xf32>,
      tpu.vector_store %arg22[%swap3A_917], %select_n3A_916 {strides = array<i32>} : memref<80xf32, #tpu.memory_space<vmem>>, vector<16xf32>,
      %mul3A_919 = arith.constant 80 : i32
      %mul3A_920 = arith.muli %add3A_81, %mul3A_919 : i32
      "tpu.region"() ({
        %run_scoped3A = tpu.sem_alloc : memref<!tpu.dma_semaphore, #tpu.memory_space<semaphore_mem>>
        %dma_start3A_924 = tpu.memref_slice %arg12[%mul3A_920] : memref<8000xf32, #tpu.memory_space<hbm>> -> memref<80xf32, #tpu.memory_space<hbm>>
        %dma_start3A_925 = tpu.memref_slice %arg12[%mul3A_920] : memref<8000xf32, #tpu.memory_space<hbm>> -> memref<80xf32, #tpu.memory_space<hbm>>
        tpu.enqueue_dma source(%arg22 : memref<80xf32, #tpu.memory_space<vmem>>) target(%dma_start3A_925 : memref<80xf32, #tpu.memory_space<hbm>>) target_semaphore(%run_scoped3A : memref<!tpu.dma_semaphore, #tpu.memory_space<semaphore_mem>>)
        %dma_wait3A_926 = tpu.memref_slice %arg12[%mul3A_920] : memref<8000xf32, #tpu.memory_space<hbm>> -> memref<80xf32, #tpu.memory_space<hbm>>
        %dma_wait3A_927 = tpu.memref_slice %arg12[%mul3A_920] : memref<8000xf32, #tpu.memory_space<hbm>> -> memref<80xf32, #tpu.memory_space<hbm>>
        tpu.wait_dma2 semaphore(%run_scoped3A : memref<!tpu.dma_semaphore, #tpu.memory_space<semaphore_mem>>) src(%arg22 : memref<80xf32, #tpu.memory_space<vmem>>) dst(%dma_wait3A_927 : memref<80xf32, #tpu.memory_space<hbm>>)
        tpu.yield
      }) : () -> ()
      %mul3A_921 = arith.constant 80 : i32
      %mul3A_922 = arith.muli %add3A_81, %mul3A_921 : i32
      "tpu.region"() ({
        %run_scoped3A = tpu.sem_alloc : memref<!tpu.dma_semaphore, #tpu.memory_space<semaphore_mem>>
        %dma_start3A_924 = tpu.memref_slice %arg13[%mul3A_922] : memref<8000xi32, #tpu.memory_space<hbm>> -> memref<80xi32, #tpu.memory_space<hbm>>
        %dma_start3A_925 = tpu.memref_slice %arg13[%mul3A_922] : memref<8000xi32, #tpu.memory_space<hbm>> -> memref<80xi32, #tpu.memory_space<hbm>>
        tpu.enqueue_dma source(%arg21 : memref<80xi32, #tpu.memory_space<vmem>>) target(%dma_start3A_925 : memref<80xi32, #tpu.memory_space<hbm>>) target_semaphore(%run_scoped3A : memref<!tpu.dma_semaphore, #tpu.memory_space<semaphore_mem>>)
        %dma_wait3A_926 = tpu.memref_slice %arg13[%mul3A_922] : memref<8000xi32, #tpu.memory_space<hbm>> -> memref<80xi32, #tpu.memory_space<hbm>>
        %dma_wait3A_927 = tpu.memref_slice %arg13[%mul3A_922] : memref<8000xi32, #tpu.memory_space<hbm>> -> memref<80xi32, #tpu.memory_space<hbm>>
        tpu.wait_dma2 semaphore(%run_scoped3A : memref<!tpu.dma_semaphore, #tpu.memory_space<semaphore_mem>>) src(%arg21 : memref<80xi32, #tpu.memory_space<vmem>>) dst(%dma_wait3A_927 : memref<80xi32, #tpu.memory_space<hbm>>)
        tpu.yield
      }) : () -> ()
      %while3A_923 = arith.constant 0 : i32
      scf.yield %while3A_923 : i32
    }
    %barrier3A = arith.constant 0 : index
    tpu.barrier barrier_id(%barrier3A)
    %mul3A = arith.constant 50 : i32
    %mul3A_45 = arith.muli %arg0, %mul3A : i32
    %mul3A_46 = arith.constant 80 : i32
    %mul3A_47 = arith.muli %mul3A_45, %mul3A_46 : i32
    "tpu.region"() ({
      %run_scoped3A = tpu.sem_alloc : memref<!tpu.dma_semaphore, #tpu.memory_space<semaphore_mem>>
      %dma_start3A = tpu.memref_slice %arg12[%mul3A_47] : memref<8000xf32, #tpu.memory_space<hbm>> -> memref<4000xf32, #tpu.memory_space<hbm>>
      %dma_start3A_74 = tpu.memref_slice %arg12[%mul3A_47] : memref<8000xf32, #tpu.memory_space<hbm>> -> memref<4000xf32, #tpu.memory_space<hbm>>
      tpu.enqueue_dma source(%dma_start3A_74 : memref<4000xf32, #tpu.memory_space<hbm>>) target(%arg27 : memref<4000xf32, #tpu.memory_space<vmem>>) target_semaphore(%run_scoped3A : memref<!tpu.dma_semaphore, #tpu.memory_space<semaphore_mem>>)
      %dma_wait3A = tpu.memref_slice %arg12[%mul3A_47] : memref<8000xf32, #tpu.memory_space<hbm>> -> memref<4000xf32, #tpu.memory_space<hbm>>
      %dma_wait3A_75 = tpu.memref_slice %arg12[%mul3A_47] : memref<8000xf32, #tpu.memory_space<hbm>> -> memref<4000xf32, #tpu.memory_space<hbm>>
      tpu.wait_dma2 semaphore(%run_scoped3A : memref<!tpu.dma_semaphore, #tpu.memory_space<semaphore_mem>>) src(%dma_wait3A_75 : memref<4000xf32, #tpu.memory_space<hbm>>) dst(%arg27 : memref<4000xf32, #tpu.memory_space<vmem>>)
      tpu.yield
    }) : () -> ()
    %mul3A_48 = arith.constant 50 : i32
    %mul3A_49 = arith.muli %arg0, %mul3A_48 : i32
    %mul3A_50 = arith.constant 80 : i32
    %mul3A_51 = arith.muli %mul3A_49, %mul3A_50 : i32
    "tpu.region"() ({
      %run_scoped3A = tpu.sem_alloc : memref<!tpu.dma_semaphore, #tpu.memory_space<semaphore_mem>>
      %dma_start3A = tpu.memref_slice %arg13[%mul3A_51] : memref<8000xi32, #tpu.memory_space<hbm>> -> memref<4000xi32, #tpu.memory_space<hbm>>
      %dma_start3A_74 = tpu.memref_slice %arg13[%mul3A_51] : memref<8000xi32, #tpu.memory_space<hbm>> -> memref<4000xi32, #tpu.memory_space<hbm>>
      tpu.enqueue_dma source(%dma_start3A_74 : memref<4000xi32, #tpu.memory_space<hbm>>) target(%arg28 : memref<4000xi32, #tpu.memory_space<vmem>>) target_semaphore(%run_scoped3A : memref<!tpu.dma_semaphore, #tpu.memory_space<semaphore_mem>>)
      %dma_wait3A = tpu.memref_slice %arg13[%mul3A_51] : memref<8000xi32, #tpu.memory_space<hbm>> -> memref<4000xi32, #tpu.memory_space<hbm>>
      %dma_wait3A_75 = tpu.memref_slice %arg13[%mul3A_51] : memref<8000xi32, #tpu.memory_space<hbm>> -> memref<4000xi32, #tpu.memory_space<hbm>>
      tpu.wait_dma2 semaphore(%run_scoped3A : memref<!tpu.dma_semaphore, #tpu.memory_space<semaphore_mem>>) src(%dma_wait3A_75 : memref<4000xi32, #tpu.memory_space<hbm>>) dst(%arg28 : memref<4000xi32, #tpu.memory_space<vmem>>)
      tpu.yield
    }) : () -> ()
    %mul3A_52 = arith.constant 1376 : i32
    %mul3A_53 = arith.muli %arg1, %mul3A_52 : i32
    %scan3A_54 = arith.constant 0 : i32
    %scan3A_55 = arith.constant 0 : i32
    %scan3A_56 = arith.constant 86 : i32
    %scan3A_57 = arith.addi %scan3A_55, %scan3A_56 : i32
    %scan3A_58 = arith.constant 1 : i32
    %scan3A_59 = scf.for %scan3A_74 = %scan3A_55 to %scan3A_57 step %scan3A_58 iter_args(%scan3A_75 = %scan3A_54) -> (i32)  : i32 {
      %mul3A_76 = arith.constant 16 : i32
      %mul3A_77 = arith.muli %scan3A_74, %mul3A_76 : i32
      %broadcast_in_dim3A = arith.constant -1.000000e+08 : f32
      %broadcast_in_dim3A_78 = vector.broadcast %broadcast_in_dim3A : f32 to vector<16xf32>
      %swap3A = arith.index_cast %mul3A_77 : i32 to index
      %swap3A_79 = tpu.vector_load %arg29[%swap3A] {strides = array<i32>} : memref<1376xf32, #tpu.memory_space<vmem>>, vector<16xf32>,
      tpu.vector_store %arg29[%swap3A], %broadcast_in_dim3A_78 {strides = array<i32>} : memref<1376xf32, #tpu.memory_space<vmem>>, vector<16xf32>,
      %broadcast_in_dim3A_80 = arith.constant 0 : i32
      %broadcast_in_dim3A_81 = vector.broadcast %broadcast_in_dim3A_80 : i32 to vector<16xi32>
      %swap3A_82 = arith.index_cast %mul3A_77 : i32 to index
      %swap3A_83 = tpu.vector_load %arg30[%swap3A_82] {strides = array<i32>} : memref<1376xi32, #tpu.memory_space<vmem>>, vector<16xi32>,
      tpu.vector_store %arg30[%swap3A_82], %broadcast_in_dim3A_81 {strides = array<i32>} : memref<1376xi32, #tpu.memory_space<vmem>>, vector<16xi32>,
      %scan3A_84 = arith.constant 0 : i32
      scf.yield %scan3A_84 : i32
    }
    %scan3A_60 = arith.constant 86 : i32
    %scan3A_61 = arith.constant 0 : i32
    %scan3A_62 = arith.constant 0 : i32
    %scan3A_63 = arith.constant 250 : i32
    %scan3A_64 = arith.addi %scan3A_62, %scan3A_63 : i32
    %scan3A_65 = arith.constant 1 : i32
    %scan3A_66 = scf.for %scan3A_74 = %scan3A_62 to %scan3A_64 step %scan3A_65 iter_args(%scan3A_75 = %scan3A_61) -> (i32)  : i32 {
      %mul3A_76 = arith.constant 16 : i32
      %mul3A_77 = arith.muli %scan3A_74, %mul3A_76 : i32
      %get3A = arith.index_cast %mul3A_77 : i32 to index
      %get3A_78 = tpu.vector_load %arg27[%get3A] {strides = array<i32>} : memref<4000xf32, #tpu.memory_space<vmem>>, vector<16xf32>,
      %get3A_79 = arith.index_cast %mul3A_77 : i32 to index
      %get3A_80 = tpu.vector_load %arg28[%get3A_79] {strides = array<i32>} : memref<4000xi32, #tpu.memory_space<vmem>>, vector<16xi32>,
      %sub3A_81 = vector.broadcast %mul3A_53 : i32 to vector<16xi32>
      %sub3A_82 = arith.subi %get3A_80, %sub3A_81 : vector<16xi32>
      %ge3A = arith.constant 0 : i32
      %ge3A_83 = vector.broadcast %ge3A : i32 to vector<16xi32>
      %ge3A_84 = arith.cmpi sge, %sub3A_82, %ge3A_83 : vector<16xi32>
      %lt3A_85 = arith.constant 1376 : i32
      %lt3A_86 = vector.broadcast %lt3A_85 : i32 to vector<16xi32>
      %lt3A_87 = arith.cmpi slt, %sub3A_82, %lt3A_86 : vector<16xi32>
      %and3A_88 = arith.andi %ge3A_84, %lt3A_87 : vector<16xi1>
      %ge3A_89 = arith.constant 0.000000e+00 : f32
      %ge3A_90 = vector.broadcast %ge3A_89 : f32 to vector<16xf32>
      %ge3A_91 = arith.cmpf oge, %get3A_78, %ge3A_90 : vector<16xf32>
      %and3A_92 = arith.andi %and3A_88, %ge3A_91 : vector<16xi1>
      %gather3A = tpu.vector_load_idx %arg29[%sub3A_82] masked %and3A_92 : memref<1376xf32, #tpu.memory_space<vmem>>[vector<16xi32>], vector<16xf32>, vector<16xi1>
      %gt3A = arith.cmpf ogt, %get3A_78, %gather3A : vector<16xf32>
      %and3A_93 = arith.andi %and3A_92, %gt3A : vector<16xi1>
      %mul3A_94 = arith.constant 50 : i32
      %mul3A_95 = arith.muli %arg0, %mul3A_94 : i32
      %jit3A_96 = arith.constant 5 : i32
      %div3A_97 = arith.divsi %scan3A_74, %jit3A_96 : i32
      %sign3A_98 = arith.constant 0 : i32
      %sign3A_99 = arith.cmpi sgt, %scan3A_74, %sign3A_98 : i32
      %sign3A_100 = arith.extui %sign3A_99 : i1 to i32
      %sign3A_101 = arith.constant 0 : i32
      %sign3A_102 = arith.cmpi slt, %scan3A_74, %sign3A_101 : i32
      %sign3A_103 = arith.extui %sign3A_102 : i1 to i32
      %sign3A_104 = arith.subi %sign3A_100, %sign3A_103 : i32
      %sign3A_105 = arith.constant 0 : i32
      %sign3A_106 = arith.cmpi sgt, %jit3A_96, %sign3A_105 : i32
      %sign3A_107 = arith.extui %sign3A_106 : i1 to i32
      %sign3A_108 = arith.constant 0 : i32
      %sign3A_109 = arith.cmpi slt, %jit3A_96, %sign3A_108 : i32
      %sign3A_110 = arith.extui %sign3A_109 : i1 to i32
      %sign3A_111 = arith.subi %sign3A_107, %sign3A_110 : i32
      %ne3A_112 = arith.cmpi ne, %sign3A_104, %sign3A_111 : i32
      %rem3A_113 = arith.remsi %scan3A_74, %jit3A_96 : i32
      %ne3A_114 = arith.constant 0 : i32
      %ne3A_115 = arith.cmpi ne, %rem3A_113, %ne3A_114 : i32
      %and3A_116 = arith.andi %ne3A_112, %ne3A_115 : i1
      %sub3A_117 = arith.constant 1 : i32
      %sub3A_118 = arith.subi %div3A_97, %sub3A_117 : i32
      %select_n3A_119 = arith.select %and3A_116, %sub3A_118, %div3A_97 : i32
      %add3A_120 = arith.addi %mul3A_95, %select_n3A_119 : i32
      %broadcast_in_dim3A = vector.broadcast %add3A_120 : i32 to vector<16xi32>
      tpu.vector_store_idx %arg29[%sub3A_82], %get3A_78 masked %and3A_93 : memref<1376xf32, #tpu.memory_space<vmem>>[vector<16xi32>], vector<16xf32>, vector<16xi1>
      tpu.vector_store_idx %arg30[%sub3A_82], %broadcast_in_dim3A masked %and3A_93 : memref<1376xi32, #tpu.memory_space<vmem>>[vector<16xi32>], vector<16xi32>, vector<16xi1>
      %scan3A_121 = arith.constant 0 : i32
      scf.yield %scan3A_121 : i32
    }
    %scan3A_67 = arith.constant 250 : i32
    %mul3A_68 = arith.constant 22016 : i32
    %mul3A_69 = arith.muli %arg0, %mul3A_68 : i32
    %add3A_70 = arith.addi %mul3A_69, %mul3A_53 : i32
    "tpu.region"() ({
      %run_scoped3A = tpu.sem_alloc : memref<!tpu.dma_semaphore, #tpu.memory_space<semaphore_mem>>
      %dma_start3A = tpu.memref_slice %arg10[%add3A_70] : memref<44032xf32, #tpu.memory_space<hbm>> -> memref<1376xf32, #tpu.memory_space<hbm>>
      %dma_start3A_74 = tpu.memref_slice %arg10[%add3A_70] : memref<44032xf32, #tpu.memory_space<hbm>> -> memref<1376xf32, #tpu.memory_space<hbm>>
      tpu.enqueue_dma source(%arg29 : memref<1376xf32, #tpu.memory_space<vmem>>) target(%dma_start3A_74 : memref<1376xf32, #tpu.memory_space<hbm>>) target_semaphore(%run_scoped3A : memref<!tpu.dma_semaphore, #tpu.memory_space<semaphore_mem>>)
      %dma_wait3A = tpu.memref_slice %arg10[%add3A_70] : memref<44032xf32, #tpu.memory_space<hbm>> -> memref<1376xf32, #tpu.memory_space<hbm>>
      %dma_wait3A_75 = tpu.memref_slice %arg10[%add3A_70] : memref<44032xf32, #tpu.memory_space<hbm>> -> memref<1376xf32, #tpu.memory_space<hbm>>
      tpu.wait_dma2 semaphore(%run_scoped3A : memref<!tpu.dma_semaphore, #tpu.memory_space<semaphore_mem>>) src(%arg29 : memref<1376xf32, #tpu.memory_space<vmem>>) dst(%dma_wait3A_75 : memref<1376xf32, #tpu.memory_space<hbm>>)
      tpu.yield
    }) : () -> ()
    %mul3A_71 = arith.constant 22016 : i32
    %mul3A_72 = arith.muli %arg0, %mul3A_71 : i32
    %add3A_73 = arith.addi %mul3A_72, %mul3A_53 : i32
    "tpu.region"() ({
      %run_scoped3A = tpu.sem_alloc : memref<!tpu.dma_semaphore, #tpu.memory_space<semaphore_mem>>
      %dma_start3A = tpu.memref_slice %arg11[%add3A_73] : memref<44032xi32, #tpu.memory_space<hbm>> -> memref<1376xi32, #tpu.memory_space<hbm>>
      %dma_start3A_74 = tpu.memref_slice %arg11[%add3A_73] : memref<44032xi32, #tpu.memory_space<hbm>> -> memref<1376xi32, #tpu.memory_space<hbm>>
      tpu.enqueue_dma source(%arg30 : memref<1376xi32, #tpu.memory_space<vmem>>) target(%dma_start3A_74 : memref<1376xi32, #tpu.memory_space<hbm>>) target_semaphore(%run_scoped3A : memref<!tpu.dma_semaphore, #tpu.memory_space<semaphore_mem>>)
      %dma_wait3A = tpu.memref_slice %arg11[%add3A_73] : memref<44032xi32, #tpu.memory_space<hbm>> -> memref<1376xi32, #tpu.memory_space<hbm>>
      %dma_wait3A_75 = tpu.memref_slice %arg11[%add3A_73] : memref<44032xi32, #tpu.memory_space<hbm>> -> memref<1376xi32, #tpu.memory_space<hbm>>
      tpu.wait_dma2 semaphore(%run_scoped3A : memref<!tpu.dma_semaphore, #tpu.memory_space<semaphore_mem>>) src(%arg30 : memref<1376xi32, #tpu.memory_space<vmem>>) dst(%dma_wait3A_75 : memref<1376xi32, #tpu.memory_space<hbm>>)
      tpu.yield
    }) : () -> ()
    return
  }
}

module attributes {stable_mosaic.version = 14 : i64} {
  func.func @_combine_body(%arg0: memref<2x22016xf32, #tpu.memory_space<vmem>>, %arg1: memref<2x22016xi32, #tpu.memory_space<vmem>>, %arg2: memref<1x22016xf32, #tpu.memory_space<vmem>>, %arg3: memref<1x22016xi32, #tpu.memory_space<vmem>>) attributes {dimension_semantics = [], scalar_prefetch = 0 : i64, scratch_operands = 0 : i64, tpu.core_type = #tpu.core_type<tc>} {
    %get3A = arith.constant 0 : index
    %get3A_0 = arith.constant 0 : index
    %get3A_1 = vector.load %arg0[%get3A, %get3A_0] : memref<2x22016xf32, #tpu.memory_space<vmem>>, vector<1x22016xf32>
    %get3A_2 = arith.constant 1 : index
    %get3A_3 = arith.constant 0 : index
    %get3A_4 = vector.load %arg0[%get3A_2, %get3A_3] : memref<2x22016xf32, #tpu.memory_space<vmem>>, vector<1x22016xf32>
    %ge3A = arith.cmpf oge, %get3A_1, %get3A_4 : vector<1x22016xf32>
    %select_n3A = arith.select %ge3A, %get3A_1, %get3A_4 : vector<1x22016xi1>, vector<1x22016xf32>
    %swap3A = arith.constant 0 : index
    %swap3A_5 = arith.constant 0 : index
    %swap3A_6 = vector.load %arg2[%swap3A, %swap3A_5] : memref<1x22016xf32, #tpu.memory_space<vmem>>, vector<1x22016xf32>
    tpu.vector_store %arg2[%swap3A, %swap3A_5], %select_n3A {strides = array<i32>} : memref<1x22016xf32, #tpu.memory_space<vmem>>, vector<1x22016xf32>,
    %get3A_7 = arith.constant 0 : index
    %get3A_8 = arith.constant 0 : index
    %get3A_9 = vector.load %arg1[%get3A_7, %get3A_8] : memref<2x22016xi32, #tpu.memory_space<vmem>>, vector<1x22016xi32>
    %get3A_10 = arith.constant 1 : index
    %get3A_11 = arith.constant 0 : index
    %get3A_12 = vector.load %arg1[%get3A_10, %get3A_11] : memref<2x22016xi32, #tpu.memory_space<vmem>>, vector<1x22016xi32>
    %select_n3A_13 = arith.select %ge3A, %get3A_9, %get3A_12 : vector<1x22016xi1>, vector<1x22016xi32>
    %swap3A_14 = arith.constant 0 : index
    %swap3A_15 = arith.constant 0 : index
    %swap3A_16 = vector.load %arg3[%swap3A_14, %swap3A_15] : memref<1x22016xi32, #tpu.memory_space<vmem>>, vector<1x22016xi32>
    tpu.vector_store %arg3[%swap3A_14, %swap3A_15], %select_n3A_13 {strides = array<i32>} : memref<1x22016xi32, #tpu.memory_space<vmem>>, vector<1x22016xi32>,
    return
  }
}

</mosaic_0001>

<sc_bundles>
// kernel: kernel.4.cloned.1.call-start
scs
__scs_entry_jumppad:
0x0: {  	(pc) =	sbr.rel $0x88, $3  }
0x1: {  	(tag) =	ssettag $0x0;
	lr =	simm.s32 $0x1  }
0x2: {  	[smem:$0x3F9F] =	sst lr;
	_ =	strace $0xD0000000  }
0x3: {  	_ = 	snop  }
0x4: {  	_ = 	snop  }
0x5: {  	_ = 	snop  }
0x6: {  	_ = 	snop  }
0x7: {  	_ = 	snop  }
__scs_overlays_trampoline_lowered:
0x8: {  	[smem:$0x3FAE] =	sst s0  }
0x9: {  	[smem:$0x3FAF] =	sst s1  }
0xa: {  	[smem:$0x3FB0] =	sst s2  }
0xb: {  	[smem:$0x3FB1] =	sst s3  }
0xc: {  	[smem:$0x3FB2] =	sst s4  }
0xd: {  	[smem:$0x3FB3] =	sst s5  }
0xe: {  	[smem:$0x3FB4] =	sst s6  }
0xf: {  	[smem:$0x3FB5] =	sst s7  }
0x10: {  	[smem:$0x3FB6] =	sst s8  }
0x11: {  	[smem:$0x3FB7] =	sst s9;
	s0 =	simm.s32 @!p0 $0x0  }
0x12: {  	s1 =	sld [smem:$0x3F9D];
	s0 =	simm.s32 @p0 $0x1  }
0x13: {  	[smem:$0x3FB8] =	sst s0;
	s0 =	simm.s32 @!p1 $0x0  }
0x14: {  	s2 =	sld [smem:$0x3F9C];
	s0 =	simm.s32 @p1 $0x1  }
0x15: {  	[smem:$0x3FB9] =	sst s0;
	s0 =	simm.s32 @!p2 $0x0  }
0x16: {  	s3 =	sld [smem:$0x3FDB];
	s0 =	simm.s32 @p2 $0x1  }
0x17: {  	s4 =	simm.s32 $0x1BF5;
	[smem:$0x3FBB] =	sst s0  }
0x18: {  	s0 =	sld [smem:$0x3F9E];
	_ =	swait.ge [sflag:s4], $0x0  }
0x19: {  	s7 =	sld [smem:$0x3F9F]  }
0x1a: {  	s8 =	sadd.s32 $0xFFFFE003, lr  }
0x1b: {  	s9 =	sadd.s32 $0xFFFFFEF7, lr;
	s5 =	simm.s32 $0xFFFFFFFF;
	p2 =	slt.u32 s8, $0xFFFFF086  }
0x1c: {  	p1 =	slt.u32 s9, $0xF7A;
	s5 =	simm.s32 @!p2 $0x0  }
0x1d: {  	s5 =	simm.s32 @p1 $0x1;
	p0 =	seq.s32 s7, s2  }
0x1e: {  	s7 =	smul.u32 @!p0 $0xF7A, s2;
	p2 =	seq.s32 @!p0 s5, $0x0  }
0x1f: {  	s9 =	smul.u32 $0xF7A, s1;
	s8 =	simm.s32 @!p0 $0x1BF5;
	p2 =	por !p2, p0  }
0x20: {  	[sflag:s8] =	ssyncset.s32 @!p0 $0xFFFFF086;
	s6 =	sadd.s32 @!p0 s3, s7;
	s7 =	simm.s32 @!p0 $0x108  }
0x21: {  	s3 =	sadd.s32 s3, s9;
	s6 =	sadd.s32 @!p0 $0x88, s6;
	s7 =	simm.s32 @p2 $0x1082  }
0x22: {  	[simem:s7], [sflag:s8] =	dma.local @!p0 [hbm:s6], $0xF7A  }
0x23: {  	s9 =	sor.u32 $0xD0000000, s2;
	s6 =	simm.s32 $0x108;
	_ =	swait.ge @!p0 [sflag:s8], $0x0  }
0x24: {  	s3 =	sadd.s32 $0x88, s3;
	s6 =	simm.s32 @!p1 $0x1082;
	[sflag:s4] =	ssyncset.s32 $0xFFFFF086  }
0x25: {  	[simem:s6], [sflag:s4] =	dma.local [hbm:s3], $0xF7A  }
0x26: {  	[smem:$0x3F9F] =	sst s1;
	(tag) =	ssettag s2;
	_ =	strace s9  }
0x27: {  	s1 =	sld [smem:$0x3FAF]  }
0x28: {  	s2 =	sld [smem:$0x3FB0]  }
0x29: {  	s4 =	sld [smem:$0x3FB2]  }
0x2a: {  	p0 =	seq.s32 s5, $0x0;
	s5 =	sld [smem:$0x3FB3]  }
0x2b: {  	s6 =	sld [smem:$0x3FB4]  }
0x2c: {  	s7 =	sld [smem:$0x3FB5]  }
0x2d: {  	s3 =	simm.s32 $0x108;
	s8 =	sld [smem:$0x3FB6]  }
0x2e: {  	s3 =	simm.s32 @!p0 $0x1082;
	s9 =	sld [smem:$0x3FB7]  }
0x2f: {  	lr =	sadd.s32 s0, s3;
	s0 =	sld [smem:$0x3FAE]  }
0x30: {  	s3 =	sld [smem:$0x3FB1]  }
0x31: {  	[smem:$0x3FBA] =	sst s10  }
0x32: {  	s10 =	sld [smem:$0x3FB8];
	_ =	sdelay $0x3  }
0x33: {  	p0 =	seq.s32 s10, $0x1;
	s10 =	sld [smem:$0x3FBA];
	_ =	sdelay $0x3  }
0x34: {  	[smem:$0x3FBA] =	sst s10  }
0x35: {  	s10 =	sld [smem:$0x3FB9];
	_ =	sdelay $0x3  }
0x36: {  	p1 =	seq.s32 s10, $0x1;
	s10 =	sld [smem:$0x3FBA];
	_ =	sdelay $0x3  }
0x37: {  	[smem:$0x3FBA] =	sst s10  }
0x38: {  	s10 =	sld [smem:$0x3FBB]  }
0x39: {  	_ = 	snop;
	(pc) =	sbr.ind lr, $3  }
0x3a: {  	_ = 	snop  }
0x3b: {  	_ = 	snop  }
0x3c: {  	p2 =	seq.s32 s10, $0x1;
	s10 =	sld [smem:$0x3FBA]  }
0x3d: {  	_ =	shalt  }
0x3e: {  	_ =	shalt  }
0x3f: {  	_ =	shalt  }
0x40: {  	_ =	shalt  }
0x41: {  	_ =	shalt  }
0x42: {  	_ =	shalt  }
0x43: {  	_ =	shalt  }
0x44: {  	_ =	shalt  }
0x45: {  	_ =	shalt  }
0x46: {  	_ =	shalt  }
0x47: {  	_ =	shalt  }
0x48: {  	_ =	shalt  }
0x49: {  	_ =	shalt  }
0x4a: {  	_ =	shalt  }
0x4b: {  	_ =	shalt  }
0x4c: {  	_ =	shalt  }
0x4d: {  	_ =	shalt  }
0x4e: {  	_ =	shalt  }
0x4f: {  	_ =	shalt  }
0x50: {  	_ =	shalt  }
0x51: {  	_ =	shalt  }
0x52: {  	_ =	shalt  }
0x53: {  	_ =	shalt  }
0x54: {  	_ =	shalt  }
0x55: {  	_ =	shalt  }
0x56: {  	_ =	shalt  }
0x57: {  	_ =	shalt  }
0x58: {  	_ =	shalt  }
0x59: {  	_ =	shalt  }
0x5a: {  	_ =	shalt  }
0x5b: {  	_ =	shalt  }
0x5c: {  	_ =	shalt  }
0x5d: {  	_ =	shalt  }
0x5e: {  	_ =	shalt  }
0x5f: {  	_ =	shalt  }
0x60: {  	_ =	shalt  }
0x61: {  	_ =	shalt  }
0x62: {  	_ =	shalt  }
0x63: {  	_ =	shalt  }
0x64: {  	_ =	shalt  }
0x65: {  	_ =	shalt  }
0x66: {  	_ =	shalt  }
0x67: {  	_ =	shalt  }
0x68: {  	_ =	shalt  }
0x69: {  	_ =	shalt  }
0x6a: {  	_ =	shalt  }
0x6b: {  	_ =	shalt  }
0x6c: {  	_ =	shalt  }
0x6d: {  	_ =	shalt  }
0x6e: {  	_ =	shalt  }
0x6f: {  	_ =	shalt  }
0x70: {  	_ =	shalt  }
0x71: {  	_ =	shalt  }
0x72: {  	_ =	shalt  }
0x73: {  	_ =	shalt  }
0x74: {  	_ =	shalt  }
0x75: {  	_ =	shalt  }
0x76: {  	_ =	shalt  }
0x77: {  	_ =	shalt  }
0x78: {  	_ =	shalt  }
0x79: {  	_ =	shalt  }
0x7a: {  	_ =	shalt  }
0x7b: {  	_ =	shalt  }
0x7c: {  	_ =	shalt  }
0x7d: {  	_ =	shalt  }
0x7e: {  	_ =	shalt  }
0x7f: {  	_ =	shalt  }
0x80: {  	_ =	shalt  }
0x81: {  	_ =	shalt  }
0x82: {  	_ =	shalt  }
0x83: {  	_ =	shalt  }
0x84: {  	_ =	shalt  }
0x85: {  	_ =	shalt  }
0x86: {  	_ =	shalt  }
0x87: {  	_ =	shalt  }
.Lfunc_end0:
.L_simem_size_0:
called_computation_lowered:
.L_overlay_start_0:
0x88: {  	s2 =	sld [smem:$0x3FD9]  }
0x89: {  	s3 =	sld [smem:$0x3FFE];
	_ =	sdelay $0x1  }
0x8a: {  	s1 =	srdreg.scid  }
0x8b: {  	s0 =	sand.u32 $0x1, s1  }
0x8c: {  	s14 =	sshll.u32 s0, $0xA;
	s2 =	sadd.s32 s3, s2  }
0x8d: {  	s2 =	sadd.s32 s2, s14  }
0x8e: {  	[smem:$0x3FC6] =	sst s2  }
0x8f: {  	_ = 	snop  }
0x90: {  	s2 =	sld [smem:$0x3FD0];
	_ =	sdelay $0x2  }
0x91: {  	s15 =	simm.s32 $0xA;
	s4 =	simm.s32 $0x10  }
0x92: {  	[smem:s4], [sflag:s15] =	dma.local [hbm:s2], $0x1  }
0x93: {  	_ =	swait.eq [sflag:s15], $0x1  }
0x94: {  	[sflag:s15] =	ssyncset.done $0x0  }
0x95: {  	s16 =	sld [smem:$0x10];
	[sflag:s15] =	ssyncadd.s32 $0xFFFFFFFF  }
0x96: {  	s17 =	sld [smem:$0x11];
	(tm) =	ssettm $0x1  }
0x97: {  	s18 =	sld [smem:$0x3FFB];
	_ =	sdelay $0x3  }
0x98: {  	_ =	strace s18  }
0x99: {  	s4 =	sld [smem:$0x3FFC];
	_ =	sdelay $0x3  }
0x9a: {  	_ =	strace s4  }
0x9b: {  	s4 =	sld [smem:$0x3FFD];
	_ =	sdelay $0x3  }
0x9c: {  	_ =	strace s4  }
0x9d: {  	_ =	strace $0x8FFFFFFF  }
0x9e: {  	s19 =	sld [smem:$0x3FDB];
	_ =	sdelay $0x1  }
0x9f: {  	s5 =	simm.s32 $_scs_section_size  }
0xa0: {  	s6 =	simm.s32 $_size__tile_overlayer_lowered;
	s7 =	simm.s32 $_tile_overlayer_lowered  }
0xa1: {  	s22 =	simm.s32 $0x1BFF;
	s21 =	sshll.u32 s7, $0x1;
	s4 =	sadd.s32 s5, s19  }
0xa2: {  	s8 =	simm.s32 $0x0;
	s20 =	sshll.u32 s6, $0x1;
	s6 =	sadd.s32 s21, s4  }
0xa3: {  	[timem:s8], [sflag:s22] =	dma.local [hbm:s6], s20  }
0xa4: {  	_ =	swait.ge [sflag:s22], s20  }
0xa5: {  	s5 =	ssub.s32 $0x0, s20;
	[sflag:s22] =	ssyncset.done $0x0  }
0xa6: {  	[sflag:s22] =	ssyncadd.s32 s5;
	_ =	sdelay $0x1  }
0xa7: {  	s23 =	simm.s32 $0x1B8B  }
0xa8: {  	_ =	swait.ge [sflag:s23], $0x1  }
0xa9: {  	[sflag:s23] =	ssyncset.done $0x0  }
0xaa: {  	s25 =	simm.s32 $0x1B8E;
	s24 =	sld [smem:$0x3FFE];
	[sflag:s23] =	ssyncadd.s32 $0xFFFFFFFF  }
0xab: {  	s26 =	simm.s32 $execute0_lowered;
	[smem:$0x3FD2] =	sst s25  }
0xac: {  	s6 =	sshll.u32 s26, $0x1;
	_ =	strace $0x80000046;
	[dreg:$0x1] =	wrdreg $0xFFFFFFFF  }
0xad: {  	s28 =	simm.s32 $_size_execute0_lowered;
	s4 =	sadd.s32 s4, s6;
	[dreg:$0x0] =	wrdreg $0x0  }
0xae: {  	s6 =	sshll.u32 s28, $0x1;
	[dreg:$0x2] =	wrdreg s4  }
0xaf: {  	[dreg:$0x3] =	wrdreg s6  }
0xb0: {  	[dreg:$0x4] =	wrdreg $0xC0  }
0xb1: {  	_ =	task [dreg:s8], $0x5FFFF  }
0xb2: {  	[dreg:$0x1] =	wrdreg $0xFFFFFFFF  }
0xb3: {  	[dreg:$0x0] =	wrdreg $0x60  }
0xb4: {  	[dreg:$0x2] =	wrdreg s24  }
0xb5: {  	[dreg:$0x3] =	wrdreg s16  }
0xb6: {  	[dreg:$0x4] =	wrdreg s17  }
0xb7: {  	[dreg:$0x5] =	wrdreg $0x9  }
0xb8: {  	_ =	task.clear_ibuf [dreg:s8], $0x6FFFF;
	_ =	strace $0x90000046  }
0xb9: {  	s29 =	simm.s32 $0x9;
	_ =	strace $0x80000048  }
0xba: {  	_ =	swait.ge [sflag:s29], $0x1  }
0xbb: {  	[sflag:s29] =	ssyncadd.s32 $0xFFFFFFFF  }
0xbc: {  	_ =	strace $0x90000048  }
0xbd: {  	_ =	sfence  }
0xbe: {  	s30 =	sld [smem:$0x0];
	_ =	sdelay $0x2  }
0xbf: {  	s31 =	sshll.u32 s1, $0xD;
	s1 =	sshrl.u32 s1, $0x2  }
0xc0: {  	s3 =	sand.u32 $0x4000, s31;
	s1 =	sadd.s32 s1, s30  }
0xc1: {  	s0 =	sor.u32 s3, s0;
	s1 =	sshll.u32 s1, $0x11  }
0xc2: {  	s0 =	sor.u32 s1, s0  }
0xc3: {  	s0 =	sadd.s32 $0x8F2B, s0  }
0xc4: {  	[sflag:s0] =	ssyncadd.remote.s32 $0x1  }
0xc5: {  	_ =	sfence.sel $0xFFFF  }
0xc6: {  	[dreg:$0x0] =	wrdreg $0xFFFFFFFF;
	(pc) =	sbr.abs _section_cstart, $3  }
0xc7: {  	[dreg:$0x1] =	wrdreg $0xFFFFFFFF  }
0xc8: {  	_ =	task.clear_ibuf [dreg:s8], $0x2FFFF;
	_ =	strace $0x9FFFFFFF  }
0xc9: {  	(tm) =	ssettm $0x7FFFFFFF  }
tec
execute0_lowered:
.L_overlay_start_1:
0x0: {  	(tag) =	ssettag $0x1  }
0x1: {  	s8 =	rddreg [dreg:$0x0]  }
0x2: {  	s0 =	srdreg.scid;
	s9 =	stileid.u32  }
0x3: {  	s5 =	simm.s32 $0x0;
	v1 =	vimm.s32 $0xFEDCBA98;
	s28 =	simm.s32 $0x10200;
	s29 =	simm.s32 $0x13080  }
0x4: {  	v5 =	vimm.s32 $0x76543210;
	s30 =	simm.s32 $0x50;
	s31 =	simm.s32 $0x10280;
	s10 =	simm.s32 $0x12580  }
0x5: {  	v6 =	vimm.s32 $0x32107654;
	v7 =	vimm.s32 $0xDCFE98BA;
	s0 =	sand.u32 $0x1, s0;
	s1 =	smul.u32 $0x560, s9;
	[smem:$0x7FF] =	sst s5  }
0x6: {  	v0 =	vimm.f32 $4.500000000e+01;
	v8 =	vimm.s32 $0x54761032;
	s6 =	sadd.s32 $0x1400, s8;
	s7 =	sadd.s32 $0x800, s8;
	s3 =	sadd.s32 $0x200, s8  }
0x7: {  	v2 =	vimm.f32 $4.400000000e+01;
	v9 =	vimm.s32 $0xEFCDAB89;
	s20 =	sadd.s32 $0x400, s8;
	s21 =	sadd.s32 $0x600, s8;
	s11 =	sadd.s32 $0x2000, s8  }
0x8: {  	v10 =	vimm.s32 $0x67452301;
	v4 =	vunpack.c.l.s4.s8 v1;
	s12 =	sadd.s32 $0x2400, s8;
	v5 =	vunpack.c.l.s4.s8 v5;
	_ =	strace $0x80000047;
	[dreg:$0x4] =	wrdreg s3  }
0x9: {  	s4 =	ssub.s32 $0x41, s9;
	v6 =	vunpack.c.l.s4.s8 v6;
	s2 =	smul.u32 $0x5600, s0;
	[dreg:$0x5] =	wrdreg s20;
	(erf) = vrcp.f32 v0;
	v0 =	vlaneseq.u32  }
0xa: {  	v7 =	vunpack.c.l.s4.s8 v7;
	[dreg:$0x6] =	wrdreg s21;
	s22 =	ssub.s32 $0x2, s0;
	s13 =	smul.u32 $0x32, s0;
	v3 =	vmul.u32 $0xFFFFFFFF, v0;
	(erf) = vrcp.f32 v2  }
0xb: {  	v8 =	vunpack.c.l.s4.s8 v8;
	v9 =	vunpack.c.l.s4.s8 v9;
	v10 =	vunpack.c.l.s4.s8 v10;
	s0 =	smul.u32 $0x1F4, s0;
	s14 =	sshrl.u32 s4, $0x4;
	s21 =	simm.s32 $0x2  }
0xc: {  	s4 =	simm.s32 $0xAB00;
	v1 =	vmov s1;
	s23 =	sshrl.u32 s22, $0x1;
	s2 =	sadd.s32 s1, s2;
	v2 =	vadd.s32 $0xF, v3;
	v3 =	vimm.s32 $0xBA98FEDC  }
0xd: {  	v7 =	vunpack.c.0.s8.s32 v7;
	v8 =	vunpack.c.0.s8.s32 v8;
	s1 =	ssub.s32 s22, s23;
	s15 =	sadd.s32 s9, s13;
	s25 =	sadd.s32 s11, s0;
	v3 =	vunpack.c.l.s4.s8 v3  }
0xe: {  	v4 =	vunpack.c.0.s8.s32 v4;
	v9 =	vunpack.c.0.s8.s32 v9;
	v10 =	vunpack.c.0.s8.s32 v10;
	s0 =	sadd.s32 s12, s0;
	s9 =	simm.s32 $0x10300;
	[dreg:$0x9] =	wrdreg s25  }
0xf: {  	v6 =	vunpack.c.0.s8.s32 v6;
	s22 =	simm.s32 $0x12B00;
	s2 =	sshrl.u32 s2, $0x3;
	[dreg:$0xa] =	wrdreg s0;
	v13 =	vcombine.low v8, v7;
	v11 =	vunpack.c.0.s8.s32 v3  }
0x10: {  	v12 =	vunpack.c.0.s8.s32 v5;
	s26 =	smax.u32 s1, $0x1;
	s25 =	simm.s32 $0x10100;
	v10 =	vcombine.low v10, v9;
	s2 =	sadd.s32 s2, s8  }
0x11: {  	v5 =	vimm.s32 $0x0;
	s1 =	simm.s32 $0x0;
	[dreg:$0xb] =	wrdreg s26;
	s24 =	sadd.s32 $0x3E00, s2;
	v9 =	vand.u32 $0xF, v13;
	v11 =	vcombine.low v6, v11  }
0x12: {  	s26 =	simm.s32 $0x10180;
	s2 =	sadd.s32 $0x2800, s2;
	v10 =	vand.u32 $0xF, v10;
	[dreg:$0x7] =	wrdreg s24;
	v3 =	vimm.s32 $0x8;
	v6 =	vand.u32 $0xF, v4;
	v4 =	vpop (erf)  }
0x13: {  	s8 =	simm.s32 $0x1;
	[dreg:$0x8] =	wrdreg s2;
	s24 =	simm.s32 $0x10080;
	v6 =	vcombine.low v6, v12;
	v7 =	vand.u32 $0xF, v11;
	v8 =	vpop (erf);
	v11 =	vimm.f32 $-1.000000000e+08  }
.LBB2_1:
0x14: {  	[dreg:$0xc] =	wrdreg s1  }
0x15: {  	[tilespmem:s5], [sflag:$0x2] =	stream.linear.gather [hbm4b:s6+s5], $0x5580, $0x38;
	[tilespmem:$0x13100] =	vst v63  }
0x16: {  	_ =	swait.ge [sflag:s21], $0x5580  }
0x17: {  	[sflag:s21] =	ssyncset.done $0x0  }
0x18: {  	[sflag:s21] =	ssyncadd.s32 $0xFFFFAA80  }
0x19: {  	s0 =	rddreg [dreg:$0x1]  }
0x1a: {  	[tilespmem:s4], [sflag:$0x2] =	stream.linear.gather [hbm4b:s0+s5], $0x5580, $0x38;
	[tilespmem:$0x13100] =	vst v63  }
0x1b: {  	_ =	swait.ge [sflag:s21], $0x5580  }
0x1c: {  	[sflag:s21] =	ssyncset.done $0x0  }
0x1d: {  	s0 =	simm.s32 $0x0;
	[sflag:s21] =	ssyncadd.s32 $0xFFFFAA80  }
0x1e: {  	v14 =	vld [tilespmem:s0+$0xAB00]  }
0x1f: {  	v15 =	vld [tilespmem:s0+$0xAB10]  }
0x20: {  	v13 =	vld [tilespmem:s0+$0xAB20]  }
0x21: {  	v12 =	vld [tilespmem:s0+$0xAB30]  }
0x22: {  	v17 =	vld [tilespmem:s0+$0x0]  }
0x23: {  	v18 =	vld [tilespmem:s0+$0x10]  }
0x24: {  	s1 =	simm.s32 $0x100;
	v16 =	vld [tilespmem:s0+$0x20]  }
.LBB2_2:
0x25: {  	p0 =	sne.s32 s1, $0x15400;
	v19 =	vld [tilespmem:s0+$0x30];
	_ =	sdelay $0x1  }
0x26: {  	s2 =	sshra.s32 s1, $0x2;
	v17 =	vadd.f32 v14, v17  }
0x27: {  	v14 =	vld [tilespmem:s2+$0xAB00];
	v18 =	vadd.f32 v15, v18  }
0x28: {  	v15 =	vld [tilespmem:s2+$0xAB10];
	v17 =	vmul.f32 $5.000000000e-01, v17;
	v16 =	vadd.f32 v13, v16  }
.Ltmp0:
0x29: {  	v13 =	vld [tilespmem:s2+$0xAB20];
	v18 =	vmul.f32 $5.000000000e-01, v18;
	v19 =	vadd.f32 v12, v19;
	(pc) =	sbr.rel @p0 .LBB2_2-.Ltmp0, $4  }
0x2a: {  	v12 =	vld [tilespmem:s2+$0xAB30];
	[tilespmem:s0+$0x0] =	vst v17;
	v16 =	vmul.f32 $5.000000000e-01, v16  }
0x2b: {  	v17 =	vld [tilespmem:s2+$0x0];
	[tilespmem:s0+$0x10] =	vst v18;
	v19 =	vmul.f32 $5.000000000e-01, v19  }
0x2c: {  	v18 =	vld [tilespmem:s2+$0x10];
	[tilespmem:s0+$0x20] =	vst v16  }
0x2d: {  	s1 =	sadd.s32 $0x100, s1;
	v16 =	vld [tilespmem:s2+$0x20];
	[tilespmem:s0+$0x30] =	vst v19;
	s0 =	smov.u32 s2  }
0x2e: {  	v19 =	vld [tilespmem:s0+$0x30];
	_ =	sdelay $0x1  }
0x2f: {  	v14 =	vadd.f32 v14, v17  }
0x30: {  	v15 =	vadd.f32 v15, v18  }
0x31: {  	v14 =	vmul.f32 $5.000000000e-01, v14;
	v13 =	vadd.f32 v13, v16  }
0x32: {  	v15 =	vmul.f32 $5.000000000e-01, v15;
	v12 =	vadd.f32 v12, v19  }
0x33: {  	[tilespmem:s0+$0x0] =	vst v14;
	v13 =	vmul.f32 $5.000000000e-01, v13  }
0x34: {  	[tilespmem:s0+$0x10] =	vst v15;
	v12 =	vmul.f32 $5.000000000e-01, v12  }
0x35: {  	[tilespmem:s0+$0x20] =	vst v13  }
0x36: {  	s20 =	simm.s32 $0x0;
	s1 =	simm.s32 $0x5580;
	[tilespmem:s0+$0x30] =	vst v12  }
0x37: {  	[tilespmem:s1], [sflag:$0x2] =	stream.linear.gather [hbm4b:s7+s20], $0x5580, $0x38;
	[tilespmem:$0x13100] =	vst v63  }
0x38: {  	_ =	swait.ge [sflag:s21], $0x5580  }
0x39: {  	[sflag:s21] =	ssyncset.done $0x0  }
0x3a: {  	[sflag:s21] =	ssyncadd.s32 $0xFFFFAA80  }
0x3b: {  	s23 =	rddreg [dreg:$0x2]  }
0x3c: {  	[tilespmem:s4], [sflag:$0x2] =	stream.linear.gather [hbm4b:s23+s20], $0x5580, $0x38;
	[tilespmem:$0x13100] =	vst v63  }
0x3d: {  	_ =	swait.ge [sflag:s21], $0x5580  }
0x3e: {  	[sflag:s21] =	ssyncset.done $0x0  }
0x3f: {  	s0 =	simm.s32 $0x0;
	[sflag:s21] =	ssyncadd.s32 $0xFFFFAA80  }
0x40: {  	v14 =	vld [tilespmem:s0+$0xAB00]  }
0x41: {  	v15 =	vld [tilespmem:s0+$0xAB10]  }
0x42: {  	v13 =	vld [tilespmem:s0+$0xAB20]  }
0x43: {  	v12 =	vld [tilespmem:s0+$0xAB30]  }
0x44: {  	v17 =	vld [tilespmem:s0+$0x5580]  }
0x45: {  	v18 =	vld [tilespmem:s0+$0x5590]  }
0x46: {  	s1 =	simm.s32 $0x100;
	v16 =	vld [tilespmem:s0+$0x55A0]  }
.LBB2_4:
0x47: {  	p0 =	sne.s32 s1, $0x15400;
	v19 =	vld [tilespmem:s0+$0x55B0];
	_ =	sdelay $0x1  }
0x48: {  	s2 =	sshra.s32 s1, $0x2;
	v17 =	vadd.f32 v14, v17  }
0x49: {  	v14 =	vld [tilespmem:s2+$0xAB00];
	v18 =	vadd.f32 v15, v18  }
0x4a: {  	v15 =	vld [tilespmem:s2+$0xAB10];
	v17 =	vmul.f32 $5.000000000e-01, v17;
	v16 =	vadd.f32 v13, v16  }
.Ltmp1:
0x4b: {  	v13 =	vld [tilespmem:s2+$0xAB20];
	v18 =	vmul.f32 $5.000000000e-01, v18;
	v19 =	vadd.f32 v12, v19;
	(pc) =	sbr.rel @p0 .LBB2_4-.Ltmp1, $4  }
0x4c: {  	v12 =	vld [tilespmem:s2+$0xAB30];
	[tilespmem:s0+$0x5580] =	vst v17;
	v16 =	vmul.f32 $5.000000000e-01, v16  }
0x4d: {  	v17 =	vld [tilespmem:s2+$0x5580];
	[tilespmem:s0+$0x5590] =	vst v18;
	v19 =	vmul.f32 $5.000000000e-01, v19  }
0x4e: {  	v18 =	vld [tilespmem:s2+$0x5590];
	[tilespmem:s0+$0x55A0] =	vst v16  }
0x4f: {  	s1 =	sadd.s32 $0x100, s1;
	v16 =	vld [tilespmem:s2+$0x55A0];
	[tilespmem:s0+$0x55B0] =	vst v19;
	s0 =	smov.u32 s2  }
0x50: {  	v19 =	vld [tilespmem:s0+$0x55B0];
	_ =	sdelay $0x1  }
0x51: {  	v14 =	vadd.f32 v14, v17  }
0x52: {  	v15 =	vadd.f32 v15, v18  }
0x53: {  	v14 =	vmul.f32 $5.000000000e-01, v14;
	v13 =	vadd.f32 v13, v16  }
0x54: {  	v15 =	vmul.f32 $5.000000000e-01, v15;
	v12 =	vadd.f32 v12, v19  }
0x55: {  	[tilespmem:s0+$0x5580] =	vst v14;
	v13 =	vmul.f32 $5.000000000e-01, v13  }
0x56: {  	[tilespmem:s0+$0x5590] =	vst v15;
	v12 =	vmul.f32 $5.000000000e-01, v12  }
0x57: {  	[tilespmem:s0+$0x55A0] =	vst v13  }
0x58: {  	s17 =	simm.s32 $0x0;
	s18 =	rddreg [dreg:$0x4];
	[tilespmem:s0+$0x55B0] =	vst v12  }
0x59: {  	[tilespmem:s24], [sflag:$0x2] =	stream.linear.gather [hbm4b:s18+s17], $0x80, $0x38;
	[tilespmem:$0x13100] =	vst v63  }
0x5a: {  	_ =	swait.ge [sflag:s21], $0x80  }
0x5b: {  	[sflag:s21] =	ssyncset.done $0x0  }
0x5c: {  	s19 =	rddreg [dreg:$0x5];
	[sflag:s21] =	ssyncadd.s32 $0xFFFFFF80  }
0x5d: {  	[tilespmem:s25], [sflag:$0x2] =	stream.linear.gather [hbm4b:s19+s17], $0x80, $0x38;
	[tilespmem:$0x13100] =	vst v63  }
0x5e: {  	_ =	swait.ge [sflag:s21], $0x80  }
0x5f: {  	[sflag:s21] =	ssyncset.done $0x0  }
0x60: {  	s20 =	rddreg [dreg:$0x6];
	[sflag:s21] =	ssyncadd.s32 $0xFFFFFF80  }
0x61: {  	[tilespmem:s26], [sflag:$0x2] =	stream.linear.gather [hbm4b:s20+s17], $0x80, $0x38;
	[tilespmem:$0x13100] =	vst v63  }
0x62: {  	_ =	swait.ge [sflag:s21], $0x80  }
0x63: {  	[sflag:s21] =	ssyncset.done $0x0  }
0x64: {  	[sflag:s21] =	ssyncadd.s32 $0xFFFFFF80  }
.Ltmp2:
0x65: {  	s23 =	rddreg [dreg:$0x0];
	(pc) =	sbr.rel .LBB2_6-.Ltmp2, $4  }
0x66: {  	[tilespmem:s28], [sflag:$0x2] =	stream.linear.gather [hbm4b:s23+s17], $0x80, $0x38;
	[tilespmem:$0x13100] =	vst v63  }
0x67: {  	_ =	swait.ge [sflag:s21], $0x80  }
0x68: {  	[sflag:s21] =	ssyncset.done $0x0  }
0x69: {  	[sflag:s21] =	ssyncadd.s32 $0xFFFFFF80  }
.LBB2_22:
0x6a: {  	v19 =	vld [tilespmem:$0x5500]  }
0x6b: {  	v20 =	vld [tilespmem:$0xAA80]  }
0x6c: {  	v21 =	vld [tilespmem:$0x5510]  }
0x6d: {  	v22 =	vld [tilespmem:$0xAA90]  }
0x6e: {  	v23 =	vld [tilespmem:$0x5520]  }
0x6f: {  	v24 =	vld [tilespmem:$0xAAA0]  }
0x70: {  	v25 =	vld [tilespmem:$0x5530]  }
0x71: {  	v26 =	vld [tilespmem:$0xAAB0]  }
0x72: {  	v19 =	vsub.f32 v19, v16;
	v20 =	vsub.f32 v20, v17  }
0x73: {  	v21 =	vsub.f32 v21, v16;
	v22 =	vsub.f32 v22, v17  }
0x74: {  	v23 =	vsub.f32 v23, v16;
	v24 =	vsub.f32 v24, v17;
	v19 =	vmul.f32 v19, v19  }
0x75: {  	v58 =	vsub.f32 v25, v16;
	v20 =	vmul.f32 v20, v20;
	v21 =	vmul.f32 v21, v21  }
0x76: {  	v59 =	vsub.f32 v26, v17;
	v22 =	vmul.f32 v22, v22;
	v60 =	vmul.f32 v23, v23  }
0x77: {  	v61 =	vmul.f32 v24, v24;
	v16 =	vmul.f32 v58, v58  }
0x78: {  	v17 =	vmul.f32 v59, v59;
	v19 =	vadd.f32 v20, v19;
	v21 =	vadd.f32 v22, v21  }
0x79: {  	v20 =	vadd.f32 v61, v60  }
0x7a: {  	v16 =	vadd.f32 v17, v16;
	vm0 =	vlt.f32 v19, $3.000000010e+38;
	vm1 =	vlt.f32 v21, $3.000000010e+38  }
0x7b: {  	vm4 =	vlt.f32 v20, $3.000000010e+38;
	vm0 =	vmor vm0, vm1  }
0x7c: {  	vm5 =	vlt.f32 v16, $3.000000010e+38;
	vm0 =	vmor vm0, vm4  }
0x7d: {  	vm0 =	vmor vm0, vm5  }
0x7e: {  	v62 =	vmpcnt.ones.xlane vm0;
	_ =	sdelay $0x1  }
0x7f: {  	(v2sf) =	vpush v62, $0x0;
	_ =	sdelay $0xe  }
0x80: {  	s0 =	spop (v2sf)  }
0x81: {  	p0 =	slt.s32 s0, $0x1  }
0x82: {  	v17 =	vlaneseq.u32 @!p0  }
0x83: {  	v22 =	vor.u32 @!p0 $0x5500, v17  }
0x84: {  	(xrf1) =	vsort.ascd.msk.f32 @!p0 $0xffff, v19, v22;
	_ =	sdelay $0xb  }
0x85: {  	v19 =	vmul.u32 @!p0 $0xFFFFFFFF, v17;
	_ =	sdelay $0x1  }
0x86: {  	v19 =	vadd.s32 @!p0 $0xF, v19;
	v22, v23, _ =	vpop @!p0 (xrf1)  }
0x87: {  	v22 =	vperm.xlane @!p0 v22, v19  }
0x88: {  	v23 =	vperm.xlane @!p0 v23, v19  }
0x89: {  	vm0 =	vge.f32 @!p0 v22, $3.000000010e+38  }
0x8a: {  	v22 =	vsel @!p0 vm0, $0x7F61B1E6, v22;
	v23 =	vsel @!p0 vm0, $0x0, v23  }
0x8b: {  	(xrf1) =	vsort.ascd.msk.f32 @!p0 $0xffff, v22, v23;
	v22 =	vor.u32 @!p0 $0x5510, v17  }
0x8c: {  	(xrf1) =	vsort.ascd.msk.f32 @!p0 $0xffff, v21, v22;
	_ =	sdelay $0xc  }
0x8d: {  	v21, v22, _ =	vpop @!p0 (xrf1)  }
0x8e: {  	v23, v24, _ =	vpop @!p0 (xrf1)  }
0x8f: {  	v23 =	vperm.xlane @!p0 v23, v19  }
0x90: {  	v24 =	vperm.xlane @!p0 v24, v19  }
0x91: {  	vm0 =	vle.f32 @!p0 v21, v23  }
0x92: {  	v21 =	vsel @!p0 vm0, v21, v23;
	v22 =	vsel @!p0 vm0, v22, v24  }
0x93: {  	(xrf1) =	vsort.ascd.msk.f32 @!p0 $0xffff, v21, v22;
	v21 =	vor.u32 @!p0 $0x5520, v17  }
0x94: {  	(xrf1) =	vsort.ascd.msk.f32 @!p0 $0xffff, v20, v21;
	_ =	sdelay $0xc  }
0x95: {  	v20, v21, _ =	vpop @!p0 (xrf1)  }
0x96: {  	v22, v23, _ =	vpop @!p0 (xrf1)  }
0x97: {  	v22 =	vperm.xlane @!p0 v22, v19  }
0x98: {  	v23 =	vperm.xlane @!p0 v23, v19  }
0x99: {  	vm0 =	vle.f32 @!p0 v20, v22  }
0x9a: {  	v20 =	vsel @!p0 vm0, v20, v22;
	v21 =	vsel @!p0 vm0, v21, v23  }
0x9b: {  	v17 =	vor.u32 @!p0 $0x5530, v17;
	(xrf1) =	vsort.ascd.msk.f32 @!p0 $0xffff, v20, v21  }
0x9c: {  	(xrf1) =	vsort.ascd.msk.f32 @!p0 $0xffff, v16, v17;
	_ =	sdelay $0xc  }
0x9d: {  	v16, v17, _ =	vpop @!p0 (xrf1)  }
0x9e: {  	v20, v21, _ =	vpop @!p0 (xrf1)  }
0x9f: {  	v20 =	vperm.xlane @!p0 v20, v19  }
0xa0: {  	v19 =	vperm.xlane @!p0 v21, v19  }
0xa1: {  	vm0 =	vle.f32 @!p0 v16, v20  }
0xa2: {  	v16 =	vsel @!p0 vm0, v16, v20;
	v17 =	vsel @!p0 vm0, v17, v19  }
0xa3: {  	(xrf1) =	vsort.ascd.msk.f32 @!p0 $0xffff, v16, v17;
	_ =	sdelay $0xd  }
0xa4: {  	[tilespmem:$0x102B0] =	vst v18;
	v17, v16, _ =	vpop @!p0 (xrf1)  }
0xa5: {  	[tilespmem:$0x13080] =	vst @!p0 v17;
	v16 =	vpsel p0, $0x0, v16  }
0xa6: {  	s2 =	simm.s32 $0x10380;
	[tilespmem:$0x102C0] =	vst v16  }
0xa7: {  	[tilespmem:s2], [sflag:$0x1] =	stream.indirect.gather [hbm4b:s6+s30], $0x1, s31, s30, $0xb8;
	[tilespmem:$0x13100] =	vst v63  }
0xa8: {  	s3 =	simm.s32 $0x10400  }
0xa9: {  	[tilespmem:s3], [sflag:$0x1] =	stream.indirect.gather [hbm4b:s7+s30], $0x1, s31, s30, $0xb8;
	[tilespmem:$0x13100] =	vst v63  }
0xaa: {  	s4 =	rddreg [dreg:$0x1];
	s1 =	simm.s32 $0x10480  }
0xab: {  	[tilespmem:s1], [sflag:$0x1] =	stream.indirect.gather [hbm4b:s4+s30], $0x1, s31, s30, $0xb8;
	[tilespmem:$0x13100] =	vst v63  }
0xac: {  	s16 =	rddreg [dreg:$0x2];
	s19 =	simm.s32 $0x10500  }
0xad: {  	[tilespmem:s19], [sflag:$0x1] =	stream.indirect.gather [hbm4b:s16+s30], $0x1, s31, s30, $0xb8;
	[tilespmem:$0x13100] =	vst v63  }
0xae: {  	_ =	swait.ge [sflag:s8], $0x50  }
0xaf: {  	[sflag:s8] =	ssyncset.done $0x0  }
0xb0: {  	[sflag:s8] =	ssyncadd.s32 $0xFFFFFFB0  }
0xb1: {  	_ =	swait.ge [sflag:s8], $0x50  }
0xb2: {  	[sflag:s8] =	ssyncset.done $0x0  }
0xb3: {  	[sflag:s8] =	ssyncadd.s32 $0xFFFFFFB0  }
0xb4: {  	_ =	swait.ge [sflag:s8], $0x50  }
0xb5: {  	[sflag:s8] =	ssyncset.done $0x0  }
0xb6: {  	[sflag:s8] =	ssyncadd.s32 $0xFFFFFFB0  }
0xb7: {  	_ =	swait.ge [sflag:s8], $0x50  }
0xb8: {  	[sflag:s8] =	ssyncset.done $0x0  }
0xb9: {  	[sflag:s8] =	ssyncadd.s32 $0xFFFFFFB0  }
0xba: {  	v19 =	vld [tilespmem:$0x10380]  }
0xbb: {  	v21 =	vld [tilespmem:$0x10480]  }
0xbc: {  	v20 =	vld [tilespmem:$0x10500]  }
0xbd: {  	v18 =	vld [tilespmem:$0x10400];
	_ =	sdelay $0x2  }
0xbe: {  	v35 =	vsub.f32 v14, v15;
	v27 =	vsub.f32 v12, v13  }
0xbf: {  	v63 =	vmin.f32 v21, v14;
	v30 =	vmax.f32 v19, v15;
	v31 =	vmin.f32 v20, v12  }
0xc0: {  	v32 =	vsub.f32 v21, v19;
	v33 =	vsub.f32 v20, v18;
	v34 =	vmax.f32 v18, v13  }
0xc1: {  	v16 =	vsub.f32 v63, v30;
	v36 =	vsub.f32 v31, v34  }
0xc2: {  	v37 =	vmul.f32 v33, v32;
	v32 =	vmul.f32 v27, v35  }
0xc3: {  	v16 =	vmax.f32 v16, $0.0e+00;
	v17 =	vmax.f32 v36, $0.0e+00  }
0xc4: {  	v16 =	vmul.f32 v17, v16;
	v38 =	vadd.f32 v37, v32;
	_ =	sdelay $0x1  }
0xc5: {  	v17 =	vsub.f32 v38, v16;
	_ =	sdelay $0x1  }
0xc6: {  	v17 =	vmax.f32 v17, $9.999999970e-07  }
0xc7: {  	(erf) = vrcp.f32 v17;
	_ =	sdelay $0x7  }
0xc8: {  	v24 =	vld [tilespmem:$0x10390]  }
0xc9: {  	v26 =	vld [tilespmem:$0x10490];
	v17 =	vpop (erf)  }
0xca: {  	v23 =	vld [tilespmem:$0x10510];
	v16 =	vmul.f32 v17, v16  }
0xcb: {  	vm0 =	vmmov $0x1ff;
	v25 =	vld [tilespmem:$0x10410]  }
0xcc: {  	v17 =	vnsel vm0, $0x0, v16  }
0xcd: {  	[tilespmem:$0x13080] =	vst v17  }
0xce: {  	v39 =	vld.idx.msk [tilespmem:v6+s29+$0x0], $0xffff  }
0xcf: {  	v40 =	vmin.f32 v26, v14;
	v41 =	vmax.f32 v24, v15;
	v28 =	vmin.f32 v23, v12  }
0xd0: {  	v29 =	vmax.f32 v25, v13;
	v30 =	vsub.f32 v26, v24;
	v31 =	vsub.f32 v23, v25  }
0xd1: {  	v22 =	vsub.f32 v40, v41;
	v42 =	vsub.f32 v28, v29  }
0xd2: {  	v43 =	vmul.f32 v31, v30  }
0xd3: {  	v22 =	vmax.f32 v22, $0.0e+00;
	v27 =	vmax.f32 v42, $0.0e+00;
	v17 =	vadd.f32 v17, v39  }
0xd4: {  	v22 =	vmul.f32 v27, v22;
	v44 =	vadd.f32 v43, v32  }
0xd5: {  	[tilespmem:$0x13080] =	vst v17  }
0xd6: {  	v27 =	vsub.f32 v44, v22;
	v33 =	vld.idx.msk [tilespmem:v7+s29+$0x0], $0xffff;
	_ =	sdelay $0x1  }
0xd7: {  	v27 =	vmax.f32 v27, $9.999999970e-07  }
0xd8: {  	(erf) = vrcp.f32 v27;
	_ =	sdelay $0x1  }
0xd9: {  	v17 =	vadd.f32 v17, v33;
	_ =	sdelay $0x1  }
0xda: {  	[tilespmem:$0x13080] =	vst v17  }
0xdb: {  	v45 =	vld.idx.msk [tilespmem:v9+s29+$0x0], $0xffff;
	_ =	sdelay $0x2  }
0xdc: {  	v28 =	vld [tilespmem:$0x103A0]  }
0xdd: {  	v29 =	vld [tilespmem:$0x10520];
	v46 =	vpop (erf)  }
0xde: {  	v31 =	vld [tilespmem:$0x104A0];
	v41 =	vadd.f32 v17, v45;
	v17 =	vmul.f32 v46, v22  }
0xdf: {  	v30 =	vld [tilespmem:$0x10420]  }
0xe0: {  	[tilespmem:$0x13080] =	vst v41;
	v22 =	vnsel vm0, $0x0, v17  }
0xe1: {  	v42 =	vld.idx.msk [tilespmem:v10+s29+$0x0], $0xffff;
	[tilespmem:$0x13080] =	vst v22  }
0xe2: {  	v47 =	vld.idx.msk [tilespmem:v6+s29+$0x0], $0xffff  }
0xe3: {  	v34 =	vmax.f32 v28, v15;
	v35 =	vmin.f32 v29, v12;
	v48 =	vmin.f32 v31, v14  }
0xe4: {  	v36 =	vmax.f32 v30, v13;
	v37 =	vsub.f32 v31, v28;
	v38 =	vsub.f32 v29, v30  }
0xe5: {  	v49 =	vsub.f32 v35, v36;
	v33 =	vsub.f32 v48, v34  }
0xe6: {  	v50 =	vmul.f32 v38, v37  }
0xe7: {  	v34 =	vmax.f32 v49, $0.0e+00;
	v33 =	vmax.f32 v33, $0.0e+00;
	v22 =	vadd.f32 v22, v47  }
0xe8: {  	v27 =	vadd.f32 v50, v32;
	v33 =	vmul.f32 v34, v33  }
0xe9: {  	[tilespmem:$0x13080] =	vst v22  }
0xea: {  	v27 =	vsub.f32 v27, v33;
	v51 =	vld.idx.msk [tilespmem:v7+s29+$0x0], $0xffff;
	_ =	sdelay $0x1  }
0xeb: {  	v27 =	vmax.f32 v27, $9.999999970e-07  }
0xec: {  	(erf) = vrcp.f32 v27;
	_ =	sdelay $0x1  }
0xed: {  	v22 =	vadd.f32 v22, v51;
	_ =	sdelay $0x1  }
0xee: {  	[tilespmem:$0x13080] =	vst v22  }
0xef: {  	v52 =	vld.idx.msk [tilespmem:v9+s29+$0x0], $0xffff;
	_ =	sdelay $0x2  }
0xf0: {  	v36 =	vld [tilespmem:$0x104B0]  }
0xf1: {  	v35 =	vld [tilespmem:$0x10430];
	v53 =	vpop (erf)  }
0xf2: {  	v34 =	vld [tilespmem:$0x103B0];
	v43 =	vadd.f32 v22, v52;
	v22 =	vmul.f32 v53, v33  }
0xf3: {  	v33 =	vld [tilespmem:$0x10530]  }
0xf4: {  	[tilespmem:$0x13080] =	vst v43;
	v54 =	vnsel vm0, $0x0, v22  }
0xf5: {  	v44 =	vld.idx.msk [tilespmem:v10+s29+$0x0], $0xffff;
	[tilespmem:$0x13080] =	vst v54  }
0xf6: {  	v55 =	vld.idx.msk [tilespmem:v6+s29+$0x0], $0xffff  }
0xf7: {  	v56 =	vmin.f32 v36, v14;
	v40 =	vmax.f32 v35, v13;
	v57 =	vmax.f32 v34, v15  }
0xf8: {  	v45 =	vsub.f32 v36, v34;
	v39 =	vmin.f32 v33, v12;
	v46 =	vsub.f32 v33, v35  }
0xf9: {  	v37 =	vsub.f32 v56, v57;
	v58 =	vsub.f32 v39, v40  }
0xfa: {  	v59 =	vmul.f32 v46, v45  }
0xfb: {  	v37 =	vmax.f32 v37, $0.0e+00;
	v38 =	vmax.f32 v58, $0.0e+00;
	v27 =	vadd.f32 v54, v55  }
0xfc: {  	v38 =	vmul.f32 v38, v37;
	v60 =	vadd.f32 v59, v32  }
0xfd: {  	[tilespmem:$0x13080] =	vst v27  }
0xfe: {  	v37 =	vsub.f32 v60, v38;
	v47 =	vld.idx.msk [tilespmem:v7+s29+$0x0], $0xffff;
	_ =	sdelay $0x1  }
0xff: {  	v37 =	vmax.f32 v37, $9.999999970e-07  }
0x100: {  	(erf) = vrcp.f32 v37;
	_ =	sdelay $0x1  }
0x101: {  	v27 =	vadd.f32 v27, v47;
	_ =	sdelay $0x1  }
0x102: {  	[tilespmem:$0x13080] =	vst v27  }
0x103: {  	v61 =	vld.idx.msk [tilespmem:v9+s29+$0x0], $0xffff;
	_ =	sdelay $0x2  }
0x104: {  	v40 =	vld [tilespmem:$0x104C0]  }
0x105: {  	v39 =	vld [tilespmem:$0x10440];
	v62 =	vpop (erf)  }
0x106: {  	v37 =	vld [tilespmem:$0x103C0];
	v45 =	vadd.f32 v27, v61;
	v27 =	vmul.f32 v62, v38  }
0x107: {  	v38 =	vld [tilespmem:$0x10540]  }
0x108: {  	[tilespmem:$0x13080] =	vst v45;
	v63 =	vnsel vm0, $0x0, v27  }
0x109: {  	v46 =	vld.idx.msk [tilespmem:v10+s29+$0x0], $0xffff;
	[tilespmem:$0x13080] =	vst v63  }
0x10a: {  	v48 =	vld.idx.msk [tilespmem:v6+s29+$0x0], $0xffff  }
0x10b: {  	v49 =	vmin.f32 v40, v14;
	v52 =	vmax.f32 v39, v13;
	v50 =	vmax.f32 v37, v15  }
0x10c: {  	v53 =	vsub.f32 v40, v37;
	v51 =	vmin.f32 v38, v12;
	v54 =	vsub.f32 v38, v39  }
0x10d: {  	v49 =	vsub.f32 v49, v50;
	v52 =	vsub.f32 v51, v52  }
0x10e: {  	v53 =	vmul.f32 v54, v53  }
0x10f: {  	v49 =	vmax.f32 v49, $0.0e+00;
	v50 =	vmax.f32 v52, $0.0e+00;
	v47 =	vadd.f32 v63, v48  }
0x110: {  	v49 =	vmul.f32 v50, v49;
	v32 =	vadd.f32 v53, v32  }
0x111: {  	[tilespmem:$0x13080] =	vst v47  }
0x112: {  	v32 =	vsub.f32 v32, v49;
	v54 =	vld.idx.msk [tilespmem:v7+s29+$0x0], $0xffff;
	_ =	sdelay $0x1  }
0x113: {  	v32 =	vmax.f32 v32, $9.999999970e-07  }
0x114: {  	(erf) = vrcp.f32 v32;
	_ =	sdelay $0x1  }
0x115: {  	v55 =	vadd.f32 v47, v54;
	_ =	sdelay $0x1  }
0x116: {  	[tilespmem:$0x13080] =	vst v55  }
0x117: {  	v56 =	vld.idx.msk [tilespmem:v9+s29+$0x0], $0xffff;
	_ =	sdelay $0x3  }
0x118: {  	v57 =	vpop (erf)  }
0x119: {  	v32 =	vmul.f32 v57, v49;
	v47 =	vadd.f32 v55, v56;
	_ =	sdelay $0x1  }
0x11a: {  	v49 =	vnsel vm0, $0x0, v32;
	[tilespmem:$0x13080] =	vst v47  }
0x11b: {  	v58 =	vld.idx.msk [tilespmem:v10+s29+$0x0], $0xffff;
	[tilespmem:$0x13080] =	vst v49  }
0x11c: {  	v59 =	vld.idx.msk [tilespmem:v6+s29+$0x0], $0xffff;
	_ =	sdelay $0x4  }
0x11d: {  	v49 =	vadd.f32 v49, v59;
	_ =	sdelay $0x1  }
0x11e: {  	[tilespmem:$0x13080] =	vst v49  }
0x11f: {  	v60 =	vld.idx.msk [tilespmem:v7+s29+$0x0], $0xffff;
	_ =	sdelay $0x4  }
0x120: {  	v49 =	vadd.f32 v49, v60;
	_ =	sdelay $0x1  }
0x121: {  	[tilespmem:$0x13080] =	vst v49  }
0x122: {  	v61 =	vld.idx.msk [tilespmem:v9+s29+$0x0], $0xffff;
	_ =	sdelay $0x4  }
0x123: {  	v41 =	vadd.f32 v41, v42;
	v62 =	vadd.f32 v49, v61;
	_ =	sdelay $0x1  }
0x124: {  	v41 =	vadd.f32 $0.0e+00, v41;
	v43 =	vadd.f32 v43, v44;
	[tilespmem:$0x13080] =	vst v62  }
0x125: {  	v63 =	vld.idx.msk [tilespmem:v10+s29+$0x0], $0xffff  }
0x126: {  	v41 =	vadd.f32 v43, v41;
	v46 =	vadd.f32 v45, v46;
	_ =	sdelay $0x1  }
0x127: {  	v41 =	vadd.f32 v46, v41;
	v49 =	vadd.f32 v47, v58;
	_ =	sdelay $0x1  }
0x128: {  	v41 =	vadd.f32 v49, v41;
	v42 =	vadd.f32 v62, v63;
	_ =	sdelay $0x1  }
0x129: {  	v41 =	vadd.f32 v42, v41;
	_ =	sdelay $0x1  }
0x12a: {  	v41 =	vmul.f32 v41, v4;
	_ =	sdelay $0x1  }
0x12b: {  	v50 =	vsub.f32 v16, v41;
	_ =	sdelay $0x1  }
0x12c: {  	v42 =	vmul.f32 v50, v50;
	_ =	sdelay $0x1  }
0x12d: {  	v42 =	vnsel vm0, $0x0, v42  }
0x12e: {  	[tilespmem:$0x13080] =	vst v42  }
0x12f: {  	v51 =	vld.idx.msk [tilespmem:v6+s29+$0x0], $0xffff;
	_ =	sdelay $0x4  }
0x130: {  	v42 =	vadd.f32 v42, v51;
	_ =	sdelay $0x1  }
0x131: {  	[tilespmem:$0x13080] =	vst v42  }
0x132: {  	v52 =	vld.idx.msk [tilespmem:v7+s29+$0x0], $0xffff;
	_ =	sdelay $0x4  }
0x133: {  	v42 =	vadd.f32 v42, v52;
	_ =	sdelay $0x1  }
0x134: {  	[tilespmem:$0x13080] =	vst v42  }
0x135: {  	v53 =	vld.idx.msk [tilespmem:v9+s29+$0x0], $0xffff;
	_ =	sdelay $0x2  }
0x136: {  	v54 =	vsub.f32 v17, v41;
	_ =	sdelay $0x1  }
0x137: {  	v55 =	vmul.f32 v54, v54;
	v42 =	vadd.f32 v42, v53;
	_ =	sdelay $0x1  }
0x138: {  	v43 =	vnsel vm0, $0x0, v55;
	[tilespmem:$0x13080] =	vst v42  }
0x139: {  	v44 =	vld.idx.msk [tilespmem:v10+s29+$0x0], $0xffff;
	[tilespmem:$0x13080] =	vst v43  }
0x13a: {  	v56 =	vld.idx.msk [tilespmem:v6+s29+$0x0], $0xffff;
	_ =	sdelay $0x4  }
0x13b: {  	v43 =	vadd.f32 v56, v43;
	_ =	sdelay $0x1  }
0x13c: {  	[tilespmem:$0x13080] =	vst v43  }
0x13d: {  	v57 =	vld.idx.msk [tilespmem:v7+s29+$0x0], $0xffff;
	_ =	sdelay $0x4  }
0x13e: {  	v43 =	vadd.f32 v57, v43;
	_ =	sdelay $0x1  }
0x13f: {  	[tilespmem:$0x13080] =	vst v43  }
0x140: {  	v58 =	vld.idx.msk [tilespmem:v9+s29+$0x0], $0xffff;
	_ =	sdelay $0x2  }
0x141: {  	v59 =	vsub.f32 v22, v41;
	_ =	sdelay $0x1  }
0x142: {  	v60 =	vmul.f32 v59, v59;
	v43 =	vadd.f32 v58, v43;
	_ =	sdelay $0x1  }
0x143: {  	v45 =	vnsel vm0, $0x0, v60;
	[tilespmem:$0x13080] =	vst v43  }
0x144: {  	v46 =	vld.idx.msk [tilespmem:v10+s29+$0x0], $0xffff;
	[tilespmem:$0x13080] =	vst v45  }
0x145: {  	v61 =	vld.idx.msk [tilespmem:v6+s29+$0x0], $0xffff;
	_ =	sdelay $0x4  }
0x146: {  	v45 =	vadd.f32 v61, v45;
	_ =	sdelay $0x1  }
0x147: {  	[tilespmem:$0x13080] =	vst v45  }
0x148: {  	v62 =	vld.idx.msk [tilespmem:v7+s29+$0x0], $0xffff;
	_ =	sdelay $0x4  }
0x149: {  	v45 =	vadd.f32 v62, v45;
	_ =	sdelay $0x1  }
0x14a: {  	[tilespmem:$0x13080] =	vst v45  }
0x14b: {  	v63 =	vld.idx.msk [tilespmem:v9+s29+$0x0], $0xffff;
	_ =	sdelay $0x2  }
0x14c: {  	v52 =	vsub.f32 v27, v41;
	_ =	sdelay $0x1  }
0x14d: {  	v53 =	vmul.f32 v52, v52;
	v45 =	vadd.f32 v63, v45;
	_ =	sdelay $0x1  }
0x14e: {  	v47 =	vnsel vm0, $0x0, v53;
	[tilespmem:$0x13080] =	vst v45  }
0x14f: {  	v48 =	vld.idx.msk [tilespmem:v10+s29+$0x0], $0xffff;
	[tilespmem:$0x13080] =	vst v47  }
0x150: {  	v54 =	vld.idx.msk [tilespmem:v6+s29+$0x0], $0xffff;
	_ =	sdelay $0x4  }
0x151: {  	v47 =	vadd.f32 v54, v47;
	_ =	sdelay $0x1  }
0x152: {  	[tilespmem:$0x13080] =	vst v47  }
0x153: {  	v55 =	vld.idx.msk [tilespmem:v7+s29+$0x0], $0xffff;
	_ =	sdelay $0x4  }
0x154: {  	v47 =	vadd.f32 v55, v47;
	_ =	sdelay $0x1  }
0x155: {  	[tilespmem:$0x13080] =	vst v47  }
0x156: {  	v56 =	vld.idx.msk [tilespmem:v9+s29+$0x0], $0xffff;
	_ =	sdelay $0x2  }
0x157: {  	v57 =	vsub.f32 v32, v41;
	_ =	sdelay $0x1  }
0x158: {  	v58 =	vmul.f32 v57, v57;
	v47 =	vadd.f32 v56, v47;
	_ =	sdelay $0x1  }
0x159: {  	v49 =	vnsel vm0, $0x0, v58;
	[tilespmem:$0x13080] =	vst v47  }
0x15a: {  	v59 =	vld.idx.msk [tilespmem:v10+s29+$0x0], $0xffff;
	[tilespmem:$0x13080] =	vst v49  }
0x15b: {  	v60 =	vld.idx.msk [tilespmem:v6+s29+$0x0], $0xffff;
	_ =	sdelay $0x4  }
0x15c: {  	v49 =	vadd.f32 v60, v49;
	_ =	sdelay $0x1  }
0x15d: {  	[tilespmem:$0x13080] =	vst v49  }
0x15e: {  	v61 =	vld.idx.msk [tilespmem:v7+s29+$0x0], $0xffff;
	_ =	sdelay $0x4  }
0x15f: {  	v49 =	vadd.f32 v61, v49;
	_ =	sdelay $0x1  }
0x160: {  	[tilespmem:$0x13080] =	vst v49  }
0x161: {  	v62 =	vld.idx.msk [tilespmem:v9+s29+$0x0], $0xffff;
	_ =	sdelay $0x4  }
0x162: {  	v49 =	vadd.f32 v62, v49;
	_ =	sdelay $0x1  }
0x163: {  	v42 =	vadd.f32 v42, v44;
	v43 =	vadd.f32 v46, v43;
	[tilespmem:$0x13080] =	vst v49  }
0x164: {  	v63 =	vld.idx.msk [tilespmem:v10+s29+$0x0], $0xffff  }
0x165: {  	v42 =	vadd.f32 v43, v42;
	v46 =	vadd.f32 v48, v45;
	_ =	sdelay $0x1  }
0x166: {  	v42 =	vadd.f32 v46, v42;
	v48 =	vadd.f32 v59, v47;
	_ =	sdelay $0x1  }
0x167: {  	v42 =	vadd.f32 v48, v42;
	v50 =	vadd.f32 v63, v49;
	_ =	sdelay $0x1  }
0x168: {  	v42 =	vadd.f32 v50, v42;
	_ =	sdelay $0x1  }
0x169: {  	v42 =	vmul.f32 v42, v8;
	_ =	sdelay $0x1  }
0x16a: {  	v51 =	vshra.s32 v42, $0x1  }
0x16b: {  	v43 =	vadd.s32 $0x1FBD1DF6, v51  }
0x16c: {  	(erf) = vrcp.f32 v43;
	_ =	sdelay $0x8  }
0x16d: {  	v52 =	vpop (erf)  }
0x16e: {  	v44 =	vmul.f32 v52, v42;
	_ =	sdelay $0x1  }
0x16f: {  	v43 =	vadd.f32 v43, v44;
	_ =	sdelay $0x1  }
0x170: {  	v43 =	vmul.f32 $5.000000000e-01, v43;
	_ =	sdelay $0x1  }
0x171: {  	(erf) = vrcp.f32 v43;
	_ =	sdelay $0x8  }
0x172: {  	v53 =	vpop (erf)  }
0x173: {  	v44 =	vmul.f32 v53, v42;
	_ =	sdelay $0x1  }
0x174: {  	v43 =	vadd.f32 v44, v43;
	_ =	sdelay $0x1  }
0x175: {  	v43 =	vmul.f32 $5.000000000e-01, v43;
	_ =	sdelay $0x1  }
0x176: {  	(erf) = vrcp.f32 v43;
	_ =	sdelay $0x8  }
0x177: {  	v19 =	vadd.f32 v21, v19;
	v54 =	vpop (erf)  }
0x178: {  	v18 =	vadd.f32 v20, v18;
	v44 =	vmul.f32 v54, v42  }
0x179: {  	v19 =	vmul.f32 $5.000000000e-01, v19  }
0x17a: {  	v23 =	vadd.f32 v23, v25;
	v18 =	vmul.f32 $5.000000000e-01, v18;
	v55 =	vadd.f32 v44, v43  }
0x17b: {  	v58 =	vsub.f32 v19, v15;
	v19 =	vsub.f32 v14, v19  }
0x17c: {  	v59 =	vsub.f32 v18, v13;
	v60 =	vadd.f32 v31, v28;
	v56 =	vmul.f32 $5.000000000e-01, v55  }
0x17d: {  	v18 =	vsub.f32 v12, v18;
	v61 =	vadd.f32 v29, v30  }
0x17e: {  	v57 =	vadd.f32 v26, v24;
	v25 =	vmul.f32 $5.000000000e-01, v60;
	(erf) = vrcp.f32 v56  }
0x17f: {  	v18 =	vmin.f32 v19, v18;
	v19 =	vmul.f32 $5.000000000e-01, v61  }
0x180: {  	v21 =	vmul.f32 $5.000000000e-01, v57;
	v45 =	vsub.f32 v25, v15  }
0x181: {  	v23 =	vmul.f32 $5.000000000e-01, v23;
	v25 =	vsub.f32 v14, v25;
	v46 =	vsub.f32 v19, v13  }
0x182: {  	v24 =	vmin.f32 v58, v59;
	v62 =	vsub.f32 v21, v15;
	v21 =	vsub.f32 v14, v21  }
0x183: {  	v18 =	vmin.f32 v24, v18;
	v63 =	vsub.f32 v23, v13;
	v23 =	vsub.f32 v12, v23  }
0x184: {  	vm2 =	vgt.f32 v18, $9.999999770e-03;
	v19 =	vsub.f32 v12, v19;
	v49 =	vadd.f32 v40, v37  }
0x185: {  	v24 =	vmin.f32 v62, v63;
	v21 =	vmin.f32 v21, v23;
	v51 =	vadd.f32 v38, v39  }
0x186: {  	v19 =	vmin.f32 v25, v19;
	v23 =	vmin.f32 v45, v46;
	v21 =	vmin.f32 v24, v21  }
0x187: {  	v24 =	vmul.f32 $5.000000000e-01, v49;
	v29 =	vmul.f32 $5.000000000e-01, v51;
	v43 =	vadd.f32 v36, v34;
	v47 =	vpop (erf)  }
0x188: {  	v19 =	vmin.f32 v23, v19;
	v44 =	vadd.f32 v33, v35;
	v30 =	vmul.f32 v47, v42  }
0x189: {  	v57 =	vsub.f32 v12, v29;
	v53 =	vsub.f32 v24, v15;
	v28 =	vmul.f32 $5.000000000e-01, v43  }
0x18a: {  	v54 =	vsub.f32 v29, v13;
	v26 =	vmul.f32 $5.000000000e-01, v44;
	v20 =	vadd.f32 v30, v56  }
0x18b: {  	vm6 =	vgt.f32 v42, $0.0e+00;
	v55 =	vsub.f32 v14, v24;
	v48 =	vsub.f32 v28, v15  }
0x18c: {  	v50 =	vsub.f32 v26, v13;
	v28 =	vsub.f32 v14, v28;
	v20 =	vmul.f32 $5.000000000e-01, v20  }
0x18d: {  	v26 =	vsub.f32 v12, v26;
	v13 =	vmin.f32 v53, v54;
	v12 =	vmin.f32 v55, v57  }
0x18e: {  	vm3 =	vgt.f32 v21, $9.999999770e-03;
	v12 =	vmin.f32 v13, v12;
	v20 =	vnsel vm6, $0x0, v20  }
0x18f: {  	v52 =	vmin.f32 v48, v50;
	v56 =	vmin.f32 v28, v26;
	v20 =	vadd.f32 v20, v41  }
0x190: {  	vm4 =	vgt.f32 v19, $9.999999770e-03;
	vm14 =	vgt.f32 v12, $9.999999770e-03;
	v58 =	vmin.f32 v52, v56  }
0x191: {  	vm12 =	vgt.f32 v58, $9.999999770e-03;
	vm7 =	vge.f32 v16, v20;
	vm8 =	vge.f32 v17, v20  }
0x192: {  	vm9 =	vge.f32 v22, v20;
	vm11 =	vge.f32 v27, v20;
	vm1 =	vmand vm7, vm2  }
0x193: {  	vm13 =	vge.f32 v32, v20;
	vm2 =	vmand vm8, vm3;
	vm1 =	vmand vm1, vm0  }
0x194: {  	vm10 =	vmand vm9, vm4;
	vm2 =	vmand vm2, vm0;
	v59 =	vnsel vm1, $0xBF800000, v16  }
0x195: {  	v60 =	vnsel vm2, $0xBF800000, v17;
	vm1 =	vmand vm10, vm0;
	vm2 =	vmand vm11, vm12;
	[tilespmem:$0x10300] =	vst v59  }
0x196: {  	s20 =	smul.u32 $0x50, s18;
	vm15 =	vmand vm13, vm14;
	v61 =	vnsel vm1, $0xBF800000, v22;
	[tilespmem:$0x10310] =	vst v60;
	vm2 =	vmand vm2, vm0  }
0x197: {  	vm0 =	vmand vm15, vm0;
	[tilespmem:$0x10320] =	vst v61;
	v62 =	vnsel vm2, $0xBF800000, v27  }
0x198: {  	s0 =	sshrl.u32 s20, $0x3;
	v63 =	vnsel vm0, $0xBF800000, v32;
	[tilespmem:$0x10330] =	vst v62  }
0x199: {  	s23 =	sadd.s32 s11, s0;
	[tilespmem:$0x10340] =	vst v63  }
0x19a: {  	[hbm4b:s23+s5] =	stream.linear.scatter [tilespmem:s9], [sflag:$0x2], $0x50, $0x38;
	[tilespmem:$0x13100] =	vst v63  }
0x19b: {  	s17 =	sadd.s32 $0x1, s17;
	_ =	swait.ge [sflag:s21], $0x50  }
0x19c: {  	p0 =	sne.s32 s17, s14;
	[sflag:s21] =	ssyncset.done $0x0  }
.Ltmp3:
0x19d: {  	s0 =	sadd.s32 s12, s0;
	[sflag:s21] =	ssyncadd.s32 $0xFFFFFFB0;
	(pc) =	sbr.rel @!p0 .LBB2_23-.Ltmp3, $4  }
0x19e: {  	[hbm4b:s0+s5] =	stream.linear.scatter [tilespmem:s31], [sflag:$0x2], $0x50, $0x38;
	[tilespmem:$0x13100] =	vst v63  }
0x19f: {  	_ =	swait.ge [sflag:s21], $0x50  }
0x1a0: {  	[sflag:s21] =	ssyncset.done $0x0  }
0x1a1: {  	[sflag:s21] =	ssyncadd.s32 $0xFFFFFFB0  }
.LBB2_6:
0x1a2: {  	s0 =	sshll.u32 s17, $0x4  }
0x1a3: {  	s18 =	sadd.s32 s0, s15  }
0x1a4: {  	v12 =	vmov s18;
	_ =	sdelay $0x4  }
0x1a5: {  	v15 =	vld.idx.msk [tilespmem:v12+s24+$0x0], $0xffff  }
0x1a6: {  	v13 =	vld.idx.msk [tilespmem:v12+s25+$0x0], $0xffff  }
0x1a7: {  	v14 =	vld.idx.msk [tilespmem:v12+s26+$0x0], $0xffff  }
0x1a8: {  	v12 =	vld.idx.msk [tilespmem:v12+s28+$0x0], $0xffff;
	_ =	sdelay $0x2  }
.Ltmp4:
0x1a9: {  	_ = 	snop;
	(pc) =	sbr.rel .LBB2_7-.Ltmp4, $4  }
0x1aa: {  	_ = 	snop  }
0x1ab: {  	v16 =	vadd.f32 v14, v15;
	v17 =	vadd.f32 v12, v13  }
0x1ac: {  	v18 =	vimm.s32 $0x0;
	v20 =	vimm.f32 $3.000000010e+38  }
0x1ad: {  	s19 =	simm.s32 $0x55C0;
	s20 =	simm.s32 $0x40;
	s16 =	simm.s32 $0x0;
	v19 =	vimm.f32 $3.000000010e+38;
	v16 =	vmul.f32 $5.000000000e-01, v16;
	v17 =	vmul.f32 $5.000000000e-01, v17  }
.LBB2_9:
0x1ae: {  	s16 =	sadd.s32 $0x80, s16  }
0x1af: {  	p0 =	sne.s32 s16, $0x4000  }
.Ltmp5:
0x1b0: {  	_ = 	snop;
	(pc) =	sbr.rel @!p0 .LBB2_10-.Ltmp5, $2  }
0x1b1: {  	_ =	sdelay $0x2  }
0x1b2: {  	s19 =	sadd.s32 $0x80, s19;
	s20 =	sadd.s32 $0x80, s20  }
.LBB2_7:
0x1b3: {  	v21 =	vld [tilespmem:s20+$0xFFFFFFC0]  }
0x1b4: {  	v22 =	vld [tilespmem:s19+$0xFFFFFFC0]  }
0x1b5: {  	v23 =	vld [tilespmem:s20+$0xFFFFFFD0]  }
0x1b6: {  	v24 =	vld [tilespmem:s19+$0xFFFFFFD0]  }
0x1b7: {  	v25 =	vld [tilespmem:s20+$0xFFFFFFE0]  }
0x1b8: {  	v27 =	vld [tilespmem:s19+$0xFFFFFFE0]  }
0x1b9: {  	v28 =	vld [tilespmem:s20+$0xFFFFFFF0];
	v21 =	vsub.f32 v21, v16;
	v22 =	vsub.f32 v22, v17  }
0x1ba: {  	v29 =	vld [tilespmem:s19+$0xFFFFFFF0]  }
0x1bb: {  	v30 =	vld [tilespmem:s20+$0x0];
	v21 =	vmul.f32 v21, v21;
	v22 =	vmul.f32 v22, v22  }
0x1bc: {  	v31 =	vld [tilespmem:s19+$0x0];
	v25 =	vsub.f32 v25, v16  }
0x1bd: {  	v27 =	vsub.f32 v27, v17;
	v26 =	vadd.f32 v22, v21;
	v21 =	vld [tilespmem:s20+$0x10]  }
0x1be: {  	v22 =	vsub.f32 v23, v16;
	v23 =	vsub.f32 v24, v17;
	v24 =	vld [tilespmem:s19+$0x10]  }
0x1bf: {  	v28 =	vsub.f32 v28, v16;
	v29 =	vsub.f32 v29, v17  }
0x1c0: {  	v35 =	vld [tilespmem:s20+$0x30];
	v30 =	vsub.f32 v30, v16;
	v22 =	vmul.f32 v22, v22;
	v23 =	vmul.f32 v23, v23  }
0x1c1: {  	v34 =	vld [tilespmem:s19+$0x20];
	v31 =	vsub.f32 v31, v17;
	v25 =	vmul.f32 v25, v25;
	v27 =	vmul.f32 v27, v27  }
0x1c2: {  	v32 =	vld [tilespmem:s20+$0x20];
	v33 =	vmul.f32 v28, v28;
	v29 =	vmul.f32 v29, v29;
	v28 =	vadd.f32 v23, v22  }
0x1c3: {  	v22 =	vmul.f32 v30, v30;
	v30 =	vld [tilespmem:s19+$0x30];
	v21 =	vsub.f32 v21, v16;
	v24 =	vsub.f32 v24, v17  }
0x1c4: {  	v27 =	vadd.f32 v27, v25;
	v25 =	vadd.f32 v29, v33;
	v23 =	vmul.f32 v31, v31  }
0x1c5: {  	v29 =	vsub.f32 v35, v16;
	v21 =	vmul.f32 v21, v21;
	v31 =	vmul.f32 v24, v24  }
0x1c6: {  	vm0 =	vlt.f32 v26, v20;
	v24 =	vadd.f32 v23, v22;
	v23 =	vsub.f32 v34, v17  }
0x1c7: {  	vm10 =	vlt.f32 v27, v20;
	v22 =	vadd.f32 v31, v21;
	v21 =	vsub.f32 v32, v16  }
0x1c8: {  	vm11 =	vlt.f32 v25, v20;
	vm1 =	vlt.f32 v28, v20;
	v30 =	vsub.f32 v30, v17  }
0x1c9: {  	vm0 =	vmor vm0, vm1;
	v23 =	vmul.f32 v23, v23;
	v21 =	vmul.f32 v21, v21  }
0x1ca: {  	v29 =	vmul.f32 v29, v29;
	vm0 =	vmor vm0, vm10;
	v30 =	vmul.f32 v30, v30  }
0x1cb: {  	vm0 =	vmor vm0, vm11;
	vm12 =	vlt.f32 v24, v20;
	v23 =	vadd.f32 v23, v21  }
0x1cc: {  	vm0 =	vmor vm0, vm12;
	vm13 =	vlt.f32 v22, v20;
	v21 =	vadd.f32 v30, v29  }
0x1cd: {  	vm0 =	vmor vm0, vm13;
	vm14 =	vlt.f32 v23, v20  }
0x1ce: {  	vm15 =	vlt.f32 v21, v20;
	vm0 =	vmor vm0, vm14  }
0x1cf: {  	vm0 =	vmor vm0, vm15  }
0x1d0: {  	v29 =	vmpcnt.ones.xlane vm0;
	_ =	sdelay $0x1  }
0x1d1: {  	(v2sf) =	vpush v29, $0x0;
	_ =	sdelay $0xe  }
0x1d2: {  	s0 =	spop (v2sf)  }
0x1d3: {  	p0 =	slt.s32 s0, $0x1  }
.Ltmp6:
0x1d4: {  	_ = 	snop;
	(pc) =	sbr.rel @p0 .LBB2_9-.Ltmp6, $1  }
0x1d5: {  	_ =	sdelay $0x3  }
0x1d6: {  	v20 =	vor.u32 s16, v0  }
0x1d7: {  	(xrf1) =	vsort.ascd.msk.f32 $0xffff, v26, v20;
	_ =	sdelay $0xd  }
0x1d8: {  	v20, v26, _ =	vpop (xrf1)  }
0x1d9: {  	v20 =	vperm.xlane v20, v2  }
0x1da: {  	v26 =	vperm.xlane v26, v2  }
0x1db: {  	vm0 =	vle.f32 v19, v20  }
0x1dc: {  	s0 =	sadd.s32 $0x10, s16;
	v19 =	vsel vm0, v19, v20;
	v18 =	vsel vm0, v18, v26  }
0x1dd: {  	(xrf1) =	vsort.ascd.msk.f32 $0xffff, v19, v18;
	v18 =	vor.u32 s0, v0  }
0x1de: {  	(xrf1) =	vsort.ascd.msk.f32 $0xffff, v28, v18;
	_ =	sdelay $0xc  }
0x1df: {  	v18, v19, _ =	vpop (xrf1)  }
0x1e0: {  	v20, v62, _ =	vpop (xrf1)  }
0x1e1: {  	v20 =	vperm.xlane v20, v2  }
0x1e2: {  	v26 =	vperm.xlane v62, v2  }
0x1e3: {  	vm9 =	vle.f32 v18, v20  }
0x1e4: {  	s23 =	sadd.s32 $0x20, s16;
	v18 =	vsel vm9, v18, v20;
	v19 =	vsel vm9, v19, v26  }
0x1e5: {  	(xrf1) =	vsort.ascd.msk.f32 $0xffff, v18, v19;
	v18 =	vor.u32 s23, v0  }
0x1e6: {  	(xrf1) =	vsort.ascd.msk.f32 $0xffff, v27, v18;
	_ =	sdelay $0xc  }
0x1e7: {  	v18, v19, _ =	vpop (xrf1)  }
0x1e8: {  	v20, v63, _ =	vpop (xrf1)  }
0x1e9: {  	v20 =	vperm.xlane v20, v2  }
0x1ea: {  	v26 =	vperm.xlane v63, v2  }
0x1eb: {  	vm10 =	vle.f32 v18, v20  }
0x1ec: {  	s1 =	sadd.s32 $0x30, s16;
	v18 =	vsel vm10, v18, v20;
	v19 =	vsel vm10, v19, v26  }
0x1ed: {  	(xrf1) =	vsort.ascd.msk.f32 $0xffff, v18, v19;
	v18 =	vor.u32 s1, v0  }
0x1ee: {  	(xrf1) =	vsort.ascd.msk.f32 $0xffff, v25, v18;
	_ =	sdelay $0xc  }
0x1ef: {  	v18, v19, _ =	vpop (xrf1)  }
0x1f0: {  	v20, v25, _ =	vpop (xrf1)  }
0x1f1: {  	v20 =	vperm.xlane v20, v2  }
0x1f2: {  	v25 =	vperm.xlane v25, v2  }
0x1f3: {  	vm11 =	vle.f32 v18, v20  }
0x1f4: {  	s2 =	sadd.s32 $0x40, s16;
	v18 =	vsel vm11, v18, v20;
	v19 =	vsel vm11, v19, v25  }
0x1f5: {  	(xrf1) =	vsort.ascd.msk.f32 $0xffff, v18, v19;
	v18 =	vor.u32 s2, v0  }
0x1f6: {  	(xrf1) =	vsort.ascd.msk.f32 $0xffff, v24, v18;
	_ =	sdelay $0xc  }
0x1f7: {  	v18, v19, _ =	vpop (xrf1)  }
0x1f8: {  	v20, v24, _ =	vpop (xrf1)  }
0x1f9: {  	v20 =	vperm.xlane v20, v2  }
0x1fa: {  	v24 =	vperm.xlane v24, v2  }
0x1fb: {  	vm12 =	vle.f32 v18, v20  }
0x1fc: {  	s3 =	sadd.s32 $0x50, s16;
	v18 =	vsel vm12, v18, v20;
	v19 =	vsel vm12, v19, v24  }
0x1fd: {  	(xrf1) =	vsort.ascd.msk.f32 $0xffff, v18, v19;
	v18 =	vor.u32 s3, v0  }
0x1fe: {  	(xrf1) =	vsort.ascd.msk.f32 $0xffff, v22, v18;
	_ =	sdelay $0xc  }
0x1ff: {  	v18, v19, _ =	vpop (xrf1)  }
0x200: {  	v20, v22, _ =	vpop (xrf1)  }
0x201: {  	v20 =	vperm.xlane v20, v2  }
0x202: {  	v22 =	vperm.xlane v22, v2  }
0x203: {  	vm13 =	vle.f32 v18, v20  }
0x204: {  	s4 =	sadd.s32 $0x60, s16;
	v18 =	vsel vm13, v18, v20;
	v19 =	vsel vm13, v19, v22  }
0x205: {  	(xrf1) =	vsort.ascd.msk.f32 $0xffff, v18, v19;
	v18 =	vor.u32 s4, v0  }
0x206: {  	(xrf1) =	vsort.ascd.msk.f32 $0xffff, v23, v18;
	_ =	sdelay $0xc  }
0x207: {  	v18, v19, _ =	vpop (xrf1)  }
0x208: {  	v20, v22, _ =	vpop (xrf1)  }
0x209: {  	v20 =	vperm.xlane v20, v2  }
0x20a: {  	v22 =	vperm.xlane v22, v2  }
0x20b: {  	vm14 =	vle.f32 v18, v20  }
0x20c: {  	s23 =	sadd.s32 $0x70, s16;
	v18 =	vsel vm14, v18, v20;
	v19 =	vsel vm14, v19, v22  }
0x20d: {  	(xrf1) =	vsort.ascd.msk.f32 $0xffff, v18, v19;
	v18 =	vor.u32 s23, v0  }
0x20e: {  	(xrf1) =	vsort.ascd.msk.f32 $0xffff, v21, v18;
	_ =	sdelay $0xc  }
0x20f: {  	v18, v19, _ =	vpop (xrf1)  }
0x210: {  	v20, v21, _ =	vpop (xrf1)  }
0x211: {  	v20 =	vperm.xlane v20, v2  }
0x212: {  	v21 =	vperm.xlane v21, v2  }
0x213: {  	vm15 =	vle.f32 v18, v20  }
0x214: {  	v18 =	vsel vm15, v18, v20;
	v19 =	vsel vm15, v19, v21  }
0x215: {  	(xrf1) =	vsort.ascd.msk.f32 $0xffff, v18, v19;
	_ =	sdelay $0xb  }
.Ltmp7:
0x216: {  	_ = 	snop;
	(pc) =	sbr.rel .LBB2_9-.Ltmp7, $4  }
0x217: {  	_ = 	snop  }
0x218: {  	v19, v18, _ =	vpop (xrf1)  }
0x219: {  	[tilespmem:$0x13080] =	vst v19  }
0x21a: {  	v20 =	vld.idx.msk [tilespmem:v3+s29+$0x0], $0xffff  }
.LBB2_10:
.Ltmp8:
0x21b: {  	(pc) =	sbr.rel .LBB2_11-.Ltmp8, $2  }
0x21c: {  	_ =	sdelay $0x2  }
0x21d: {  	[tilespmem:$0x10280] =	vst v18;
	v18 =	vimm.s32 $0x0;
	v20 =	vimm.f32 $3.000000010e+38;
	s19 =	simm.s32 $0x0;
	s16 =	simm.s32 $0x4070;
	v19 =	vimm.f32 $3.000000010e+38  }
.LBB2_13:
0x21e: {  	s19 =	sadd.s32 $0x200, s19  }
0x21f: {  	p0 =	sne.s32 s19, $0x4000  }
.Ltmp9:
0x220: {  	_ = 	snop;
	(pc) =	sbr.rel @!p0 .LBB2_14-.Ltmp9, $2  }
0x221: {  	_ =	sdelay $0x2  }
0x222: {  	s16 =	sadd.s32 $0x80, s16  }
.LBB2_11:
0x223: {  	s0 =	sshra.s32 s19, $0x2  }
0x224: {  	v21 =	vld [tilespmem:s0+$0x4000]  }
0x225: {  	v22 =	vld [tilespmem:s0+$0x9580]  }
0x226: {  	v23 =	vld [tilespmem:s0+$0x4010]  }
0x227: {  	v24 =	vld [tilespmem:s0+$0x9590]  }
0x228: {  	v25 =	vld [tilespmem:s0+$0x4020]  }
0x229: {  	v27 =	vld [tilespmem:s0+$0x95A0]  }
0x22a: {  	v28 =	vld [tilespmem:s0+$0x4030];
	v21 =	vsub.f32 v21, v16;
	v22 =	vsub.f32 v22, v17  }
0x22b: {  	v29 =	vld [tilespmem:s0+$0x95B0]  }
0x22c: {  	v30 =	vld [tilespmem:s0+$0x4040];
	v21 =	vmul.f32 v21, v21;
	v22 =	vmul.f32 v22, v22  }
0x22d: {  	v31 =	vld [tilespmem:s0+$0x95C0];
	v25 =	vsub.f32 v25, v16  }
0x22e: {  	v27 =	vsub.f32 v27, v17;
	v26 =	vadd.f32 v22, v21;
	v21 =	vld [tilespmem:s0+$0x4050]  }
0x22f: {  	v22 =	vsub.f32 v23, v16;
	v23 =	vsub.f32 v24, v17;
	v24 =	vld [tilespmem:s0+$0x95D0]  }
0x230: {  	v28 =	vsub.f32 v28, v16;
	v29 =	vsub.f32 v29, v17  }
0x231: {  	v35 =	vld [tilespmem:s0+$0x4070];
	v30 =	vsub.f32 v30, v16;
	v22 =	vmul.f32 v22, v22;
	v23 =	vmul.f32 v23, v23  }
0x232: {  	v34 =	vld [tilespmem:s0+$0x95E0];
	v31 =	vsub.f32 v31, v17;
	v25 =	vmul.f32 v25, v25;
	v27 =	vmul.f32 v27, v27  }
0x233: {  	v32 =	vld [tilespmem:s0+$0x4060];
	v33 =	vmul.f32 v28, v28;
	v29 =	vmul.f32 v29, v29;
	v28 =	vadd.f32 v23, v22  }
0x234: {  	v22 =	vmul.f32 v30, v30;
	v30 =	vld [tilespmem:s0+$0x95F0];
	v21 =	vsub.f32 v21, v16;
	v24 =	vsub.f32 v24, v17  }
0x235: {  	v27 =	vadd.f32 v27, v25;
	v25 =	vadd.f32 v29, v33;
	v23 =	vmul.f32 v31, v31  }
0x236: {  	v29 =	vsub.f32 v35, v16;
	v21 =	vmul.f32 v21, v21;
	v31 =	vmul.f32 v24, v24  }
0x237: {  	vm0 =	vlt.f32 v26, v20;
	v24 =	vadd.f32 v23, v22;
	v23 =	vsub.f32 v34, v17  }
0x238: {  	vm10 =	vlt.f32 v27, v20;
	v22 =	vadd.f32 v31, v21;
	v21 =	vsub.f32 v32, v16  }
0x239: {  	vm11 =	vlt.f32 v25, v20;
	vm1 =	vlt.f32 v28, v20;
	v30 =	vsub.f32 v30, v17  }
0x23a: {  	vm0 =	vmor vm0, vm1;
	v23 =	vmul.f32 v23, v23;
	v21 =	vmul.f32 v21, v21  }
0x23b: {  	v29 =	vmul.f32 v29, v29;
	vm0 =	vmor vm0, vm10;
	v30 =	vmul.f32 v30, v30  }
0x23c: {  	vm0 =	vmor vm0, vm11;
	vm12 =	vlt.f32 v24, v20;
	v23 =	vadd.f32 v23, v21  }
0x23d: {  	vm0 =	vmor vm0, vm12;
	vm13 =	vlt.f32 v22, v20;
	v21 =	vadd.f32 v30, v29  }
0x23e: {  	vm0 =	vmor vm0, vm13;
	vm14 =	vlt.f32 v23, v20  }
0x23f: {  	vm15 =	vlt.f32 v21, v20;
	vm0 =	vmor vm0, vm14  }
0x240: {  	vm0 =	vmor vm0, vm15  }
0x241: {  	v29 =	vmpcnt.ones.xlane vm0;
	_ =	sdelay $0x1  }
0x242: {  	(v2sf) =	vpush v29, $0x0;
	_ =	sdelay $0xe  }
0x243: {  	s23 =	spop (v2sf)  }
0x244: {  	p0 =	slt.s32 s23, $0x1  }
.Ltmp10:
0x245: {  	_ = 	snop;
	(pc) =	sbr.rel @p0 .LBB2_13-.Ltmp10, $1  }
0x246: {  	_ =	sdelay $0x3  }
0x247: {  	s0 =	sadd.s32 $0xFFFFFF90, s16  }
0x248: {  	v20 =	vor.u32 s0, v0  }
0x249: {  	(xrf1) =	vsort.ascd.msk.f32 $0xffff, v26, v20;
	_ =	sdelay $0xd  }
0x24a: {  	v20, v26, _ =	vpop (xrf1)  }
0x24b: {  	v20 =	vperm.xlane v20, v2  }
0x24c: {  	v26 =	vperm.xlane v26, v2  }
0x24d: {  	vm0 =	vle.f32 v19, v20  }
0x24e: {  	s1 =	sadd.s32 $0xFFFFFFA0, s16;
	v19 =	vsel vm0, v19, v20;
	v18 =	vsel vm0, v18, v26  }
0x24f: {  	(xrf1) =	vsort.ascd.msk.f32 $0xffff, v19, v18;
	v18 =	vor.u32 s1, v0  }
0x250: {  	(xrf1) =	vsort.ascd.msk.f32 $0xffff, v28, v18;
	_ =	sdelay $0xc  }
0x251: {  	v18, v19, _ =	vpop (xrf1)  }
0x252: {  	v20, v62, _ =	vpop (xrf1)  }
0x253: {  	v20 =	vperm.xlane v20, v2  }
0x254: {  	v26 =	vperm.xlane v62, v2  }
0x255: {  	vm9 =	vle.f32 v18, v20  }
0x256: {  	s2 =	sadd.s32 $0xFFFFFFB0, s16;
	v18 =	vsel vm9, v18, v20;
	v19 =	vsel vm9, v19, v26  }
0x257: {  	(xrf1) =	vsort.ascd.msk.f32 $0xffff, v18, v19;
	v18 =	vor.u32 s2, v0  }
0x258: {  	(xrf1) =	vsort.ascd.msk.f32 $0xffff, v27, v18;
	_ =	sdelay $0xc  }
0x259: {  	v18, v19, _ =	vpop (xrf1)  }
0x25a: {  	v20, v63, _ =	vpop (xrf1)  }
0x25b: {  	v20 =	vperm.xlane v20, v2  }
0x25c: {  	v26 =	vperm.xlane v63, v2  }
0x25d: {  	vm10 =	vle.f32 v18, v20  }
0x25e: {  	s3 =	sadd.s32 $0xFFFFFFC0, s16;
	v18 =	vsel vm10, v18, v20;
	v19 =	vsel vm10, v19, v26  }
0x25f: {  	(xrf1) =	vsort.ascd.msk.f32 $0xffff, v18, v19;
	v18 =	vor.u32 s3, v0  }
0x260: {  	(xrf1) =	vsort.ascd.msk.f32 $0xffff, v25, v18;
	_ =	sdelay $0xc  }
0x261: {  	v18, v19, _ =	vpop (xrf1)  }
0x262: {  	v20, v25, _ =	vpop (xrf1)  }
0x263: {  	v20 =	vperm.xlane v20, v2  }
0x264: {  	v25 =	vperm.xlane v25, v2  }
0x265: {  	vm11 =	vle.f32 v18, v20  }
0x266: {  	s4 =	sadd.s32 $0xFFFFFFD0, s16;
	v18 =	vsel vm11, v18, v20;
	v19 =	vsel vm11, v19, v25  }
0x267: {  	(xrf1) =	vsort.ascd.msk.f32 $0xffff, v18, v19;
	v18 =	vor.u32 s4, v0  }
0x268: {  	(xrf1) =	vsort.ascd.msk.f32 $0xffff, v24, v18;
	_ =	sdelay $0xc  }
0x269: {  	v18, v19, _ =	vpop (xrf1)  }
0x26a: {  	v20, v24, _ =	vpop (xrf1)  }
0x26b: {  	v20 =	vperm.xlane v20, v2  }
0x26c: {  	v24 =	vperm.xlane v24, v2  }
0x26d: {  	vm12 =	vle.f32 v18, v20  }
0x26e: {  	s20 =	sadd.s32 $0xFFFFFFE0, s16;
	v18 =	vsel vm12, v18, v20;
	v19 =	vsel vm12, v19, v24  }
0x26f: {  	(xrf1) =	vsort.ascd.msk.f32 $0xffff, v18, v19;
	v18 =	vor.u32 s20, v0  }
0x270: {  	(xrf1) =	vsort.ascd.msk.f32 $0xffff, v22, v18;
	_ =	sdelay $0xc  }
0x271: {  	v18, v19, _ =	vpop (xrf1)  }
0x272: {  	v20, v22, _ =	vpop (xrf1)  }
0x273: {  	v20 =	vperm.xlane v20, v2  }
0x274: {  	v22 =	vperm.xlane v22, v2  }
0x275: {  	vm13 =	vle.f32 v18, v20  }
0x276: {  	s23 =	sadd.s32 $0xFFFFFFF0, s16;
	v18 =	vsel vm13, v18, v20;
	v19 =	vsel vm13, v19, v22  }
0x277: {  	(xrf1) =	vsort.ascd.msk.f32 $0xffff, v18, v19;
	v18 =	vor.u32 s23, v0  }
0x278: {  	(xrf1) =	vsort.ascd.msk.f32 $0xffff, v23, v18;
	_ =	sdelay $0xc  }
0x279: {  	v18, v19, _ =	vpop (xrf1)  }
0x27a: {  	v20, v22, _ =	vpop (xrf1)  }
0x27b: {  	v20 =	vperm.xlane v20, v2  }
0x27c: {  	v22 =	vperm.xlane v22, v2  }
0x27d: {  	vm14 =	vle.f32 v18, v20  }
0x27e: {  	v18 =	vsel vm14, v18, v20;
	v19 =	vsel vm14, v19, v22  }
0x27f: {  	(xrf1) =	vsort.ascd.msk.f32 $0xffff, v18, v19;
	v18 =	vor.u32 s16, v0  }
0x280: {  	(xrf1) =	vsort.ascd.msk.f32 $0xffff, v21, v18;
	_ =	sdelay $0xc  }
0x281: {  	v18, v19, _ =	vpop (xrf1)  }
0x282: {  	v20, v21, _ =	vpop (xrf1)  }
0x283: {  	v20 =	vperm.xlane v20, v2  }
0x284: {  	v21 =	vperm.xlane v21, v2  }
0x285: {  	vm15 =	vle.f32 v18, v20  }
0x286: {  	v18 =	vsel vm15, v18, v20;
	v19 =	vsel vm15, v19, v21  }
0x287: {  	(xrf1) =	vsort.ascd.msk.f32 $0xffff, v18, v19;
	_ =	sdelay $0xb  }
.Ltmp11:
0x288: {  	_ = 	snop;
	(pc) =	sbr.rel .LBB2_13-.Ltmp11, $4  }
0x289: {  	_ = 	snop  }
0x28a: {  	v19, v18, _ =	vpop (xrf1)  }
0x28b: {  	[tilespmem:$0x13080] =	vst v19  }
0x28c: {  	v20 =	vld.idx.msk [tilespmem:v3+s29+$0x0], $0xffff  }
.LBB2_14:
.Ltmp12:
0x28d: {  	(pc) =	sbr.rel .LBB2_15-.Ltmp12, $2  }
0x28e: {  	_ =	sdelay $0x2  }
0x28f: {  	[tilespmem:$0x10290] =	vst v18;
	v18 =	vimm.s32 $0x0;
	v20 =	vimm.f32 $3.000000010e+38;
	s19 =	simm.s32 $0x0;
	s16 =	simm.s32 $0x5070;
	v19 =	vimm.f32 $3.000000010e+38  }
.LBB2_17:
0x290: {  	s19 =	sadd.s32 $0x200, s19  }
0x291: {  	p0 =	sne.s32 s19, $0x1000  }
.Ltmp13:
0x292: {  	_ = 	snop;
	(pc) =	sbr.rel @!p0 .LBB2_18-.Ltmp13, $2  }
0x293: {  	_ =	sdelay $0x2  }
0x294: {  	s16 =	sadd.s32 $0x80, s16  }
.LBB2_15:
0x295: {  	s0 =	sshra.s32 s19, $0x2  }
0x296: {  	v21 =	vld [tilespmem:s0+$0x5000]  }
0x297: {  	v22 =	vld [tilespmem:s0+$0xA580]  }
0x298: {  	v23 =	vld [tilespmem:s0+$0x5010]  }
0x299: {  	v24 =	vld [tilespmem:s0+$0xA590]  }
0x29a: {  	v25 =	vld [tilespmem:s0+$0x5020]  }
0x29b: {  	v27 =	vld [tilespmem:s0+$0xA5A0]  }
0x29c: {  	v28 =	vld [tilespmem:s0+$0x5030];
	v21 =	vsub.f32 v21, v16;
	v22 =	vsub.f32 v22, v17  }
0x29d: {  	v29 =	vld [tilespmem:s0+$0xA5B0]  }
0x29e: {  	v30 =	vld [tilespmem:s0+$0x5040];
	v21 =	vmul.f32 v21, v21;
	v22 =	vmul.f32 v22, v22  }
0x29f: {  	v31 =	vld [tilespmem:s0+$0xA5C0];
	v25 =	vsub.f32 v25, v16  }
0x2a0: {  	v27 =	vsub.f32 v27, v17;
	v26 =	vadd.f32 v22, v21;
	v21 =	vld [tilespmem:s0+$0x5050]  }
0x2a1: {  	v22 =	vsub.f32 v23, v16;
	v23 =	vsub.f32 v24, v17;
	v24 =	vld [tilespmem:s0+$0xA5D0]  }
0x2a2: {  	v28 =	vsub.f32 v28, v16;
	v29 =	vsub.f32 v29, v17  }
0x2a3: {  	v35 =	vld [tilespmem:s0+$0x5070];
	v30 =	vsub.f32 v30, v16;
	v22 =	vmul.f32 v22, v22;
	v23 =	vmul.f32 v23, v23  }
0x2a4: {  	v34 =	vld [tilespmem:s0+$0xA5E0];
	v31 =	vsub.f32 v31, v17;
	v25 =	vmul.f32 v25, v25;
	v27 =	vmul.f32 v27, v27  }
0x2a5: {  	v32 =	vld [tilespmem:s0+$0x5060];
	v33 =	vmul.f32 v28, v28;
	v29 =	vmul.f32 v29, v29;
	v28 =	vadd.f32 v23, v22  }
0x2a6: {  	v22 =	vmul.f32 v30, v30;
	v30 =	vld [tilespmem:s0+$0xA5F0];
	v21 =	vsub.f32 v21, v16;
	v24 =	vsub.f32 v24, v17  }
0x2a7: {  	v27 =	vadd.f32 v27, v25;
	v25 =	vadd.f32 v29, v33;
	v23 =	vmul.f32 v31, v31  }
0x2a8: {  	v29 =	vsub.f32 v35, v16;
	v21 =	vmul.f32 v21, v21;
	v31 =	vmul.f32 v24, v24  }
0x2a9: {  	vm0 =	vlt.f32 v26, v20;
	v24 =	vadd.f32 v23, v22;
	v23 =	vsub.f32 v34, v17  }
0x2aa: {  	vm10 =	vlt.f32 v27, v20;
	v22 =	vadd.f32 v31, v21;
	v21 =	vsub.f32 v32, v16  }
0x2ab: {  	vm11 =	vlt.f32 v25, v20;
	vm1 =	vlt.f32 v28, v20;
	v30 =	vsub.f32 v30, v17  }
0x2ac: {  	vm0 =	vmor vm0, vm1;
	v23 =	vmul.f32 v23, v23;
	v21 =	vmul.f32 v21, v21  }
0x2ad: {  	v29 =	vmul.f32 v29, v29;
	vm0 =	vmor vm0, vm10;
	v30 =	vmul.f32 v30, v30  }
0x2ae: {  	vm0 =	vmor vm0, vm11;
	vm12 =	vlt.f32 v24, v20;
	v23 =	vadd.f32 v23, v21  }
0x2af: {  	vm0 =	vmor vm0, vm12;
	vm13 =	vlt.f32 v22, v20;
	v21 =	vadd.f32 v30, v29  }
0x2b0: {  	vm0 =	vmor vm0, vm13;
	vm14 =	vlt.f32 v23, v20  }
0x2b1: {  	vm15 =	vlt.f32 v21, v20;
	vm0 =	vmor vm0, vm14  }
0x2b2: {  	vm0 =	vmor vm0, vm15  }
0x2b3: {  	v29 =	vmpcnt.ones.xlane vm0;
	_ =	sdelay $0x1  }
0x2b4: {  	(v2sf) =	vpush v29, $0x0;
	_ =	sdelay $0xe  }
0x2b5: {  	s23 =	spop (v2sf)  }
0x2b6: {  	p0 =	slt.s32 s23, $0x1  }
.Ltmp14:
0x2b7: {  	_ = 	snop;
	(pc) =	sbr.rel @p0 .LBB2_17-.Ltmp14, $1  }
0x2b8: {  	_ =	sdelay $0x3  }
0x2b9: {  	s0 =	sadd.s32 $0xFFFFFF90, s16  }
0x2ba: {  	v20 =	vor.u32 s0, v0  }
0x2bb: {  	(xrf1) =	vsort.ascd.msk.f32 $0xffff, v26, v20;
	_ =	sdelay $0xd  }
0x2bc: {  	v20, v26, _ =	vpop (xrf1)  }
0x2bd: {  	v20 =	vperm.xlane v20, v2  }
0x2be: {  	v26 =	vperm.xlane v26, v2  }
0x2bf: {  	vm0 =	vle.f32 v19, v20  }
0x2c0: {  	s1 =	sadd.s32 $0xFFFFFFA0, s16;
	v19 =	vsel vm0, v19, v20;
	v18 =	vsel vm0, v18, v26  }
0x2c1: {  	(xrf1) =	vsort.ascd.msk.f32 $0xffff, v19, v18;
	v18 =	vor.u32 s1, v0  }
0x2c2: {  	(xrf1) =	vsort.ascd.msk.f32 $0xffff, v28, v18;
	_ =	sdelay $0xc  }
0x2c3: {  	v18, v19, _ =	vpop (xrf1)  }
0x2c4: {  	v20, v62, _ =	vpop (xrf1)  }
0x2c5: {  	v20 =	vperm.xlane v20, v2  }
0x2c6: {  	v26 =	vperm.xlane v62, v2  }
0x2c7: {  	vm9 =	vle.f32 v18, v20  }
0x2c8: {  	s2 =	sadd.s32 $0xFFFFFFB0, s16;
	v18 =	vsel vm9, v18, v20;
	v19 =	vsel vm9, v19, v26  }
0x2c9: {  	(xrf1) =	vsort.ascd.msk.f32 $0xffff, v18, v19;
	v18 =	vor.u32 s2, v0  }
0x2ca: {  	(xrf1) =	vsort.ascd.msk.f32 $0xffff, v27, v18;
	_ =	sdelay $0xc  }
0x2cb: {  	v18, v19, _ =	vpop (xrf1)  }
0x2cc: {  	v20, v63, _ =	vpop (xrf1)  }
0x2cd: {  	v20 =	vperm.xlane v20, v2  }
0x2ce: {  	v26 =	vperm.xlane v63, v2  }
0x2cf: {  	vm10 =	vle.f32 v18, v20  }
0x2d0: {  	s3 =	sadd.s32 $0xFFFFFFC0, s16;
	v18 =	vsel vm10, v18, v20;
	v19 =	vsel vm10, v19, v26  }
0x2d1: {  	(xrf1) =	vsort.ascd.msk.f32 $0xffff, v18, v19;
	v18 =	vor.u32 s3, v0  }
0x2d2: {  	(xrf1) =	vsort.ascd.msk.f32 $0xffff, v25, v18;
	_ =	sdelay $0xc  }
0x2d3: {  	v18, v19, _ =	vpop (xrf1)  }
0x2d4: {  	v20, v25, _ =	vpop (xrf1)  }
0x2d5: {  	v20 =	vperm.xlane v20, v2  }
0x2d6: {  	v25 =	vperm.xlane v25, v2  }
0x2d7: {  	vm11 =	vle.f32 v18, v20  }
0x2d8: {  	s4 =	sadd.s32 $0xFFFFFFD0, s16;
	v18 =	vsel vm11, v18, v20;
	v19 =	vsel vm11, v19, v25  }
0x2d9: {  	(xrf1) =	vsort.ascd.msk.f32 $0xffff, v18, v19;
	v18 =	vor.u32 s4, v0  }
0x2da: {  	(xrf1) =	vsort.ascd.msk.f32 $0xffff, v24, v18;
	_ =	sdelay $0xc  }
0x2db: {  	v18, v19, _ =	vpop (xrf1)  }
0x2dc: {  	v20, v24, _ =	vpop (xrf1)  }
0x2dd: {  	v20 =	vperm.xlane v20, v2  }
0x2de: {  	v24 =	vperm.xlane v24, v2  }
0x2df: {  	vm12 =	vle.f32 v18, v20  }
0x2e0: {  	s20 =	sadd.s32 $0xFFFFFFE0, s16;
	v18 =	vsel vm12, v18, v20;
	v19 =	vsel vm12, v19, v24  }
0x2e1: {  	(xrf1) =	vsort.ascd.msk.f32 $0xffff, v18, v19;
	v18 =	vor.u32 s20, v0  }
0x2e2: {  	(xrf1) =	vsort.ascd.msk.f32 $0xffff, v22, v18;
	_ =	sdelay $0xc  }
0x2e3: {  	v18, v19, _ =	vpop (xrf1)  }
0x2e4: {  	v20, v22, _ =	vpop (xrf1)  }
0x2e5: {  	v20 =	vperm.xlane v20, v2  }
0x2e6: {  	v22 =	vperm.xlane v22, v2  }
0x2e7: {  	vm13 =	vle.f32 v18, v20  }
0x2e8: {  	s23 =	sadd.s32 $0xFFFFFFF0, s16;
	v18 =	vsel vm13, v18, v20;
	v19 =	vsel vm13, v19, v22  }
0x2e9: {  	(xrf1) =	vsort.ascd.msk.f32 $0xffff, v18, v19;
	v18 =	vor.u32 s23, v0  }
0x2ea: {  	(xrf1) =	vsort.ascd.msk.f32 $0xffff, v23, v18;
	_ =	sdelay $0xc  }
0x2eb: {  	v18, v19, _ =	vpop (xrf1)  }
0x2ec: {  	v20, v22, _ =	vpop (xrf1)  }
0x2ed: {  	v20 =	vperm.xlane v20, v2  }
0x2ee: {  	v22 =	vperm.xlane v22, v2  }
0x2ef: {  	vm14 =	vle.f32 v18, v20  }
0x2f0: {  	v18 =	vsel vm14, v18, v20;
	v19 =	vsel vm14, v19, v22  }
0x2f1: {  	(xrf1) =	vsort.ascd.msk.f32 $0xffff, v18, v19;
	v18 =	vor.u32 s16, v0  }
0x2f2: {  	(xrf1) =	vsort.ascd.msk.f32 $0xffff, v21, v18;
	_ =	sdelay $0xc  }
0x2f3: {  	v18, v19, _ =	vpop (xrf1)  }
0x2f4: {  	v20, v21, _ =	vpop (xrf1)  }
0x2f5: {  	v20 =	vperm.xlane v20, v2  }
0x2f6: {  	v21 =	vperm.xlane v21, v2  }
0x2f7: {  	vm15 =	vle.f32 v18, v20  }
0x2f8: {  	v18 =	vsel vm15, v18, v20;
	v19 =	vsel vm15, v19, v21  }
0x2f9: {  	(xrf1) =	vsort.ascd.msk.f32 $0xffff, v18, v19;
	_ =	sdelay $0xb  }
.Ltmp15:
0x2fa: {  	_ = 	snop;
	(pc) =	sbr.rel .LBB2_17-.Ltmp15, $4  }
0x2fb: {  	_ = 	snop  }
0x2fc: {  	v19, v18, _ =	vpop (xrf1)  }
0x2fd: {  	[tilespmem:$0x13080] =	vst v19  }
0x2fe: {  	v20 =	vld.idx.msk [tilespmem:v3+s29+$0x0], $0xffff  }
.LBB2_18:
.Ltmp16:
0x2ff: {  	(pc) =	sbr.rel .LBB2_19-.Ltmp16, $2  }
0x300: {  	_ =	sdelay $0x2  }
0x301: {  	[tilespmem:$0x102A0] =	vst v18;
	s1 =	simm.s32 $0x0;
	p0 =	por $0x1, $0x1;
	v18 =	vimm.s32 $0x0;
	v20 =	vimm.f32 $3.000000010e+38;
	v19 =	vimm.f32 $3.000000010e+38  }
.LBB2_21:
.Ltmp17:
0x302: {  	(pc) =	sbr.rel @!p1 .LBB2_22-.Ltmp17, $2  }
0x303: {  	_ =	sdelay $0x2  }
0x304: {  	s1 =	simm.s32 $0x80;
	p0 =	por $0x0, $0x0  }
.LBB2_19:
0x305: {  	s23 =	sor.u32 $0x5400, s1;
	v22 =	vld [tilespmem:s1+$0xA980]  }
0x306: {  	v21 =	vld [tilespmem:s23+$0x0]  }
0x307: {  	v24 =	vld [tilespmem:s1+$0xA990]  }
0x308: {  	v27 =	vld [tilespmem:s1+$0xA9A0]  }
0x309: {  	v29 =	vld [tilespmem:s1+$0xA9B0]  }
0x30a: {  	s2 =	sor.u32 $0x5410, s1;
	v31 =	vld [tilespmem:s1+$0xA9C0]  }
0x30b: {  	s0 =	sor.u32 $0x5420, s1;
	v23 =	vld [tilespmem:s2+$0x0];
	v22 =	vsub.f32 v22, v17;
	v21 =	vsub.f32 v21, v16  }
0x30c: {  	s4 =	sor.u32 $0x5430, s1;
	v26 =	vld [tilespmem:s0+$0x0]  }
0x30d: {  	s3 =	sor.u32 $0x5440, s1;
	v28 =	vld [tilespmem:s4+$0x0];
	v22 =	vmul.f32 v22, v22;
	v21 =	vmul.f32 v21, v21  }
0x30e: {  	s16 =	sor.u32 $0x5450, s1;
	v30 =	vld [tilespmem:s3+$0x0];
	v27 =	vsub.f32 v27, v17  }
0x30f: {  	v29 =	vsub.f32 v29, v17;
	v25 =	vadd.f32 v22, v21;
	v21 =	vld [tilespmem:s16+$0x0]  }
0x310: {  	v22 =	vsub.f32 v23, v16;
	v23 =	vsub.f32 v24, v17;
	v24 =	vld [tilespmem:s1+$0xA9D0]  }
0x311: {  	s19 =	sor.u32 $0x5470, s1;
	v31 =	vsub.f32 v31, v17;
	v26 =	vsub.f32 v26, v16  }
0x312: {  	v35 =	vld [tilespmem:s19+$0x0];
	v28 =	vsub.f32 v28, v16;
	v22 =	vmul.f32 v22, v22;
	v23 =	vmul.f32 v23, v23  }
0x313: {  	s20 =	sor.u32 $0x5460, s1;
	v34 =	vld [tilespmem:s1+$0xA9E0];
	v30 =	vsub.f32 v30, v16;
	v27 =	vmul.f32 v27, v27;
	v29 =	vmul.f32 v29, v29  }
0x314: {  	v32 =	vld [tilespmem:s20+$0x0];
	v26 =	vmul.f32 v26, v26;
	v33 =	vmul.f32 v28, v28;
	v28 =	vadd.f32 v23, v22  }
0x315: {  	v22 =	vmul.f32 v30, v30;
	v30 =	vld [tilespmem:s1+$0xA9F0];
	v21 =	vsub.f32 v21, v16;
	v24 =	vsub.f32 v24, v17  }
0x316: {  	v27 =	vadd.f32 v27, v26;
	v26 =	vadd.f32 v29, v33;
	v23 =	vmul.f32 v31, v31  }
0x317: {  	v29 =	vsub.f32 v35, v16;
	v21 =	vmul.f32 v21, v21;
	v31 =	vmul.f32 v24, v24  }
0x318: {  	vm0 =	vlt.f32 v25, v20;
	v24 =	vadd.f32 v23, v22;
	v23 =	vsub.f32 v34, v17  }
0x319: {  	vm10 =	vlt.f32 v27, v20;
	v22 =	vadd.f32 v31, v21;
	v21 =	vsub.f32 v32, v16  }
0x31a: {  	vm11 =	vlt.f32 v26, v20;
	vm1 =	vlt.f32 v28, v20;
	v30 =	vsub.f32 v30, v17  }
0x31b: {  	vm0 =	vmor vm0, vm1;
	v23 =	vmul.f32 v23, v23;
	v21 =	vmul.f32 v21, v21  }
0x31c: {  	v29 =	vmul.f32 v29, v29;
	vm0 =	vmor vm0, vm10;
	v30 =	vmul.f32 v30, v30  }
0x31d: {  	vm0 =	vmor vm0, vm11;
	vm12 =	vlt.f32 v24, v20;
	v23 =	vadd.f32 v23, v21  }
0x31e: {  	vm0 =	vmor vm0, vm12;
	vm13 =	vlt.f32 v22, v20;
	v21 =	vadd.f32 v30, v29  }
0x31f: {  	vm0 =	vmor vm0, vm13;
	vm14 =	vlt.f32 v23, v20  }
0x320: {  	vm15 =	vlt.f32 v21, v20;
	vm0 =	vmor vm0, vm14  }
0x321: {  	vm0 =	vmor vm0, vm15  }
0x322: {  	v29 =	vmpcnt.ones.xlane vm0;
	_ =	sdelay $0x1  }
0x323: {  	(v2sf) =	vpush v29, $0x0;
	_ =	sdelay $0xe  }
0x324: {  	s1 =	spop (v2sf)  }
0x325: {  	p2 =	slt.s32 s1, $0x1  }
.Ltmp18:
0x326: {  	_ = 	snop;
	(pc) =	sbr.rel @p2 .LBB2_21-.Ltmp18, $2  }
0x327: {  	_ =	sdelay $0x2  }
0x328: {  	p1 =	por p0, p0  }
0x329: {  	v20 =	vor.u32 s23, v0  }
0x32a: {  	(xrf1) =	vsort.ascd.msk.f32 $0xffff, v25, v20;
	_ =	sdelay $0xd  }
0x32b: {  	v20, v25, _ =	vpop (xrf1)  }
0x32c: {  	v20 =	vperm.xlane v20, v2  }
0x32d: {  	v25 =	vperm.xlane v25, v2  }
0x32e: {  	vm0 =	vle.f32 v19, v20  }
0x32f: {  	v19 =	vsel vm0, v19, v20;
	v18 =	vsel vm0, v18, v25  }
0x330: {  	(xrf1) =	vsort.ascd.msk.f32 $0xffff, v19, v18;
	v18 =	vor.u32 s2, v0  }
0x331: {  	(xrf1) =	vsort.ascd.msk.f32 $0xffff, v28, v18;
	_ =	sdelay $0xc  }
0x332: {  	v18, v19, _ =	vpop (xrf1)  }
0x333: {  	v20, v61, _ =	vpop (xrf1)  }
0x334: {  	v20 =	vperm.xlane v20, v2  }
0x335: {  	v25 =	vperm.xlane v61, v2  }
0x336: {  	vm9 =	vle.f32 v18, v20  }
0x337: {  	v18 =	vsel vm9, v18, v20;
	v19 =	vsel vm9, v19, v25  }
0x338: {  	(xrf1) =	vsort.ascd.msk.f32 $0xffff, v18, v19;
	v18 =	vor.u32 s0, v0  }
0x339: {  	(xrf1) =	vsort.ascd.msk.f32 $0xffff, v27, v18;
	_ =	sdelay $0xc  }
0x33a: {  	v18, v19, _ =	vpop (xrf1)  }
0x33b: {  	v20, v62, _ =	vpop (xrf1)  }
0x33c: {  	v20 =	vperm.xlane v20, v2  }
0x33d: {  	v25 =	vperm.xlane v62, v2  }
0x33e: {  	vm10 =	vle.f32 v18, v20  }
0x33f: {  	v18 =	vsel vm10, v18, v20;
	v19 =	vsel vm10, v19, v25  }
0x340: {  	(xrf1) =	vsort.ascd.msk.f32 $0xffff, v18, v19;
	v18 =	vor.u32 s4, v0  }
0x341: {  	(xrf1) =	vsort.ascd.msk.f32 $0xffff, v26, v18;
	_ =	sdelay $0xc  }
0x342: {  	v18, v19, _ =	vpop (xrf1)  }
0x343: {  	v20, v63, _ =	vpop (xrf1)  }
0x344: {  	v20 =	vperm.xlane v20, v2  }
0x345: {  	v25 =	vperm.xlane v63, v2  }
0x346: {  	vm11 =	vle.f32 v18, v20  }
0x347: {  	v18 =	vsel vm11, v18, v20;
	v19 =	vsel vm11, v19, v25  }
0x348: {  	(xrf1) =	vsort.ascd.msk.f32 $0xffff, v18, v19;
	v18 =	vor.u32 s3, v0  }
0x349: {  	(xrf1) =	vsort.ascd.msk.f32 $0xffff, v24, v18;
	_ =	sdelay $0xc  }
0x34a: {  	v18, v19, _ =	vpop (xrf1)  }
0x34b: {  	v20, v24, _ =	vpop (xrf1)  }
0x34c: {  	v20 =	vperm.xlane v20, v2  }
0x34d: {  	v24 =	vperm.xlane v24, v2  }
0x34e: {  	vm12 =	vle.f32 v18, v20  }
0x34f: {  	v18 =	vsel vm12, v18, v20;
	v19 =	vsel vm12, v19, v24  }
0x350: {  	(xrf1) =	vsort.ascd.msk.f32 $0xffff, v18, v19;
	v18 =	vor.u32 s16, v0  }
0x351: {  	(xrf1) =	vsort.ascd.msk.f32 $0xffff, v22, v18;
	_ =	sdelay $0xc  }
0x352: {  	v18, v19, _ =	vpop (xrf1)  }
0x353: {  	v20, v22, _ =	vpop (xrf1)  }
0x354: {  	v20 =	vperm.xlane v20, v2  }
0x355: {  	v22 =	vperm.xlane v22, v2  }
0x356: {  	vm13 =	vle.f32 v18, v20  }
0x357: {  	v18 =	vsel vm13, v18, v20;
	v19 =	vsel vm13, v19, v22  }
0x358: {  	(xrf1) =	vsort.ascd.msk.f32 $0xffff, v18, v19;
	v18 =	vor.u32 s20, v0  }
0x359: {  	(xrf1) =	vsort.ascd.msk.f32 $0xffff, v23, v18;
	_ =	sdelay $0xc  }
0x35a: {  	v18, v19, _ =	vpop (xrf1)  }
0x35b: {  	v20, v22, _ =	vpop (xrf1)  }
0x35c: {  	v20 =	vperm.xlane v20, v2  }
0x35d: {  	v22 =	vperm.xlane v22, v2  }
0x35e: {  	vm14 =	vle.f32 v18, v20  }
0x35f: {  	v18 =	vsel vm14, v18, v20;
	v19 =	vsel vm14, v19, v22  }
0x360: {  	(xrf1) =	vsort.ascd.msk.f32 $0xffff, v18, v19;
	v18 =	vor.u32 s19, v0  }
0x361: {  	(xrf1) =	vsort.ascd.msk.f32 $0xffff, v21, v18;
	_ =	sdelay $0xc  }
0x362: {  	v18, v19, _ =	vpop (xrf1)  }
0x363: {  	v20, v21, _ =	vpop (xrf1)  }
0x364: {  	v20 =	vperm.xlane v20, v2  }
0x365: {  	v21 =	vperm.xlane v21, v2  }
0x366: {  	vm15 =	vle.f32 v18, v20  }
0x367: {  	v18 =	vsel vm15, v18, v20;
	v19 =	vsel vm15, v19, v21  }
0x368: {  	(xrf1) =	vsort.ascd.msk.f32 $0xffff, v18, v19;
	_ =	sdelay $0xb  }
.Ltmp19:
0x369: {  	_ = 	snop;
	(pc) =	sbr.rel .LBB2_21-.Ltmp19, $4  }
0x36a: {  	_ = 	snop  }
0x36b: {  	v19, v18, _ =	vpop (xrf1)  }
0x36c: {  	[tilespmem:$0x13080] =	vst v19  }
0x36d: {  	v20 =	vld.idx.msk [tilespmem:v3+s29+$0x0], $0xffff  }
.LBB2_23:
0x36e: {  	[bflag:$0x0] =	sbarrier.arrive $0xFFFF  }
0x36f: {  	s0 =	simm.s32 $0x0;
	s2 =	simm.s32 $0x10580;
	s1 =	rddreg [dreg:$0x9]  }
0x370: {  	[tilespmem:s2], [sflag:$0x2] =	stream.linear.gather [hbm4b:s1+s0], $0xFA0, $0x38;
	[tilespmem:$0x13100] =	vst v63  }
0x371: {  	_ =	swait.ge [sflag:s21], $0xFA0  }
0x372: {  	[sflag:s21] =	ssyncset.done $0x0  }
0x373: {  	s23 =	simm.s32 $0x11580;
	s20 =	rddreg [dreg:$0xa];
	[sflag:s21] =	ssyncadd.s32 $0xFFFFF060  }
0x374: {  	[tilespmem:s23], [sflag:$0x2] =	stream.linear.gather [hbm4b:s20+s0], $0xFA0, $0x38;
	[tilespmem:$0x13100] =	vst v63  }
0x375: {  	_ =	swait.ge [sflag:s21], $0xFA0  }
0x376: {  	[sflag:s21] =	ssyncset.done $0x0  }
0x377: {  	s1 =	simm.s32 $0x0;
	[sflag:s21] =	ssyncadd.s32 $0xFFFFF060  }
.LBB2_24:
0x378: {  	p0 =	sne.s32 s1, $0x1540  }
.Ltmp20:
0x379: {  	_ = 	snop;
	(pc) =	sbr.rel @p0 .LBB2_24-.Ltmp20, $4  }
0x37a: {  	_ = 	snop  }
0x37b: {  	s2 =	sshra.s32 s1, $0x2  }
0x37c: {  	[tilespmem:s2+$0x12580] =	vst v11  }
0x37d: {  	s1 =	sadd.s32 $0x40, s1;
	[tilespmem:s2+$0x12B00] =	vst v5  }
0x37e: {  	s1 =	simm.s32 $0x10580;
	s2 =	simm.s32 $0x11580;
	s4 =	simm.s32 $0xAB00  }
.LBB2_26:
0x37f: {  	v12 =	vld [tilespmem:s2+$0x0]  }
0x380: {  	v13 =	vld [tilespmem:s1+$0x0];
	_ =	sdelay $0x3  }
0x381: {  	v12 =	vsub.s32 v12, v1  }
0x382: {  	vm1 =	vge.f32 v13, $0.0e+00;
	vm0 =	vlt.u32 v12, $0x560  }
0x383: {  	vm0 =	vmand vm1, vm0;
	_ =	sdelay $0x5  }
0x384: {  	v14 =	vld.idx.msk [tilespmem:v12+s10+$0x0], vm0;
	_ =	sdelay $0x4  }
0x385: {  	vm15 =	vgt.f32 v13, v14  }
0x386: {  	vm0 =	vmand vm15, vm0  }
0x387: {  	s3 =	smul.u32 $0xCD, s0  }
0x388: {  	p0 =	sne.s32 s0, $0xF9  }
.Ltmp21:
0x389: {  	s3 =	sshrl.u32 s3, $0xA;
	(pc) =	sbr.rel @p0 .LBB2_26-.Ltmp21, $4  }
0x38a: {  	s3 =	sand.u32 $0x3F, s3  }
0x38b: {  	s3 =	sadd.s32 s3, s13  }
0x38c: {  	v63 =	vmov s3;
	[tilespmem:v12+s10+$0x0] =	vst.idx.msk vm0, v13  }
0x38d: {  	s1 =	sadd.s32 $0x10, s1;
	s2 =	sadd.s32 $0x10, s2;
	s0 =	sadd.s32 $0x1, s0;
	[tilespmem:v12+s22+$0x0] =	vst.idx.msk vm0, v63  }
0x38e: {  	s0 =	rddreg [dreg:$0x7]  }
0x38f: {  	[hbm4b:s0+s5] =	stream.linear.scatter [tilespmem:s10], [sflag:$0x2], $0x560, $0x38;
	[tilespmem:$0x13100] =	vst v63  }
0x390: {  	_ =	swait.ge [sflag:s21], $0x560  }
0x391: {  	[sflag:s21] =	ssyncset.done $0x0  }
0x392: {  	s20 =	rddreg [dreg:$0x8];
	[sflag:s21] =	ssyncadd.s32 $0xFFFFFAA0  }
0x393: {  	[hbm4b:s20+s5] =	stream.linear.scatter [tilespmem:s22], [sflag:$0x2], $0x560, $0x38;
	[tilespmem:$0x13100] =	vst v63  }
0x394: {  	_ =	swait.ge [sflag:s21], $0x560  }
0x395: {  	s1 =	rddreg [dreg:$0xc]  }
0x396: {  	s23 =	rddreg [dreg:$0xb];
	s1 =	sadd.s32 $0x1, s1  }
0x397: {  	p0 =	sne.s32 s1, s23  }
.Ltmp22:
0x398: {  	_ = 	snop;
	(pc) =	sbr.rel @p0 .LBB2_1-.Ltmp22, $3  }
0x399: {  	_ =	sdelay $0x1  }
0x39a: {  	[sflag:s21] =	ssyncset.done $0x0  }
0x39b: {  	[sflag:s21] =	ssyncadd.s32 $0xFFFFFAA0  }
0x39c: {  	_ =	sfence.sel $0x180000  }
0x39d: {  	[bflag:$0x0] =	sbarrier.arrive $0xFFFF  }
0x39e: {  	_ =	strace $0x90000047  }
0x39f: {  	s0 =	stileid.u32;
	[bflag:$0x2] =	sbarrier.arrive $0xFFFF  }
0x3a0: {  	p0 =	sne.s32 s0, $0x0;
	s0 =	rddreg [dreg:$0x3]  }
0x3a1: {  	s0 =	sadd.s32 @!p0 $0x100000, s0  }
0x3a2: {  	[sflag:s0] =	ssyncadd.tile.s32 @!p0 $0x1;
	_ =	shalt  }
.Lfunc_end2:
_tile_overlayer_lowered:
.L_overlay_start_2:
0x3a3: {  	(tag) =	ssettag $0x2  }
0x3a4: {  	s0 =	rddreg [dreg:$0x0];
	s2 =	stileid.u32  }
0x3a5: {  	s1 =	rddreg [dreg:$0x1];
	p0 =	sne.s32 s2, $0x0  }
0x3a6: {  	s3 =	rddreg [dreg:$0x2];
	[bflag:$0x3] =	sbarrier.arrive $0xFFFF;
	s2 =	simm.s32 @!p0 $0x1C02  }
0x3a7: {  	[timem:s3], [sflag:s2] =	dma.local @!p0 [hbm:s0], s1  }
0x3a8: {  	s0 =	simm.s32 @!p0 $0x2  }
0x3a9: {  	_ =	swait.ge @!p0 [sflag:s0], s1  }
0x3aa: {  	s1 =	ssub.s32 @!p0 $0x0, s1;
	[sflag:s0] =	ssyncset.done @!p0 $0x0  }
0x3ab: {  	[sflag:s0] =	ssyncadd.s32 @!p0 s1  }
0x3ac: {  	[bflag:$0x3] =	sbarrier.arrive $0xFFFF  }
0x3ad: {  	_ =	shalt  }

</sc_bundles>
